<compile_context>
chip_gen: v7x
topology: tpu7x:2x2x1
jax: 0.10.2.dev20260603
libtpu: 0.0.44.dev20260713+nightly
codegen_flags: <defaults>
</compile_context>

<pallas_src>
import functools

import jax
import jax.numpy as jnp
from jax import lax
from jax.experimental import pallas as pl
from jax.experimental.pallas import tpu as pltpu
from jax.experimental.pallas import tpu_sc as plsc

N = 10000
E = 320000
D_NODE = 128
D_EDGE = 16
H = 64
D_OUT = 64

NC = 2
NS = 16
NW = NC * NS
EPW = E // NW
CHUNK = 80
NCHUNK = EPW // CHUNK
ROWS_PER_TILE = N // NS

_MESH = plsc.VectorSubcoreMesh(core_axis_name="c", subcore_axis_name="s")
_SC_PARAMS = pltpu.CompilerParams(use_tc_tiling_on_sc=False,
                                  needs_layout_passes=False)


def _worker_id():
    return lax.axis_index("s") * NC + lax.axis_index("c")



NB = 4


def _gather_body(xtab, btab, row3, col3, gx_out, gb_out,
                 idx_r, idx_c, gx_v, gb_v, sgx, sgb, swx, swb):
    wid = _worker_id()
    pltpu.sync_copy(row3.at[wid], idx_r)
    pltpu.sync_copy(col3.at[wid], idx_c)
    base = wid * EPW

    def issue(j, slot):
        pltpu.async_copy(xtab.at[idx_r.at[j]], gx_v.at[slot], sgx)
        pltpu.async_copy(btab.at[idx_c.at[j]], gb_v.at[slot], sgb)

    issue(0, 0)

    def chunk(j, carry):
        slot = lax.rem(j, NB)
        nslot = lax.rem(j + 1, NB)

        @pl.when(j + 1 < NCHUNK)
        def _prefetch():
            @pl.when(j + 1 >= NB)
            def _wait_wb():
                pltpu.make_async_copy(
                    gx_v.at[nslot], gx_out.at[pl.ds(base, CHUNK)], swx).wait()
                pltpu.make_async_copy(
                    gb_v.at[nslot], gb_out.at[pl.ds(base, CHUNK)], swb).wait()
            issue(j + 1, nslot)

        pltpu.make_async_copy(
            xtab.at[pl.ds(0, CHUNK)], gx_v.at[slot], sgx).wait()
        pltpu.make_async_copy(
            btab.at[pl.ds(0, CHUNK)], gb_v.at[slot], sgb).wait()
        off = base + j * CHUNK
        pltpu.async_copy(gx_v.at[slot], gx_out.at[pl.ds(off, CHUNK)], swx)
        pltpu.async_copy(gb_v.at[slot], gb_out.at[pl.ds(off, CHUNK)], swb)
        return carry

    lax.fori_loop(0, NCHUNK, chunk, 0)
    for _ in range(NB):
        pltpu.make_async_copy(
            gx_v.at[0], gx_out.at[pl.ds(base, CHUNK)], swx).wait()
        pltpu.make_async_copy(
            gb_v.at[0], gb_out.at[pl.ds(base, CHUNK)], swb).wait()


def _make_gather(dx):
    return pl.kernel(
        _gather_body,
        out_type=[
            jax.ShapeDtypeStruct((E, dx), jnp.float32),
            jax.ShapeDtypeStruct((E, H), jnp.float32),
        ],
        mesh=_MESH,
        scratch_types=[
            pltpu.VMEM((NCHUNK, CHUNK), jnp.int32),
            pltpu.VMEM((NCHUNK, CHUNK), jnp.int32),
            pltpu.VMEM((NB, CHUNK, dx), jnp.float32),
            pltpu.VMEM((NB, CHUNK, H), jnp.float32),
            pltpu.SemaphoreType.DMA,
            pltpu.SemaphoreType.DMA,
            pltpu.SemaphoreType.DMA,
            pltpu.SemaphoreType.DMA,
        ],
        compiler_params=_SC_PARAMS,
    )


def _gather3_body(taba, tabb, btab, row3, col3, oa, ob, oc,
                  idx_r, idx_c, va, vb, vc, sa, sb, sc, swa, swb, swc):
    wid = _worker_id()
    pltpu.sync_copy(row3.at[wid], idx_r)
    pltpu.sync_copy(col3.at[wid], idx_c)
    base = wid * EPW
    tabs = (taba, tabb, btab)
    bufs = (va, vb, vc)
    gsems = (sa, sb, sc)
    wsems = (swa, swb, swc)
    outs = (oa, ob, oc)

    def issue(j, slot):
        pltpu.async_copy(taba.at[idx_r.at[j]], va.at[slot], sa)
        pltpu.async_copy(tabb.at[idx_r.at[j]], vb.at[slot], sb)
        pltpu.async_copy(btab.at[idx_c.at[j]], vc.at[slot], sc)

    issue(0, 0)

    def chunk(j, carry):
        slot = lax.rem(j, NB)
        nslot = lax.rem(j + 1, NB)

        @pl.when(j + 1 < NCHUNK)
        def _prefetch():
            @pl.when(j + 1 >= NB)
            def _wait_wb():
                for v, o, sw in zip(bufs, outs, wsems):
                    pltpu.make_async_copy(
                        v.at[nslot], o.at[pl.ds(base, CHUNK)], sw).wait()
            issue(j + 1, nslot)

        for t, v, sg in zip(tabs, bufs, gsems):
            pltpu.make_async_copy(t.at[pl.ds(0, CHUNK)], v.at[slot], sg).wait()
        off = base + j * CHUNK
        for v, o, sw in zip(bufs, outs, wsems):
            pltpu.async_copy(v.at[slot], o.at[pl.ds(off, CHUNK)], sw)
        return carry

    lax.fori_loop(0, NCHUNK, chunk, 0)
    for _ in range(NB):
        for v, o, sw in zip(bufs, outs, wsems):
            pltpu.make_async_copy(
                v.at[0], o.at[pl.ds(base, CHUNK)], sw).wait()


_gather3_call = pl.kernel(
    _gather3_body,
    out_type=[jax.ShapeDtypeStruct((E, H), jnp.float32)] * 3,
    mesh=_MESH,
    scratch_types=(
        [pltpu.VMEM((NCHUNK, CHUNK), jnp.int32)] * 2
        + [pltpu.VMEM((NB, CHUNK, H), jnp.float32)] * 3
        + [pltpu.SemaphoreType.DMA] * 6
    ),
    compiler_params=_SC_PARAMS,
)


def _scatter_body(m_hbm, col3, zeros2d, out, idx_c, m_v, acc, sld, sst):
    c = lax.axis_index("c")
    s = lax.axis_index("s")
    wid = s * NC + c
    tile_rows = pl.ds(s * ROWS_PER_TILE, ROWS_PER_TILE)
    pltpu.sync_copy(zeros2d.at[tile_rows], acc.at[tile_rows])
    pltpu.sync_copy(col3.at[wid], idx_c)
    plsc.subcore_barrier()
    base = wid * EPW

    def issue(j, slot):
        pltpu.async_copy(
            m_hbm.at[pl.ds(base + j * CHUNK, CHUNK)], m_v.at[slot], sld)

    issue(0, 0)

    def chunk(j, carry):
        slot = lax.rem(j, NB)
        nslot = lax.rem(j + 1, NB)

        @pl.when(j + 1 < NCHUNK)
        def _prefetch():
            @pl.when(j + 1 >= NB)
            def _wait_st():
                pltpu.make_async_copy(
                    m_v.at[nslot], acc.at[pl.ds(0, CHUNK)], sst).wait()
            issue(j + 1, nslot)

        pltpu.make_async_copy(
            m_hbm.at[pl.ds(base, CHUNK)], m_v.at[slot], sld).wait()
        pltpu.async_copy(m_v.at[slot], acc.at[idx_c.at[j]], sst, add=True)
        return carry

    lax.fori_loop(0, NCHUNK, chunk, 0)
    for _ in range(NB):
        pltpu.make_async_copy(
            m_v.at[0], acc.at[pl.ds(0, CHUNK)], sst).wait()
    plsc.subcore_barrier()
    pltpu.sync_copy(acc.at[tile_rows], out.at[c, tile_rows])


_scatter_call = pl.kernel(
    _scatter_body,
    out_type=[jax.ShapeDtypeStruct((NC, N, H), jnp.float32)],
    mesh=_MESH,
    scratch_types=[
        pltpu.VMEM((NCHUNK, CHUNK), jnp.int32),
        pltpu.VMEM((NB, CHUNK, H), jnp.float32),
        pltpu.VMEM_SHARED((N, H), jnp.float32),
        pltpu.SemaphoreType.DMA,
        pltpu.SemaphoreType.DMA,
    ],
    compiler_params=_SC_PARAMS,
)


def _counts_body(col2, zeros_n, out, col_v, cnt_v):
    wid = _worker_id()
    pltpu.sync_copy(zeros_n, cnt_v)
    pltpu.sync_copy(col2.at[wid], col_v)
    ones = jnp.ones((16,), jnp.float32)

    def step(i, carry):
        idx = col_v[pl.ds(i * 16, 16)]
        plsc.addupdate_scatter(cnt_v, [idx], ones)
        return carry

    lax.fori_loop(0, EPW // 16, step, 0)
    pltpu.sync_copy(cnt_v, out.at[wid])


_counts_call = pl.kernel(
    _counts_body,
    out_type=[jax.ShapeDtypeStruct((NW, N), jnp.float32)],
    mesh=_MESH,
    scratch_types=[
        pltpu.VMEM((EPW,), jnp.int32),
        pltpu.VMEM((N,), jnp.float32),
    ],
    compiler_params=_SC_PARAMS,
)



BEP = 1000
EP = E // 2
BN = 2000


def _edge_tc_body(apply_relu, gx_ref, gb_ref, ein_ref, wsrc_ref, wee_ref,
                  w1x_ref, w1e_ref, be_ref, b1_ref, enew_ref, m_ref):
    gx = gx_ref[...]
    e = jnp.dot(gx, wsrc_ref[...], preferred_element_type=jnp.float32)
    e += gb_ref[...]
    e += jnp.dot(ein_ref[...], wee_ref[...], preferred_element_type=jnp.float32)
    e += be_ref[...]
    if apply_relu:
        e = jnp.maximum(e, 0.0)
    enew_ref[...] = e.astype(enew_ref.dtype)
    m = jnp.dot(gx, w1x_ref[...], preferred_element_type=jnp.float32)
    m += jnp.dot(e, w1e_ref[...], preferred_element_type=jnp.float32)
    m += b1_ref[...]
    if apply_relu:
        m = jnp.maximum(m, 0.0)
    m_ref[...] = m


def _full(shape):
    return pl.BlockSpec(shape, lambda i: (0,) * len(shape))


def _edge1_tc_body(gxa_ref, gxb_ref, gb_ref, ein_ref, wsa_ref, wsb_ref,
                   wee_ref, w1a_ref, w1b_ref, w1e_ref, be_ref, b1_ref,
                   enew_ref, m_ref):
    gxa = gxa_ref[...]
    gxb = gxb_ref[...]
    e = jnp.dot(gxa, wsa_ref[...], preferred_element_type=jnp.float32)
    e += jnp.dot(gxb, wsb_ref[...], preferred_element_type=jnp.float32)
    e += gb_ref[...]
    e += jnp.dot(ein_ref[...], wee_ref[...], preferred_element_type=jnp.float32)
    e += be_ref[...]
    e = jnp.maximum(e, 0.0)
    enew_ref[...] = e
    m = jnp.dot(gxa, w1a_ref[...], preferred_element_type=jnp.float32)
    m += jnp.dot(gxb, w1b_ref[...], preferred_element_type=jnp.float32)
    m += jnp.dot(e, w1e_ref[...], preferred_element_type=jnp.float32)
    m += b1_ref[...]
    m = jnp.maximum(m, 0.0)
    m_ref[...] = m


_edge1_tc_call = pl.pallas_call(
    _edge1_tc_body,
    grid=(EP // BEP,),
    in_specs=[
        pl.BlockSpec((BEP, 2 * H), lambda i: (i, 0)),
        pl.BlockSpec((BEP, 2 * H), lambda i: (i, 0)),
        pl.BlockSpec((BEP, 2 * H), lambda i: (i, 0)),
        pl.BlockSpec((BEP, 2 * D_EDGE), lambda i: (i, 0)),
        _full((2 * H, 2 * H)),
        _full((2 * H, 2 * H)),
        _full((2 * D_EDGE, 2 * H)),
        _full((2 * H, 2 * H)),
        _full((2 * H, 2 * H)),
        _full((2 * H, 2 * H)),
        _full((1, 2 * H)),
        _full((1, 2 * H)),
    ],
    out_specs=[
        pl.BlockSpec((BEP, 2 * H), lambda i: (i, 0)),
        pl.BlockSpec((BEP, 2 * H), lambda i: (i, 0)),
    ],
    out_shape=[
        jax.ShapeDtypeStruct((EP, 2 * H), jnp.float32),
        jax.ShapeDtypeStruct((EP, 2 * H), jnp.float32),
    ],
)


def _make_edge_tc(dx, de, apply_relu):
    grid = (EP // BEP,)
    return pl.pallas_call(
        functools.partial(_edge_tc_body, apply_relu),
        grid=grid,
        in_specs=[
            pl.BlockSpec((BEP, 2 * dx), lambda i: (i, 0)),
            pl.BlockSpec((BEP, 2 * H), lambda i: (i, 0)),
            pl.BlockSpec((BEP, 2 * de), lambda i: (i, 0)),
            _full((2 * dx, 2 * H)),
            _full((2 * de, 2 * H)),
            _full((2 * dx, 2 * H)),
            _full((2 * H, 2 * H)),
            _full((1, 2 * H)),
            _full((1, 2 * H)),
        ],
        out_specs=[
            pl.BlockSpec((BEP, 2 * H), lambda i: (i, 0)),
            pl.BlockSpec((BEP, 2 * H), lambda i: (i, 0)),
        ],
        out_shape=[
            jax.ShapeDtypeStruct((EP, 2 * H), jnp.float32),
            jax.ShapeDtypeStruct((EP, 2 * H), jnp.float32),
        ],
    )


def _node_tc_body(apply_relu, has_next, sp_ref, cnt_ref, x_ref, w2x_ref,
                  w2a_ref, b2_ref, wdstn_ref, x_out, btab_out):
    sums = sp_ref[0] + sp_ref[1]
    cnt = jnp.sum(cnt_ref[...], axis=1)
    agg = sums / jnp.maximum(cnt, 1.0)[:, None]
    h = jnp.dot(x_ref[...], w2x_ref[...], preferred_element_type=jnp.float32)
    h += jnp.dot(agg, w2a_ref[...], preferred_element_type=jnp.float32)
    h += b2_ref[...]
    if apply_relu:
        h = jnp.maximum(h, 0.0)
    x_out[...] = h
    if has_next:
        btab_out[...] = jnp.dot(h, wdstn_ref[...],
                                preferred_element_type=jnp.float32)
    else:
        btab_out[...] = jnp.zeros_like(btab_out)


def _make_node_tc(dx, dout, apply_relu, has_next):
    grid = (N // BN,)
    return pl.pallas_call(
        functools.partial(_node_tc_body, apply_relu, has_next),
        grid=grid,
        in_specs=[
            pl.BlockSpec((NC, BN, H), lambda i: (0, i, 0)),
            pl.BlockSpec((BN, NW), lambda i: (i, 0)),
            pl.BlockSpec((BN, dx), lambda i: (i, 0)),
            _full((dx, dout)),
            _full((H, dout)),
            _full((1, dout)),
            _full((dout, H)),
        ],
        out_specs=[
            pl.BlockSpec((BN, dout), lambda i: (i, 0)),
            pl.BlockSpec((BN, H), lambda i: (i, 0)),
        ],
        out_shape=[
            jax.ShapeDtypeStruct((N, dout), jnp.float32),
            jax.ShapeDtypeStruct((N, H), jnp.float32),
        ],
    )


def _btab_body(x_ref, wdst_ref, out_ref):
    out_ref[...] = jnp.dot(x_ref[...], wdst_ref[...],
                           preferred_element_type=jnp.float32)


_btab_call = pl.pallas_call(
    _btab_body,
    grid=(N // BN,),
    in_specs=[
        pl.BlockSpec((BN, D_NODE), lambda i: (i, 0)),
        _full((D_NODE, H)),
    ],
    out_specs=pl.BlockSpec((BN, H), lambda i: (i, 0)),
    out_shape=jax.ShapeDtypeStruct((N, H), jnp.float32),
)



_GATHER = _make_gather(H)
_EDGE_TC = [
    None,
    _make_edge_tc(H, H, True),
    _make_edge_tc(H, H, False),
]


def _blockdiag(w):
    z = jnp.zeros_like(w)
    return jnp.concatenate(
        [jnp.concatenate([w, z], axis=1), jnp.concatenate([z, w], axis=1)],
        axis=0)
_NODE_TC = [
    _make_node_tc(D_NODE, H, True, True),
    _make_node_tc(H, H, True, True),
    _make_node_tc(H, D_OUT, False, False),
]


def kernel(x, edge_index, edge_attr, params):
    row = edge_index[0].reshape(NW, NCHUNK, CHUNK)
    col = edge_index[1]
    col3 = col.reshape(NW, NCHUNK, CHUNK)
    col2 = col.reshape(NW, EPW)
    zeros2d = jnp.zeros((N, H), jnp.float32)
    zeros_n = jnp.zeros((N,), jnp.float32)

    (cntp,) = _counts_call(col2, zeros_n)
    cntp = cntp.T

    dxs = [D_NODE, H, H]
    xl = x
    e2 = edge_attr.reshape(EP, 2 * D_EDGE)
    btab = _btab_call(x, params[0]["We"][dxs[0]:2 * dxs[0]])
    for i, p in enumerate(params):
        dx = dxs[i]
        we, w1, w2 = p["We"], p["W1"], p["W2"]
        wsrc = _blockdiag(we[:dx])
        wee = _blockdiag(we[2 * dx:])
        w1x = _blockdiag(w1[:dx])
        w1e = _blockdiag(w1[dx:])
        w2x = w2[:dx]
        w2a = w2[dx:]
        be = jnp.tile(p["be"].reshape(1, -1), (1, 2))
        b1 = jnp.tile(p["b1"].reshape(1, -1), (1, 2))
        b2 = p["b2"].reshape(1, -1)

        if i == 0:
            gxa, gxb, gb = _gather3_call(xl[:, :H], xl[:, H:], btab, row, col3)
            enew2, m2 = _edge1_tc_call(
                gxa.reshape(EP, 2 * H), gxb.reshape(EP, 2 * H),
                gb.reshape(EP, 2 * H), e2,
                _blockdiag(we[:H]), _blockdiag(we[H:dx]), wee,
                _blockdiag(w1[:H]), _blockdiag(w1[H:dx]), w1e, be, b1)
        else:
            gx, gb = _GATHER(xl, btab, row, col3)
            gx2 = gx.reshape(EP, 2 * dx)
            gb2 = gb.reshape(EP, 2 * H)
            enew2, m2 = _EDGE_TC[i](gx2, gb2, e2, wsrc, wee, w1x, w1e, be, b1)
        (sp,) = _scatter_call(m2.reshape(E, H), col3, zeros2d)
        if i + 1 < len(params):
            wdstn = params[i + 1]["We"][dxs[i + 1]:2 * dxs[i + 1]]
        else:
            wdstn = jnp.zeros((D_OUT, H), jnp.float32)
        xl, btab = _NODE_TC[i](sp, cntp, xl, w2x, w2a, b2, wdstn)
        e2 = enew2

    return xl, e2.reshape(E, H)

# --- scband reference (transcript-rebuilt; emitter-appended) ---
"""Pipeline reference for scband-edge-mpnn-17806934409783 (READ-ONLY COPY).

The authoritative reference and input builder live on the scoring server;
editing this copy changes nothing except your own understanding.
"""

import jax, jax.numpy as jnp
import numpy as np

N = 10000
E = 320000
D_NODE = 128
D_EDGE = 16
H = 64
D_OUT = 64


def _make_params(key):
    layer_dims = [
        {"We": (D_EDGE + 2 * D_NODE, H), "W1": (D_NODE + H, H), "W2": (D_NODE + H, H)},
        {"We": (3 * H, H), "W1": (2 * H, H), "W2": (2 * H, H)},
        {"We": (3 * H, D_OUT), "W1": (H + D_OUT, D_OUT), "W2": (H + D_OUT, D_OUT)},
    ]
    params = []
    for ld in layer_dims:
        p = {}
        for name, shp in ld.items():
            key, k1 = jax.random.split(key)
            p[name] = (jax.random.normal(k1, shp, dtype=jnp.float32) * (1.0 / np.sqrt(shp[0]))).astype(jnp.float32)
            p["b" + name[1:]] = jnp.zeros((shp[1],), dtype=jnp.float32)
        params.append(p)
    return params


def _scatter_mean(vals, idx, n):
    sums = jax.ops.segment_sum(vals, idx, num_segments=n)
    cnt = jax.ops.segment_sum(jnp.ones((vals.shape[0], 1), vals.dtype), idx, num_segments=n)
    return sums / jnp.maximum(cnt, 1.0)


def _forward(x, edge_attr, params, row, col):
    n_layers = len(params)
    for i, p in enumerate(params):
        last = i == n_layers - 1
        # EdgeModel: edge_mlp(cat([src, dest, edge_attr]))
        e = jnp.concatenate([x[row], x[col], edge_attr], axis=1) @ p["We"] + p["be"]
        if not last:
            e = jax.nn.relu(e)
        edge_attr = e
        # NodeModel: mlp1(cat([x[row], edge_attr])) -> scatter mean over col -> mlp2(cat([x, agg]))
        m = jnp.concatenate([x[row], edge_attr], axis=1) @ p["W1"] + p["b1"]
        if not last:
            m = jax.nn.relu(m)
        agg = _scatter_mean(m, col, x.shape[0])
        h = jnp.concatenate([x, agg], axis=1) @ p["W2"] + p["b2"]
        if not last:
            h = jax.nn.relu(h)
        x = h
    return x, edge_attr


def setup_inputs(seed: int = 0):
    key = jax.random.key(seed)
    kx, ke, ki, kp = jax.random.split(key, 4)
    x = jax.random.normal(kx, (N, D_NODE), dtype=jnp.float32)
    edge_attr = jax.random.normal(ke, (E, D_EDGE), dtype=jnp.float32)
    edge_index = jax.random.randint(ki, (2, E), 0, N, dtype=jnp.int32)
    params = _make_params(kp)
    return {"x": x, "edge_index": edge_index, "edge_attr": edge_attr, "params": params}


def reference(x, edge_index, edge_attr, params):
    row, col = edge_index[0], edge_index[1]
    return _forward(x, edge_attr, params, row, col)

if __name__ == "__main__":
    import jax
    _d = setup_inputs()
    print(jax.jit(kernel)(*tuple(_d.values())))

</pallas_src>

<mosaic_0001>
#map = affine_map<(d0, d1) -> (0, 0)>
#map1 = affine_map<(d0, d1) -> (0, 0, 0)>
module attributes {stable_mosaic.version = 14 : i64} {
  func.func @_scatter_body(%arg0: i32, %arg1: i32, %arg2: memref<320000x64xf32, #tpu.memory_space<hbm>>, %arg3: memref<32x125x80xi32, #tpu.memory_space<hbm>>, %arg4: memref<10000x64xf32, #tpu.memory_space<hbm>>, %arg5: memref<2x10000x64xf32, #tpu.memory_space<hbm>>, %arg6: memref<125x80xi32, #tpu.memory_space<vmem>>, %arg7: memref<4x80x64xf32, #tpu.memory_space<vmem>>, %arg8: memref<10000x64xf32, #tpu.memory_space<vmem_shared>>, %arg9: memref<!tpu.dma_semaphore, #tpu.memory_space<semaphore_mem>>, %arg10: memref<!tpu.dma_semaphore, #tpu.memory_space<semaphore_mem>>) attributes {dimension_semantics = [#tpu.dimension_semantics<core_parallel>, #tpu.dimension_semantics<subcore_parallel>], iteration_bounds = array<i64: 2, 16>, scalar_prefetch = 0 : i64, scratch_operands = 5 : i64, tpu.core_type = #tpu.core_type<sc_vector_subcore>, window_params = [{transform_indices = #map}, {transform_indices = #map1}, {transform_indices = #map}, {transform_indices = #map1}]} {
    %mul3A = arith.constant 2 : i32
    %mul3A_0 = arith.muli %arg1, %mul3A : i32
    %add3A = arith.addi %mul3A_0, %arg0 : i32
    %mul3A_1 = arith.constant 625 : i32
    %mul3A_2 = arith.muli %arg1, %mul3A_1 : i32
    "tpu.region"() ({
      %run_scoped3A = tpu.sem_alloc : memref<!tpu.dma_semaphore, #tpu.memory_space<semaphore_mem>>
      %dma_start3A_84 = arith.constant 0 : i32
      %dma_start3A_85 = tpu.memref_slice %arg8[%mul3A_2, %dma_start3A_84] : memref<10000x64xf32, #tpu.memory_space<vmem_shared>> -> memref<625x64xf32, #tpu.memory_space<vmem_shared>>
      %dma_start3A_86 = arith.constant 0 : i32
      %dma_start3A_87 = tpu.memref_slice %arg4[%mul3A_2, %dma_start3A_86] : memref<10000x64xf32, #tpu.memory_space<hbm>> -> memref<625x64xf32, #tpu.memory_space<hbm>>
      tpu.enqueue_dma source(%dma_start3A_87 : memref<625x64xf32, #tpu.memory_space<hbm>>) target(%dma_start3A_85 : memref<625x64xf32, #tpu.memory_space<vmem_shared>>) target_semaphore(%run_scoped3A : memref<!tpu.dma_semaphore, #tpu.memory_space<semaphore_mem>>)
      %dma_wait3A_88 = arith.constant 0 : i32
      %dma_wait3A_89 = tpu.memref_slice %arg8[%mul3A_2, %dma_wait3A_88] : memref<10000x64xf32, #tpu.memory_space<vmem_shared>> -> memref<625x64xf32, #tpu.memory_space<vmem_shared>>
      %dma_wait3A_90 = arith.constant 0 : i32
      %dma_wait3A_91 = tpu.memref_slice %arg4[%mul3A_2, %dma_wait3A_90] : memref<10000x64xf32, #tpu.memory_space<hbm>> -> memref<625x64xf32, #tpu.memory_space<hbm>>
      tpu.wait_dma2 semaphore(%run_scoped3A : memref<!tpu.dma_semaphore, #tpu.memory_space<semaphore_mem>>) src(%dma_wait3A_91 : memref<625x64xf32, #tpu.memory_space<hbm>>) dst(%dma_wait3A_89 : memref<625x64xf32, #tpu.memory_space<vmem_shared>>)
      tpu.yield
    }) : () -> ()
    "tpu.region"() ({
      %run_scoped3A = tpu.sem_alloc : memref<!tpu.dma_semaphore, #tpu.memory_space<semaphore_mem>>
      %dma_start3A_84 = arith.constant 0 : i32
      %dma_start3A_85 = arith.constant 0 : i32
      %dma_start3A_86 = tpu.memref_slice %arg3[%add3A, %dma_start3A_84, %dma_start3A_85] : memref<32x125x80xi32, #tpu.memory_space<hbm>> -> memref<1x125x80xi32, #tpu.memory_space<hbm>>
      %dma_start3A_87 = tpu.memref_squeeze %dma_start3A_86 : memref<1x125x80xi32, #tpu.memory_space<hbm>> -> memref<125x80xi32, #tpu.memory_space<hbm>>
      %dma_start3A_88 = arith.constant 0 : i32
      %dma_start3A_89 = arith.constant 0 : i32
      %dma_start3A_90 = tpu.memref_slice %arg3[%add3A, %dma_start3A_88, %dma_start3A_89] : memref<32x125x80xi32, #tpu.memory_space<hbm>> -> memref<1x125x80xi32, #tpu.memory_space<hbm>>
      %dma_start3A_91 = tpu.memref_squeeze %dma_start3A_90 : memref<1x125x80xi32, #tpu.memory_space<hbm>> -> memref<125x80xi32, #tpu.memory_space<hbm>>
      tpu.enqueue_dma source(%dma_start3A_91 : memref<125x80xi32, #tpu.memory_space<hbm>>) target(%arg6 : memref<125x80xi32, #tpu.memory_space<vmem>>) target_semaphore(%run_scoped3A : memref<!tpu.dma_semaphore, #tpu.memory_space<semaphore_mem>>)
      %dma_wait3A_92 = arith.constant 0 : i32
      %dma_wait3A_93 = arith.constant 0 : i32
      %dma_wait3A_94 = tpu.memref_slice %arg3[%add3A, %dma_wait3A_92, %dma_wait3A_93] : memref<32x125x80xi32, #tpu.memory_space<hbm>> -> memref<1x125x80xi32, #tpu.memory_space<hbm>>
      %dma_wait3A_95 = tpu.memref_squeeze %dma_wait3A_94 : memref<1x125x80xi32, #tpu.memory_space<hbm>> -> memref<125x80xi32, #tpu.memory_space<hbm>>
      %dma_wait3A_96 = arith.constant 0 : i32
      %dma_wait3A_97 = arith.constant 0 : i32
      %dma_wait3A_98 = tpu.memref_slice %arg3[%add3A, %dma_wait3A_96, %dma_wait3A_97] : memref<32x125x80xi32, #tpu.memory_space<hbm>> -> memref<1x125x80xi32, #tpu.memory_space<hbm>>
      %dma_wait3A_99 = tpu.memref_squeeze %dma_wait3A_98 : memref<1x125x80xi32, #tpu.memory_space<hbm>> -> memref<125x80xi32, #tpu.memory_space<hbm>>
      tpu.wait_dma2 semaphore(%run_scoped3A : memref<!tpu.dma_semaphore, #tpu.memory_space<semaphore_mem>>) src(%dma_wait3A_99 : memref<125x80xi32, #tpu.memory_space<hbm>>) dst(%arg6 : memref<125x80xi32, #tpu.memory_space<vmem>>)
      tpu.yield
    }) : () -> ()
    %barrier3A = arith.constant 0 : index
    tpu.barrier barrier_id(%barrier3A)
    %mul3A_3 = arith.constant 10000 : i32
    %mul3A_4 = arith.muli %add3A, %mul3A_3 : i32
    %add3A_5 = arith.constant 0 : i32
    %add3A_6 = arith.addi %mul3A_4, %add3A_5 : i32
    %dma_start3A = arith.constant 0 : i32
    %dma_start3A_7 = arith.constant 0 : i32
    %dma_start3A_8 = arith.constant 0 : i32
    %dma_start3A_9 = tpu.memref_slice %arg7[%dma_start3A, %dma_start3A_7, %dma_start3A_8] : memref<4x80x64xf32, #tpu.memory_space<vmem>> -> memref<1x80x64xf32, #tpu.memory_space<vmem>>
    %dma_start3A_10 = tpu.memref_squeeze %dma_start3A_9 : memref<1x80x64xf32, #tpu.memory_space<vmem>> -> memref<80x64xf32, #tpu.memory_space<vmem>>
    %dma_start3A_11 = arith.constant 0 : i32
    %dma_start3A_12 = tpu.memref_slice %arg2[%add3A_6, %dma_start3A_11] : memref<320000x64xf32, #tpu.memory_space<hbm>> -> memref<80x64xf32, #tpu.memory_space<hbm>>
    %dma_start3A_13 = arith.constant 0 : i32
    %dma_start3A_14 = arith.constant 0 : i32
    %dma_start3A_15 = tpu.memref_slice %arg7[%dma_start3A, %dma_start3A_13, %dma_start3A_14] : memref<4x80x64xf32, #tpu.memory_space<vmem>> -> memref<1x80x64xf32, #tpu.memory_space<vmem>>
    %dma_start3A_16 = tpu.memref_squeeze %dma_start3A_15 : memref<1x80x64xf32, #tpu.memory_space<vmem>> -> memref<80x64xf32, #tpu.memory_space<vmem>>
    %dma_start3A_17 = arith.constant 0 : i32
    %dma_start3A_18 = tpu.memref_slice %arg2[%add3A_6, %dma_start3A_17] : memref<320000x64xf32, #tpu.memory_space<hbm>> -> memref<80x64xf32, #tpu.memory_space<hbm>>
    tpu.enqueue_dma source(%dma_start3A_18 : memref<80x64xf32, #tpu.memory_space<hbm>>) target(%dma_start3A_16 : memref<80x64xf32, #tpu.memory_space<vmem>>) target_semaphore(%arg9 : memref<!tpu.dma_semaphore, #tpu.memory_space<semaphore_mem>>)
    %scan3A = arith.constant 0 : i32
    %scan3A_19 = arith.constant 0 : i32
    %scan3A_20 = arith.constant 125 : i32
    %scan3A_21 = arith.addi %scan3A_19, %scan3A_20 : i32
    %scan3A_22 = arith.constant 1 : i32
    scf.for %scan3A_84 = %scan3A_19 to %scan3A_21 step %scan3A_22  : i32 {
      %rem3A = arith.constant 4 : i32
      %rem3A_85 = arith.remsi %scan3A_84, %rem3A : i32
      %add3A_86 = arith.constant 1 : i32
      %add3A_87 = arith.addi %scan3A_84, %add3A_86 : i32
      %rem3A_88 = arith.constant 4 : i32
      %rem3A_89 = arith.remsi %add3A_87, %rem3A_88 : i32
      %add3A_90 = arith.constant 1 : i32
      %add3A_91 = arith.addi %scan3A_84, %add3A_90 : i32
      %lt3A = arith.constant 125 : i32
      %lt3A_92 = arith.cmpi slt, %add3A_91, %lt3A : i32
      %convert_element_type3A = arith.extui %lt3A_92 : i1 to i32
      %cond3A = arith.constant 0 : i32
      %cond3A_93 = arith.cmpi ne, %convert_element_type3A, %cond3A : i32
      scf.if %cond3A_93 {
        %add3A_116 = arith.constant 1 : i32
        %add3A_117 = arith.addi %scan3A_84, %add3A_116 : i32
        %ge3A = arith.constant 4 : i32
        %ge3A_118 = arith.cmpi sge, %add3A_117, %ge3A : i32
        %convert_element_type3A_119 = arith.extui %ge3A_118 : i1 to i32
        %cond3A_120 = arith.constant 0 : i32
        %cond3A_121 = arith.cmpi ne, %convert_element_type3A_119, %cond3A_120 : i32
        scf.if %cond3A_121 {
          %dma_wait3A_139 = arith.constant 0 : i32
          %dma_wait3A_140 = arith.constant 0 : i32
          %dma_wait3A_141 = tpu.memref_slice %arg7[%rem3A_89, %dma_wait3A_139, %dma_wait3A_140] : memref<4x80x64xf32, #tpu.memory_space<vmem>> -> memref<1x80x64xf32, #tpu.memory_space<vmem>>
          %dma_wait3A_142 = tpu.memref_squeeze %dma_wait3A_141 : memref<1x80x64xf32, #tpu.memory_space<vmem>> -> memref<80x64xf32, #tpu.memory_space<vmem>>
          %dma_wait3A_143 = arith.constant 0 : i32
          %dma_wait3A_144 = arith.constant 0 : i32
          %dma_wait3A_145 = tpu.memref_slice %arg8[%dma_wait3A_143, %dma_wait3A_144] : memref<10000x64xf32, #tpu.memory_space<vmem_shared>> -> memref<80x64xf32, #tpu.memory_space<vmem_shared>>
          %dma_wait3A_146 = arith.constant 0 : i32
          %dma_wait3A_147 = arith.constant 0 : i32
          %dma_wait3A_148 = tpu.memref_slice %arg8[%dma_wait3A_146, %dma_wait3A_147] : memref<10000x64xf32, #tpu.memory_space<vmem_shared>> -> memref<80x64xf32, #tpu.memory_space<vmem_shared>>
          %dma_wait3A_149 = arith.constant 0 : i32
          %dma_wait3A_150 = arith.constant 0 : i32
          %dma_wait3A_151 = tpu.memref_slice %arg7[%rem3A_89, %dma_wait3A_149, %dma_wait3A_150] : memref<4x80x64xf32, #tpu.memory_space<vmem>> -> memref<1x80x64xf32, #tpu.memory_space<vmem>>
          %dma_wait3A_152 = tpu.memref_squeeze %dma_wait3A_151 : memref<1x80x64xf32, #tpu.memory_space<vmem>> -> memref<80x64xf32, #tpu.memory_space<vmem>>
          tpu.wait_dma2 semaphore(%arg10 : memref<!tpu.dma_semaphore, #tpu.memory_space<semaphore_mem>>) src(%dma_wait3A_152 : memref<80x64xf32, #tpu.memory_space<vmem>>) dst(%dma_wait3A_148 : memref<80x64xf32, #tpu.memory_space<vmem_shared>>)
        } else {
        }
        %add3A_122 = arith.constant 1 : i32
        %add3A_123 = arith.addi %scan3A_84, %add3A_122 : i32
        %mul3A_124 = arith.constant 80 : i32
        %mul3A_125 = arith.muli %add3A_123, %mul3A_124 : i32
        %add3A_126 = arith.addi %mul3A_4, %mul3A_125 : i32
        %dma_start3A_127 = arith.constant 0 : i32
        %dma_start3A_128 = arith.constant 0 : i32
        %dma_start3A_129 = tpu.memref_slice %arg7[%rem3A_89, %dma_start3A_127, %dma_start3A_128] : memref<4x80x64xf32, #tpu.memory_space<vmem>> -> memref<1x80x64xf32, #tpu.memory_space<vmem>>
        %dma_start3A_130 = tpu.memref_squeeze %dma_start3A_129 : memref<1x80x64xf32, #tpu.memory_space<vmem>> -> memref<80x64xf32, #tpu.memory_space<vmem>>
        %dma_start3A_131 = arith.constant 0 : i32
        %dma_start3A_132 = tpu.memref_slice %arg2[%add3A_126, %dma_start3A_131] : memref<320000x64xf32, #tpu.memory_space<hbm>> -> memref<80x64xf32, #tpu.memory_space<hbm>>
        %dma_start3A_133 = arith.constant 0 : i32
        %dma_start3A_134 = arith.constant 0 : i32
        %dma_start3A_135 = tpu.memref_slice %arg7[%rem3A_89, %dma_start3A_133, %dma_start3A_134] : memref<4x80x64xf32, #tpu.memory_space<vmem>> -> memref<1x80x64xf32, #tpu.memory_space<vmem>>
        %dma_start3A_136 = tpu.memref_squeeze %dma_start3A_135 : memref<1x80x64xf32, #tpu.memory_space<vmem>> -> memref<80x64xf32, #tpu.memory_space<vmem>>
        %dma_start3A_137 = arith.constant 0 : i32
        %dma_start3A_138 = tpu.memref_slice %arg2[%add3A_126, %dma_start3A_137] : memref<320000x64xf32, #tpu.memory_space<hbm>> -> memref<80x64xf32, #tpu.memory_space<hbm>>
        tpu.enqueue_dma source(%dma_start3A_138 : memref<80x64xf32, #tpu.memory_space<hbm>>) target(%dma_start3A_136 : memref<80x64xf32, #tpu.memory_space<vmem>>) target_semaphore(%arg9 : memref<!tpu.dma_semaphore, #tpu.memory_space<semaphore_mem>>)
      } else {
      }
      %dma_wait3A_94 = arith.constant 0 : i32
      %dma_wait3A_95 = arith.constant 0 : i32
      %dma_wait3A_96 = tpu.memref_slice %arg7[%rem3A_85, %dma_wait3A_94, %dma_wait3A_95] : memref<4x80x64xf32, #tpu.memory_space<vmem>> -> memref<1x80x64xf32, #tpu.memory_space<vmem>>
      %dma_wait3A_97 = tpu.memref_squeeze %dma_wait3A_96 : memref<1x80x64xf32, #tpu.memory_space<vmem>> -> memref<80x64xf32, #tpu.memory_space<vmem>>
      %dma_wait3A_98 = arith.constant 0 : i32
      %dma_wait3A_99 = tpu.memref_slice %arg2[%mul3A_4, %dma_wait3A_98] : memref<320000x64xf32, #tpu.memory_space<hbm>> -> memref<80x64xf32, #tpu.memory_space<hbm>>
      %dma_wait3A_100 = arith.constant 0 : i32
      %dma_wait3A_101 = arith.constant 0 : i32
      %dma_wait3A_102 = tpu.memref_slice %arg7[%rem3A_85, %dma_wait3A_100, %dma_wait3A_101] : memref<4x80x64xf32, #tpu.memory_space<vmem>> -> memref<1x80x64xf32, #tpu.memory_space<vmem>>
      %dma_wait3A_103 = tpu.memref_squeeze %dma_wait3A_102 : memref<1x80x64xf32, #tpu.memory_space<vmem>> -> memref<80x64xf32, #tpu.memory_space<vmem>>
      %dma_wait3A_104 = arith.constant 0 : i32
      %dma_wait3A_105 = tpu.memref_slice %arg2[%mul3A_4, %dma_wait3A_104] : memref<320000x64xf32, #tpu.memory_space<hbm>> -> memref<80x64xf32, #tpu.memory_space<hbm>>
      tpu.wait_dma2 semaphore(%arg9 : memref<!tpu.dma_semaphore, #tpu.memory_space<semaphore_mem>>) src(%dma_wait3A_105 : memref<80x64xf32, #tpu.memory_space<hbm>>) dst(%dma_wait3A_103 : memref<80x64xf32, #tpu.memory_space<vmem>>)
      %dma_start3A_106 = arith.constant 0 : i32
      %dma_start3A_107 = arith.constant 0 : i32
      %dma_start3A_108 = tpu.memref_slice %arg7[%rem3A_85, %dma_start3A_106, %dma_start3A_107] : memref<4x80x64xf32, #tpu.memory_space<vmem>> -> memref<1x80x64xf32, #tpu.memory_space<vmem>>
      %dma_start3A_109 = tpu.memref_squeeze %dma_start3A_108 : memref<1x80x64xf32, #tpu.memory_space<vmem>> -> memref<80x64xf32, #tpu.memory_space<vmem>>
      %dma_start3A_110 = arith.constant 0 : i32
      %dma_start3A_111 = tpu.memref_slice %arg6[%scan3A_84, %dma_start3A_110] : memref<125x80xi32, #tpu.memory_space<vmem>> -> memref<1x80xi32, #tpu.memory_space<vmem>>
      %dma_start3A_112 = tpu.memref_squeeze %dma_start3A_111 : memref<1x80xi32, #tpu.memory_space<vmem>> -> memref<80xi32, #tpu.memory_space<vmem>>
      %dma_start3A_113 = arith.constant 0 : i32
      %dma_start3A_114 = arith.constant 0 : i32
      %dma_start3A_115 = tpu.memref_slice %arg8[%dma_start3A_113, %dma_start3A_114] : memref<10000x64xf32, #tpu.memory_space<vmem_shared>> -> memref<10000x64xf32, #tpu.memory_space<vmem_shared>>
      tpu.enqueue_indirect_dma source(%dma_start3A_109 : memref<80x64xf32, #tpu.memory_space<vmem>>) target(%dma_start3A_115 : memref<10000x64xf32, #tpu.memory_space<vmem_shared>>) offsets(%dma_start3A_112 : memref<80xi32, #tpu.memory_space<vmem>>) semaphore(%arg10 : memref<!tpu.dma_semaphore, #tpu.memory_space<semaphore_mem>>) {add = true}
    }
    %scan3A_23 = arith.constant 125 : i32
    %dma_wait3A = arith.constant 0 : i32
    %dma_wait3A_24 = arith.constant 0 : i32
    %dma_wait3A_25 = arith.constant 0 : i32
    %dma_wait3A_26 = tpu.memref_slice %arg7[%dma_wait3A, %dma_wait3A_24, %dma_wait3A_25] : memref<4x80x64xf32, #tpu.memory_space<vmem>> -> memref<1x80x64xf32, #tpu.memory_space<vmem>>
    %dma_wait3A_27 = tpu.memref_squeeze %dma_wait3A_26 : memref<1x80x64xf32, #tpu.memory_space<vmem>> -> memref<80x64xf32, #tpu.memory_space<vmem>>
    %dma_wait3A_28 = arith.constant 0 : i32
    %dma_wait3A_29 = arith.constant 0 : i32
    %dma_wait3A_30 = tpu.memref_slice %arg8[%dma_wait3A_28, %dma_wait3A_29] : memref<10000x64xf32, #tpu.memory_space<vmem_shared>> -> memref<80x64xf32, #tpu.memory_space<vmem_shared>>
    %dma_wait3A_31 = arith.constant 0 : i32
    %dma_wait3A_32 = arith.constant 0 : i32
    %dma_wait3A_33 = tpu.memref_slice %arg8[%dma_wait3A_31, %dma_wait3A_32] : memref<10000x64xf32, #tpu.memory_space<vmem_shared>> -> memref<80x64xf32, #tpu.memory_space<vmem_shared>>
    %dma_wait3A_34 = arith.constant 0 : i32
    %dma_wait3A_35 = arith.constant 0 : i32
    %dma_wait3A_36 = tpu.memref_slice %arg7[%dma_wait3A, %dma_wait3A_34, %dma_wait3A_35] : memref<4x80x64xf32, #tpu.memory_space<vmem>> -> memref<1x80x64xf32, #tpu.memory_space<vmem>>
    %dma_wait3A_37 = tpu.memref_squeeze %dma_wait3A_36 : memref<1x80x64xf32, #tpu.memory_space<vmem>> -> memref<80x64xf32, #tpu.memory_space<vmem>>
    tpu.wait_dma2 semaphore(%arg10 : memref<!tpu.dma_semaphore, #tpu.memory_space<semaphore_mem>>) src(%dma_wait3A_37 : memref<80x64xf32, #tpu.memory_space<vmem>>) dst(%dma_wait3A_33 : memref<80x64xf32, #tpu.memory_space<vmem_shared>>)
    %dma_wait3A_38 = arith.constant 0 : i32
    %dma_wait3A_39 = arith.constant 0 : i32
    %dma_wait3A_40 = arith.constant 0 : i32
    %dma_wait3A_41 = tpu.memref_slice %arg7[%dma_wait3A_38, %dma_wait3A_39, %dma_wait3A_40] : memref<4x80x64xf32, #tpu.memory_space<vmem>> -> memref<1x80x64xf32, #tpu.memory_space<vmem>>
    %dma_wait3A_42 = tpu.memref_squeeze %dma_wait3A_41 : memref<1x80x64xf32, #tpu.memory_space<vmem>> -> memref<80x64xf32, #tpu.memory_space<vmem>>
    %dma_wait3A_43 = arith.constant 0 : i32
    %dma_wait3A_44 = arith.constant 0 : i32
    %dma_wait3A_45 = tpu.memref_slice %arg8[%dma_wait3A_43, %dma_wait3A_44] : memref<10000x64xf32, #tpu.memory_space<vmem_shared>> -> memref<80x64xf32, #tpu.memory_space<vmem_shared>>
    %dma_wait3A_46 = arith.constant 0 : i32
    %dma_wait3A_47 = arith.constant 0 : i32
    %dma_wait3A_48 = tpu.memref_slice %arg8[%dma_wait3A_46, %dma_wait3A_47] : memref<10000x64xf32, #tpu.memory_space<vmem_shared>> -> memref<80x64xf32, #tpu.memory_space<vmem_shared>>
    %dma_wait3A_49 = arith.constant 0 : i32
    %dma_wait3A_50 = arith.constant 0 : i32
    %dma_wait3A_51 = tpu.memref_slice %arg7[%dma_wait3A_38, %dma_wait3A_49, %dma_wait3A_50] : memref<4x80x64xf32, #tpu.memory_space<vmem>> -> memref<1x80x64xf32, #tpu.memory_space<vmem>>
    %dma_wait3A_52 = tpu.memref_squeeze %dma_wait3A_51 : memref<1x80x64xf32, #tpu.memory_space<vmem>> -> memref<80x64xf32, #tpu.memory_space<vmem>>
    tpu.wait_dma2 semaphore(%arg10 : memref<!tpu.dma_semaphore, #tpu.memory_space<semaphore_mem>>) src(%dma_wait3A_52 : memref<80x64xf32, #tpu.memory_space<vmem>>) dst(%dma_wait3A_48 : memref<80x64xf32, #tpu.memory_space<vmem_shared>>)
    %dma_wait3A_53 = arith.constant 0 : i32
    %dma_wait3A_54 = arith.constant 0 : i32
    %dma_wait3A_55 = arith.constant 0 : i32
    %dma_wait3A_56 = tpu.memref_slice %arg7[%dma_wait3A_53, %dma_wait3A_54, %dma_wait3A_55] : memref<4x80x64xf32, #tpu.memory_space<vmem>> -> memref<1x80x64xf32, #tpu.memory_space<vmem>>
    %dma_wait3A_57 = tpu.memref_squeeze %dma_wait3A_56 : memref<1x80x64xf32, #tpu.memory_space<vmem>> -> memref<80x64xf32, #tpu.memory_space<vmem>>
    %dma_wait3A_58 = arith.constant 0 : i32
    %dma_wait3A_59 = arith.constant 0 : i32
    %dma_wait3A_60 = tpu.memref_slice %arg8[%dma_wait3A_58, %dma_wait3A_59] : memref<10000x64xf32, #tpu.memory_space<vmem_shared>> -> memref<80x64xf32, #tpu.memory_space<vmem_shared>>
    %dma_wait3A_61 = arith.constant 0 : i32
    %dma_wait3A_62 = arith.constant 0 : i32
    %dma_wait3A_63 = tpu.memref_slice %arg8[%dma_wait3A_61, %dma_wait3A_62] : memref<10000x64xf32, #tpu.memory_space<vmem_shared>> -> memref<80x64xf32, #tpu.memory_space<vmem_shared>>
    %dma_wait3A_64 = arith.constant 0 : i32
    %dma_wait3A_65 = arith.constant 0 : i32
    %dma_wait3A_66 = tpu.memref_slice %arg7[%dma_wait3A_53, %dma_wait3A_64, %dma_wait3A_65] : memref<4x80x64xf32, #tpu.memory_space<vmem>> -> memref<1x80x64xf32, #tpu.memory_space<vmem>>
    %dma_wait3A_67 = tpu.memref_squeeze %dma_wait3A_66 : memref<1x80x64xf32, #tpu.memory_space<vmem>> -> memref<80x64xf32, #tpu.memory_space<vmem>>
    tpu.wait_dma2 semaphore(%arg10 : memref<!tpu.dma_semaphore, #tpu.memory_space<semaphore_mem>>) src(%dma_wait3A_67 : memref<80x64xf32, #tpu.memory_space<vmem>>) dst(%dma_wait3A_63 : memref<80x64xf32, #tpu.memory_space<vmem_shared>>)
    %dma_wait3A_68 = arith.constant 0 : i32
    %dma_wait3A_69 = arith.constant 0 : i32
    %dma_wait3A_70 = arith.constant 0 : i32
    %dma_wait3A_71 = tpu.memref_slice %arg7[%dma_wait3A_68, %dma_wait3A_69, %dma_wait3A_70] : memref<4x80x64xf32, #tpu.memory_space<vmem>> -> memref<1x80x64xf32, #tpu.memory_space<vmem>>
    %dma_wait3A_72 = tpu.memref_squeeze %dma_wait3A_71 : memref<1x80x64xf32, #tpu.memory_space<vmem>> -> memref<80x64xf32, #tpu.memory_space<vmem>>
    %dma_wait3A_73 = arith.constant 0 : i32
    %dma_wait3A_74 = arith.constant 0 : i32
    %dma_wait3A_75 = tpu.memref_slice %arg8[%dma_wait3A_73, %dma_wait3A_74] : memref<10000x64xf32, #tpu.memory_space<vmem_shared>> -> memref<80x64xf32, #tpu.memory_space<vmem_shared>>
    %dma_wait3A_76 = arith.constant 0 : i32
    %dma_wait3A_77 = arith.constant 0 : i32
    %dma_wait3A_78 = tpu.memref_slice %arg8[%dma_wait3A_76, %dma_wait3A_77] : memref<10000x64xf32, #tpu.memory_space<vmem_shared>> -> memref<80x64xf32, #tpu.memory_space<vmem_shared>>
    %dma_wait3A_79 = arith.constant 0 : i32
    %dma_wait3A_80 = arith.constant 0 : i32
    %dma_wait3A_81 = tpu.memref_slice %arg7[%dma_wait3A_68, %dma_wait3A_79, %dma_wait3A_80] : memref<4x80x64xf32, #tpu.memory_space<vmem>> -> memref<1x80x64xf32, #tpu.memory_space<vmem>>
    %dma_wait3A_82 = tpu.memref_squeeze %dma_wait3A_81 : memref<1x80x64xf32, #tpu.memory_space<vmem>> -> memref<80x64xf32, #tpu.memory_space<vmem>>
    tpu.wait_dma2 semaphore(%arg10 : memref<!tpu.dma_semaphore, #tpu.memory_space<semaphore_mem>>) src(%dma_wait3A_82 : memref<80x64xf32, #tpu.memory_space<vmem>>) dst(%dma_wait3A_78 : memref<80x64xf32, #tpu.memory_space<vmem_shared>>)
    %barrier3A_83 = arith.constant 0 : index
    tpu.barrier barrier_id(%barrier3A_83)
    "tpu.region"() ({
      %run_scoped3A = tpu.sem_alloc : memref<!tpu.dma_semaphore, #tpu.memory_space<semaphore_mem>>
      %dma_start3A_84 = arith.constant 0 : i32
      %dma_start3A_85 = tpu.memref_slice %arg5[%arg0, %mul3A_2, %dma_start3A_84] : memref<2x10000x64xf32, #tpu.memory_space<hbm>> -> memref<1x625x64xf32, #tpu.memory_space<hbm>>
      %dma_start3A_86 = tpu.memref_squeeze %dma_start3A_85 : memref<1x625x64xf32, #tpu.memory_space<hbm>> -> memref<625x64xf32, #tpu.memory_space<hbm>>
      %dma_start3A_87 = arith.constant 0 : i32
      %dma_start3A_88 = tpu.memref_slice %arg8[%mul3A_2, %dma_start3A_87] : memref<10000x64xf32, #tpu.memory_space<vmem_shared>> -> memref<625x64xf32, #tpu.memory_space<vmem_shared>>
      tpu.enqueue_dma source(%dma_start3A_88 : memref<625x64xf32, #tpu.memory_space<vmem_shared>>) target(%dma_start3A_86 : memref<625x64xf32, #tpu.memory_space<hbm>>) target_semaphore(%run_scoped3A : memref<!tpu.dma_semaphore, #tpu.memory_space<semaphore_mem>>)
      %dma_wait3A_89 = arith.constant 0 : i32
      %dma_wait3A_90 = tpu.memref_slice %arg5[%arg0, %mul3A_2, %dma_wait3A_89] : memref<2x10000x64xf32, #tpu.memory_space<hbm>> -> memref<1x625x64xf32, #tpu.memory_space<hbm>>
      %dma_wait3A_91 = tpu.memref_squeeze %dma_wait3A_90 : memref<1x625x64xf32, #tpu.memory_space<hbm>> -> memref<625x64xf32, #tpu.memory_space<hbm>>
      %dma_wait3A_92 = arith.constant 0 : i32
      %dma_wait3A_93 = tpu.memref_slice %arg8[%mul3A_2, %dma_wait3A_92] : memref<10000x64xf32, #tpu.memory_space<vmem_shared>> -> memref<625x64xf32, #tpu.memory_space<vmem_shared>>
      tpu.wait_dma2 semaphore(%run_scoped3A : memref<!tpu.dma_semaphore, #tpu.memory_space<semaphore_mem>>) src(%dma_wait3A_93 : memref<625x64xf32, #tpu.memory_space<vmem_shared>>) dst(%dma_wait3A_91 : memref<625x64xf32, #tpu.memory_space<hbm>>)
      tpu.yield
    }) : () -> ()
    return
  }
}

#map = affine_map<(d0, d1) -> (0, 0)>
#map1 = affine_map<(d0, d1) -> (0, 0, 0)>
module attributes {stable_mosaic.version = 14 : i64} {
  func.func @_gather3_body(%arg0: i32, %arg1: i32, %arg2: memref<10000x64xf32, #tpu.memory_space<hbm>>, %arg3: memref<10000x64xf32, #tpu.memory_space<hbm>>, %arg4: memref<10000x64xf32, #tpu.memory_space<hbm>>, %arg5: memref<32x125x80xi32, #tpu.memory_space<hbm>>, %arg6: memref<32x125x80xi32, #tpu.memory_space<hbm>>, %arg7: memref<320000x64xf32, #tpu.memory_space<hbm>>, %arg8: memref<320000x64xf32, #tpu.memory_space<hbm>>, %arg9: memref<320000x64xf32, #tpu.memory_space<hbm>>, %arg10: memref<125x80xi32, #tpu.memory_space<vmem>>, %arg11: memref<125x80xi32, #tpu.memory_space<vmem>>, %arg12: memref<4x80x64xf32, #tpu.memory_space<vmem>>, %arg13: memref<4x80x64xf32, #tpu.memory_space<vmem>>, %arg14: memref<4x80x64xf32, #tpu.memory_space<vmem>>, %arg15: memref<!tpu.dma_semaphore, #tpu.memory_space<semaphore_mem>>, %arg16: memref<!tpu.dma_semaphore, #tpu.memory_space<semaphore_mem>>, %arg17: memref<!tpu.dma_semaphore, #tpu.memory_space<semaphore_mem>>, %arg18: memref<!tpu.dma_semaphore, #tpu.memory_space<semaphore_mem>>, %arg19: memref<!tpu.dma_semaphore, #tpu.memory_space<semaphore_mem>>, %arg20: memref<!tpu.dma_semaphore, #tpu.memory_space<semaphore_mem>>) attributes {dimension_semantics = [#tpu.dimension_semantics<core_parallel>, #tpu.dimension_semantics<subcore_parallel>], iteration_bounds = array<i64: 2, 16>, scalar_prefetch = 0 : i64, scratch_operands = 11 : i64, tpu.core_type = #tpu.core_type<sc_vector_subcore>, window_params = [{transform_indices = #map}, {transform_indices = #map}, {transform_indices = #map}, {transform_indices = #map1}, {transform_indices = #map1}, {transform_indices = #map}, {transform_indices = #map}, {transform_indices = #map}]} {
    %mul3A = arith.constant 2 : i32
    %mul3A_0 = arith.muli %arg1, %mul3A : i32
    %add3A = arith.addi %mul3A_0, %arg0 : i32
    "tpu.region"() ({
      %run_scoped3A = tpu.sem_alloc : memref<!tpu.dma_semaphore, #tpu.memory_space<semaphore_mem>>
      %dma_start3A_198 = arith.constant 0 : i32
      %dma_start3A_199 = arith.constant 0 : i32
      %dma_start3A_200 = tpu.memref_slice %arg5[%add3A, %dma_start3A_198, %dma_start3A_199] : memref<32x125x80xi32, #tpu.memory_space<hbm>> -> memref<1x125x80xi32, #tpu.memory_space<hbm>>
      %dma_start3A_201 = tpu.memref_squeeze %dma_start3A_200 : memref<1x125x80xi32, #tpu.memory_space<hbm>> -> memref<125x80xi32, #tpu.memory_space<hbm>>
      %dma_start3A_202 = arith.constant 0 : i32
      %dma_start3A_203 = arith.constant 0 : i32
      %dma_start3A_204 = tpu.memref_slice %arg5[%add3A, %dma_start3A_202, %dma_start3A_203] : memref<32x125x80xi32, #tpu.memory_space<hbm>> -> memref<1x125x80xi32, #tpu.memory_space<hbm>>
      %dma_start3A_205 = tpu.memref_squeeze %dma_start3A_204 : memref<1x125x80xi32, #tpu.memory_space<hbm>> -> memref<125x80xi32, #tpu.memory_space<hbm>>
      tpu.enqueue_dma source(%dma_start3A_205 : memref<125x80xi32, #tpu.memory_space<hbm>>) target(%arg10 : memref<125x80xi32, #tpu.memory_space<vmem>>) target_semaphore(%run_scoped3A : memref<!tpu.dma_semaphore, #tpu.memory_space<semaphore_mem>>)
      %dma_wait3A_206 = arith.constant 0 : i32
      %dma_wait3A_207 = arith.constant 0 : i32
      %dma_wait3A_208 = tpu.memref_slice %arg5[%add3A, %dma_wait3A_206, %dma_wait3A_207] : memref<32x125x80xi32, #tpu.memory_space<hbm>> -> memref<1x125x80xi32, #tpu.memory_space<hbm>>
      %dma_wait3A_209 = tpu.memref_squeeze %dma_wait3A_208 : memref<1x125x80xi32, #tpu.memory_space<hbm>> -> memref<125x80xi32, #tpu.memory_space<hbm>>
      %dma_wait3A_210 = arith.constant 0 : i32
      %dma_wait3A_211 = arith.constant 0 : i32
      %dma_wait3A_212 = tpu.memref_slice %arg5[%add3A, %dma_wait3A_210, %dma_wait3A_211] : memref<32x125x80xi32, #tpu.memory_space<hbm>> -> memref<1x125x80xi32, #tpu.memory_space<hbm>>
      %dma_wait3A_213 = tpu.memref_squeeze %dma_wait3A_212 : memref<1x125x80xi32, #tpu.memory_space<hbm>> -> memref<125x80xi32, #tpu.memory_space<hbm>>
      tpu.wait_dma2 semaphore(%run_scoped3A : memref<!tpu.dma_semaphore, #tpu.memory_space<semaphore_mem>>) src(%dma_wait3A_213 : memref<125x80xi32, #tpu.memory_space<hbm>>) dst(%arg10 : memref<125x80xi32, #tpu.memory_space<vmem>>)
      tpu.yield
    }) : () -> ()
    "tpu.region"() ({
      %run_scoped3A = tpu.sem_alloc : memref<!tpu.dma_semaphore, #tpu.memory_space<semaphore_mem>>
      %dma_start3A_198 = arith.constant 0 : i32
      %dma_start3A_199 = arith.constant 0 : i32
      %dma_start3A_200 = tpu.memref_slice %arg6[%add3A, %dma_start3A_198, %dma_start3A_199] : memref<32x125x80xi32, #tpu.memory_space<hbm>> -> memref<1x125x80xi32, #tpu.memory_space<hbm>>
      %dma_start3A_201 = tpu.memref_squeeze %dma_start3A_200 : memref<1x125x80xi32, #tpu.memory_space<hbm>> -> memref<125x80xi32, #tpu.memory_space<hbm>>
      %dma_start3A_202 = arith.constant 0 : i32
      %dma_start3A_203 = arith.constant 0 : i32
      %dma_start3A_204 = tpu.memref_slice %arg6[%add3A, %dma_start3A_202, %dma_start3A_203] : memref<32x125x80xi32, #tpu.memory_space<hbm>> -> memref<1x125x80xi32, #tpu.memory_space<hbm>>
      %dma_start3A_205 = tpu.memref_squeeze %dma_start3A_204 : memref<1x125x80xi32, #tpu.memory_space<hbm>> -> memref<125x80xi32, #tpu.memory_space<hbm>>
      tpu.enqueue_dma source(%dma_start3A_205 : memref<125x80xi32, #tpu.memory_space<hbm>>) target(%arg11 : memref<125x80xi32, #tpu.memory_space<vmem>>) target_semaphore(%run_scoped3A : memref<!tpu.dma_semaphore, #tpu.memory_space<semaphore_mem>>)
      %dma_wait3A_206 = arith.constant 0 : i32
      %dma_wait3A_207 = arith.constant 0 : i32
      %dma_wait3A_208 = tpu.memref_slice %arg6[%add3A, %dma_wait3A_206, %dma_wait3A_207] : memref<32x125x80xi32, #tpu.memory_space<hbm>> -> memref<1x125x80xi32, #tpu.memory_space<hbm>>
      %dma_wait3A_209 = tpu.memref_squeeze %dma_wait3A_208 : memref<1x125x80xi32, #tpu.memory_space<hbm>> -> memref<125x80xi32, #tpu.memory_space<hbm>>
      %dma_wait3A_210 = arith.constant 0 : i32
      %dma_wait3A_211 = arith.constant 0 : i32
      %dma_wait3A_212 = tpu.memref_slice %arg6[%add3A, %dma_wait3A_210, %dma_wait3A_211] : memref<32x125x80xi32, #tpu.memory_space<hbm>> -> memref<1x125x80xi32, #tpu.memory_space<hbm>>
      %dma_wait3A_213 = tpu.memref_squeeze %dma_wait3A_212 : memref<1x125x80xi32, #tpu.memory_space<hbm>> -> memref<125x80xi32, #tpu.memory_space<hbm>>
      tpu.wait_dma2 semaphore(%run_scoped3A : memref<!tpu.dma_semaphore, #tpu.memory_space<semaphore_mem>>) src(%dma_wait3A_213 : memref<125x80xi32, #tpu.memory_space<hbm>>) dst(%arg11 : memref<125x80xi32, #tpu.memory_space<vmem>>)
      tpu.yield
    }) : () -> ()
    %mul3A_1 = arith.constant 10000 : i32
    %mul3A_2 = arith.muli %add3A, %mul3A_1 : i32
    %dma_start3A = arith.constant 0 : i32
    %dma_start3A_3 = arith.constant 0 : i32
    %dma_start3A_4 = arith.constant 0 : i32
    %dma_start3A_5 = arith.constant 0 : i32
    %dma_start3A_6 = tpu.memref_slice %arg12[%dma_start3A_3, %dma_start3A_4, %dma_start3A_5] : memref<4x80x64xf32, #tpu.memory_space<vmem>> -> memref<1x80x64xf32, #tpu.memory_space<vmem>>
    %dma_start3A_7 = tpu.memref_squeeze %dma_start3A_6 : memref<1x80x64xf32, #tpu.memory_space<vmem>> -> memref<80x64xf32, #tpu.memory_space<vmem>>
    %dma_start3A_8 = arith.constant 0 : i32
    %dma_start3A_9 = tpu.memref_slice %arg10[%dma_start3A, %dma_start3A_8] : memref<125x80xi32, #tpu.memory_space<vmem>> -> memref<1x80xi32, #tpu.memory_space<vmem>>
    %dma_start3A_10 = tpu.memref_squeeze %dma_start3A_9 : memref<1x80xi32, #tpu.memory_space<vmem>> -> memref<80xi32, #tpu.memory_space<vmem>>
    %dma_start3A_11 = arith.constant 0 : i32
    %dma_start3A_12 = arith.constant 0 : i32
    %dma_start3A_13 = tpu.memref_slice %arg2[%dma_start3A_11, %dma_start3A_12] : memref<10000x64xf32, #tpu.memory_space<hbm>> -> memref<10000x64xf32, #tpu.memory_space<hbm>>
    tpu.enqueue_indirect_dma source(%dma_start3A_13 : memref<10000x64xf32, #tpu.memory_space<hbm>>) target(%dma_start3A_7 : memref<80x64xf32, #tpu.memory_space<vmem>>) offsets(%dma_start3A_10 : memref<80xi32, #tpu.memory_space<vmem>>) semaphore(%arg15 : memref<!tpu.dma_semaphore, #tpu.memory_space<semaphore_mem>>)
    %dma_start3A_14 = arith.constant 0 : i32
    %dma_start3A_15 = arith.constant 0 : i32
    %dma_start3A_16 = arith.constant 0 : i32
    %dma_start3A_17 = arith.constant 0 : i32
    %dma_start3A_18 = tpu.memref_slice %arg13[%dma_start3A_15, %dma_start3A_16, %dma_start3A_17] : memref<4x80x64xf32, #tpu.memory_space<vmem>> -> memref<1x80x64xf32, #tpu.memory_space<vmem>>
    %dma_start3A_19 = tpu.memref_squeeze %dma_start3A_18 : memref<1x80x64xf32, #tpu.memory_space<vmem>> -> memref<80x64xf32, #tpu.memory_space<vmem>>
    %dma_start3A_20 = arith.constant 0 : i32
    %dma_start3A_21 = tpu.memref_slice %arg10[%dma_start3A_14, %dma_start3A_20] : memref<125x80xi32, #tpu.memory_space<vmem>> -> memref<1x80xi32, #tpu.memory_space<vmem>>
    %dma_start3A_22 = tpu.memref_squeeze %dma_start3A_21 : memref<1x80xi32, #tpu.memory_space<vmem>> -> memref<80xi32, #tpu.memory_space<vmem>>
    %dma_start3A_23 = arith.constant 0 : i32
    %dma_start3A_24 = arith.constant 0 : i32
    %dma_start3A_25 = tpu.memref_slice %arg3[%dma_start3A_23, %dma_start3A_24] : memref<10000x64xf32, #tpu.memory_space<hbm>> -> memref<10000x64xf32, #tpu.memory_space<hbm>>
    tpu.enqueue_indirect_dma source(%dma_start3A_25 : memref<10000x64xf32, #tpu.memory_space<hbm>>) target(%dma_start3A_19 : memref<80x64xf32, #tpu.memory_space<vmem>>) offsets(%dma_start3A_22 : memref<80xi32, #tpu.memory_space<vmem>>) semaphore(%arg16 : memref<!tpu.dma_semaphore, #tpu.memory_space<semaphore_mem>>)
    %dma_start3A_26 = arith.constant 0 : i32
    %dma_start3A_27 = arith.constant 0 : i32
    %dma_start3A_28 = arith.constant 0 : i32
    %dma_start3A_29 = arith.constant 0 : i32
    %dma_start3A_30 = tpu.memref_slice %arg14[%dma_start3A_27, %dma_start3A_28, %dma_start3A_29] : memref<4x80x64xf32, #tpu.memory_space<vmem>> -> memref<1x80x64xf32, #tpu.memory_space<vmem>>
    %dma_start3A_31 = tpu.memref_squeeze %dma_start3A_30 : memref<1x80x64xf32, #tpu.memory_space<vmem>> -> memref<80x64xf32, #tpu.memory_space<vmem>>
    %dma_start3A_32 = arith.constant 0 : i32
    %dma_start3A_33 = tpu.memref_slice %arg11[%dma_start3A_26, %dma_start3A_32] : memref<125x80xi32, #tpu.memory_space<vmem>> -> memref<1x80xi32, #tpu.memory_space<vmem>>
    %dma_start3A_34 = tpu.memref_squeeze %dma_start3A_33 : memref<1x80xi32, #tpu.memory_space<vmem>> -> memref<80xi32, #tpu.memory_space<vmem>>
    %dma_start3A_35 = arith.constant 0 : i32
    %dma_start3A_36 = arith.constant 0 : i32
    %dma_start3A_37 = tpu.memref_slice %arg4[%dma_start3A_35, %dma_start3A_36] : memref<10000x64xf32, #tpu.memory_space<hbm>> -> memref<10000x64xf32, #tpu.memory_space<hbm>>
    tpu.enqueue_indirect_dma source(%dma_start3A_37 : memref<10000x64xf32, #tpu.memory_space<hbm>>) target(%dma_start3A_31 : memref<80x64xf32, #tpu.memory_space<vmem>>) offsets(%dma_start3A_34 : memref<80xi32, #tpu.memory_space<vmem>>) semaphore(%arg17 : memref<!tpu.dma_semaphore, #tpu.memory_space<semaphore_mem>>)
    %scan3A = arith.constant 0 : i32
    %scan3A_38 = arith.constant 0 : i32
    %scan3A_39 = arith.constant 125 : i32
    %scan3A_40 = arith.addi %scan3A_38, %scan3A_39 : i32
    %scan3A_41 = arith.constant 1 : i32
    scf.for %scan3A_198 = %scan3A_38 to %scan3A_40 step %scan3A_41  : i32 {
      %rem3A = arith.constant 4 : i32
      %rem3A_199 = arith.remsi %scan3A_198, %rem3A : i32
      %add3A_200 = arith.constant 1 : i32
      %add3A_201 = arith.addi %scan3A_198, %add3A_200 : i32
      %rem3A_202 = arith.constant 4 : i32
      %rem3A_203 = arith.remsi %add3A_201, %rem3A_202 : i32
      %add3A_204 = arith.constant 1 : i32
      %add3A_205 = arith.addi %scan3A_198, %add3A_204 : i32
      %lt3A = arith.constant 125 : i32
      %lt3A_206 = arith.cmpi slt, %add3A_205, %lt3A : i32
      %convert_element_type3A = arith.extui %lt3A_206 : i1 to i32
      %cond3A = arith.constant 0 : i32
      %cond3A_207 = arith.cmpi ne, %convert_element_type3A, %cond3A : i32
      scf.if %cond3A_207 {
        %add3A_289 = arith.constant 1 : i32
        %add3A_290 = arith.addi %scan3A_198, %add3A_289 : i32
        %ge3A = arith.constant 4 : i32
        %ge3A_291 = arith.cmpi sge, %add3A_290, %ge3A : i32
        %convert_element_type3A_292 = arith.extui %ge3A_291 : i1 to i32
        %cond3A_293 = arith.constant 0 : i32
        %cond3A_294 = arith.cmpi ne, %convert_element_type3A_292, %cond3A_293 : i32
        scf.if %cond3A_294 {
          %dma_wait3A_327 = arith.constant 0 : i32
          %dma_wait3A_328 = arith.constant 0 : i32
          %dma_wait3A_329 = tpu.memref_slice %arg12[%rem3A_203, %dma_wait3A_327, %dma_wait3A_328] : memref<4x80x64xf32, #tpu.memory_space<vmem>> -> memref<1x80x64xf32, #tpu.memory_space<vmem>>
          %dma_wait3A_330 = tpu.memref_squeeze %dma_wait3A_329 : memref<1x80x64xf32, #tpu.memory_space<vmem>> -> memref<80x64xf32, #tpu.memory_space<vmem>>
          %dma_wait3A_331 = arith.constant 0 : i32
          %dma_wait3A_332 = tpu.memref_slice %arg7[%mul3A_2, %dma_wait3A_331] : memref<320000x64xf32, #tpu.memory_space<hbm>> -> memref<80x64xf32, #tpu.memory_space<hbm>>
          %dma_wait3A_333 = arith.constant 0 : i32
          %dma_wait3A_334 = tpu.memref_slice %arg7[%mul3A_2, %dma_wait3A_333] : memref<320000x64xf32, #tpu.memory_space<hbm>> -> memref<80x64xf32, #tpu.memory_space<hbm>>
          %dma_wait3A_335 = arith.constant 0 : i32
          %dma_wait3A_336 = arith.constant 0 : i32
          %dma_wait3A_337 = tpu.memref_slice %arg12[%rem3A_203, %dma_wait3A_335, %dma_wait3A_336] : memref<4x80x64xf32, #tpu.memory_space<vmem>> -> memref<1x80x64xf32, #tpu.memory_space<vmem>>
          %dma_wait3A_338 = tpu.memref_squeeze %dma_wait3A_337 : memref<1x80x64xf32, #tpu.memory_space<vmem>> -> memref<80x64xf32, #tpu.memory_space<vmem>>
          tpu.wait_dma2 semaphore(%arg18 : memref<!tpu.dma_semaphore, #tpu.memory_space<semaphore_mem>>) src(%dma_wait3A_338 : memref<80x64xf32, #tpu.memory_space<vmem>>) dst(%dma_wait3A_334 : memref<80x64xf32, #tpu.memory_space<hbm>>)
          %dma_wait3A_339 = arith.constant 0 : i32
          %dma_wait3A_340 = arith.constant 0 : i32
          %dma_wait3A_341 = tpu.memref_slice %arg13[%rem3A_203, %dma_wait3A_339, %dma_wait3A_340] : memref<4x80x64xf32, #tpu.memory_space<vmem>> -> memref<1x80x64xf32, #tpu.memory_space<vmem>>
          %dma_wait3A_342 = tpu.memref_squeeze %dma_wait3A_341 : memref<1x80x64xf32, #tpu.memory_space<vmem>> -> memref<80x64xf32, #tpu.memory_space<vmem>>
          %dma_wait3A_343 = arith.constant 0 : i32
          %dma_wait3A_344 = tpu.memref_slice %arg8[%mul3A_2, %dma_wait3A_343] : memref<320000x64xf32, #tpu.memory_space<hbm>> -> memref<80x64xf32, #tpu.memory_space<hbm>>
          %dma_wait3A_345 = arith.constant 0 : i32
          %dma_wait3A_346 = tpu.memref_slice %arg8[%mul3A_2, %dma_wait3A_345] : memref<320000x64xf32, #tpu.memory_space<hbm>> -> memref<80x64xf32, #tpu.memory_space<hbm>>
          %dma_wait3A_347 = arith.constant 0 : i32
          %dma_wait3A_348 = arith.constant 0 : i32
          %dma_wait3A_349 = tpu.memref_slice %arg13[%rem3A_203, %dma_wait3A_347, %dma_wait3A_348] : memref<4x80x64xf32, #tpu.memory_space<vmem>> -> memref<1x80x64xf32, #tpu.memory_space<vmem>>
          %dma_wait3A_350 = tpu.memref_squeeze %dma_wait3A_349 : memref<1x80x64xf32, #tpu.memory_space<vmem>> -> memref<80x64xf32, #tpu.memory_space<vmem>>
          tpu.wait_dma2 semaphore(%arg19 : memref<!tpu.dma_semaphore, #tpu.memory_space<semaphore_mem>>) src(%dma_wait3A_350 : memref<80x64xf32, #tpu.memory_space<vmem>>) dst(%dma_wait3A_346 : memref<80x64xf32, #tpu.memory_space<hbm>>)
          %dma_wait3A_351 = arith.constant 0 : i32
          %dma_wait3A_352 = arith.constant 0 : i32
          %dma_wait3A_353 = tpu.memref_slice %arg14[%rem3A_203, %dma_wait3A_351, %dma_wait3A_352] : memref<4x80x64xf32, #tpu.memory_space<vmem>> -> memref<1x80x64xf32, #tpu.memory_space<vmem>>
          %dma_wait3A_354 = tpu.memref_squeeze %dma_wait3A_353 : memref<1x80x64xf32, #tpu.memory_space<vmem>> -> memref<80x64xf32, #tpu.memory_space<vmem>>
          %dma_wait3A_355 = arith.constant 0 : i32
          %dma_wait3A_356 = tpu.memref_slice %arg9[%mul3A_2, %dma_wait3A_355] : memref<320000x64xf32, #tpu.memory_space<hbm>> -> memref<80x64xf32, #tpu.memory_space<hbm>>
          %dma_wait3A_357 = arith.constant 0 : i32
          %dma_wait3A_358 = tpu.memref_slice %arg9[%mul3A_2, %dma_wait3A_357] : memref<320000x64xf32, #tpu.memory_space<hbm>> -> memref<80x64xf32, #tpu.memory_space<hbm>>
          %dma_wait3A_359 = arith.constant 0 : i32
          %dma_wait3A_360 = arith.constant 0 : i32
          %dma_wait3A_361 = tpu.memref_slice %arg14[%rem3A_203, %dma_wait3A_359, %dma_wait3A_360] : memref<4x80x64xf32, #tpu.memory_space<vmem>> -> memref<1x80x64xf32, #tpu.memory_space<vmem>>
          %dma_wait3A_362 = tpu.memref_squeeze %dma_wait3A_361 : memref<1x80x64xf32, #tpu.memory_space<vmem>> -> memref<80x64xf32, #tpu.memory_space<vmem>>
          tpu.wait_dma2 semaphore(%arg20 : memref<!tpu.dma_semaphore, #tpu.memory_space<semaphore_mem>>) src(%dma_wait3A_362 : memref<80x64xf32, #tpu.memory_space<vmem>>) dst(%dma_wait3A_358 : memref<80x64xf32, #tpu.memory_space<hbm>>)
        } else {
        }
        %add3A_295 = arith.constant 1 : i32
        %add3A_296 = arith.addi %scan3A_198, %add3A_295 : i32
        %dma_start3A_297 = arith.constant 0 : i32
        %dma_start3A_298 = arith.constant 0 : i32
        %dma_start3A_299 = tpu.memref_slice %arg12[%rem3A_203, %dma_start3A_297, %dma_start3A_298] : memref<4x80x64xf32, #tpu.memory_space<vmem>> -> memref<1x80x64xf32, #tpu.memory_space<vmem>>
        %dma_start3A_300 = tpu.memref_squeeze %dma_start3A_299 : memref<1x80x64xf32, #tpu.memory_space<vmem>> -> memref<80x64xf32, #tpu.memory_space<vmem>>
        %dma_start3A_301 = arith.constant 0 : i32
        %dma_start3A_302 = tpu.memref_slice %arg10[%add3A_296, %dma_start3A_301] : memref<125x80xi32, #tpu.memory_space<vmem>> -> memref<1x80xi32, #tpu.memory_space<vmem>>
        %dma_start3A_303 = tpu.memref_squeeze %dma_start3A_302 : memref<1x80xi32, #tpu.memory_space<vmem>> -> memref<80xi32, #tpu.memory_space<vmem>>
        %dma_start3A_304 = arith.constant 0 : i32
        %dma_start3A_305 = arith.constant 0 : i32
        %dma_start3A_306 = tpu.memref_slice %arg2[%dma_start3A_304, %dma_start3A_305] : memref<10000x64xf32, #tpu.memory_space<hbm>> -> memref<10000x64xf32, #tpu.memory_space<hbm>>
        tpu.enqueue_indirect_dma source(%dma_start3A_306 : memref<10000x64xf32, #tpu.memory_space<hbm>>) target(%dma_start3A_300 : memref<80x64xf32, #tpu.memory_space<vmem>>) offsets(%dma_start3A_303 : memref<80xi32, #tpu.memory_space<vmem>>) semaphore(%arg15 : memref<!tpu.dma_semaphore, #tpu.memory_space<semaphore_mem>>)
        %dma_start3A_307 = arith.constant 0 : i32
        %dma_start3A_308 = arith.constant 0 : i32
        %dma_start3A_309 = tpu.memref_slice %arg13[%rem3A_203, %dma_start3A_307, %dma_start3A_308] : memref<4x80x64xf32, #tpu.memory_space<vmem>> -> memref<1x80x64xf32, #tpu.memory_space<vmem>>
        %dma_start3A_310 = tpu.memref_squeeze %dma_start3A_309 : memref<1x80x64xf32, #tpu.memory_space<vmem>> -> memref<80x64xf32, #tpu.memory_space<vmem>>
        %dma_start3A_311 = arith.constant 0 : i32
        %dma_start3A_312 = tpu.memref_slice %arg10[%add3A_296, %dma_start3A_311] : memref<125x80xi32, #tpu.memory_space<vmem>> -> memref<1x80xi32, #tpu.memory_space<vmem>>
        %dma_start3A_313 = tpu.memref_squeeze %dma_start3A_312 : memref<1x80xi32, #tpu.memory_space<vmem>> -> memref<80xi32, #tpu.memory_space<vmem>>
        %dma_start3A_314 = arith.constant 0 : i32
        %dma_start3A_315 = arith.constant 0 : i32
        %dma_start3A_316 = tpu.memref_slice %arg3[%dma_start3A_314, %dma_start3A_315] : memref<10000x64xf32, #tpu.memory_space<hbm>> -> memref<10000x64xf32, #tpu.memory_space<hbm>>
        tpu.enqueue_indirect_dma source(%dma_start3A_316 : memref<10000x64xf32, #tpu.memory_space<hbm>>) target(%dma_start3A_310 : memref<80x64xf32, #tpu.memory_space<vmem>>) offsets(%dma_start3A_313 : memref<80xi32, #tpu.memory_space<vmem>>) semaphore(%arg16 : memref<!tpu.dma_semaphore, #tpu.memory_space<semaphore_mem>>)
        %dma_start3A_317 = arith.constant 0 : i32
        %dma_start3A_318 = arith.constant 0 : i32
        %dma_start3A_319 = tpu.memref_slice %arg14[%rem3A_203, %dma_start3A_317, %dma_start3A_318] : memref<4x80x64xf32, #tpu.memory_space<vmem>> -> memref<1x80x64xf32, #tpu.memory_space<vmem>>
        %dma_start3A_320 = tpu.memref_squeeze %dma_start3A_319 : memref<1x80x64xf32, #tpu.memory_space<vmem>> -> memref<80x64xf32, #tpu.memory_space<vmem>>
        %dma_start3A_321 = arith.constant 0 : i32
        %dma_start3A_322 = tpu.memref_slice %arg11[%add3A_296, %dma_start3A_321] : memref<125x80xi32, #tpu.memory_space<vmem>> -> memref<1x80xi32, #tpu.memory_space<vmem>>
        %dma_start3A_323 = tpu.memref_squeeze %dma_start3A_322 : memref<1x80xi32, #tpu.memory_space<vmem>> -> memref<80xi32, #tpu.memory_space<vmem>>
        %dma_start3A_324 = arith.constant 0 : i32
        %dma_start3A_325 = arith.constant 0 : i32
        %dma_start3A_326 = tpu.memref_slice %arg4[%dma_start3A_324, %dma_start3A_325] : memref<10000x64xf32, #tpu.memory_space<hbm>> -> memref<10000x64xf32, #tpu.memory_space<hbm>>
        tpu.enqueue_indirect_dma source(%dma_start3A_326 : memref<10000x64xf32, #tpu.memory_space<hbm>>) target(%dma_start3A_320 : memref<80x64xf32, #tpu.memory_space<vmem>>) offsets(%dma_start3A_323 : memref<80xi32, #tpu.memory_space<vmem>>) semaphore(%arg17 : memref<!tpu.dma_semaphore, #tpu.memory_space<semaphore_mem>>)
      } else {
      }
      %dma_wait3A_208 = arith.constant 0 : i32
      %dma_wait3A_209 = arith.constant 0 : i32
      %dma_wait3A_210 = tpu.memref_slice %arg12[%rem3A_199, %dma_wait3A_208, %dma_wait3A_209] : memref<4x80x64xf32, #tpu.memory_space<vmem>> -> memref<1x80x64xf32, #tpu.memory_space<vmem>>
      %dma_wait3A_211 = tpu.memref_squeeze %dma_wait3A_210 : memref<1x80x64xf32, #tpu.memory_space<vmem>> -> memref<80x64xf32, #tpu.memory_space<vmem>>
      %dma_wait3A_212 = arith.constant 0 : i32
      %dma_wait3A_213 = arith.constant 0 : i32
      %dma_wait3A_214 = tpu.memref_slice %arg2[%dma_wait3A_212, %dma_wait3A_213] : memref<10000x64xf32, #tpu.memory_space<hbm>> -> memref<80x64xf32, #tpu.memory_space<hbm>>
      %dma_wait3A_215 = arith.constant 0 : i32
      %dma_wait3A_216 = arith.constant 0 : i32
      %dma_wait3A_217 = tpu.memref_slice %arg12[%rem3A_199, %dma_wait3A_215, %dma_wait3A_216] : memref<4x80x64xf32, #tpu.memory_space<vmem>> -> memref<1x80x64xf32, #tpu.memory_space<vmem>>
      %dma_wait3A_218 = tpu.memref_squeeze %dma_wait3A_217 : memref<1x80x64xf32, #tpu.memory_space<vmem>> -> memref<80x64xf32, #tpu.memory_space<vmem>>
      %dma_wait3A_219 = arith.constant 0 : i32
      %dma_wait3A_220 = arith.constant 0 : i32
      %dma_wait3A_221 = tpu.memref_slice %arg2[%dma_wait3A_219, %dma_wait3A_220] : memref<10000x64xf32, #tpu.memory_space<hbm>> -> memref<80x64xf32, #tpu.memory_space<hbm>>
      tpu.wait_dma2 semaphore(%arg15 : memref<!tpu.dma_semaphore, #tpu.memory_space<semaphore_mem>>) src(%dma_wait3A_221 : memref<80x64xf32, #tpu.memory_space<hbm>>) dst(%dma_wait3A_218 : memref<80x64xf32, #tpu.memory_space<vmem>>)
      %dma_wait3A_222 = arith.constant 0 : i32
      %dma_wait3A_223 = arith.constant 0 : i32
      %dma_wait3A_224 = tpu.memref_slice %arg13[%rem3A_199, %dma_wait3A_222, %dma_wait3A_223] : memref<4x80x64xf32, #tpu.memory_space<vmem>> -> memref<1x80x64xf32, #tpu.memory_space<vmem>>
      %dma_wait3A_225 = tpu.memref_squeeze %dma_wait3A_224 : memref<1x80x64xf32, #tpu.memory_space<vmem>> -> memref<80x64xf32, #tpu.memory_space<vmem>>
      %dma_wait3A_226 = arith.constant 0 : i32
      %dma_wait3A_227 = arith.constant 0 : i32
      %dma_wait3A_228 = tpu.memref_slice %arg3[%dma_wait3A_226, %dma_wait3A_227] : memref<10000x64xf32, #tpu.memory_space<hbm>> -> memref<80x64xf32, #tpu.memory_space<hbm>>
      %dma_wait3A_229 = arith.constant 0 : i32
      %dma_wait3A_230 = arith.constant 0 : i32
      %dma_wait3A_231 = tpu.memref_slice %arg13[%rem3A_199, %dma_wait3A_229, %dma_wait3A_230] : memref<4x80x64xf32, #tpu.memory_space<vmem>> -> memref<1x80x64xf32, #tpu.memory_space<vmem>>
      %dma_wait3A_232 = tpu.memref_squeeze %dma_wait3A_231 : memref<1x80x64xf32, #tpu.memory_space<vmem>> -> memref<80x64xf32, #tpu.memory_space<vmem>>
      %dma_wait3A_233 = arith.constant 0 : i32
      %dma_wait3A_234 = arith.constant 0 : i32
      %dma_wait3A_235 = tpu.memref_slice %arg3[%dma_wait3A_233, %dma_wait3A_234] : memref<10000x64xf32, #tpu.memory_space<hbm>> -> memref<80x64xf32, #tpu.memory_space<hbm>>
      tpu.wait_dma2 semaphore(%arg16 : memref<!tpu.dma_semaphore, #tpu.memory_space<semaphore_mem>>) src(%dma_wait3A_235 : memref<80x64xf32, #tpu.memory_space<hbm>>) dst(%dma_wait3A_232 : memref<80x64xf32, #tpu.memory_space<vmem>>)
      %dma_wait3A_236 = arith.constant 0 : i32
      %dma_wait3A_237 = arith.constant 0 : i32
      %dma_wait3A_238 = tpu.memref_slice %arg14[%rem3A_199, %dma_wait3A_236, %dma_wait3A_237] : memref<4x80x64xf32, #tpu.memory_space<vmem>> -> memref<1x80x64xf32, #tpu.memory_space<vmem>>
      %dma_wait3A_239 = tpu.memref_squeeze %dma_wait3A_238 : memref<1x80x64xf32, #tpu.memory_space<vmem>> -> memref<80x64xf32, #tpu.memory_space<vmem>>
      %dma_wait3A_240 = arith.constant 0 : i32
      %dma_wait3A_241 = arith.constant 0 : i32
      %dma_wait3A_242 = tpu.memref_slice %arg4[%dma_wait3A_240, %dma_wait3A_241] : memref<10000x64xf32, #tpu.memory_space<hbm>> -> memref<80x64xf32, #tpu.memory_space<hbm>>
      %dma_wait3A_243 = arith.constant 0 : i32
      %dma_wait3A_244 = arith.constant 0 : i32
      %dma_wait3A_245 = tpu.memref_slice %arg14[%rem3A_199, %dma_wait3A_243, %dma_wait3A_244] : memref<4x80x64xf32, #tpu.memory_space<vmem>> -> memref<1x80x64xf32, #tpu.memory_space<vmem>>
      %dma_wait3A_246 = tpu.memref_squeeze %dma_wait3A_245 : memref<1x80x64xf32, #tpu.memory_space<vmem>> -> memref<80x64xf32, #tpu.memory_space<vmem>>
      %dma_wait3A_247 = arith.constant 0 : i32
      %dma_wait3A_248 = arith.constant 0 : i32
      %dma_wait3A_249 = tpu.memref_slice %arg4[%dma_wait3A_247, %dma_wait3A_248] : memref<10000x64xf32, #tpu.memory_space<hbm>> -> memref<80x64xf32, #tpu.memory_space<hbm>>
      tpu.wait_dma2 semaphore(%arg17 : memref<!tpu.dma_semaphore, #tpu.memory_space<semaphore_mem>>) src(%dma_wait3A_249 : memref<80x64xf32, #tpu.memory_space<hbm>>) dst(%dma_wait3A_246 : memref<80x64xf32, #tpu.memory_space<vmem>>)
      %mul3A_250 = arith.constant 80 : i32
      %mul3A_251 = arith.muli %scan3A_198, %mul3A_250 : i32
      %add3A_252 = arith.addi %mul3A_2, %mul3A_251 : i32
      %dma_start3A_253 = arith.constant 0 : i32
      %dma_start3A_254 = arith.constant 0 : i32
      %dma_start3A_255 = tpu.memref_slice %arg12[%rem3A_199, %dma_start3A_253, %dma_start3A_254] : memref<4x80x64xf32, #tpu.memory_space<vmem>> -> memref<1x80x64xf32, #tpu.memory_space<vmem>>
      %dma_start3A_256 = tpu.memref_squeeze %dma_start3A_255 : memref<1x80x64xf32, #tpu.memory_space<vmem>> -> memref<80x64xf32, #tpu.memory_space<vmem>>
      %dma_start3A_257 = arith.constant 0 : i32
      %dma_start3A_258 = tpu.memref_slice %arg7[%add3A_252, %dma_start3A_257] : memref<320000x64xf32, #tpu.memory_space<hbm>> -> memref<80x64xf32, #tpu.memory_space<hbm>>
      %dma_start3A_259 = arith.constant 0 : i32
      %dma_start3A_260 = tpu.memref_slice %arg7[%add3A_252, %dma_start3A_259] : memref<320000x64xf32, #tpu.memory_space<hbm>> -> memref<80x64xf32, #tpu.memory_space<hbm>>
      %dma_start3A_261 = arith.constant 0 : i32
      %dma_start3A_262 = arith.constant 0 : i32
      %dma_start3A_263 = tpu.memref_slice %arg12[%rem3A_199, %dma_start3A_261, %dma_start3A_262] : memref<4x80x64xf32, #tpu.memory_space<vmem>> -> memref<1x80x64xf32, #tpu.memory_space<vmem>>
      %dma_start3A_264 = tpu.memref_squeeze %dma_start3A_263 : memref<1x80x64xf32, #tpu.memory_space<vmem>> -> memref<80x64xf32, #tpu.memory_space<vmem>>
      tpu.enqueue_dma source(%dma_start3A_264 : memref<80x64xf32, #tpu.memory_space<vmem>>) target(%dma_start3A_260 : memref<80x64xf32, #tpu.memory_space<hbm>>) target_semaphore(%arg18 : memref<!tpu.dma_semaphore, #tpu.memory_space<semaphore_mem>>)
      %dma_start3A_265 = arith.constant 0 : i32
      %dma_start3A_266 = arith.constant 0 : i32
      %dma_start3A_267 = tpu.memref_slice %arg13[%rem3A_199, %dma_start3A_265, %dma_start3A_266] : memref<4x80x64xf32, #tpu.memory_space<vmem>> -> memref<1x80x64xf32, #tpu.memory_space<vmem>>
      %dma_start3A_268 = tpu.memref_squeeze %dma_start3A_267 : memref<1x80x64xf32, #tpu.memory_space<vmem>> -> memref<80x64xf32, #tpu.memory_space<vmem>>
      %dma_start3A_269 = arith.constant 0 : i32
      %dma_start3A_270 = tpu.memref_slice %arg8[%add3A_252, %dma_start3A_269] : memref<320000x64xf32, #tpu.memory_space<hbm>> -> memref<80x64xf32, #tpu.memory_space<hbm>>
      %dma_start3A_271 = arith.constant 0 : i32
      %dma_start3A_272 = tpu.memref_slice %arg8[%add3A_252, %dma_start3A_271] : memref<320000x64xf32, #tpu.memory_space<hbm>> -> memref<80x64xf32, #tpu.memory_space<hbm>>
      %dma_start3A_273 = arith.constant 0 : i32
      %dma_start3A_274 = arith.constant 0 : i32
      %dma_start3A_275 = tpu.memref_slice %arg13[%rem3A_199, %dma_start3A_273, %dma_start3A_274] : memref<4x80x64xf32, #tpu.memory_space<vmem>> -> memref<1x80x64xf32, #tpu.memory_space<vmem>>
      %dma_start3A_276 = tpu.memref_squeeze %dma_start3A_275 : memref<1x80x64xf32, #tpu.memory_space<vmem>> -> memref<80x64xf32, #tpu.memory_space<vmem>>
      tpu.enqueue_dma source(%dma_start3A_276 : memref<80x64xf32, #tpu.memory_space<vmem>>) target(%dma_start3A_272 : memref<80x64xf32, #tpu.memory_space<hbm>>) target_semaphore(%arg19 : memref<!tpu.dma_semaphore, #tpu.memory_space<semaphore_mem>>)
      %dma_start3A_277 = arith.constant 0 : i32
      %dma_start3A_278 = arith.constant 0 : i32
      %dma_start3A_279 = tpu.memref_slice %arg14[%rem3A_199, %dma_start3A_277, %dma_start3A_278] : memref<4x80x64xf32, #tpu.memory_space<vmem>> -> memref<1x80x64xf32, #tpu.memory_space<vmem>>
      %dma_start3A_280 = tpu.memref_squeeze %dma_start3A_279 : memref<1x80x64xf32, #tpu.memory_space<vmem>> -> memref<80x64xf32, #tpu.memory_space<vmem>>
      %dma_start3A_281 = arith.constant 0 : i32
      %dma_start3A_282 = tpu.memref_slice %arg9[%add3A_252, %dma_start3A_281] : memref<320000x64xf32, #tpu.memory_space<hbm>> -> memref<80x64xf32, #tpu.memory_space<hbm>>
      %dma_start3A_283 = arith.constant 0 : i32
      %dma_start3A_284 = tpu.memref_slice %arg9[%add3A_252, %dma_start3A_283] : memref<320000x64xf32, #tpu.memory_space<hbm>> -> memref<80x64xf32, #tpu.memory_space<hbm>>
      %dma_start3A_285 = arith.constant 0 : i32
      %dma_start3A_286 = arith.constant 0 : i32
      %dma_start3A_287 = tpu.memref_slice %arg14[%rem3A_199, %dma_start3A_285, %dma_start3A_286] : memref<4x80x64xf32, #tpu.memory_space<vmem>> -> memref<1x80x64xf32, #tpu.memory_space<vmem>>
      %dma_start3A_288 = tpu.memref_squeeze %dma_start3A_287 : memref<1x80x64xf32, #tpu.memory_space<vmem>> -> memref<80x64xf32, #tpu.memory_space<vmem>>
      tpu.enqueue_dma source(%dma_start3A_288 : memref<80x64xf32, #tpu.memory_space<vmem>>) target(%dma_start3A_284 : memref<80x64xf32, #tpu.memory_space<hbm>>) target_semaphore(%arg20 : memref<!tpu.dma_semaphore, #tpu.memory_space<semaphore_mem>>)
    }
    %scan3A_42 = arith.constant 125 : i32
    %dma_wait3A = arith.constant 0 : i32
    %dma_wait3A_43 = arith.constant 0 : i32
    %dma_wait3A_44 = arith.constant 0 : i32
    %dma_wait3A_45 = tpu.memref_slice %arg12[%dma_wait3A, %dma_wait3A_43, %dma_wait3A_44] : memref<4x80x64xf32, #tpu.memory_space<vmem>> -> memref<1x80x64xf32, #tpu.memory_space<vmem>>
    %dma_wait3A_46 = tpu.memref_squeeze %dma_wait3A_45 : memref<1x80x64xf32, #tpu.memory_space<vmem>> -> memref<80x64xf32, #tpu.memory_space<vmem>>
    %dma_wait3A_47 = arith.constant 0 : i32
    %dma_wait3A_48 = tpu.memref_slice %arg7[%mul3A_2, %dma_wait3A_47] : memref<320000x64xf32, #tpu.memory_space<hbm>> -> memref<80x64xf32, #tpu.memory_space<hbm>>
    %dma_wait3A_49 = arith.constant 0 : i32
    %dma_wait3A_50 = tpu.memref_slice %arg7[%mul3A_2, %dma_wait3A_49] : memref<320000x64xf32, #tpu.memory_space<hbm>> -> memref<80x64xf32, #tpu.memory_space<hbm>>
    %dma_wait3A_51 = arith.constant 0 : i32
    %dma_wait3A_52 = arith.constant 0 : i32
    %dma_wait3A_53 = tpu.memref_slice %arg12[%dma_wait3A, %dma_wait3A_51, %dma_wait3A_52] : memref<4x80x64xf32, #tpu.memory_space<vmem>> -> memref<1x80x64xf32, #tpu.memory_space<vmem>>
    %dma_wait3A_54 = tpu.memref_squeeze %dma_wait3A_53 : memref<1x80x64xf32, #tpu.memory_space<vmem>> -> memref<80x64xf32, #tpu.memory_space<vmem>>
    tpu.wait_dma2 semaphore(%arg18 : memref<!tpu.dma_semaphore, #tpu.memory_space<semaphore_mem>>) src(%dma_wait3A_54 : memref<80x64xf32, #tpu.memory_space<vmem>>) dst(%dma_wait3A_50 : memref<80x64xf32, #tpu.memory_space<hbm>>)
    %dma_wait3A_55 = arith.constant 0 : i32
    %dma_wait3A_56 = arith.constant 0 : i32
    %dma_wait3A_57 = arith.constant 0 : i32
    %dma_wait3A_58 = tpu.memref_slice %arg13[%dma_wait3A_55, %dma_wait3A_56, %dma_wait3A_57] : memref<4x80x64xf32, #tpu.memory_space<vmem>> -> memref<1x80x64xf32, #tpu.memory_space<vmem>>
    %dma_wait3A_59 = tpu.memref_squeeze %dma_wait3A_58 : memref<1x80x64xf32, #tpu.memory_space<vmem>> -> memref<80x64xf32, #tpu.memory_space<vmem>>
    %dma_wait3A_60 = arith.constant 0 : i32
    %dma_wait3A_61 = tpu.memref_slice %arg8[%mul3A_2, %dma_wait3A_60] : memref<320000x64xf32, #tpu.memory_space<hbm>> -> memref<80x64xf32, #tpu.memory_space<hbm>>
    %dma_wait3A_62 = arith.constant 0 : i32
    %dma_wait3A_63 = tpu.memref_slice %arg8[%mul3A_2, %dma_wait3A_62] : memref<320000x64xf32, #tpu.memory_space<hbm>> -> memref<80x64xf32, #tpu.memory_space<hbm>>
    %dma_wait3A_64 = arith.constant 0 : i32
    %dma_wait3A_65 = arith.constant 0 : i32
    %dma_wait3A_66 = tpu.memref_slice %arg13[%dma_wait3A_55, %dma_wait3A_64, %dma_wait3A_65] : memref<4x80x64xf32, #tpu.memory_space<vmem>> -> memref<1x80x64xf32, #tpu.memory_space<vmem>>
    %dma_wait3A_67 = tpu.memref_squeeze %dma_wait3A_66 : memref<1x80x64xf32, #tpu.memory_space<vmem>> -> memref<80x64xf32, #tpu.memory_space<vmem>>
    tpu.wait_dma2 semaphore(%arg19 : memref<!tpu.dma_semaphore, #tpu.memory_space<semaphore_mem>>) src(%dma_wait3A_67 : memref<80x64xf32, #tpu.memory_space<vmem>>) dst(%dma_wait3A_63 : memref<80x64xf32, #tpu.memory_space<hbm>>)
    %dma_wait3A_68 = arith.constant 0 : i32
    %dma_wait3A_69 = arith.constant 0 : i32
    %dma_wait3A_70 = arith.constant 0 : i32
    %dma_wait3A_71 = tpu.memref_slice %arg14[%dma_wait3A_68, %dma_wait3A_69, %dma_wait3A_70] : memref<4x80x64xf32, #tpu.memory_space<vmem>> -> memref<1x80x64xf32, #tpu.memory_space<vmem>>
    %dma_wait3A_72 = tpu.memref_squeeze %dma_wait3A_71 : memref<1x80x64xf32, #tpu.memory_space<vmem>> -> memref<80x64xf32, #tpu.memory_space<vmem>>
    %dma_wait3A_73 = arith.constant 0 : i32
    %dma_wait3A_74 = tpu.memref_slice %arg9[%mul3A_2, %dma_wait3A_73] : memref<320000x64xf32, #tpu.memory_space<hbm>> -> memref<80x64xf32, #tpu.memory_space<hbm>>
    %dma_wait3A_75 = arith.constant 0 : i32
    %dma_wait3A_76 = tpu.memref_slice %arg9[%mul3A_2, %dma_wait3A_75] : memref<320000x64xf32, #tpu.memory_space<hbm>> -> memref<80x64xf32, #tpu.memory_space<hbm>>
    %dma_wait3A_77 = arith.constant 0 : i32
    %dma_wait3A_78 = arith.constant 0 : i32
    %dma_wait3A_79 = tpu.memref_slice %arg14[%dma_wait3A_68, %dma_wait3A_77, %dma_wait3A_78] : memref<4x80x64xf32, #tpu.memory_space<vmem>> -> memref<1x80x64xf32, #tpu.memory_space<vmem>>
    %dma_wait3A_80 = tpu.memref_squeeze %dma_wait3A_79 : memref<1x80x64xf32, #tpu.memory_space<vmem>> -> memref<80x64xf32, #tpu.memory_space<vmem>>
    tpu.wait_dma2 semaphore(%arg20 : memref<!tpu.dma_semaphore, #tpu.memory_space<semaphore_mem>>) src(%dma_wait3A_80 : memref<80x64xf32, #tpu.memory_space<vmem>>) dst(%dma_wait3A_76 : memref<80x64xf32, #tpu.memory_space<hbm>>)
    %dma_wait3A_81 = arith.constant 0 : i32
    %dma_wait3A_82 = arith.constant 0 : i32
    %dma_wait3A_83 = arith.constant 0 : i32
    %dma_wait3A_84 = tpu.memref_slice %arg12[%dma_wait3A_81, %dma_wait3A_82, %dma_wait3A_83] : memref<4x80x64xf32, #tpu.memory_space<vmem>> -> memref<1x80x64xf32, #tpu.memory_space<vmem>>
    %dma_wait3A_85 = tpu.memref_squeeze %dma_wait3A_84 : memref<1x80x64xf32, #tpu.memory_space<vmem>> -> memref<80x64xf32, #tpu.memory_space<vmem>>
    %dma_wait3A_86 = arith.constant 0 : i32
    %dma_wait3A_87 = tpu.memref_slice %arg7[%mul3A_2, %dma_wait3A_86] : memref<320000x64xf32, #tpu.memory_space<hbm>> -> memref<80x64xf32, #tpu.memory_space<hbm>>
    %dma_wait3A_88 = arith.constant 0 : i32
    %dma_wait3A_89 = tpu.memref_slice %arg7[%mul3A_2, %dma_wait3A_88] : memref<320000x64xf32, #tpu.memory_space<hbm>> -> memref<80x64xf32, #tpu.memory_space<hbm>>
    %dma_wait3A_90 = arith.constant 0 : i32
    %dma_wait3A_91 = arith.constant 0 : i32
    %dma_wait3A_92 = tpu.memref_slice %arg12[%dma_wait3A_81, %dma_wait3A_90, %dma_wait3A_91] : memref<4x80x64xf32, #tpu.memory_space<vmem>> -> memref<1x80x64xf32, #tpu.memory_space<vmem>>
    %dma_wait3A_93 = tpu.memref_squeeze %dma_wait3A_92 : memref<1x80x64xf32, #tpu.memory_space<vmem>> -> memref<80x64xf32, #tpu.memory_space<vmem>>
    tpu.wait_dma2 semaphore(%arg18 : memref<!tpu.dma_semaphore, #tpu.memory_space<semaphore_mem>>) src(%dma_wait3A_93 : memref<80x64xf32, #tpu.memory_space<vmem>>) dst(%dma_wait3A_89 : memref<80x64xf32, #tpu.memory_space<hbm>>)
    %dma_wait3A_94 = arith.constant 0 : i32
    %dma_wait3A_95 = arith.constant 0 : i32
    %dma_wait3A_96 = arith.constant 0 : i32
    %dma_wait3A_97 = tpu.memref_slice %arg13[%dma_wait3A_94, %dma_wait3A_95, %dma_wait3A_96] : memref<4x80x64xf32, #tpu.memory_space<vmem>> -> memref<1x80x64xf32, #tpu.memory_space<vmem>>
    %dma_wait3A_98 = tpu.memref_squeeze %dma_wait3A_97 : memref<1x80x64xf32, #tpu.memory_space<vmem>> -> memref<80x64xf32, #tpu.memory_space<vmem>>
    %dma_wait3A_99 = arith.constant 0 : i32
    %dma_wait3A_100 = tpu.memref_slice %arg8[%mul3A_2, %dma_wait3A_99] : memref<320000x64xf32, #tpu.memory_space<hbm>> -> memref<80x64xf32, #tpu.memory_space<hbm>>
    %dma_wait3A_101 = arith.constant 0 : i32
    %dma_wait3A_102 = tpu.memref_slice %arg8[%mul3A_2, %dma_wait3A_101] : memref<320000x64xf32, #tpu.memory_space<hbm>> -> memref<80x64xf32, #tpu.memory_space<hbm>>
    %dma_wait3A_103 = arith.constant 0 : i32
    %dma_wait3A_104 = arith.constant 0 : i32
    %dma_wait3A_105 = tpu.memref_slice %arg13[%dma_wait3A_94, %dma_wait3A_103, %dma_wait3A_104] : memref<4x80x64xf32, #tpu.memory_space<vmem>> -> memref<1x80x64xf32, #tpu.memory_space<vmem>>
    %dma_wait3A_106 = tpu.memref_squeeze %dma_wait3A_105 : memref<1x80x64xf32, #tpu.memory_space<vmem>> -> memref<80x64xf32, #tpu.memory_space<vmem>>
    tpu.wait_dma2 semaphore(%arg19 : memref<!tpu.dma_semaphore, #tpu.memory_space<semaphore_mem>>) src(%dma_wait3A_106 : memref<80x64xf32, #tpu.memory_space<vmem>>) dst(%dma_wait3A_102 : memref<80x64xf32, #tpu.memory_space<hbm>>)
    %dma_wait3A_107 = arith.constant 0 : i32
    %dma_wait3A_108 = arith.constant 0 : i32
    %dma_wait3A_109 = arith.constant 0 : i32
    %dma_wait3A_110 = tpu.memref_slice %arg14[%dma_wait3A_107, %dma_wait3A_108, %dma_wait3A_109] : memref<4x80x64xf32, #tpu.memory_space<vmem>> -> memref<1x80x64xf32, #tpu.memory_space<vmem>>
    %dma_wait3A_111 = tpu.memref_squeeze %dma_wait3A_110 : memref<1x80x64xf32, #tpu.memory_space<vmem>> -> memref<80x64xf32, #tpu.memory_space<vmem>>
    %dma_wait3A_112 = arith.constant 0 : i32
    %dma_wait3A_113 = tpu.memref_slice %arg9[%mul3A_2, %dma_wait3A_112] : memref<320000x64xf32, #tpu.memory_space<hbm>> -> memref<80x64xf32, #tpu.memory_space<hbm>>
    %dma_wait3A_114 = arith.constant 0 : i32
    %dma_wait3A_115 = tpu.memref_slice %arg9[%mul3A_2, %dma_wait3A_114] : memref<320000x64xf32, #tpu.memory_space<hbm>> -> memref<80x64xf32, #tpu.memory_space<hbm>>
    %dma_wait3A_116 = arith.constant 0 : i32
    %dma_wait3A_117 = arith.constant 0 : i32
    %dma_wait3A_118 = tpu.memref_slice %arg14[%dma_wait3A_107, %dma_wait3A_116, %dma_wait3A_117] : memref<4x80x64xf32, #tpu.memory_space<vmem>> -> memref<1x80x64xf32, #tpu.memory_space<vmem>>
    %dma_wait3A_119 = tpu.memref_squeeze %dma_wait3A_118 : memref<1x80x64xf32, #tpu.memory_space<vmem>> -> memref<80x64xf32, #tpu.memory_space<vmem>>
    tpu.wait_dma2 semaphore(%arg20 : memref<!tpu.dma_semaphore, #tpu.memory_space<semaphore_mem>>) src(%dma_wait3A_119 : memref<80x64xf32, #tpu.memory_space<vmem>>) dst(%dma_wait3A_115 : memref<80x64xf32, #tpu.memory_space<hbm>>)
    %dma_wait3A_120 = arith.constant 0 : i32
    %dma_wait3A_121 = arith.constant 0 : i32
    %dma_wait3A_122 = arith.constant 0 : i32
    %dma_wait3A_123 = tpu.memref_slice %arg12[%dma_wait3A_120, %dma_wait3A_121, %dma_wait3A_122] : memref<4x80x64xf32, #tpu.memory_space<vmem>> -> memref<1x80x64xf32, #tpu.memory_space<vmem>>
    %dma_wait3A_124 = tpu.memref_squeeze %dma_wait3A_123 : memref<1x80x64xf32, #tpu.memory_space<vmem>> -> memref<80x64xf32, #tpu.memory_space<vmem>>
    %dma_wait3A_125 = arith.constant 0 : i32
    %dma_wait3A_126 = tpu.memref_slice %arg7[%mul3A_2, %dma_wait3A_125] : memref<320000x64xf32, #tpu.memory_space<hbm>> -> memref<80x64xf32, #tpu.memory_space<hbm>>
    %dma_wait3A_127 = arith.constant 0 : i32
    %dma_wait3A_128 = tpu.memref_slice %arg7[%mul3A_2, %dma_wait3A_127] : memref<320000x64xf32, #tpu.memory_space<hbm>> -> memref<80x64xf32, #tpu.memory_space<hbm>>
    %dma_wait3A_129 = arith.constant 0 : i32
    %dma_wait3A_130 = arith.constant 0 : i32
    %dma_wait3A_131 = tpu.memref_slice %arg12[%dma_wait3A_120, %dma_wait3A_129, %dma_wait3A_130] : memref<4x80x64xf32, #tpu.memory_space<vmem>> -> memref<1x80x64xf32, #tpu.memory_space<vmem>>
    %dma_wait3A_132 = tpu.memref_squeeze %dma_wait3A_131 : memref<1x80x64xf32, #tpu.memory_space<vmem>> -> memref<80x64xf32, #tpu.memory_space<vmem>>
    tpu.wait_dma2 semaphore(%arg18 : memref<!tpu.dma_semaphore, #tpu.memory_space<semaphore_mem>>) src(%dma_wait3A_132 : memref<80x64xf32, #tpu.memory_space<vmem>>) dst(%dma_wait3A_128 : memref<80x64xf32, #tpu.memory_space<hbm>>)
    %dma_wait3A_133 = arith.constant 0 : i32
    %dma_wait3A_134 = arith.constant 0 : i32
    %dma_wait3A_135 = arith.constant 0 : i32
    %dma_wait3A_136 = tpu.memref_slice %arg13[%dma_wait3A_133, %dma_wait3A_134, %dma_wait3A_135] : memref<4x80x64xf32, #tpu.memory_space<vmem>> -> memref<1x80x64xf32, #tpu.memory_space<vmem>>
    %dma_wait3A_137 = tpu.memref_squeeze %dma_wait3A_136 : memref<1x80x64xf32, #tpu.memory_space<vmem>> -> memref<80x64xf32, #tpu.memory_space<vmem>>
    %dma_wait3A_138 = arith.constant 0 : i32
    %dma_wait3A_139 = tpu.memref_slice %arg8[%mul3A_2, %dma_wait3A_138] : memref<320000x64xf32, #tpu.memory_space<hbm>> -> memref<80x64xf32, #tpu.memory_space<hbm>>
    %dma_wait3A_140 = arith.constant 0 : i32
    %dma_wait3A_141 = tpu.memref_slice %arg8[%mul3A_2, %dma_wait3A_140] : memref<320000x64xf32, #tpu.memory_space<hbm>> -> memref<80x64xf32, #tpu.memory_space<hbm>>
    %dma_wait3A_142 = arith.constant 0 : i32
    %dma_wait3A_143 = arith.constant 0 : i32
    %dma_wait3A_144 = tpu.memref_slice %arg13[%dma_wait3A_133, %dma_wait3A_142, %dma_wait3A_143] : memref<4x80x64xf32, #tpu.memory_space<vmem>> -> memref<1x80x64xf32, #tpu.memory_space<vmem>>
    %dma_wait3A_145 = tpu.memref_squeeze %dma_wait3A_144 : memref<1x80x64xf32, #tpu.memory_space<vmem>> -> memref<80x64xf32, #tpu.memory_space<vmem>>
    tpu.wait_dma2 semaphore(%arg19 : memref<!tpu.dma_semaphore, #tpu.memory_space<semaphore_mem>>) src(%dma_wait3A_145 : memref<80x64xf32, #tpu.memory_space<vmem>>) dst(%dma_wait3A_141 : memref<80x64xf32, #tpu.memory_space<hbm>>)
    %dma_wait3A_146 = arith.constant 0 : i32
    %dma_wait3A_147 = arith.constant 0 : i32
    %dma_wait3A_148 = arith.constant 0 : i32
    %dma_wait3A_149 = tpu.memref_slice %arg14[%dma_wait3A_146, %dma_wait3A_147, %dma_wait3A_148] : memref<4x80x64xf32, #tpu.memory_space<vmem>> -> memref<1x80x64xf32, #tpu.memory_space<vmem>>
    %dma_wait3A_150 = tpu.memref_squeeze %dma_wait3A_149 : memref<1x80x64xf32, #tpu.memory_space<vmem>> -> memref<80x64xf32, #tpu.memory_space<vmem>>
    %dma_wait3A_151 = arith.constant 0 : i32
    %dma_wait3A_152 = tpu.memref_slice %arg9[%mul3A_2, %dma_wait3A_151] : memref<320000x64xf32, #tpu.memory_space<hbm>> -> memref<80x64xf32, #tpu.memory_space<hbm>>
    %dma_wait3A_153 = arith.constant 0 : i32
    %dma_wait3A_154 = tpu.memref_slice %arg9[%mul3A_2, %dma_wait3A_153] : memref<320000x64xf32, #tpu.memory_space<hbm>> -> memref<80x64xf32, #tpu.memory_space<hbm>>
    %dma_wait3A_155 = arith.constant 0 : i32
    %dma_wait3A_156 = arith.constant 0 : i32
    %dma_wait3A_157 = tpu.memref_slice %arg14[%dma_wait3A_146, %dma_wait3A_155, %dma_wait3A_156] : memref<4x80x64xf32, #tpu.memory_space<vmem>> -> memref<1x80x64xf32, #tpu.memory_space<vmem>>
    %dma_wait3A_158 = tpu.memref_squeeze %dma_wait3A_157 : memref<1x80x64xf32, #tpu.memory_space<vmem>> -> memref<80x64xf32, #tpu.memory_space<vmem>>
    tpu.wait_dma2 semaphore(%arg20 : memref<!tpu.dma_semaphore, #tpu.memory_space<semaphore_mem>>) src(%dma_wait3A_158 : memref<80x64xf32, #tpu.memory_space<vmem>>) dst(%dma_wait3A_154 : memref<80x64xf32, #tpu.memory_space<hbm>>)
    %dma_wait3A_159 = arith.constant 0 : i32
    %dma_wait3A_160 = arith.constant 0 : i32
    %dma_wait3A_161 = arith.constant 0 : i32
    %dma_wait3A_162 = tpu.memref_slice %arg12[%dma_wait3A_159, %dma_wait3A_160, %dma_wait3A_161] : memref<4x80x64xf32, #tpu.memory_space<vmem>> -> memref<1x80x64xf32, #tpu.memory_space<vmem>>
    %dma_wait3A_163 = tpu.memref_squeeze %dma_wait3A_162 : memref<1x80x64xf32, #tpu.memory_space<vmem>> -> memref<80x64xf32, #tpu.memory_space<vmem>>
    %dma_wait3A_164 = arith.constant 0 : i32
    %dma_wait3A_165 = tpu.memref_slice %arg7[%mul3A_2, %dma_wait3A_164] : memref<320000x64xf32, #tpu.memory_space<hbm>> -> memref<80x64xf32, #tpu.memory_space<hbm>>
    %dma_wait3A_166 = arith.constant 0 : i32
    %dma_wait3A_167 = tpu.memref_slice %arg7[%mul3A_2, %dma_wait3A_166] : memref<320000x64xf32, #tpu.memory_space<hbm>> -> memref<80x64xf32, #tpu.memory_space<hbm>>
    %dma_wait3A_168 = arith.constant 0 : i32
    %dma_wait3A_169 = arith.constant 0 : i32
    %dma_wait3A_170 = tpu.memref_slice %arg12[%dma_wait3A_159, %dma_wait3A_168, %dma_wait3A_169] : memref<4x80x64xf32, #tpu.memory_space<vmem>> -> memref<1x80x64xf32, #tpu.memory_space<vmem>>
    %dma_wait3A_171 = tpu.memref_squeeze %dma_wait3A_170 : memref<1x80x64xf32, #tpu.memory_space<vmem>> -> memref<80x64xf32, #tpu.memory_space<vmem>>
    tpu.wait_dma2 semaphore(%arg18 : memref<!tpu.dma_semaphore, #tpu.memory_space<semaphore_mem>>) src(%dma_wait3A_171 : memref<80x64xf32, #tpu.memory_space<vmem>>) dst(%dma_wait3A_167 : memref<80x64xf32, #tpu.memory_space<hbm>>)
    %dma_wait3A_172 = arith.constant 0 : i32
    %dma_wait3A_173 = arith.constant 0 : i32
    %dma_wait3A_174 = arith.constant 0 : i32
    %dma_wait3A_175 = tpu.memref_slice %arg13[%dma_wait3A_172, %dma_wait3A_173, %dma_wait3A_174] : memref<4x80x64xf32, #tpu.memory_space<vmem>> -> memref<1x80x64xf32, #tpu.memory_space<vmem>>
    %dma_wait3A_176 = tpu.memref_squeeze %dma_wait3A_175 : memref<1x80x64xf32, #tpu.memory_space<vmem>> -> memref<80x64xf32, #tpu.memory_space<vmem>>
    %dma_wait3A_177 = arith.constant 0 : i32
    %dma_wait3A_178 = tpu.memref_slice %arg8[%mul3A_2, %dma_wait3A_177] : memref<320000x64xf32, #tpu.memory_space<hbm>> -> memref<80x64xf32, #tpu.memory_space<hbm>>
    %dma_wait3A_179 = arith.constant 0 : i32
    %dma_wait3A_180 = tpu.memref_slice %arg8[%mul3A_2, %dma_wait3A_179] : memref<320000x64xf32, #tpu.memory_space<hbm>> -> memref<80x64xf32, #tpu.memory_space<hbm>>
    %dma_wait3A_181 = arith.constant 0 : i32
    %dma_wait3A_182 = arith.constant 0 : i32
    %dma_wait3A_183 = tpu.memref_slice %arg13[%dma_wait3A_172, %dma_wait3A_181, %dma_wait3A_182] : memref<4x80x64xf32, #tpu.memory_space<vmem>> -> memref<1x80x64xf32, #tpu.memory_space<vmem>>
    %dma_wait3A_184 = tpu.memref_squeeze %dma_wait3A_183 : memref<1x80x64xf32, #tpu.memory_space<vmem>> -> memref<80x64xf32, #tpu.memory_space<vmem>>
    tpu.wait_dma2 semaphore(%arg19 : memref<!tpu.dma_semaphore, #tpu.memory_space<semaphore_mem>>) src(%dma_wait3A_184 : memref<80x64xf32, #tpu.memory_space<vmem>>) dst(%dma_wait3A_180 : memref<80x64xf32, #tpu.memory_space<hbm>>)
    %dma_wait3A_185 = arith.constant 0 : i32
    %dma_wait3A_186 = arith.constant 0 : i32
    %dma_wait3A_187 = arith.constant 0 : i32
    %dma_wait3A_188 = tpu.memref_slice %arg14[%dma_wait3A_185, %dma_wait3A_186, %dma_wait3A_187] : memref<4x80x64xf32, #tpu.memory_space<vmem>> -> memref<1x80x64xf32, #tpu.memory_space<vmem>>
    %dma_wait3A_189 = tpu.memref_squeeze %dma_wait3A_188 : memref<1x80x64xf32, #tpu.memory_space<vmem>> -> memref<80x64xf32, #tpu.memory_space<vmem>>
    %dma_wait3A_190 = arith.constant 0 : i32
    %dma_wait3A_191 = tpu.memref_slice %arg9[%mul3A_2, %dma_wait3A_190] : memref<320000x64xf32, #tpu.memory_space<hbm>> -> memref<80x64xf32, #tpu.memory_space<hbm>>
    %dma_wait3A_192 = arith.constant 0 : i32
    %dma_wait3A_193 = tpu.memref_slice %arg9[%mul3A_2, %dma_wait3A_192] : memref<320000x64xf32, #tpu.memory_space<hbm>> -> memref<80x64xf32, #tpu.memory_space<hbm>>
    %dma_wait3A_194 = arith.constant 0 : i32
    %dma_wait3A_195 = arith.constant 0 : i32
    %dma_wait3A_196 = tpu.memref_slice %arg14[%dma_wait3A_185, %dma_wait3A_194, %dma_wait3A_195] : memref<4x80x64xf32, #tpu.memory_space<vmem>> -> memref<1x80x64xf32, #tpu.memory_space<vmem>>
    %dma_wait3A_197 = tpu.memref_squeeze %dma_wait3A_196 : memref<1x80x64xf32, #tpu.memory_space<vmem>> -> memref<80x64xf32, #tpu.memory_space<vmem>>
    tpu.wait_dma2 semaphore(%arg20 : memref<!tpu.dma_semaphore, #tpu.memory_space<semaphore_mem>>) src(%dma_wait3A_197 : memref<80x64xf32, #tpu.memory_space<vmem>>) dst(%dma_wait3A_193 : memref<80x64xf32, #tpu.memory_space<hbm>>)
    return
  }
}

#map = affine_map<(d0, d1) -> (0, 0)>
#map1 = affine_map<(d0, d1) -> (0)>
module attributes {stable_mosaic.version = 14 : i64} {
  func.func @_counts_body(%arg0: i32, %arg1: i32, %arg2: memref<32x10000xi32, #tpu.memory_space<hbm>>, %arg3: memref<10000xf32, #tpu.memory_space<hbm>>, %arg4: memref<32x10000xf32, #tpu.memory_space<hbm>>, %arg5: memref<10000xi32, #tpu.memory_space<vmem>>, %arg6: memref<10000xf32, #tpu.memory_space<vmem>>) attributes {dimension_semantics = [#tpu.dimension_semantics<core_parallel>, #tpu.dimension_semantics<subcore_parallel>], iteration_bounds = array<i64: 2, 16>, scalar_prefetch = 0 : i64, scratch_operands = 2 : i64, tpu.core_type = #tpu.core_type<sc_vector_subcore>, window_params = [{transform_indices = #map}, {transform_indices = #map1}, {transform_indices = #map}]} {
    %mul3A = arith.constant 2 : i32
    %mul3A_0 = arith.muli %arg1, %mul3A : i32
    %add3A = arith.addi %mul3A_0, %arg0 : i32
    "tpu.region"() ({
      %run_scoped3A = tpu.sem_alloc : memref<!tpu.dma_semaphore, #tpu.memory_space<semaphore_mem>>
      tpu.enqueue_dma source(%arg3 : memref<10000xf32, #tpu.memory_space<hbm>>) target(%arg6 : memref<10000xf32, #tpu.memory_space<vmem>>) target_semaphore(%run_scoped3A : memref<!tpu.dma_semaphore, #tpu.memory_space<semaphore_mem>>)
      tpu.wait_dma2 semaphore(%run_scoped3A : memref<!tpu.dma_semaphore, #tpu.memory_space<semaphore_mem>>) src(%arg3 : memref<10000xf32, #tpu.memory_space<hbm>>) dst(%arg6 : memref<10000xf32, #tpu.memory_space<vmem>>)
      tpu.yield
    }) : () -> ()
    "tpu.region"() ({
      %run_scoped3A = tpu.sem_alloc : memref<!tpu.dma_semaphore, #tpu.memory_space<semaphore_mem>>
      %dma_start3A = arith.constant 0 : i32
      %dma_start3A_7 = tpu.memref_slice %arg2[%add3A, %dma_start3A] : memref<32x10000xi32, #tpu.memory_space<hbm>> -> memref<1x10000xi32, #tpu.memory_space<hbm>>
      %dma_start3A_8 = tpu.memref_squeeze %dma_start3A_7 : memref<1x10000xi32, #tpu.memory_space<hbm>> -> memref<10000xi32, #tpu.memory_space<hbm>>
      %dma_start3A_9 = arith.constant 0 : i32
      %dma_start3A_10 = tpu.memref_slice %arg2[%add3A, %dma_start3A_9] : memref<32x10000xi32, #tpu.memory_space<hbm>> -> memref<1x10000xi32, #tpu.memory_space<hbm>>
      %dma_start3A_11 = tpu.memref_squeeze %dma_start3A_10 : memref<1x10000xi32, #tpu.memory_space<hbm>> -> memref<10000xi32, #tpu.memory_space<hbm>>
      tpu.enqueue_dma source(%dma_start3A_11 : memref<10000xi32, #tpu.memory_space<hbm>>) target(%arg5 : memref<10000xi32, #tpu.memory_space<vmem>>) target_semaphore(%run_scoped3A : memref<!tpu.dma_semaphore, #tpu.memory_space<semaphore_mem>>)
      %dma_wait3A = arith.constant 0 : i32
      %dma_wait3A_12 = tpu.memref_slice %arg2[%add3A, %dma_wait3A] : memref<32x10000xi32, #tpu.memory_space<hbm>> -> memref<1x10000xi32, #tpu.memory_space<hbm>>
      %dma_wait3A_13 = tpu.memref_squeeze %dma_wait3A_12 : memref<1x10000xi32, #tpu.memory_space<hbm>> -> memref<10000xi32, #tpu.memory_space<hbm>>
      %dma_wait3A_14 = arith.constant 0 : i32
      %dma_wait3A_15 = tpu.memref_slice %arg2[%add3A, %dma_wait3A_14] : memref<32x10000xi32, #tpu.memory_space<hbm>> -> memref<1x10000xi32, #tpu.memory_space<hbm>>
      %dma_wait3A_16 = tpu.memref_squeeze %dma_wait3A_15 : memref<1x10000xi32, #tpu.memory_space<hbm>> -> memref<10000xi32, #tpu.memory_space<hbm>>
      tpu.wait_dma2 semaphore(%run_scoped3A : memref<!tpu.dma_semaphore, #tpu.memory_space<semaphore_mem>>) src(%dma_wait3A_16 : memref<10000xi32, #tpu.memory_space<hbm>>) dst(%arg5 : memref<10000xi32, #tpu.memory_space<vmem>>)
      tpu.yield
    }) : () -> ()
    %broadcast_in_dim3A = arith.constant 1.000000e+00 : f32
    %broadcast_in_dim3A_1 = vector.broadcast %broadcast_in_dim3A : f32 to vector<16xf32>
    %scan3A = arith.constant 0 : i32
    %scan3A_2 = arith.constant 0 : i32
    %scan3A_3 = arith.constant 625 : i32
    %scan3A_4 = arith.addi %scan3A_2, %scan3A_3 : i32
    %scan3A_5 = arith.constant 1 : i32
    scf.for %scan3A_7 = %scan3A_2 to %scan3A_4 step %scan3A_5  : i32 {
      %mul3A_8 = arith.constant 16 : i32
      %mul3A_9 = arith.muli %scan3A_7, %mul3A_8 : i32
      %get3A = arith.index_cast %mul3A_9 : i32 to index
      %get3A_10 = tpu.vector_load %arg5[%get3A] {strides = array<i32>} : memref<10000xi32, #tpu.memory_space<vmem>>, vector<16xi32>,
      tpu.vector_store_idx %arg6[%get3A_10], %broadcast_in_dim3A_1 {add = true} : memref<10000xf32, #tpu.memory_space<vmem>>[vector<16xi32>], vector<16xf32>,
    }
    %scan3A_6 = arith.constant 625 : i32
    "tpu.region"() ({
      %run_scoped3A = tpu.sem_alloc : memref<!tpu.dma_semaphore, #tpu.memory_space<semaphore_mem>>
      %dma_start3A = arith.constant 0 : i32
      %dma_start3A_7 = tpu.memref_slice %arg4[%add3A, %dma_start3A] : memref<32x10000xf32, #tpu.memory_space<hbm>> -> memref<1x10000xf32, #tpu.memory_space<hbm>>
      %dma_start3A_8 = tpu.memref_squeeze %dma_start3A_7 : memref<1x10000xf32, #tpu.memory_space<hbm>> -> memref<10000xf32, #tpu.memory_space<hbm>>
      %dma_start3A_9 = arith.constant 0 : i32
      %dma_start3A_10 = tpu.memref_slice %arg4[%add3A, %dma_start3A_9] : memref<32x10000xf32, #tpu.memory_space<hbm>> -> memref<1x10000xf32, #tpu.memory_space<hbm>>
      %dma_start3A_11 = tpu.memref_squeeze %dma_start3A_10 : memref<1x10000xf32, #tpu.memory_space<hbm>> -> memref<10000xf32, #tpu.memory_space<hbm>>
      tpu.enqueue_dma source(%arg6 : memref<10000xf32, #tpu.memory_space<vmem>>) target(%dma_start3A_11 : memref<10000xf32, #tpu.memory_space<hbm>>) target_semaphore(%run_scoped3A : memref<!tpu.dma_semaphore, #tpu.memory_space<semaphore_mem>>)
      %dma_wait3A = arith.constant 0 : i32
      %dma_wait3A_12 = tpu.memref_slice %arg4[%add3A, %dma_wait3A] : memref<32x10000xf32, #tpu.memory_space<hbm>> -> memref<1x10000xf32, #tpu.memory_space<hbm>>
      %dma_wait3A_13 = tpu.memref_squeeze %dma_wait3A_12 : memref<1x10000xf32, #tpu.memory_space<hbm>> -> memref<10000xf32, #tpu.memory_space<hbm>>
      %dma_wait3A_14 = arith.constant 0 : i32
      %dma_wait3A_15 = tpu.memref_slice %arg4[%add3A, %dma_wait3A_14] : memref<32x10000xf32, #tpu.memory_space<hbm>> -> memref<1x10000xf32, #tpu.memory_space<hbm>>
      %dma_wait3A_16 = tpu.memref_squeeze %dma_wait3A_15 : memref<1x10000xf32, #tpu.memory_space<hbm>> -> memref<10000xf32, #tpu.memory_space<hbm>>
      tpu.wait_dma2 semaphore(%run_scoped3A : memref<!tpu.dma_semaphore, #tpu.memory_space<semaphore_mem>>) src(%arg6 : memref<10000xf32, #tpu.memory_space<vmem>>) dst(%dma_wait3A_16 : memref<10000xf32, #tpu.memory_space<hbm>>)
      tpu.yield
    }) : () -> ()
    return
  }
}

#map = affine_map<(d0, d1) -> (0, 0)>
#map1 = affine_map<(d0, d1) -> (0, 0, 0)>
module attributes {stable_mosaic.version = 14 : i64} {
  func.func @_gather_body(%arg0: i32, %arg1: i32, %arg2: memref<10000x64xf32, #tpu.memory_space<hbm>>, %arg3: memref<10000x64xf32, #tpu.memory_space<hbm>>, %arg4: memref<32x125x80xi32, #tpu.memory_space<hbm>>, %arg5: memref<32x125x80xi32, #tpu.memory_space<hbm>>, %arg6: memref<320000x64xf32, #tpu.memory_space<hbm>>, %arg7: memref<320000x64xf32, #tpu.memory_space<hbm>>, %arg8: memref<125x80xi32, #tpu.memory_space<vmem>>, %arg9: memref<125x80xi32, #tpu.memory_space<vmem>>, %arg10: memref<4x80x64xf32, #tpu.memory_space<vmem>>, %arg11: memref<4x80x64xf32, #tpu.memory_space<vmem>>, %arg12: memref<!tpu.dma_semaphore, #tpu.memory_space<semaphore_mem>>, %arg13: memref<!tpu.dma_semaphore, #tpu.memory_space<semaphore_mem>>, %arg14: memref<!tpu.dma_semaphore, #tpu.memory_space<semaphore_mem>>, %arg15: memref<!tpu.dma_semaphore, #tpu.memory_space<semaphore_mem>>) attributes {dimension_semantics = [#tpu.dimension_semantics<core_parallel>, #tpu.dimension_semantics<subcore_parallel>], iteration_bounds = array<i64: 2, 16>, scalar_prefetch = 0 : i64, scratch_operands = 8 : i64, tpu.core_type = #tpu.core_type<sc_vector_subcore>, window_params = [{transform_indices = #map}, {transform_indices = #map}, {transform_indices = #map1}, {transform_indices = #map1}, {transform_indices = #map}, {transform_indices = #map}]} {
    %mul3A = arith.constant 2 : i32
    %mul3A_0 = arith.muli %arg1, %mul3A : i32
    %add3A = arith.addi %mul3A_0, %arg0 : i32
    "tpu.region"() ({
      %run_scoped3A = tpu.sem_alloc : memref<!tpu.dma_semaphore, #tpu.memory_space<semaphore_mem>>
      %dma_start3A_134 = arith.constant 0 : i32
      %dma_start3A_135 = arith.constant 0 : i32
      %dma_start3A_136 = tpu.memref_slice %arg4[%add3A, %dma_start3A_134, %dma_start3A_135] : memref<32x125x80xi32, #tpu.memory_space<hbm>> -> memref<1x125x80xi32, #tpu.memory_space<hbm>>
      %dma_start3A_137 = tpu.memref_squeeze %dma_start3A_136 : memref<1x125x80xi32, #tpu.memory_space<hbm>> -> memref<125x80xi32, #tpu.memory_space<hbm>>
      %dma_start3A_138 = arith.constant 0 : i32
      %dma_start3A_139 = arith.constant 0 : i32
      %dma_start3A_140 = tpu.memref_slice %arg4[%add3A, %dma_start3A_138, %dma_start3A_139] : memref<32x125x80xi32, #tpu.memory_space<hbm>> -> memref<1x125x80xi32, #tpu.memory_space<hbm>>
      %dma_start3A_141 = tpu.memref_squeeze %dma_start3A_140 : memref<1x125x80xi32, #tpu.memory_space<hbm>> -> memref<125x80xi32, #tpu.memory_space<hbm>>
      tpu.enqueue_dma source(%dma_start3A_141 : memref<125x80xi32, #tpu.memory_space<hbm>>) target(%arg8 : memref<125x80xi32, #tpu.memory_space<vmem>>) target_semaphore(%run_scoped3A : memref<!tpu.dma_semaphore, #tpu.memory_space<semaphore_mem>>)
      %dma_wait3A_142 = arith.constant 0 : i32
      %dma_wait3A_143 = arith.constant 0 : i32
      %dma_wait3A_144 = tpu.memref_slice %arg4[%add3A, %dma_wait3A_142, %dma_wait3A_143] : memref<32x125x80xi32, #tpu.memory_space<hbm>> -> memref<1x125x80xi32, #tpu.memory_space<hbm>>
      %dma_wait3A_145 = tpu.memref_squeeze %dma_wait3A_144 : memref<1x125x80xi32, #tpu.memory_space<hbm>> -> memref<125x80xi32, #tpu.memory_space<hbm>>
      %dma_wait3A_146 = arith.constant 0 : i32
      %dma_wait3A_147 = arith.constant 0 : i32
      %dma_wait3A_148 = tpu.memref_slice %arg4[%add3A, %dma_wait3A_146, %dma_wait3A_147] : memref<32x125x80xi32, #tpu.memory_space<hbm>> -> memref<1x125x80xi32, #tpu.memory_space<hbm>>
      %dma_wait3A_149 = tpu.memref_squeeze %dma_wait3A_148 : memref<1x125x80xi32, #tpu.memory_space<hbm>> -> memref<125x80xi32, #tpu.memory_space<hbm>>
      tpu.wait_dma2 semaphore(%run_scoped3A : memref<!tpu.dma_semaphore, #tpu.memory_space<semaphore_mem>>) src(%dma_wait3A_149 : memref<125x80xi32, #tpu.memory_space<hbm>>) dst(%arg8 : memref<125x80xi32, #tpu.memory_space<vmem>>)
      tpu.yield
    }) : () -> ()
    "tpu.region"() ({
      %run_scoped3A = tpu.sem_alloc : memref<!tpu.dma_semaphore, #tpu.memory_space<semaphore_mem>>
      %dma_start3A_134 = arith.constant 0 : i32
      %dma_start3A_135 = arith.constant 0 : i32
      %dma_start3A_136 = tpu.memref_slice %arg5[%add3A, %dma_start3A_134, %dma_start3A_135] : memref<32x125x80xi32, #tpu.memory_space<hbm>> -> memref<1x125x80xi32, #tpu.memory_space<hbm>>
      %dma_start3A_137 = tpu.memref_squeeze %dma_start3A_136 : memref<1x125x80xi32, #tpu.memory_space<hbm>> -> memref<125x80xi32, #tpu.memory_space<hbm>>
      %dma_start3A_138 = arith.constant 0 : i32
      %dma_start3A_139 = arith.constant 0 : i32
      %dma_start3A_140 = tpu.memref_slice %arg5[%add3A, %dma_start3A_138, %dma_start3A_139] : memref<32x125x80xi32, #tpu.memory_space<hbm>> -> memref<1x125x80xi32, #tpu.memory_space<hbm>>
      %dma_start3A_141 = tpu.memref_squeeze %dma_start3A_140 : memref<1x125x80xi32, #tpu.memory_space<hbm>> -> memref<125x80xi32, #tpu.memory_space<hbm>>
      tpu.enqueue_dma source(%dma_start3A_141 : memref<125x80xi32, #tpu.memory_space<hbm>>) target(%arg9 : memref<125x80xi32, #tpu.memory_space<vmem>>) target_semaphore(%run_scoped3A : memref<!tpu.dma_semaphore, #tpu.memory_space<semaphore_mem>>)
      %dma_wait3A_142 = arith.constant 0 : i32
      %dma_wait3A_143 = arith.constant 0 : i32
      %dma_wait3A_144 = tpu.memref_slice %arg5[%add3A, %dma_wait3A_142, %dma_wait3A_143] : memref<32x125x80xi32, #tpu.memory_space<hbm>> -> memref<1x125x80xi32, #tpu.memory_space<hbm>>
      %dma_wait3A_145 = tpu.memref_squeeze %dma_wait3A_144 : memref<1x125x80xi32, #tpu.memory_space<hbm>> -> memref<125x80xi32, #tpu.memory_space<hbm>>
      %dma_wait3A_146 = arith.constant 0 : i32
      %dma_wait3A_147 = arith.constant 0 : i32
      %dma_wait3A_148 = tpu.memref_slice %arg5[%add3A, %dma_wait3A_146, %dma_wait3A_147] : memref<32x125x80xi32, #tpu.memory_space<hbm>> -> memref<1x125x80xi32, #tpu.memory_space<hbm>>
      %dma_wait3A_149 = tpu.memref_squeeze %dma_wait3A_148 : memref<1x125x80xi32, #tpu.memory_space<hbm>> -> memref<125x80xi32, #tpu.memory_space<hbm>>
      tpu.wait_dma2 semaphore(%run_scoped3A : memref<!tpu.dma_semaphore, #tpu.memory_space<semaphore_mem>>) src(%dma_wait3A_149 : memref<125x80xi32, #tpu.memory_space<hbm>>) dst(%arg9 : memref<125x80xi32, #tpu.memory_space<vmem>>)
      tpu.yield
    }) : () -> ()
    %mul3A_1 = arith.constant 10000 : i32
    %mul3A_2 = arith.muli %add3A, %mul3A_1 : i32
    %dma_start3A = arith.constant 0 : i32
    %dma_start3A_3 = arith.constant 0 : i32
    %dma_start3A_4 = arith.constant 0 : i32
    %dma_start3A_5 = arith.constant 0 : i32
    %dma_start3A_6 = tpu.memref_slice %arg10[%dma_start3A_3, %dma_start3A_4, %dma_start3A_5] : memref<4x80x64xf32, #tpu.memory_space<vmem>> -> memref<1x80x64xf32, #tpu.memory_space<vmem>>
    %dma_start3A_7 = tpu.memref_squeeze %dma_start3A_6 : memref<1x80x64xf32, #tpu.memory_space<vmem>> -> memref<80x64xf32, #tpu.memory_space<vmem>>
    %dma_start3A_8 = arith.constant 0 : i32
    %dma_start3A_9 = tpu.memref_slice %arg8[%dma_start3A, %dma_start3A_8] : memref<125x80xi32, #tpu.memory_space<vmem>> -> memref<1x80xi32, #tpu.memory_space<vmem>>
    %dma_start3A_10 = tpu.memref_squeeze %dma_start3A_9 : memref<1x80xi32, #tpu.memory_space<vmem>> -> memref<80xi32, #tpu.memory_space<vmem>>
    %dma_start3A_11 = arith.constant 0 : i32
    %dma_start3A_12 = arith.constant 0 : i32
    %dma_start3A_13 = tpu.memref_slice %arg2[%dma_start3A_11, %dma_start3A_12] : memref<10000x64xf32, #tpu.memory_space<hbm>> -> memref<10000x64xf32, #tpu.memory_space<hbm>>
    tpu.enqueue_indirect_dma source(%dma_start3A_13 : memref<10000x64xf32, #tpu.memory_space<hbm>>) target(%dma_start3A_7 : memref<80x64xf32, #tpu.memory_space<vmem>>) offsets(%dma_start3A_10 : memref<80xi32, #tpu.memory_space<vmem>>) semaphore(%arg12 : memref<!tpu.dma_semaphore, #tpu.memory_space<semaphore_mem>>)
    %dma_start3A_14 = arith.constant 0 : i32
    %dma_start3A_15 = arith.constant 0 : i32
    %dma_start3A_16 = arith.constant 0 : i32
    %dma_start3A_17 = arith.constant 0 : i32
    %dma_start3A_18 = tpu.memref_slice %arg11[%dma_start3A_15, %dma_start3A_16, %dma_start3A_17] : memref<4x80x64xf32, #tpu.memory_space<vmem>> -> memref<1x80x64xf32, #tpu.memory_space<vmem>>
    %dma_start3A_19 = tpu.memref_squeeze %dma_start3A_18 : memref<1x80x64xf32, #tpu.memory_space<vmem>> -> memref<80x64xf32, #tpu.memory_space<vmem>>
    %dma_start3A_20 = arith.constant 0 : i32
    %dma_start3A_21 = tpu.memref_slice %arg9[%dma_start3A_14, %dma_start3A_20] : memref<125x80xi32, #tpu.memory_space<vmem>> -> memref<1x80xi32, #tpu.memory_space<vmem>>
    %dma_start3A_22 = tpu.memref_squeeze %dma_start3A_21 : memref<1x80xi32, #tpu.memory_space<vmem>> -> memref<80xi32, #tpu.memory_space<vmem>>
    %dma_start3A_23 = arith.constant 0 : i32
    %dma_start3A_24 = arith.constant 0 : i32
    %dma_start3A_25 = tpu.memref_slice %arg3[%dma_start3A_23, %dma_start3A_24] : memref<10000x64xf32, #tpu.memory_space<hbm>> -> memref<10000x64xf32, #tpu.memory_space<hbm>>
    tpu.enqueue_indirect_dma source(%dma_start3A_25 : memref<10000x64xf32, #tpu.memory_space<hbm>>) target(%dma_start3A_19 : memref<80x64xf32, #tpu.memory_space<vmem>>) offsets(%dma_start3A_22 : memref<80xi32, #tpu.memory_space<vmem>>) semaphore(%arg13 : memref<!tpu.dma_semaphore, #tpu.memory_space<semaphore_mem>>)
    %scan3A = arith.constant 0 : i32
    %scan3A_26 = arith.constant 0 : i32
    %scan3A_27 = arith.constant 125 : i32
    %scan3A_28 = arith.addi %scan3A_26, %scan3A_27 : i32
    %scan3A_29 = arith.constant 1 : i32
    scf.for %scan3A_134 = %scan3A_26 to %scan3A_28 step %scan3A_29  : i32 {
      %rem3A = arith.constant 4 : i32
      %rem3A_135 = arith.remsi %scan3A_134, %rem3A : i32
      %add3A_136 = arith.constant 1 : i32
      %add3A_137 = arith.addi %scan3A_134, %add3A_136 : i32
      %rem3A_138 = arith.constant 4 : i32
      %rem3A_139 = arith.remsi %add3A_137, %rem3A_138 : i32
      %add3A_140 = arith.constant 1 : i32
      %add3A_141 = arith.addi %scan3A_134, %add3A_140 : i32
      %lt3A = arith.constant 125 : i32
      %lt3A_142 = arith.cmpi slt, %add3A_141, %lt3A : i32
      %convert_element_type3A = arith.extui %lt3A_142 : i1 to i32
      %cond3A = arith.constant 0 : i32
      %cond3A_143 = arith.cmpi ne, %convert_element_type3A, %cond3A : i32
      scf.if %cond3A_143 {
        %add3A_199 = arith.constant 1 : i32
        %add3A_200 = arith.addi %scan3A_134, %add3A_199 : i32
        %ge3A = arith.constant 4 : i32
        %ge3A_201 = arith.cmpi sge, %add3A_200, %ge3A : i32
        %convert_element_type3A_202 = arith.extui %ge3A_201 : i1 to i32
        %cond3A_203 = arith.constant 0 : i32
        %cond3A_204 = arith.cmpi ne, %convert_element_type3A_202, %cond3A_203 : i32
        scf.if %cond3A_204 {
          %dma_wait3A_227 = arith.constant 0 : i32
          %dma_wait3A_228 = arith.constant 0 : i32
          %dma_wait3A_229 = tpu.memref_slice %arg10[%rem3A_139, %dma_wait3A_227, %dma_wait3A_228] : memref<4x80x64xf32, #tpu.memory_space<vmem>> -> memref<1x80x64xf32, #tpu.memory_space<vmem>>
          %dma_wait3A_230 = tpu.memref_squeeze %dma_wait3A_229 : memref<1x80x64xf32, #tpu.memory_space<vmem>> -> memref<80x64xf32, #tpu.memory_space<vmem>>
          %dma_wait3A_231 = arith.constant 0 : i32
          %dma_wait3A_232 = tpu.memref_slice %arg6[%mul3A_2, %dma_wait3A_231] : memref<320000x64xf32, #tpu.memory_space<hbm>> -> memref<80x64xf32, #tpu.memory_space<hbm>>
          %dma_wait3A_233 = arith.constant 0 : i32
          %dma_wait3A_234 = tpu.memref_slice %arg6[%mul3A_2, %dma_wait3A_233] : memref<320000x64xf32, #tpu.memory_space<hbm>> -> memref<80x64xf32, #tpu.memory_space<hbm>>
          %dma_wait3A_235 = arith.constant 0 : i32
          %dma_wait3A_236 = arith.constant 0 : i32
          %dma_wait3A_237 = tpu.memref_slice %arg10[%rem3A_139, %dma_wait3A_235, %dma_wait3A_236] : memref<4x80x64xf32, #tpu.memory_space<vmem>> -> memref<1x80x64xf32, #tpu.memory_space<vmem>>
          %dma_wait3A_238 = tpu.memref_squeeze %dma_wait3A_237 : memref<1x80x64xf32, #tpu.memory_space<vmem>> -> memref<80x64xf32, #tpu.memory_space<vmem>>
          tpu.wait_dma2 semaphore(%arg14 : memref<!tpu.dma_semaphore, #tpu.memory_space<semaphore_mem>>) src(%dma_wait3A_238 : memref<80x64xf32, #tpu.memory_space<vmem>>) dst(%dma_wait3A_234 : memref<80x64xf32, #tpu.memory_space<hbm>>)
          %dma_wait3A_239 = arith.constant 0 : i32
          %dma_wait3A_240 = arith.constant 0 : i32
          %dma_wait3A_241 = tpu.memref_slice %arg11[%rem3A_139, %dma_wait3A_239, %dma_wait3A_240] : memref<4x80x64xf32, #tpu.memory_space<vmem>> -> memref<1x80x64xf32, #tpu.memory_space<vmem>>
          %dma_wait3A_242 = tpu.memref_squeeze %dma_wait3A_241 : memref<1x80x64xf32, #tpu.memory_space<vmem>> -> memref<80x64xf32, #tpu.memory_space<vmem>>
          %dma_wait3A_243 = arith.constant 0 : i32
          %dma_wait3A_244 = tpu.memref_slice %arg7[%mul3A_2, %dma_wait3A_243] : memref<320000x64xf32, #tpu.memory_space<hbm>> -> memref<80x64xf32, #tpu.memory_space<hbm>>
          %dma_wait3A_245 = arith.constant 0 : i32
          %dma_wait3A_246 = tpu.memref_slice %arg7[%mul3A_2, %dma_wait3A_245] : memref<320000x64xf32, #tpu.memory_space<hbm>> -> memref<80x64xf32, #tpu.memory_space<hbm>>
          %dma_wait3A_247 = arith.constant 0 : i32
          %dma_wait3A_248 = arith.constant 0 : i32
          %dma_wait3A_249 = tpu.memref_slice %arg11[%rem3A_139, %dma_wait3A_247, %dma_wait3A_248] : memref<4x80x64xf32, #tpu.memory_space<vmem>> -> memref<1x80x64xf32, #tpu.memory_space<vmem>>
          %dma_wait3A_250 = tpu.memref_squeeze %dma_wait3A_249 : memref<1x80x64xf32, #tpu.memory_space<vmem>> -> memref<80x64xf32, #tpu.memory_space<vmem>>
          tpu.wait_dma2 semaphore(%arg15 : memref<!tpu.dma_semaphore, #tpu.memory_space<semaphore_mem>>) src(%dma_wait3A_250 : memref<80x64xf32, #tpu.memory_space<vmem>>) dst(%dma_wait3A_246 : memref<80x64xf32, #tpu.memory_space<hbm>>)
        } else {
        }
        %add3A_205 = arith.constant 1 : i32
        %add3A_206 = arith.addi %scan3A_134, %add3A_205 : i32
        %dma_start3A_207 = arith.constant 0 : i32
        %dma_start3A_208 = arith.constant 0 : i32
        %dma_start3A_209 = tpu.memref_slice %arg10[%rem3A_139, %dma_start3A_207, %dma_start3A_208] : memref<4x80x64xf32, #tpu.memory_space<vmem>> -> memref<1x80x64xf32, #tpu.memory_space<vmem>>
        %dma_start3A_210 = tpu.memref_squeeze %dma_start3A_209 : memref<1x80x64xf32, #tpu.memory_space<vmem>> -> memref<80x64xf32, #tpu.memory_space<vmem>>
        %dma_start3A_211 = arith.constant 0 : i32
        %dma_start3A_212 = tpu.memref_slice %arg8[%add3A_206, %dma_start3A_211] : memref<125x80xi32, #tpu.memory_space<vmem>> -> memref<1x80xi32, #tpu.memory_space<vmem>>
        %dma_start3A_213 = tpu.memref_squeeze %dma_start3A_212 : memref<1x80xi32, #tpu.memory_space<vmem>> -> memref<80xi32, #tpu.memory_space<vmem>>
        %dma_start3A_214 = arith.constant 0 : i32
        %dma_start3A_215 = arith.constant 0 : i32
        %dma_start3A_216 = tpu.memref_slice %arg2[%dma_start3A_214, %dma_start3A_215] : memref<10000x64xf32, #tpu.memory_space<hbm>> -> memref<10000x64xf32, #tpu.memory_space<hbm>>
        tpu.enqueue_indirect_dma source(%dma_start3A_216 : memref<10000x64xf32, #tpu.memory_space<hbm>>) target(%dma_start3A_210 : memref<80x64xf32, #tpu.memory_space<vmem>>) offsets(%dma_start3A_213 : memref<80xi32, #tpu.memory_space<vmem>>) semaphore(%arg12 : memref<!tpu.dma_semaphore, #tpu.memory_space<semaphore_mem>>)
        %dma_start3A_217 = arith.constant 0 : i32
        %dma_start3A_218 = arith.constant 0 : i32
        %dma_start3A_219 = tpu.memref_slice %arg11[%rem3A_139, %dma_start3A_217, %dma_start3A_218] : memref<4x80x64xf32, #tpu.memory_space<vmem>> -> memref<1x80x64xf32, #tpu.memory_space<vmem>>
        %dma_start3A_220 = tpu.memref_squeeze %dma_start3A_219 : memref<1x80x64xf32, #tpu.memory_space<vmem>> -> memref<80x64xf32, #tpu.memory_space<vmem>>
        %dma_start3A_221 = arith.constant 0 : i32
        %dma_start3A_222 = tpu.memref_slice %arg9[%add3A_206, %dma_start3A_221] : memref<125x80xi32, #tpu.memory_space<vmem>> -> memref<1x80xi32, #tpu.memory_space<vmem>>
        %dma_start3A_223 = tpu.memref_squeeze %dma_start3A_222 : memref<1x80xi32, #tpu.memory_space<vmem>> -> memref<80xi32, #tpu.memory_space<vmem>>
        %dma_start3A_224 = arith.constant 0 : i32
        %dma_start3A_225 = arith.constant 0 : i32
        %dma_start3A_226 = tpu.memref_slice %arg3[%dma_start3A_224, %dma_start3A_225] : memref<10000x64xf32, #tpu.memory_space<hbm>> -> memref<10000x64xf32, #tpu.memory_space<hbm>>
        tpu.enqueue_indirect_dma source(%dma_start3A_226 : memref<10000x64xf32, #tpu.memory_space<hbm>>) target(%dma_start3A_220 : memref<80x64xf32, #tpu.memory_space<vmem>>) offsets(%dma_start3A_223 : memref<80xi32, #tpu.memory_space<vmem>>) semaphore(%arg13 : memref<!tpu.dma_semaphore, #tpu.memory_space<semaphore_mem>>)
      } else {
      }
      %dma_wait3A_144 = arith.constant 0 : i32
      %dma_wait3A_145 = arith.constant 0 : i32
      %dma_wait3A_146 = tpu.memref_slice %arg10[%rem3A_135, %dma_wait3A_144, %dma_wait3A_145] : memref<4x80x64xf32, #tpu.memory_space<vmem>> -> memref<1x80x64xf32, #tpu.memory_space<vmem>>
      %dma_wait3A_147 = tpu.memref_squeeze %dma_wait3A_146 : memref<1x80x64xf32, #tpu.memory_space<vmem>> -> memref<80x64xf32, #tpu.memory_space<vmem>>
      %dma_wait3A_148 = arith.constant 0 : i32
      %dma_wait3A_149 = arith.constant 0 : i32
      %dma_wait3A_150 = tpu.memref_slice %arg2[%dma_wait3A_148, %dma_wait3A_149] : memref<10000x64xf32, #tpu.memory_space<hbm>> -> memref<80x64xf32, #tpu.memory_space<hbm>>
      %dma_wait3A_151 = arith.constant 0 : i32
      %dma_wait3A_152 = arith.constant 0 : i32
      %dma_wait3A_153 = tpu.memref_slice %arg10[%rem3A_135, %dma_wait3A_151, %dma_wait3A_152] : memref<4x80x64xf32, #tpu.memory_space<vmem>> -> memref<1x80x64xf32, #tpu.memory_space<vmem>>
      %dma_wait3A_154 = tpu.memref_squeeze %dma_wait3A_153 : memref<1x80x64xf32, #tpu.memory_space<vmem>> -> memref<80x64xf32, #tpu.memory_space<vmem>>
      %dma_wait3A_155 = arith.constant 0 : i32
      %dma_wait3A_156 = arith.constant 0 : i32
      %dma_wait3A_157 = tpu.memref_slice %arg2[%dma_wait3A_155, %dma_wait3A_156] : memref<10000x64xf32, #tpu.memory_space<hbm>> -> memref<80x64xf32, #tpu.memory_space<hbm>>
      tpu.wait_dma2 semaphore(%arg12 : memref<!tpu.dma_semaphore, #tpu.memory_space<semaphore_mem>>) src(%dma_wait3A_157 : memref<80x64xf32, #tpu.memory_space<hbm>>) dst(%dma_wait3A_154 : memref<80x64xf32, #tpu.memory_space<vmem>>)
      %dma_wait3A_158 = arith.constant 0 : i32
      %dma_wait3A_159 = arith.constant 0 : i32
      %dma_wait3A_160 = tpu.memref_slice %arg11[%rem3A_135, %dma_wait3A_158, %dma_wait3A_159] : memref<4x80x64xf32, #tpu.memory_space<vmem>> -> memref<1x80x64xf32, #tpu.memory_space<vmem>>
      %dma_wait3A_161 = tpu.memref_squeeze %dma_wait3A_160 : memref<1x80x64xf32, #tpu.memory_space<vmem>> -> memref<80x64xf32, #tpu.memory_space<vmem>>
      %dma_wait3A_162 = arith.constant 0 : i32
      %dma_wait3A_163 = arith.constant 0 : i32
      %dma_wait3A_164 = tpu.memref_slice %arg3[%dma_wait3A_162, %dma_wait3A_163] : memref<10000x64xf32, #tpu.memory_space<hbm>> -> memref<80x64xf32, #tpu.memory_space<hbm>>
      %dma_wait3A_165 = arith.constant 0 : i32
      %dma_wait3A_166 = arith.constant 0 : i32
      %dma_wait3A_167 = tpu.memref_slice %arg11[%rem3A_135, %dma_wait3A_165, %dma_wait3A_166] : memref<4x80x64xf32, #tpu.memory_space<vmem>> -> memref<1x80x64xf32, #tpu.memory_space<vmem>>
      %dma_wait3A_168 = tpu.memref_squeeze %dma_wait3A_167 : memref<1x80x64xf32, #tpu.memory_space<vmem>> -> memref<80x64xf32, #tpu.memory_space<vmem>>
      %dma_wait3A_169 = arith.constant 0 : i32
      %dma_wait3A_170 = arith.constant 0 : i32
      %dma_wait3A_171 = tpu.memref_slice %arg3[%dma_wait3A_169, %dma_wait3A_170] : memref<10000x64xf32, #tpu.memory_space<hbm>> -> memref<80x64xf32, #tpu.memory_space<hbm>>
      tpu.wait_dma2 semaphore(%arg13 : memref<!tpu.dma_semaphore, #tpu.memory_space<semaphore_mem>>) src(%dma_wait3A_171 : memref<80x64xf32, #tpu.memory_space<hbm>>) dst(%dma_wait3A_168 : memref<80x64xf32, #tpu.memory_space<vmem>>)
      %mul3A_172 = arith.constant 80 : i32
      %mul3A_173 = arith.muli %scan3A_134, %mul3A_172 : i32
      %add3A_174 = arith.addi %mul3A_2, %mul3A_173 : i32
      %dma_start3A_175 = arith.constant 0 : i32
      %dma_start3A_176 = arith.constant 0 : i32
      %dma_start3A_177 = tpu.memref_slice %arg10[%rem3A_135, %dma_start3A_175, %dma_start3A_176] : memref<4x80x64xf32, #tpu.memory_space<vmem>> -> memref<1x80x64xf32, #tpu.memory_space<vmem>>
      %dma_start3A_178 = tpu.memref_squeeze %dma_start3A_177 : memref<1x80x64xf32, #tpu.memory_space<vmem>> -> memref<80x64xf32, #tpu.memory_space<vmem>>
      %dma_start3A_179 = arith.constant 0 : i32
      %dma_start3A_180 = tpu.memref_slice %arg6[%add3A_174, %dma_start3A_179] : memref<320000x64xf32, #tpu.memory_space<hbm>> -> memref<80x64xf32, #tpu.memory_space<hbm>>
      %dma_start3A_181 = arith.constant 0 : i32
      %dma_start3A_182 = tpu.memref_slice %arg6[%add3A_174, %dma_start3A_181] : memref<320000x64xf32, #tpu.memory_space<hbm>> -> memref<80x64xf32, #tpu.memory_space<hbm>>
      %dma_start3A_183 = arith.constant 0 : i32
      %dma_start3A_184 = arith.constant 0 : i32
      %dma_start3A_185 = tpu.memref_slice %arg10[%rem3A_135, %dma_start3A_183, %dma_start3A_184] : memref<4x80x64xf32, #tpu.memory_space<vmem>> -> memref<1x80x64xf32, #tpu.memory_space<vmem>>
      %dma_start3A_186 = tpu.memref_squeeze %dma_start3A_185 : memref<1x80x64xf32, #tpu.memory_space<vmem>> -> memref<80x64xf32, #tpu.memory_space<vmem>>
      tpu.enqueue_dma source(%dma_start3A_186 : memref<80x64xf32, #tpu.memory_space<vmem>>) target(%dma_start3A_182 : memref<80x64xf32, #tpu.memory_space<hbm>>) target_semaphore(%arg14 : memref<!tpu.dma_semaphore, #tpu.memory_space<semaphore_mem>>)
      %dma_start3A_187 = arith.constant 0 : i32
      %dma_start3A_188 = arith.constant 0 : i32
      %dma_start3A_189 = tpu.memref_slice %arg11[%rem3A_135, %dma_start3A_187, %dma_start3A_188] : memref<4x80x64xf32, #tpu.memory_space<vmem>> -> memref<1x80x64xf32, #tpu.memory_space<vmem>>
      %dma_start3A_190 = tpu.memref_squeeze %dma_start3A_189 : memref<1x80x64xf32, #tpu.memory_space<vmem>> -> memref<80x64xf32, #tpu.memory_space<vmem>>
      %dma_start3A_191 = arith.constant 0 : i32
      %dma_start3A_192 = tpu.memref_slice %arg7[%add3A_174, %dma_start3A_191] : memref<320000x64xf32, #tpu.memory_space<hbm>> -> memref<80x64xf32, #tpu.memory_space<hbm>>
      %dma_start3A_193 = arith.constant 0 : i32
      %dma_start3A_194 = tpu.memref_slice %arg7[%add3A_174, %dma_start3A_193] : memref<320000x64xf32, #tpu.memory_space<hbm>> -> memref<80x64xf32, #tpu.memory_space<hbm>>
      %dma_start3A_195 = arith.constant 0 : i32
      %dma_start3A_196 = arith.constant 0 : i32
      %dma_start3A_197 = tpu.memref_slice %arg11[%rem3A_135, %dma_start3A_195, %dma_start3A_196] : memref<4x80x64xf32, #tpu.memory_space<vmem>> -> memref<1x80x64xf32, #tpu.memory_space<vmem>>
      %dma_start3A_198 = tpu.memref_squeeze %dma_start3A_197 : memref<1x80x64xf32, #tpu.memory_space<vmem>> -> memref<80x64xf32, #tpu.memory_space<vmem>>
      tpu.enqueue_dma source(%dma_start3A_198 : memref<80x64xf32, #tpu.memory_space<vmem>>) target(%dma_start3A_194 : memref<80x64xf32, #tpu.memory_space<hbm>>) target_semaphore(%arg15 : memref<!tpu.dma_semaphore, #tpu.memory_space<semaphore_mem>>)
    }
    %scan3A_30 = arith.constant 125 : i32
    %dma_wait3A = arith.constant 0 : i32
    %dma_wait3A_31 = arith.constant 0 : i32
    %dma_wait3A_32 = arith.constant 0 : i32
    %dma_wait3A_33 = tpu.memref_slice %arg10[%dma_wait3A, %dma_wait3A_31, %dma_wait3A_32] : memref<4x80x64xf32, #tpu.memory_space<vmem>> -> memref<1x80x64xf32, #tpu.memory_space<vmem>>
    %dma_wait3A_34 = tpu.memref_squeeze %dma_wait3A_33 : memref<1x80x64xf32, #tpu.memory_space<vmem>> -> memref<80x64xf32, #tpu.memory_space<vmem>>
    %dma_wait3A_35 = arith.constant 0 : i32
    %dma_wait3A_36 = tpu.memref_slice %arg6[%mul3A_2, %dma_wait3A_35] : memref<320000x64xf32, #tpu.memory_space<hbm>> -> memref<80x64xf32, #tpu.memory_space<hbm>>
    %dma_wait3A_37 = arith.constant 0 : i32
    %dma_wait3A_38 = tpu.memref_slice %arg6[%mul3A_2, %dma_wait3A_37] : memref<320000x64xf32, #tpu.memory_space<hbm>> -> memref<80x64xf32, #tpu.memory_space<hbm>>
    %dma_wait3A_39 = arith.constant 0 : i32
    %dma_wait3A_40 = arith.constant 0 : i32
    %dma_wait3A_41 = tpu.memref_slice %arg10[%dma_wait3A, %dma_wait3A_39, %dma_wait3A_40] : memref<4x80x64xf32, #tpu.memory_space<vmem>> -> memref<1x80x64xf32, #tpu.memory_space<vmem>>
    %dma_wait3A_42 = tpu.memref_squeeze %dma_wait3A_41 : memref<1x80x64xf32, #tpu.memory_space<vmem>> -> memref<80x64xf32, #tpu.memory_space<vmem>>
    tpu.wait_dma2 semaphore(%arg14 : memref<!tpu.dma_semaphore, #tpu.memory_space<semaphore_mem>>) src(%dma_wait3A_42 : memref<80x64xf32, #tpu.memory_space<vmem>>) dst(%dma_wait3A_38 : memref<80x64xf32, #tpu.memory_space<hbm>>)
    %dma_wait3A_43 = arith.constant 0 : i32
    %dma_wait3A_44 = arith.constant 0 : i32
    %dma_wait3A_45 = arith.constant 0 : i32
    %dma_wait3A_46 = tpu.memref_slice %arg11[%dma_wait3A_43, %dma_wait3A_44, %dma_wait3A_45] : memref<4x80x64xf32, #tpu.memory_space<vmem>> -> memref<1x80x64xf32, #tpu.memory_space<vmem>>
    %dma_wait3A_47 = tpu.memref_squeeze %dma_wait3A_46 : memref<1x80x64xf32, #tpu.memory_space<vmem>> -> memref<80x64xf32, #tpu.memory_space<vmem>>
    %dma_wait3A_48 = arith.constant 0 : i32
    %dma_wait3A_49 = tpu.memref_slice %arg7[%mul3A_2, %dma_wait3A_48] : memref<320000x64xf32, #tpu.memory_space<hbm>> -> memref<80x64xf32, #tpu.memory_space<hbm>>
    %dma_wait3A_50 = arith.constant 0 : i32
    %dma_wait3A_51 = tpu.memref_slice %arg7[%mul3A_2, %dma_wait3A_50] : memref<320000x64xf32, #tpu.memory_space<hbm>> -> memref<80x64xf32, #tpu.memory_space<hbm>>
    %dma_wait3A_52 = arith.constant 0 : i32
    %dma_wait3A_53 = arith.constant 0 : i32
    %dma_wait3A_54 = tpu.memref_slice %arg11[%dma_wait3A_43, %dma_wait3A_52, %dma_wait3A_53] : memref<4x80x64xf32, #tpu.memory_space<vmem>> -> memref<1x80x64xf32, #tpu.memory_space<vmem>>
    %dma_wait3A_55 = tpu.memref_squeeze %dma_wait3A_54 : memref<1x80x64xf32, #tpu.memory_space<vmem>> -> memref<80x64xf32, #tpu.memory_space<vmem>>
    tpu.wait_dma2 semaphore(%arg15 : memref<!tpu.dma_semaphore, #tpu.memory_space<semaphore_mem>>) src(%dma_wait3A_55 : memref<80x64xf32, #tpu.memory_space<vmem>>) dst(%dma_wait3A_51 : memref<80x64xf32, #tpu.memory_space<hbm>>)
    %dma_wait3A_56 = arith.constant 0 : i32
    %dma_wait3A_57 = arith.constant 0 : i32
    %dma_wait3A_58 = arith.constant 0 : i32
    %dma_wait3A_59 = tpu.memref_slice %arg10[%dma_wait3A_56, %dma_wait3A_57, %dma_wait3A_58] : memref<4x80x64xf32, #tpu.memory_space<vmem>> -> memref<1x80x64xf32, #tpu.memory_space<vmem>>
    %dma_wait3A_60 = tpu.memref_squeeze %dma_wait3A_59 : memref<1x80x64xf32, #tpu.memory_space<vmem>> -> memref<80x64xf32, #tpu.memory_space<vmem>>
    %dma_wait3A_61 = arith.constant 0 : i32
    %dma_wait3A_62 = tpu.memref_slice %arg6[%mul3A_2, %dma_wait3A_61] : memref<320000x64xf32, #tpu.memory_space<hbm>> -> memref<80x64xf32, #tpu.memory_space<hbm>>
    %dma_wait3A_63 = arith.constant 0 : i32
    %dma_wait3A_64 = tpu.memref_slice %arg6[%mul3A_2, %dma_wait3A_63] : memref<320000x64xf32, #tpu.memory_space<hbm>> -> memref<80x64xf32, #tpu.memory_space<hbm>>
    %dma_wait3A_65 = arith.constant 0 : i32
    %dma_wait3A_66 = arith.constant 0 : i32
    %dma_wait3A_67 = tpu.memref_slice %arg10[%dma_wait3A_56, %dma_wait3A_65, %dma_wait3A_66] : memref<4x80x64xf32, #tpu.memory_space<vmem>> -> memref<1x80x64xf32, #tpu.memory_space<vmem>>
    %dma_wait3A_68 = tpu.memref_squeeze %dma_wait3A_67 : memref<1x80x64xf32, #tpu.memory_space<vmem>> -> memref<80x64xf32, #tpu.memory_space<vmem>>
    tpu.wait_dma2 semaphore(%arg14 : memref<!tpu.dma_semaphore, #tpu.memory_space<semaphore_mem>>) src(%dma_wait3A_68 : memref<80x64xf32, #tpu.memory_space<vmem>>) dst(%dma_wait3A_64 : memref<80x64xf32, #tpu.memory_space<hbm>>)
    %dma_wait3A_69 = arith.constant 0 : i32
    %dma_wait3A_70 = arith.constant 0 : i32
    %dma_wait3A_71 = arith.constant 0 : i32
    %dma_wait3A_72 = tpu.memref_slice %arg11[%dma_wait3A_69, %dma_wait3A_70, %dma_wait3A_71] : memref<4x80x64xf32, #tpu.memory_space<vmem>> -> memref<1x80x64xf32, #tpu.memory_space<vmem>>
    %dma_wait3A_73 = tpu.memref_squeeze %dma_wait3A_72 : memref<1x80x64xf32, #tpu.memory_space<vmem>> -> memref<80x64xf32, #tpu.memory_space<vmem>>
    %dma_wait3A_74 = arith.constant 0 : i32
    %dma_wait3A_75 = tpu.memref_slice %arg7[%mul3A_2, %dma_wait3A_74] : memref<320000x64xf32, #tpu.memory_space<hbm>> -> memref<80x64xf32, #tpu.memory_space<hbm>>
    %dma_wait3A_76 = arith.constant 0 : i32
    %dma_wait3A_77 = tpu.memref_slice %arg7[%mul3A_2, %dma_wait3A_76] : memref<320000x64xf32, #tpu.memory_space<hbm>> -> memref<80x64xf32, #tpu.memory_space<hbm>>
    %dma_wait3A_78 = arith.constant 0 : i32
    %dma_wait3A_79 = arith.constant 0 : i32
    %dma_wait3A_80 = tpu.memref_slice %arg11[%dma_wait3A_69, %dma_wait3A_78, %dma_wait3A_79] : memref<4x80x64xf32, #tpu.memory_space<vmem>> -> memref<1x80x64xf32, #tpu.memory_space<vmem>>
    %dma_wait3A_81 = tpu.memref_squeeze %dma_wait3A_80 : memref<1x80x64xf32, #tpu.memory_space<vmem>> -> memref<80x64xf32, #tpu.memory_space<vmem>>
    tpu.wait_dma2 semaphore(%arg15 : memref<!tpu.dma_semaphore, #tpu.memory_space<semaphore_mem>>) src(%dma_wait3A_81 : memref<80x64xf32, #tpu.memory_space<vmem>>) dst(%dma_wait3A_77 : memref<80x64xf32, #tpu.memory_space<hbm>>)
    %dma_wait3A_82 = arith.constant 0 : i32
    %dma_wait3A_83 = arith.constant 0 : i32
    %dma_wait3A_84 = arith.constant 0 : i32
    %dma_wait3A_85 = tpu.memref_slice %arg10[%dma_wait3A_82, %dma_wait3A_83, %dma_wait3A_84] : memref<4x80x64xf32, #tpu.memory_space<vmem>> -> memref<1x80x64xf32, #tpu.memory_space<vmem>>
    %dma_wait3A_86 = tpu.memref_squeeze %dma_wait3A_85 : memref<1x80x64xf32, #tpu.memory_space<vmem>> -> memref<80x64xf32, #tpu.memory_space<vmem>>
    %dma_wait3A_87 = arith.constant 0 : i32
    %dma_wait3A_88 = tpu.memref_slice %arg6[%mul3A_2, %dma_wait3A_87] : memref<320000x64xf32, #tpu.memory_space<hbm>> -> memref<80x64xf32, #tpu.memory_space<hbm>>
    %dma_wait3A_89 = arith.constant 0 : i32
    %dma_wait3A_90 = tpu.memref_slice %arg6[%mul3A_2, %dma_wait3A_89] : memref<320000x64xf32, #tpu.memory_space<hbm>> -> memref<80x64xf32, #tpu.memory_space<hbm>>
    %dma_wait3A_91 = arith.constant 0 : i32
    %dma_wait3A_92 = arith.constant 0 : i32
    %dma_wait3A_93 = tpu.memref_slice %arg10[%dma_wait3A_82, %dma_wait3A_91, %dma_wait3A_92] : memref<4x80x64xf32, #tpu.memory_space<vmem>> -> memref<1x80x64xf32, #tpu.memory_space<vmem>>
    %dma_wait3A_94 = tpu.memref_squeeze %dma_wait3A_93 : memref<1x80x64xf32, #tpu.memory_space<vmem>> -> memref<80x64xf32, #tpu.memory_space<vmem>>
    tpu.wait_dma2 semaphore(%arg14 : memref<!tpu.dma_semaphore, #tpu.memory_space<semaphore_mem>>) src(%dma_wait3A_94 : memref<80x64xf32, #tpu.memory_space<vmem>>) dst(%dma_wait3A_90 : memref<80x64xf32, #tpu.memory_space<hbm>>)
    %dma_wait3A_95 = arith.constant 0 : i32
    %dma_wait3A_96 = arith.constant 0 : i32
    %dma_wait3A_97 = arith.constant 0 : i32
    %dma_wait3A_98 = tpu.memref_slice %arg11[%dma_wait3A_95, %dma_wait3A_96, %dma_wait3A_97] : memref<4x80x64xf32, #tpu.memory_space<vmem>> -> memref<1x80x64xf32, #tpu.memory_space<vmem>>
    %dma_wait3A_99 = tpu.memref_squeeze %dma_wait3A_98 : memref<1x80x64xf32, #tpu.memory_space<vmem>> -> memref<80x64xf32, #tpu.memory_space<vmem>>
    %dma_wait3A_100 = arith.constant 0 : i32
    %dma_wait3A_101 = tpu.memref_slice %arg7[%mul3A_2, %dma_wait3A_100] : memref<320000x64xf32, #tpu.memory_space<hbm>> -> memref<80x64xf32, #tpu.memory_space<hbm>>
    %dma_wait3A_102 = arith.constant 0 : i32
    %dma_wait3A_103 = tpu.memref_slice %arg7[%mul3A_2, %dma_wait3A_102] : memref<320000x64xf32, #tpu.memory_space<hbm>> -> memref<80x64xf32, #tpu.memory_space<hbm>>
    %dma_wait3A_104 = arith.constant 0 : i32
    %dma_wait3A_105 = arith.constant 0 : i32
    %dma_wait3A_106 = tpu.memref_slice %arg11[%dma_wait3A_95, %dma_wait3A_104, %dma_wait3A_105] : memref<4x80x64xf32, #tpu.memory_space<vmem>> -> memref<1x80x64xf32, #tpu.memory_space<vmem>>
    %dma_wait3A_107 = tpu.memref_squeeze %dma_wait3A_106 : memref<1x80x64xf32, #tpu.memory_space<vmem>> -> memref<80x64xf32, #tpu.memory_space<vmem>>
    tpu.wait_dma2 semaphore(%arg15 : memref<!tpu.dma_semaphore, #tpu.memory_space<semaphore_mem>>) src(%dma_wait3A_107 : memref<80x64xf32, #tpu.memory_space<vmem>>) dst(%dma_wait3A_103 : memref<80x64xf32, #tpu.memory_space<hbm>>)
    %dma_wait3A_108 = arith.constant 0 : i32
    %dma_wait3A_109 = arith.constant 0 : i32
    %dma_wait3A_110 = arith.constant 0 : i32
    %dma_wait3A_111 = tpu.memref_slice %arg10[%dma_wait3A_108, %dma_wait3A_109, %dma_wait3A_110] : memref<4x80x64xf32, #tpu.memory_space<vmem>> -> memref<1x80x64xf32, #tpu.memory_space<vmem>>
    %dma_wait3A_112 = tpu.memref_squeeze %dma_wait3A_111 : memref<1x80x64xf32, #tpu.memory_space<vmem>> -> memref<80x64xf32, #tpu.memory_space<vmem>>
    %dma_wait3A_113 = arith.constant 0 : i32
    %dma_wait3A_114 = tpu.memref_slice %arg6[%mul3A_2, %dma_wait3A_113] : memref<320000x64xf32, #tpu.memory_space<hbm>> -> memref<80x64xf32, #tpu.memory_space<hbm>>
    %dma_wait3A_115 = arith.constant 0 : i32
    %dma_wait3A_116 = tpu.memref_slice %arg6[%mul3A_2, %dma_wait3A_115] : memref<320000x64xf32, #tpu.memory_space<hbm>> -> memref<80x64xf32, #tpu.memory_space<hbm>>
    %dma_wait3A_117 = arith.constant 0 : i32
    %dma_wait3A_118 = arith.constant 0 : i32
    %dma_wait3A_119 = tpu.memref_slice %arg10[%dma_wait3A_108, %dma_wait3A_117, %dma_wait3A_118] : memref<4x80x64xf32, #tpu.memory_space<vmem>> -> memref<1x80x64xf32, #tpu.memory_space<vmem>>
    %dma_wait3A_120 = tpu.memref_squeeze %dma_wait3A_119 : memref<1x80x64xf32, #tpu.memory_space<vmem>> -> memref<80x64xf32, #tpu.memory_space<vmem>>
    tpu.wait_dma2 semaphore(%arg14 : memref<!tpu.dma_semaphore, #tpu.memory_space<semaphore_mem>>) src(%dma_wait3A_120 : memref<80x64xf32, #tpu.memory_space<vmem>>) dst(%dma_wait3A_116 : memref<80x64xf32, #tpu.memory_space<hbm>>)
    %dma_wait3A_121 = arith.constant 0 : i32
    %dma_wait3A_122 = arith.constant 0 : i32
    %dma_wait3A_123 = arith.constant 0 : i32
    %dma_wait3A_124 = tpu.memref_slice %arg11[%dma_wait3A_121, %dma_wait3A_122, %dma_wait3A_123] : memref<4x80x64xf32, #tpu.memory_space<vmem>> -> memref<1x80x64xf32, #tpu.memory_space<vmem>>
    %dma_wait3A_125 = tpu.memref_squeeze %dma_wait3A_124 : memref<1x80x64xf32, #tpu.memory_space<vmem>> -> memref<80x64xf32, #tpu.memory_space<vmem>>
    %dma_wait3A_126 = arith.constant 0 : i32
    %dma_wait3A_127 = tpu.memref_slice %arg7[%mul3A_2, %dma_wait3A_126] : memref<320000x64xf32, #tpu.memory_space<hbm>> -> memref<80x64xf32, #tpu.memory_space<hbm>>
    %dma_wait3A_128 = arith.constant 0 : i32
    %dma_wait3A_129 = tpu.memref_slice %arg7[%mul3A_2, %dma_wait3A_128] : memref<320000x64xf32, #tpu.memory_space<hbm>> -> memref<80x64xf32, #tpu.memory_space<hbm>>
    %dma_wait3A_130 = arith.constant 0 : i32
    %dma_wait3A_131 = arith.constant 0 : i32
    %dma_wait3A_132 = tpu.memref_slice %arg11[%dma_wait3A_121, %dma_wait3A_130, %dma_wait3A_131] : memref<4x80x64xf32, #tpu.memory_space<vmem>> -> memref<1x80x64xf32, #tpu.memory_space<vmem>>
    %dma_wait3A_133 = tpu.memref_squeeze %dma_wait3A_132 : memref<1x80x64xf32, #tpu.memory_space<vmem>> -> memref<80x64xf32, #tpu.memory_space<vmem>>
    tpu.wait_dma2 semaphore(%arg15 : memref<!tpu.dma_semaphore, #tpu.memory_space<semaphore_mem>>) src(%dma_wait3A_133 : memref<80x64xf32, #tpu.memory_space<vmem>>) dst(%dma_wait3A_129 : memref<80x64xf32, #tpu.memory_space<hbm>>)
    return
  }
}

#map = affine_map<(d0, d1) -> (0, 0)>
#map1 = affine_map<(d0, d1) -> (0, 0, 0)>
module attributes {stable_mosaic.version = 14 : i64} {
  func.func @_scatter_body(%arg0: i32, %arg1: i32, %arg2: memref<320000x64xf32, #tpu.memory_space<hbm>>, %arg3: memref<32x125x80xi32, #tpu.memory_space<hbm>>, %arg4: memref<10000x64xf32, #tpu.memory_space<hbm>>, %arg5: memref<2x10000x64xf32, #tpu.memory_space<hbm>>, %arg6: memref<125x80xi32, #tpu.memory_space<vmem>>, %arg7: memref<4x80x64xf32, #tpu.memory_space<vmem>>, %arg8: memref<10000x64xf32, #tpu.memory_space<vmem_shared>>, %arg9: memref<!tpu.dma_semaphore, #tpu.memory_space<semaphore_mem>>, %arg10: memref<!tpu.dma_semaphore, #tpu.memory_space<semaphore_mem>>) attributes {dimension_semantics = [#tpu.dimension_semantics<core_parallel>, #tpu.dimension_semantics<subcore_parallel>], iteration_bounds = array<i64: 2, 16>, scalar_prefetch = 0 : i64, scratch_operands = 5 : i64, tpu.core_type = #tpu.core_type<sc_vector_subcore>, window_params = [{transform_indices = #map}, {transform_indices = #map1}, {transform_indices = #map}, {transform_indices = #map1}]} {
    %mul3A = arith.constant 2 : i32
    %mul3A_0 = arith.muli %arg1, %mul3A : i32
    %add3A = arith.addi %mul3A_0, %arg0 : i32
    %mul3A_1 = arith.constant 625 : i32
    %mul3A_2 = arith.muli %arg1, %mul3A_1 : i32
    "tpu.region"() ({
      %run_scoped3A = tpu.sem_alloc : memref<!tpu.dma_semaphore, #tpu.memory_space<semaphore_mem>>
      %dma_start3A_84 = arith.constant 0 : i32
      %dma_start3A_85 = tpu.memref_slice %arg8[%mul3A_2, %dma_start3A_84] : memref<10000x64xf32, #tpu.memory_space<vmem_shared>> -> memref<625x64xf32, #tpu.memory_space<vmem_shared>>
      %dma_start3A_86 = arith.constant 0 : i32
      %dma_start3A_87 = tpu.memref_slice %arg4[%mul3A_2, %dma_start3A_86] : memref<10000x64xf32, #tpu.memory_space<hbm>> -> memref<625x64xf32, #tpu.memory_space<hbm>>
      tpu.enqueue_dma source(%dma_start3A_87 : memref<625x64xf32, #tpu.memory_space<hbm>>) target(%dma_start3A_85 : memref<625x64xf32, #tpu.memory_space<vmem_shared>>) target_semaphore(%run_scoped3A : memref<!tpu.dma_semaphore, #tpu.memory_space<semaphore_mem>>)
      %dma_wait3A_88 = arith.constant 0 : i32
      %dma_wait3A_89 = tpu.memref_slice %arg8[%mul3A_2, %dma_wait3A_88] : memref<10000x64xf32, #tpu.memory_space<vmem_shared>> -> memref<625x64xf32, #tpu.memory_space<vmem_shared>>
      %dma_wait3A_90 = arith.constant 0 : i32
      %dma_wait3A_91 = tpu.memref_slice %arg4[%mul3A_2, %dma_wait3A_90] : memref<10000x64xf32, #tpu.memory_space<hbm>> -> memref<625x64xf32, #tpu.memory_space<hbm>>
      tpu.wait_dma2 semaphore(%run_scoped3A : memref<!tpu.dma_semaphore, #tpu.memory_space<semaphore_mem>>) src(%dma_wait3A_91 : memref<625x64xf32, #tpu.memory_space<hbm>>) dst(%dma_wait3A_89 : memref<625x64xf32, #tpu.memory_space<vmem_shared>>)
      tpu.yield
    }) : () -> ()
    "tpu.region"() ({
      %run_scoped3A = tpu.sem_alloc : memref<!tpu.dma_semaphore, #tpu.memory_space<semaphore_mem>>
      %dma_start3A_84 = arith.constant 0 : i32
      %dma_start3A_85 = arith.constant 0 : i32
      %dma_start3A_86 = tpu.memref_slice %arg3[%add3A, %dma_start3A_84, %dma_start3A_85] : memref<32x125x80xi32, #tpu.memory_space<hbm>> -> memref<1x125x80xi32, #tpu.memory_space<hbm>>
      %dma_start3A_87 = tpu.memref_squeeze %dma_start3A_86 : memref<1x125x80xi32, #tpu.memory_space<hbm>> -> memref<125x80xi32, #tpu.memory_space<hbm>>
      %dma_start3A_88 = arith.constant 0 : i32
      %dma_start3A_89 = arith.constant 0 : i32
      %dma_start3A_90 = tpu.memref_slice %arg3[%add3A, %dma_start3A_88, %dma_start3A_89] : memref<32x125x80xi32, #tpu.memory_space<hbm>> -> memref<1x125x80xi32, #tpu.memory_space<hbm>>
      %dma_start3A_91 = tpu.memref_squeeze %dma_start3A_90 : memref<1x125x80xi32, #tpu.memory_space<hbm>> -> memref<125x80xi32, #tpu.memory_space<hbm>>
      tpu.enqueue_dma source(%dma_start3A_91 : memref<125x80xi32, #tpu.memory_space<hbm>>) target(%arg6 : memref<125x80xi32, #tpu.memory_space<vmem>>) target_semaphore(%run_scoped3A : memref<!tpu.dma_semaphore, #tpu.memory_space<semaphore_mem>>)
      %dma_wait3A_92 = arith.constant 0 : i32
      %dma_wait3A_93 = arith.constant 0 : i32
      %dma_wait3A_94 = tpu.memref_slice %arg3[%add3A, %dma_wait3A_92, %dma_wait3A_93] : memref<32x125x80xi32, #tpu.memory_space<hbm>> -> memref<1x125x80xi32, #tpu.memory_space<hbm>>
      %dma_wait3A_95 = tpu.memref_squeeze %dma_wait3A_94 : memref<1x125x80xi32, #tpu.memory_space<hbm>> -> memref<125x80xi32, #tpu.memory_space<hbm>>
      %dma_wait3A_96 = arith.constant 0 : i32
      %dma_wait3A_97 = arith.constant 0 : i32
      %dma_wait3A_98 = tpu.memref_slice %arg3[%add3A, %dma_wait3A_96, %dma_wait3A_97] : memref<32x125x80xi32, #tpu.memory_space<hbm>> -> memref<1x125x80xi32, #tpu.memory_space<hbm>>
      %dma_wait3A_99 = tpu.memref_squeeze %dma_wait3A_98 : memref<1x125x80xi32, #tpu.memory_space<hbm>> -> memref<125x80xi32, #tpu.memory_space<hbm>>
      tpu.wait_dma2 semaphore(%run_scoped3A : memref<!tpu.dma_semaphore, #tpu.memory_space<semaphore_mem>>) src(%dma_wait3A_99 : memref<125x80xi32, #tpu.memory_space<hbm>>) dst(%arg6 : memref<125x80xi32, #tpu.memory_space<vmem>>)
      tpu.yield
    }) : () -> ()
    %barrier3A = arith.constant 0 : index
    tpu.barrier barrier_id(%barrier3A)
    %mul3A_3 = arith.constant 10000 : i32
    %mul3A_4 = arith.muli %add3A, %mul3A_3 : i32
    %add3A_5 = arith.constant 0 : i32
    %add3A_6 = arith.addi %mul3A_4, %add3A_5 : i32
    %dma_start3A = arith.constant 0 : i32
    %dma_start3A_7 = arith.constant 0 : i32
    %dma_start3A_8 = arith.constant 0 : i32
    %dma_start3A_9 = tpu.memref_slice %arg7[%dma_start3A, %dma_start3A_7, %dma_start3A_8] : memref<4x80x64xf32, #tpu.memory_space<vmem>> -> memref<1x80x64xf32, #tpu.memory_space<vmem>>
    %dma_start3A_10 = tpu.memref_squeeze %dma_start3A_9 : memref<1x80x64xf32, #tpu.memory_space<vmem>> -> memref<80x64xf32, #tpu.memory_space<vmem>>
    %dma_start3A_11 = arith.constant 0 : i32
    %dma_start3A_12 = tpu.memref_slice %arg2[%add3A_6, %dma_start3A_11] : memref<320000x64xf32, #tpu.memory_space<hbm>> -> memref<80x64xf32, #tpu.memory_space<hbm>>
    %dma_start3A_13 = arith.constant 0 : i32
    %dma_start3A_14 = arith.constant 0 : i32
    %dma_start3A_15 = tpu.memref_slice %arg7[%dma_start3A, %dma_start3A_13, %dma_start3A_14] : memref<4x80x64xf32, #tpu.memory_space<vmem>> -> memref<1x80x64xf32, #tpu.memory_space<vmem>>
    %dma_start3A_16 = tpu.memref_squeeze %dma_start3A_15 : memref<1x80x64xf32, #tpu.memory_space<vmem>> -> memref<80x64xf32, #tpu.memory_space<vmem>>
    %dma_start3A_17 = arith.constant 0 : i32
    %dma_start3A_18 = tpu.memref_slice %arg2[%add3A_6, %dma_start3A_17] : memref<320000x64xf32, #tpu.memory_space<hbm>> -> memref<80x64xf32, #tpu.memory_space<hbm>>
    tpu.enqueue_dma source(%dma_start3A_18 : memref<80x64xf32, #tpu.memory_space<hbm>>) target(%dma_start3A_16 : memref<80x64xf32, #tpu.memory_space<vmem>>) target_semaphore(%arg9 : memref<!tpu.dma_semaphore, #tpu.memory_space<semaphore_mem>>)
    %scan3A = arith.constant 0 : i32
    %scan3A_19 = arith.constant 0 : i32
    %scan3A_20 = arith.constant 125 : i32
    %scan3A_21 = arith.addi %scan3A_19, %scan3A_20 : i32
    %scan3A_22 = arith.constant 1 : i32
    scf.for %scan3A_84 = %scan3A_19 to %scan3A_21 step %scan3A_22  : i32 {
      %rem3A = arith.constant 4 : i32
      %rem3A_85 = arith.remsi %scan3A_84, %rem3A : i32
      %add3A_86 = arith.constant 1 : i32
      %add3A_87 = arith.addi %scan3A_84, %add3A_86 : i32
      %rem3A_88 = arith.constant 4 : i32
      %rem3A_89 = arith.remsi %add3A_87, %rem3A_88 : i32
      %add3A_90 = arith.constant 1 : i32
      %add3A_91 = arith.addi %scan3A_84, %add3A_90 : i32
      %lt3A = arith.constant 125 : i32
      %lt3A_92 = arith.cmpi slt, %add3A_91, %lt3A : i32
      %convert_element_type3A = arith.extui %lt3A_92 : i1 to i32
      %cond3A = arith.constant 0 : i32
      %cond3A_93 = arith.cmpi ne, %convert_element_type3A, %cond3A : i32
      scf.if %cond3A_93 {
        %add3A_116 = arith.constant 1 : i32
        %add3A_117 = arith.addi %scan3A_84, %add3A_116 : i32
        %ge3A = arith.constant 4 : i32
        %ge3A_118 = arith.cmpi sge, %add3A_117, %ge3A : i32
        %convert_element_type3A_119 = arith.extui %ge3A_118 : i1 to i32
        %cond3A_120 = arith.constant 0 : i32
        %cond3A_121 = arith.cmpi ne, %convert_element_type3A_119, %cond3A_120 : i32
        scf.if %cond3A_121 {
          %dma_wait3A_139 = arith.constant 0 : i32
          %dma_wait3A_140 = arith.constant 0 : i32
          %dma_wait3A_141 = tpu.memref_slice %arg7[%rem3A_89, %dma_wait3A_139, %dma_wait3A_140] : memref<4x80x64xf32, #tpu.memory_space<vmem>> -> memref<1x80x64xf32, #tpu.memory_space<vmem>>
          %dma_wait3A_142 = tpu.memref_squeeze %dma_wait3A_141 : memref<1x80x64xf32, #tpu.memory_space<vmem>> -> memref<80x64xf32, #tpu.memory_space<vmem>>
          %dma_wait3A_143 = arith.constant 0 : i32
          %dma_wait3A_144 = arith.constant 0 : i32
          %dma_wait3A_145 = tpu.memref_slice %arg8[%dma_wait3A_143, %dma_wait3A_144] : memref<10000x64xf32, #tpu.memory_space<vmem_shared>> -> memref<80x64xf32, #tpu.memory_space<vmem_shared>>
          %dma_wait3A_146 = arith.constant 0 : i32
          %dma_wait3A_147 = arith.constant 0 : i32
          %dma_wait3A_148 = tpu.memref_slice %arg8[%dma_wait3A_146, %dma_wait3A_147] : memref<10000x64xf32, #tpu.memory_space<vmem_shared>> -> memref<80x64xf32, #tpu.memory_space<vmem_shared>>
          %dma_wait3A_149 = arith.constant 0 : i32
          %dma_wait3A_150 = arith.constant 0 : i32
          %dma_wait3A_151 = tpu.memref_slice %arg7[%rem3A_89, %dma_wait3A_149, %dma_wait3A_150] : memref<4x80x64xf32, #tpu.memory_space<vmem>> -> memref<1x80x64xf32, #tpu.memory_space<vmem>>
          %dma_wait3A_152 = tpu.memref_squeeze %dma_wait3A_151 : memref<1x80x64xf32, #tpu.memory_space<vmem>> -> memref<80x64xf32, #tpu.memory_space<vmem>>
          tpu.wait_dma2 semaphore(%arg10 : memref<!tpu.dma_semaphore, #tpu.memory_space<semaphore_mem>>) src(%dma_wait3A_152 : memref<80x64xf32, #tpu.memory_space<vmem>>) dst(%dma_wait3A_148 : memref<80x64xf32, #tpu.memory_space<vmem_shared>>)
        } else {
        }
        %add3A_122 = arith.constant 1 : i32
        %add3A_123 = arith.addi %scan3A_84, %add3A_122 : i32
        %mul3A_124 = arith.constant 80 : i32
        %mul3A_125 = arith.muli %add3A_123, %mul3A_124 : i32
        %add3A_126 = arith.addi %mul3A_4, %mul3A_125 : i32
        %dma_start3A_127 = arith.constant 0 : i32
        %dma_start3A_128 = arith.constant 0 : i32
        %dma_start3A_129 = tpu.memref_slice %arg7[%rem3A_89, %dma_start3A_127, %dma_start3A_128] : memref<4x80x64xf32, #tpu.memory_space<vmem>> -> memref<1x80x64xf32, #tpu.memory_space<vmem>>
        %dma_start3A_130 = tpu.memref_squeeze %dma_start3A_129 : memref<1x80x64xf32, #tpu.memory_space<vmem>> -> memref<80x64xf32, #tpu.memory_space<vmem>>
        %dma_start3A_131 = arith.constant 0 : i32
        %dma_start3A_132 = tpu.memref_slice %arg2[%add3A_126, %dma_start3A_131] : memref<320000x64xf32, #tpu.memory_space<hbm>> -> memref<80x64xf32, #tpu.memory_space<hbm>>
        %dma_start3A_133 = arith.constant 0 : i32
        %dma_start3A_134 = arith.constant 0 : i32
        %dma_start3A_135 = tpu.memref_slice %arg7[%rem3A_89, %dma_start3A_133, %dma_start3A_134] : memref<4x80x64xf32, #tpu.memory_space<vmem>> -> memref<1x80x64xf32, #tpu.memory_space<vmem>>
        %dma_start3A_136 = tpu.memref_squeeze %dma_start3A_135 : memref<1x80x64xf32, #tpu.memory_space<vmem>> -> memref<80x64xf32, #tpu.memory_space<vmem>>
        %dma_start3A_137 = arith.constant 0 : i32
        %dma_start3A_138 = tpu.memref_slice %arg2[%add3A_126, %dma_start3A_137] : memref<320000x64xf32, #tpu.memory_space<hbm>> -> memref<80x64xf32, #tpu.memory_space<hbm>>
        tpu.enqueue_dma source(%dma_start3A_138 : memref<80x64xf32, #tpu.memory_space<hbm>>) target(%dma_start3A_136 : memref<80x64xf32, #tpu.memory_space<vmem>>) target_semaphore(%arg9 : memref<!tpu.dma_semaphore, #tpu.memory_space<semaphore_mem>>)
      } else {
      }
      %dma_wait3A_94 = arith.constant 0 : i32
      %dma_wait3A_95 = arith.constant 0 : i32
      %dma_wait3A_96 = tpu.memref_slice %arg7[%rem3A_85, %dma_wait3A_94, %dma_wait3A_95] : memref<4x80x64xf32, #tpu.memory_space<vmem>> -> memref<1x80x64xf32, #tpu.memory_space<vmem>>
      %dma_wait3A_97 = tpu.memref_squeeze %dma_wait3A_96 : memref<1x80x64xf32, #tpu.memory_space<vmem>> -> memref<80x64xf32, #tpu.memory_space<vmem>>
      %dma_wait3A_98 = arith.constant 0 : i32
      %dma_wait3A_99 = tpu.memref_slice %arg2[%mul3A_4, %dma_wait3A_98] : memref<320000x64xf32, #tpu.memory_space<hbm>> -> memref<80x64xf32, #tpu.memory_space<hbm>>
      %dma_wait3A_100 = arith.constant 0 : i32
      %dma_wait3A_101 = arith.constant 0 : i32
      %dma_wait3A_102 = tpu.memref_slice %arg7[%rem3A_85, %dma_wait3A_100, %dma_wait3A_101] : memref<4x80x64xf32, #tpu.memory_space<vmem>> -> memref<1x80x64xf32, #tpu.memory_space<vmem>>
      %dma_wait3A_103 = tpu.memref_squeeze %dma_wait3A_102 : memref<1x80x64xf32, #tpu.memory_space<vmem>> -> memref<80x64xf32, #tpu.memory_space<vmem>>
      %dma_wait3A_104 = arith.constant 0 : i32
      %dma_wait3A_105 = tpu.memref_slice %arg2[%mul3A_4, %dma_wait3A_104] : memref<320000x64xf32, #tpu.memory_space<hbm>> -> memref<80x64xf32, #tpu.memory_space<hbm>>
      tpu.wait_dma2 semaphore(%arg9 : memref<!tpu.dma_semaphore, #tpu.memory_space<semaphore_mem>>) src(%dma_wait3A_105 : memref<80x64xf32, #tpu.memory_space<hbm>>) dst(%dma_wait3A_103 : memref<80x64xf32, #tpu.memory_space<vmem>>)
      %dma_start3A_106 = arith.constant 0 : i32
      %dma_start3A_107 = arith.constant 0 : i32
      %dma_start3A_108 = tpu.memref_slice %arg7[%rem3A_85, %dma_start3A_106, %dma_start3A_107] : memref<4x80x64xf32, #tpu.memory_space<vmem>> -> memref<1x80x64xf32, #tpu.memory_space<vmem>>
      %dma_start3A_109 = tpu.memref_squeeze %dma_start3A_108 : memref<1x80x64xf32, #tpu.memory_space<vmem>> -> memref<80x64xf32, #tpu.memory_space<vmem>>
      %dma_start3A_110 = arith.constant 0 : i32
      %dma_start3A_111 = tpu.memref_slice %arg6[%scan3A_84, %dma_start3A_110] : memref<125x80xi32, #tpu.memory_space<vmem>> -> memref<1x80xi32, #tpu.memory_space<vmem>>
      %dma_start3A_112 = tpu.memref_squeeze %dma_start3A_111 : memref<1x80xi32, #tpu.memory_space<vmem>> -> memref<80xi32, #tpu.memory_space<vmem>>
      %dma_start3A_113 = arith.constant 0 : i32
      %dma_start3A_114 = arith.constant 0 : i32
      %dma_start3A_115 = tpu.memref_slice %arg8[%dma_start3A_113, %dma_start3A_114] : memref<10000x64xf32, #tpu.memory_space<vmem_shared>> -> memref<10000x64xf32, #tpu.memory_space<vmem_shared>>
      tpu.enqueue_indirect_dma source(%dma_start3A_109 : memref<80x64xf32, #tpu.memory_space<vmem>>) target(%dma_start3A_115 : memref<10000x64xf32, #tpu.memory_space<vmem_shared>>) offsets(%dma_start3A_112 : memref<80xi32, #tpu.memory_space<vmem>>) semaphore(%arg10 : memref<!tpu.dma_semaphore, #tpu.memory_space<semaphore_mem>>) {add = true}
    }
    %scan3A_23 = arith.constant 125 : i32
    %dma_wait3A = arith.constant 0 : i32
    %dma_wait3A_24 = arith.constant 0 : i32
    %dma_wait3A_25 = arith.constant 0 : i32
    %dma_wait3A_26 = tpu.memref_slice %arg7[%dma_wait3A, %dma_wait3A_24, %dma_wait3A_25] : memref<4x80x64xf32, #tpu.memory_space<vmem>> -> memref<1x80x64xf32, #tpu.memory_space<vmem>>
    %dma_wait3A_27 = tpu.memref_squeeze %dma_wait3A_26 : memref<1x80x64xf32, #tpu.memory_space<vmem>> -> memref<80x64xf32, #tpu.memory_space<vmem>>
    %dma_wait3A_28 = arith.constant 0 : i32
    %dma_wait3A_29 = arith.constant 0 : i32
    %dma_wait3A_30 = tpu.memref_slice %arg8[%dma_wait3A_28, %dma_wait3A_29] : memref<10000x64xf32, #tpu.memory_space<vmem_shared>> -> memref<80x64xf32, #tpu.memory_space<vmem_shared>>
    %dma_wait3A_31 = arith.constant 0 : i32
    %dma_wait3A_32 = arith.constant 0 : i32
    %dma_wait3A_33 = tpu.memref_slice %arg8[%dma_wait3A_31, %dma_wait3A_32] : memref<10000x64xf32, #tpu.memory_space<vmem_shared>> -> memref<80x64xf32, #tpu.memory_space<vmem_shared>>
    %dma_wait3A_34 = arith.constant 0 : i32
    %dma_wait3A_35 = arith.constant 0 : i32
    %dma_wait3A_36 = tpu.memref_slice %arg7[%dma_wait3A, %dma_wait3A_34, %dma_wait3A_35] : memref<4x80x64xf32, #tpu.memory_space<vmem>> -> memref<1x80x64xf32, #tpu.memory_space<vmem>>
    %dma_wait3A_37 = tpu.memref_squeeze %dma_wait3A_36 : memref<1x80x64xf32, #tpu.memory_space<vmem>> -> memref<80x64xf32, #tpu.memory_space<vmem>>
    tpu.wait_dma2 semaphore(%arg10 : memref<!tpu.dma_semaphore, #tpu.memory_space<semaphore_mem>>) src(%dma_wait3A_37 : memref<80x64xf32, #tpu.memory_space<vmem>>) dst(%dma_wait3A_33 : memref<80x64xf32, #tpu.memory_space<vmem_shared>>)
    %dma_wait3A_38 = arith.constant 0 : i32
    %dma_wait3A_39 = arith.constant 0 : i32
    %dma_wait3A_40 = arith.constant 0 : i32
    %dma_wait3A_41 = tpu.memref_slice %arg7[%dma_wait3A_38, %dma_wait3A_39, %dma_wait3A_40] : memref<4x80x64xf32, #tpu.memory_space<vmem>> -> memref<1x80x64xf32, #tpu.memory_space<vmem>>
    %dma_wait3A_42 = tpu.memref_squeeze %dma_wait3A_41 : memref<1x80x64xf32, #tpu.memory_space<vmem>> -> memref<80x64xf32, #tpu.memory_space<vmem>>
    %dma_wait3A_43 = arith.constant 0 : i32
    %dma_wait3A_44 = arith.constant 0 : i32
    %dma_wait3A_45 = tpu.memref_slice %arg8[%dma_wait3A_43, %dma_wait3A_44] : memref<10000x64xf32, #tpu.memory_space<vmem_shared>> -> memref<80x64xf32, #tpu.memory_space<vmem_shared>>
    %dma_wait3A_46 = arith.constant 0 : i32
    %dma_wait3A_47 = arith.constant 0 : i32
    %dma_wait3A_48 = tpu.memref_slice %arg8[%dma_wait3A_46, %dma_wait3A_47] : memref<10000x64xf32, #tpu.memory_space<vmem_shared>> -> memref<80x64xf32, #tpu.memory_space<vmem_shared>>
    %dma_wait3A_49 = arith.constant 0 : i32
    %dma_wait3A_50 = arith.constant 0 : i32
    %dma_wait3A_51 = tpu.memref_slice %arg7[%dma_wait3A_38, %dma_wait3A_49, %dma_wait3A_50] : memref<4x80x64xf32, #tpu.memory_space<vmem>> -> memref<1x80x64xf32, #tpu.memory_space<vmem>>
    %dma_wait3A_52 = tpu.memref_squeeze %dma_wait3A_51 : memref<1x80x64xf32, #tpu.memory_space<vmem>> -> memref<80x64xf32, #tpu.memory_space<vmem>>
    tpu.wait_dma2 semaphore(%arg10 : memref<!tpu.dma_semaphore, #tpu.memory_space<semaphore_mem>>) src(%dma_wait3A_52 : memref<80x64xf32, #tpu.memory_space<vmem>>) dst(%dma_wait3A_48 : memref<80x64xf32, #tpu.memory_space<vmem_shared>>)
    %dma_wait3A_53 = arith.constant 0 : i32
    %dma_wait3A_54 = arith.constant 0 : i32
    %dma_wait3A_55 = arith.constant 0 : i32
    %dma_wait3A_56 = tpu.memref_slice %arg7[%dma_wait3A_53, %dma_wait3A_54, %dma_wait3A_55] : memref<4x80x64xf32, #tpu.memory_space<vmem>> -> memref<1x80x64xf32, #tpu.memory_space<vmem>>
    %dma_wait3A_57 = tpu.memref_squeeze %dma_wait3A_56 : memref<1x80x64xf32, #tpu.memory_space<vmem>> -> memref<80x64xf32, #tpu.memory_space<vmem>>
    %dma_wait3A_58 = arith.constant 0 : i32
    %dma_wait3A_59 = arith.constant 0 : i32
    %dma_wait3A_60 = tpu.memref_slice %arg8[%dma_wait3A_58, %dma_wait3A_59] : memref<10000x64xf32, #tpu.memory_space<vmem_shared>> -> memref<80x64xf32, #tpu.memory_space<vmem_shared>>
    %dma_wait3A_61 = arith.constant 0 : i32
    %dma_wait3A_62 = arith.constant 0 : i32
    %dma_wait3A_63 = tpu.memref_slice %arg8[%dma_wait3A_61, %dma_wait3A_62] : memref<10000x64xf32, #tpu.memory_space<vmem_shared>> -> memref<80x64xf32, #tpu.memory_space<vmem_shared>>
    %dma_wait3A_64 = arith.constant 0 : i32
    %dma_wait3A_65 = arith.constant 0 : i32
    %dma_wait3A_66 = tpu.memref_slice %arg7[%dma_wait3A_53, %dma_wait3A_64, %dma_wait3A_65] : memref<4x80x64xf32, #tpu.memory_space<vmem>> -> memref<1x80x64xf32, #tpu.memory_space<vmem>>
    %dma_wait3A_67 = tpu.memref_squeeze %dma_wait3A_66 : memref<1x80x64xf32, #tpu.memory_space<vmem>> -> memref<80x64xf32, #tpu.memory_space<vmem>>
    tpu.wait_dma2 semaphore(%arg10 : memref<!tpu.dma_semaphore, #tpu.memory_space<semaphore_mem>>) src(%dma_wait3A_67 : memref<80x64xf32, #tpu.memory_space<vmem>>) dst(%dma_wait3A_63 : memref<80x64xf32, #tpu.memory_space<vmem_shared>>)
    %dma_wait3A_68 = arith.constant 0 : i32
    %dma_wait3A_69 = arith.constant 0 : i32
    %dma_wait3A_70 = arith.constant 0 : i32
    %dma_wait3A_71 = tpu.memref_slice %arg7[%dma_wait3A_68, %dma_wait3A_69, %dma_wait3A_70] : memref<4x80x64xf32, #tpu.memory_space<vmem>> -> memref<1x80x64xf32, #tpu.memory_space<vmem>>
    %dma_wait3A_72 = tpu.memref_squeeze %dma_wait3A_71 : memref<1x80x64xf32, #tpu.memory_space<vmem>> -> memref<80x64xf32, #tpu.memory_space<vmem>>
    %dma_wait3A_73 = arith.constant 0 : i32
    %dma_wait3A_74 = arith.constant 0 : i32
    %dma_wait3A_75 = tpu.memref_slice %arg8[%dma_wait3A_73, %dma_wait3A_74] : memref<10000x64xf32, #tpu.memory_space<vmem_shared>> -> memref<80x64xf32, #tpu.memory_space<vmem_shared>>
    %dma_wait3A_76 = arith.constant 0 : i32
    %dma_wait3A_77 = arith.constant 0 : i32
    %dma_wait3A_78 = tpu.memref_slice %arg8[%dma_wait3A_76, %dma_wait3A_77] : memref<10000x64xf32, #tpu.memory_space<vmem_shared>> -> memref<80x64xf32, #tpu.memory_space<vmem_shared>>
    %dma_wait3A_79 = arith.constant 0 : i32
    %dma_wait3A_80 = arith.constant 0 : i32
    %dma_wait3A_81 = tpu.memref_slice %arg7[%dma_wait3A_68, %dma_wait3A_79, %dma_wait3A_80] : memref<4x80x64xf32, #tpu.memory_space<vmem>> -> memref<1x80x64xf32, #tpu.memory_space<vmem>>
    %dma_wait3A_82 = tpu.memref_squeeze %dma_wait3A_81 : memref<1x80x64xf32, #tpu.memory_space<vmem>> -> memref<80x64xf32, #tpu.memory_space<vmem>>
    tpu.wait_dma2 semaphore(%arg10 : memref<!tpu.dma_semaphore, #tpu.memory_space<semaphore_mem>>) src(%dma_wait3A_82 : memref<80x64xf32, #tpu.memory_space<vmem>>) dst(%dma_wait3A_78 : memref<80x64xf32, #tpu.memory_space<vmem_shared>>)
    %barrier3A_83 = arith.constant 0 : index
    tpu.barrier barrier_id(%barrier3A_83)
    "tpu.region"() ({
      %run_scoped3A = tpu.sem_alloc : memref<!tpu.dma_semaphore, #tpu.memory_space<semaphore_mem>>
      %dma_start3A_84 = arith.constant 0 : i32
      %dma_start3A_85 = tpu.memref_slice %arg5[%arg0, %mul3A_2, %dma_start3A_84] : memref<2x10000x64xf32, #tpu.memory_space<hbm>> -> memref<1x625x64xf32, #tpu.memory_space<hbm>>
      %dma_start3A_86 = tpu.memref_squeeze %dma_start3A_85 : memref<1x625x64xf32, #tpu.memory_space<hbm>> -> memref<625x64xf32, #tpu.memory_space<hbm>>
      %dma_start3A_87 = arith.constant 0 : i32
      %dma_start3A_88 = tpu.memref_slice %arg8[%mul3A_2, %dma_start3A_87] : memref<10000x64xf32, #tpu.memory_space<vmem_shared>> -> memref<625x64xf32, #tpu.memory_space<vmem_shared>>
      tpu.enqueue_dma source(%dma_start3A_88 : memref<625x64xf32, #tpu.memory_space<vmem_shared>>) target(%dma_start3A_86 : memref<625x64xf32, #tpu.memory_space<hbm>>) target_semaphore(%run_scoped3A : memref<!tpu.dma_semaphore, #tpu.memory_space<semaphore_mem>>)
      %dma_wait3A_89 = arith.constant 0 : i32
      %dma_wait3A_90 = tpu.memref_slice %arg5[%arg0, %mul3A_2, %dma_wait3A_89] : memref<2x10000x64xf32, #tpu.memory_space<hbm>> -> memref<1x625x64xf32, #tpu.memory_space<hbm>>
      %dma_wait3A_91 = tpu.memref_squeeze %dma_wait3A_90 : memref<1x625x64xf32, #tpu.memory_space<hbm>> -> memref<625x64xf32, #tpu.memory_space<hbm>>
      %dma_wait3A_92 = arith.constant 0 : i32
      %dma_wait3A_93 = tpu.memref_slice %arg8[%mul3A_2, %dma_wait3A_92] : memref<10000x64xf32, #tpu.memory_space<vmem_shared>> -> memref<625x64xf32, #tpu.memory_space<vmem_shared>>
      tpu.wait_dma2 semaphore(%run_scoped3A : memref<!tpu.dma_semaphore, #tpu.memory_space<semaphore_mem>>) src(%dma_wait3A_93 : memref<625x64xf32, #tpu.memory_space<vmem_shared>>) dst(%dma_wait3A_91 : memref<625x64xf32, #tpu.memory_space<hbm>>)
      tpu.yield
    }) : () -> ()
    return
  }
}

#map = affine_map<(d0, d1) -> (0, 0)>
#map1 = affine_map<(d0, d1) -> (0, 0, 0)>
module attributes {stable_mosaic.version = 14 : i64} {
  func.func @_gather_body(%arg0: i32, %arg1: i32, %arg2: memref<10000x64xf32, #tpu.memory_space<hbm>>, %arg3: memref<10000x64xf32, #tpu.memory_space<hbm>>, %arg4: memref<32x125x80xi32, #tpu.memory_space<hbm>>, %arg5: memref<32x125x80xi32, #tpu.memory_space<hbm>>, %arg6: memref<320000x64xf32, #tpu.memory_space<hbm>>, %arg7: memref<320000x64xf32, #tpu.memory_space<hbm>>, %arg8: memref<125x80xi32, #tpu.memory_space<vmem>>, %arg9: memref<125x80xi32, #tpu.memory_space<vmem>>, %arg10: memref<4x80x64xf32, #tpu.memory_space<vmem>>, %arg11: memref<4x80x64xf32, #tpu.memory_space<vmem>>, %arg12: memref<!tpu.dma_semaphore, #tpu.memory_space<semaphore_mem>>, %arg13: memref<!tpu.dma_semaphore, #tpu.memory_space<semaphore_mem>>, %arg14: memref<!tpu.dma_semaphore, #tpu.memory_space<semaphore_mem>>, %arg15: memref<!tpu.dma_semaphore, #tpu.memory_space<semaphore_mem>>) attributes {dimension_semantics = [#tpu.dimension_semantics<core_parallel>, #tpu.dimension_semantics<subcore_parallel>], iteration_bounds = array<i64: 2, 16>, scalar_prefetch = 0 : i64, scratch_operands = 8 : i64, tpu.core_type = #tpu.core_type<sc_vector_subcore>, window_params = [{transform_indices = #map}, {transform_indices = #map}, {transform_indices = #map1}, {transform_indices = #map1}, {transform_indices = #map}, {transform_indices = #map}]} {
    %mul3A = arith.constant 2 : i32
    %mul3A_0 = arith.muli %arg1, %mul3A : i32
    %add3A = arith.addi %mul3A_0, %arg0 : i32
    "tpu.region"() ({
      %run_scoped3A = tpu.sem_alloc : memref<!tpu.dma_semaphore, #tpu.memory_space<semaphore_mem>>
      %dma_start3A_134 = arith.constant 0 : i32
      %dma_start3A_135 = arith.constant 0 : i32
      %dma_start3A_136 = tpu.memref_slice %arg4[%add3A, %dma_start3A_134, %dma_start3A_135] : memref<32x125x80xi32, #tpu.memory_space<hbm>> -> memref<1x125x80xi32, #tpu.memory_space<hbm>>
      %dma_start3A_137 = tpu.memref_squeeze %dma_start3A_136 : memref<1x125x80xi32, #tpu.memory_space<hbm>> -> memref<125x80xi32, #tpu.memory_space<hbm>>
      %dma_start3A_138 = arith.constant 0 : i32
      %dma_start3A_139 = arith.constant 0 : i32
      %dma_start3A_140 = tpu.memref_slice %arg4[%add3A, %dma_start3A_138, %dma_start3A_139] : memref<32x125x80xi32, #tpu.memory_space<hbm>> -> memref<1x125x80xi32, #tpu.memory_space<hbm>>
      %dma_start3A_141 = tpu.memref_squeeze %dma_start3A_140 : memref<1x125x80xi32, #tpu.memory_space<hbm>> -> memref<125x80xi32, #tpu.memory_space<hbm>>
      tpu.enqueue_dma source(%dma_start3A_141 : memref<125x80xi32, #tpu.memory_space<hbm>>) target(%arg8 : memref<125x80xi32, #tpu.memory_space<vmem>>) target_semaphore(%run_scoped3A : memref<!tpu.dma_semaphore, #tpu.memory_space<semaphore_mem>>)
      %dma_wait3A_142 = arith.constant 0 : i32
      %dma_wait3A_143 = arith.constant 0 : i32
      %dma_wait3A_144 = tpu.memref_slice %arg4[%add3A, %dma_wait3A_142, %dma_wait3A_143] : memref<32x125x80xi32, #tpu.memory_space<hbm>> -> memref<1x125x80xi32, #tpu.memory_space<hbm>>
      %dma_wait3A_145 = tpu.memref_squeeze %dma_wait3A_144 : memref<1x125x80xi32, #tpu.memory_space<hbm>> -> memref<125x80xi32, #tpu.memory_space<hbm>>
      %dma_wait3A_146 = arith.constant 0 : i32
      %dma_wait3A_147 = arith.constant 0 : i32
      %dma_wait3A_148 = tpu.memref_slice %arg4[%add3A, %dma_wait3A_146, %dma_wait3A_147] : memref<32x125x80xi32, #tpu.memory_space<hbm>> -> memref<1x125x80xi32, #tpu.memory_space<hbm>>
      %dma_wait3A_149 = tpu.memref_squeeze %dma_wait3A_148 : memref<1x125x80xi32, #tpu.memory_space<hbm>> -> memref<125x80xi32, #tpu.memory_space<hbm>>
      tpu.wait_dma2 semaphore(%run_scoped3A : memref<!tpu.dma_semaphore, #tpu.memory_space<semaphore_mem>>) src(%dma_wait3A_149 : memref<125x80xi32, #tpu.memory_space<hbm>>) dst(%arg8 : memref<125x80xi32, #tpu.memory_space<vmem>>)
      tpu.yield
    }) : () -> ()
    "tpu.region"() ({
      %run_scoped3A = tpu.sem_alloc : memref<!tpu.dma_semaphore, #tpu.memory_space<semaphore_mem>>
      %dma_start3A_134 = arith.constant 0 : i32
      %dma_start3A_135 = arith.constant 0 : i32
      %dma_start3A_136 = tpu.memref_slice %arg5[%add3A, %dma_start3A_134, %dma_start3A_135] : memref<32x125x80xi32, #tpu.memory_space<hbm>> -> memref<1x125x80xi32, #tpu.memory_space<hbm>>
      %dma_start3A_137 = tpu.memref_squeeze %dma_start3A_136 : memref<1x125x80xi32, #tpu.memory_space<hbm>> -> memref<125x80xi32, #tpu.memory_space<hbm>>
      %dma_start3A_138 = arith.constant 0 : i32
      %dma_start3A_139 = arith.constant 0 : i32
      %dma_start3A_140 = tpu.memref_slice %arg5[%add3A, %dma_start3A_138, %dma_start3A_139] : memref<32x125x80xi32, #tpu.memory_space<hbm>> -> memref<1x125x80xi32, #tpu.memory_space<hbm>>
      %dma_start3A_141 = tpu.memref_squeeze %dma_start3A_140 : memref<1x125x80xi32, #tpu.memory_space<hbm>> -> memref<125x80xi32, #tpu.memory_space<hbm>>
      tpu.enqueue_dma source(%dma_start3A_141 : memref<125x80xi32, #tpu.memory_space<hbm>>) target(%arg9 : memref<125x80xi32, #tpu.memory_space<vmem>>) target_semaphore(%run_scoped3A : memref<!tpu.dma_semaphore, #tpu.memory_space<semaphore_mem>>)
      %dma_wait3A_142 = arith.constant 0 : i32
      %dma_wait3A_143 = arith.constant 0 : i32
      %dma_wait3A_144 = tpu.memref_slice %arg5[%add3A, %dma_wait3A_142, %dma_wait3A_143] : memref<32x125x80xi32, #tpu.memory_space<hbm>> -> memref<1x125x80xi32, #tpu.memory_space<hbm>>
      %dma_wait3A_145 = tpu.memref_squeeze %dma_wait3A_144 : memref<1x125x80xi32, #tpu.memory_space<hbm>> -> memref<125x80xi32, #tpu.memory_space<hbm>>
      %dma_wait3A_146 = arith.constant 0 : i32
      %dma_wait3A_147 = arith.constant 0 : i32
      %dma_wait3A_148 = tpu.memref_slice %arg5[%add3A, %dma_wait3A_146, %dma_wait3A_147] : memref<32x125x80xi32, #tpu.memory_space<hbm>> -> memref<1x125x80xi32, #tpu.memory_space<hbm>>
      %dma_wait3A_149 = tpu.memref_squeeze %dma_wait3A_148 : memref<1x125x80xi32, #tpu.memory_space<hbm>> -> memref<125x80xi32, #tpu.memory_space<hbm>>
      tpu.wait_dma2 semaphore(%run_scoped3A : memref<!tpu.dma_semaphore, #tpu.memory_space<semaphore_mem>>) src(%dma_wait3A_149 : memref<125x80xi32, #tpu.memory_space<hbm>>) dst(%arg9 : memref<125x80xi32, #tpu.memory_space<vmem>>)
      tpu.yield
    }) : () -> ()
    %mul3A_1 = arith.constant 10000 : i32
    %mul3A_2 = arith.muli %add3A, %mul3A_1 : i32
    %dma_start3A = arith.constant 0 : i32
    %dma_start3A_3 = arith.constant 0 : i32
    %dma_start3A_4 = arith.constant 0 : i32
    %dma_start3A_5 = arith.constant 0 : i32
    %dma_start3A_6 = tpu.memref_slice %arg10[%dma_start3A_3, %dma_start3A_4, %dma_start3A_5] : memref<4x80x64xf32, #tpu.memory_space<vmem>> -> memref<1x80x64xf32, #tpu.memory_space<vmem>>
    %dma_start3A_7 = tpu.memref_squeeze %dma_start3A_6 : memref<1x80x64xf32, #tpu.memory_space<vmem>> -> memref<80x64xf32, #tpu.memory_space<vmem>>
    %dma_start3A_8 = arith.constant 0 : i32
    %dma_start3A_9 = tpu.memref_slice %arg8[%dma_start3A, %dma_start3A_8] : memref<125x80xi32, #tpu.memory_space<vmem>> -> memref<1x80xi32, #tpu.memory_space<vmem>>
    %dma_start3A_10 = tpu.memref_squeeze %dma_start3A_9 : memref<1x80xi32, #tpu.memory_space<vmem>> -> memref<80xi32, #tpu.memory_space<vmem>>
    %dma_start3A_11 = arith.constant 0 : i32
    %dma_start3A_12 = arith.constant 0 : i32
    %dma_start3A_13 = tpu.memref_slice %arg2[%dma_start3A_11, %dma_start3A_12] : memref<10000x64xf32, #tpu.memory_space<hbm>> -> memref<10000x64xf32, #tpu.memory_space<hbm>>
    tpu.enqueue_indirect_dma source(%dma_start3A_13 : memref<10000x64xf32, #tpu.memory_space<hbm>>) target(%dma_start3A_7 : memref<80x64xf32, #tpu.memory_space<vmem>>) offsets(%dma_start3A_10 : memref<80xi32, #tpu.memory_space<vmem>>) semaphore(%arg12 : memref<!tpu.dma_semaphore, #tpu.memory_space<semaphore_mem>>)
    %dma_start3A_14 = arith.constant 0 : i32
    %dma_start3A_15 = arith.constant 0 : i32
    %dma_start3A_16 = arith.constant 0 : i32
    %dma_start3A_17 = arith.constant 0 : i32
    %dma_start3A_18 = tpu.memref_slice %arg11[%dma_start3A_15, %dma_start3A_16, %dma_start3A_17] : memref<4x80x64xf32, #tpu.memory_space<vmem>> -> memref<1x80x64xf32, #tpu.memory_space<vmem>>
    %dma_start3A_19 = tpu.memref_squeeze %dma_start3A_18 : memref<1x80x64xf32, #tpu.memory_space<vmem>> -> memref<80x64xf32, #tpu.memory_space<vmem>>
    %dma_start3A_20 = arith.constant 0 : i32
    %dma_start3A_21 = tpu.memref_slice %arg9[%dma_start3A_14, %dma_start3A_20] : memref<125x80xi32, #tpu.memory_space<vmem>> -> memref<1x80xi32, #tpu.memory_space<vmem>>
    %dma_start3A_22 = tpu.memref_squeeze %dma_start3A_21 : memref<1x80xi32, #tpu.memory_space<vmem>> -> memref<80xi32, #tpu.memory_space<vmem>>
    %dma_start3A_23 = arith.constant 0 : i32
    %dma_start3A_24 = arith.constant 0 : i32
    %dma_start3A_25 = tpu.memref_slice %arg3[%dma_start3A_23, %dma_start3A_24] : memref<10000x64xf32, #tpu.memory_space<hbm>> -> memref<10000x64xf32, #tpu.memory_space<hbm>>
    tpu.enqueue_indirect_dma source(%dma_start3A_25 : memref<10000x64xf32, #tpu.memory_space<hbm>>) target(%dma_start3A_19 : memref<80x64xf32, #tpu.memory_space<vmem>>) offsets(%dma_start3A_22 : memref<80xi32, #tpu.memory_space<vmem>>) semaphore(%arg13 : memref<!tpu.dma_semaphore, #tpu.memory_space<semaphore_mem>>)
    %scan3A = arith.constant 0 : i32
    %scan3A_26 = arith.constant 0 : i32
    %scan3A_27 = arith.constant 125 : i32
    %scan3A_28 = arith.addi %scan3A_26, %scan3A_27 : i32
    %scan3A_29 = arith.constant 1 : i32
    scf.for %scan3A_134 = %scan3A_26 to %scan3A_28 step %scan3A_29  : i32 {
      %rem3A = arith.constant 4 : i32
      %rem3A_135 = arith.remsi %scan3A_134, %rem3A : i32
      %add3A_136 = arith.constant 1 : i32
      %add3A_137 = arith.addi %scan3A_134, %add3A_136 : i32
      %rem3A_138 = arith.constant 4 : i32
      %rem3A_139 = arith.remsi %add3A_137, %rem3A_138 : i32
      %add3A_140 = arith.constant 1 : i32
      %add3A_141 = arith.addi %scan3A_134, %add3A_140 : i32
      %lt3A = arith.constant 125 : i32
      %lt3A_142 = arith.cmpi slt, %add3A_141, %lt3A : i32
      %convert_element_type3A = arith.extui %lt3A_142 : i1 to i32
      %cond3A = arith.constant 0 : i32
      %cond3A_143 = arith.cmpi ne, %convert_element_type3A, %cond3A : i32
      scf.if %cond3A_143 {
        %add3A_199 = arith.constant 1 : i32
        %add3A_200 = arith.addi %scan3A_134, %add3A_199 : i32
        %ge3A = arith.constant 4 : i32
        %ge3A_201 = arith.cmpi sge, %add3A_200, %ge3A : i32
        %convert_element_type3A_202 = arith.extui %ge3A_201 : i1 to i32
        %cond3A_203 = arith.constant 0 : i32
        %cond3A_204 = arith.cmpi ne, %convert_element_type3A_202, %cond3A_203 : i32
        scf.if %cond3A_204 {
          %dma_wait3A_227 = arith.constant 0 : i32
          %dma_wait3A_228 = arith.constant 0 : i32
          %dma_wait3A_229 = tpu.memref_slice %arg10[%rem3A_139, %dma_wait3A_227, %dma_wait3A_228] : memref<4x80x64xf32, #tpu.memory_space<vmem>> -> memref<1x80x64xf32, #tpu.memory_space<vmem>>
          %dma_wait3A_230 = tpu.memref_squeeze %dma_wait3A_229 : memref<1x80x64xf32, #tpu.memory_space<vmem>> -> memref<80x64xf32, #tpu.memory_space<vmem>>
          %dma_wait3A_231 = arith.constant 0 : i32
          %dma_wait3A_232 = tpu.memref_slice %arg6[%mul3A_2, %dma_wait3A_231] : memref<320000x64xf32, #tpu.memory_space<hbm>> -> memref<80x64xf32, #tpu.memory_space<hbm>>
          %dma_wait3A_233 = arith.constant 0 : i32
          %dma_wait3A_234 = tpu.memref_slice %arg6[%mul3A_2, %dma_wait3A_233] : memref<320000x64xf32, #tpu.memory_space<hbm>> -> memref<80x64xf32, #tpu.memory_space<hbm>>
          %dma_wait3A_235 = arith.constant 0 : i32
          %dma_wait3A_236 = arith.constant 0 : i32
          %dma_wait3A_237 = tpu.memref_slice %arg10[%rem3A_139, %dma_wait3A_235, %dma_wait3A_236] : memref<4x80x64xf32, #tpu.memory_space<vmem>> -> memref<1x80x64xf32, #tpu.memory_space<vmem>>
          %dma_wait3A_238 = tpu.memref_squeeze %dma_wait3A_237 : memref<1x80x64xf32, #tpu.memory_space<vmem>> -> memref<80x64xf32, #tpu.memory_space<vmem>>
          tpu.wait_dma2 semaphore(%arg14 : memref<!tpu.dma_semaphore, #tpu.memory_space<semaphore_mem>>) src(%dma_wait3A_238 : memref<80x64xf32, #tpu.memory_space<vmem>>) dst(%dma_wait3A_234 : memref<80x64xf32, #tpu.memory_space<hbm>>)
          %dma_wait3A_239 = arith.constant 0 : i32
          %dma_wait3A_240 = arith.constant 0 : i32
          %dma_wait3A_241 = tpu.memref_slice %arg11[%rem3A_139, %dma_wait3A_239, %dma_wait3A_240] : memref<4x80x64xf32, #tpu.memory_space<vmem>> -> memref<1x80x64xf32, #tpu.memory_space<vmem>>
          %dma_wait3A_242 = tpu.memref_squeeze %dma_wait3A_241 : memref<1x80x64xf32, #tpu.memory_space<vmem>> -> memref<80x64xf32, #tpu.memory_space<vmem>>
          %dma_wait3A_243 = arith.constant 0 : i32
          %dma_wait3A_244 = tpu.memref_slice %arg7[%mul3A_2, %dma_wait3A_243] : memref<320000x64xf32, #tpu.memory_space<hbm>> -> memref<80x64xf32, #tpu.memory_space<hbm>>
          %dma_wait3A_245 = arith.constant 0 : i32
          %dma_wait3A_246 = tpu.memref_slice %arg7[%mul3A_2, %dma_wait3A_245] : memref<320000x64xf32, #tpu.memory_space<hbm>> -> memref<80x64xf32, #tpu.memory_space<hbm>>
          %dma_wait3A_247 = arith.constant 0 : i32
          %dma_wait3A_248 = arith.constant 0 : i32
          %dma_wait3A_249 = tpu.memref_slice %arg11[%rem3A_139, %dma_wait3A_247, %dma_wait3A_248] : memref<4x80x64xf32, #tpu.memory_space<vmem>> -> memref<1x80x64xf32, #tpu.memory_space<vmem>>
          %dma_wait3A_250 = tpu.memref_squeeze %dma_wait3A_249 : memref<1x80x64xf32, #tpu.memory_space<vmem>> -> memref<80x64xf32, #tpu.memory_space<vmem>>
          tpu.wait_dma2 semaphore(%arg15 : memref<!tpu.dma_semaphore, #tpu.memory_space<semaphore_mem>>) src(%dma_wait3A_250 : memref<80x64xf32, #tpu.memory_space<vmem>>) dst(%dma_wait3A_246 : memref<80x64xf32, #tpu.memory_space<hbm>>)
        } else {
        }
        %add3A_205 = arith.constant 1 : i32
        %add3A_206 = arith.addi %scan3A_134, %add3A_205 : i32
        %dma_start3A_207 = arith.constant 0 : i32
        %dma_start3A_208 = arith.constant 0 : i32
        %dma_start3A_209 = tpu.memref_slice %arg10[%rem3A_139, %dma_start3A_207, %dma_start3A_208] : memref<4x80x64xf32, #tpu.memory_space<vmem>> -> memref<1x80x64xf32, #tpu.memory_space<vmem>>
        %dma_start3A_210 = tpu.memref_squeeze %dma_start3A_209 : memref<1x80x64xf32, #tpu.memory_space<vmem>> -> memref<80x64xf32, #tpu.memory_space<vmem>>
        %dma_start3A_211 = arith.constant 0 : i32
        %dma_start3A_212 = tpu.memref_slice %arg8[%add3A_206, %dma_start3A_211] : memref<125x80xi32, #tpu.memory_space<vmem>> -> memref<1x80xi32, #tpu.memory_space<vmem>>
        %dma_start3A_213 = tpu.memref_squeeze %dma_start3A_212 : memref<1x80xi32, #tpu.memory_space<vmem>> -> memref<80xi32, #tpu.memory_space<vmem>>
        %dma_start3A_214 = arith.constant 0 : i32
        %dma_start3A_215 = arith.constant 0 : i32
        %dma_start3A_216 = tpu.memref_slice %arg2[%dma_start3A_214, %dma_start3A_215] : memref<10000x64xf32, #tpu.memory_space<hbm>> -> memref<10000x64xf32, #tpu.memory_space<hbm>>
        tpu.enqueue_indirect_dma source(%dma_start3A_216 : memref<10000x64xf32, #tpu.memory_space<hbm>>) target(%dma_start3A_210 : memref<80x64xf32, #tpu.memory_space<vmem>>) offsets(%dma_start3A_213 : memref<80xi32, #tpu.memory_space<vmem>>) semaphore(%arg12 : memref<!tpu.dma_semaphore, #tpu.memory_space<semaphore_mem>>)
        %dma_start3A_217 = arith.constant 0 : i32
        %dma_start3A_218 = arith.constant 0 : i32
        %dma_start3A_219 = tpu.memref_slice %arg11[%rem3A_139, %dma_start3A_217, %dma_start3A_218] : memref<4x80x64xf32, #tpu.memory_space<vmem>> -> memref<1x80x64xf32, #tpu.memory_space<vmem>>
        %dma_start3A_220 = tpu.memref_squeeze %dma_start3A_219 : memref<1x80x64xf32, #tpu.memory_space<vmem>> -> memref<80x64xf32, #tpu.memory_space<vmem>>
        %dma_start3A_221 = arith.constant 0 : i32
        %dma_start3A_222 = tpu.memref_slice %arg9[%add3A_206, %dma_start3A_221] : memref<125x80xi32, #tpu.memory_space<vmem>> -> memref<1x80xi32, #tpu.memory_space<vmem>>
        %dma_start3A_223 = tpu.memref_squeeze %dma_start3A_222 : memref<1x80xi32, #tpu.memory_space<vmem>> -> memref<80xi32, #tpu.memory_space<vmem>>
        %dma_start3A_224 = arith.constant 0 : i32
        %dma_start3A_225 = arith.constant 0 : i32
        %dma_start3A_226 = tpu.memref_slice %arg3[%dma_start3A_224, %dma_start3A_225] : memref<10000x64xf32, #tpu.memory_space<hbm>> -> memref<10000x64xf32, #tpu.memory_space<hbm>>
        tpu.enqueue_indirect_dma source(%dma_start3A_226 : memref<10000x64xf32, #tpu.memory_space<hbm>>) target(%dma_start3A_220 : memref<80x64xf32, #tpu.memory_space<vmem>>) offsets(%dma_start3A_223 : memref<80xi32, #tpu.memory_space<vmem>>) semaphore(%arg13 : memref<!tpu.dma_semaphore, #tpu.memory_space<semaphore_mem>>)
      } else {
      }
      %dma_wait3A_144 = arith.constant 0 : i32
      %dma_wait3A_145 = arith.constant 0 : i32
      %dma_wait3A_146 = tpu.memref_slice %arg10[%rem3A_135, %dma_wait3A_144, %dma_wait3A_145] : memref<4x80x64xf32, #tpu.memory_space<vmem>> -> memref<1x80x64xf32, #tpu.memory_space<vmem>>
      %dma_wait3A_147 = tpu.memref_squeeze %dma_wait3A_146 : memref<1x80x64xf32, #tpu.memory_space<vmem>> -> memref<80x64xf32, #tpu.memory_space<vmem>>
      %dma_wait3A_148 = arith.constant 0 : i32
      %dma_wait3A_149 = arith.constant 0 : i32
      %dma_wait3A_150 = tpu.memref_slice %arg2[%dma_wait3A_148, %dma_wait3A_149] : memref<10000x64xf32, #tpu.memory_space<hbm>> -> memref<80x64xf32, #tpu.memory_space<hbm>>
      %dma_wait3A_151 = arith.constant 0 : i32
      %dma_wait3A_152 = arith.constant 0 : i32
      %dma_wait3A_153 = tpu.memref_slice %arg10[%rem3A_135, %dma_wait3A_151, %dma_wait3A_152] : memref<4x80x64xf32, #tpu.memory_space<vmem>> -> memref<1x80x64xf32, #tpu.memory_space<vmem>>
      %dma_wait3A_154 = tpu.memref_squeeze %dma_wait3A_153 : memref<1x80x64xf32, #tpu.memory_space<vmem>> -> memref<80x64xf32, #tpu.memory_space<vmem>>
      %dma_wait3A_155 = arith.constant 0 : i32
      %dma_wait3A_156 = arith.constant 0 : i32
      %dma_wait3A_157 = tpu.memref_slice %arg2[%dma_wait3A_155, %dma_wait3A_156] : memref<10000x64xf32, #tpu.memory_space<hbm>> -> memref<80x64xf32, #tpu.memory_space<hbm>>
      tpu.wait_dma2 semaphore(%arg12 : memref<!tpu.dma_semaphore, #tpu.memory_space<semaphore_mem>>) src(%dma_wait3A_157 : memref<80x64xf32, #tpu.memory_space<hbm>>) dst(%dma_wait3A_154 : memref<80x64xf32, #tpu.memory_space<vmem>>)
      %dma_wait3A_158 = arith.constant 0 : i32
      %dma_wait3A_159 = arith.constant 0 : i32
      %dma_wait3A_160 = tpu.memref_slice %arg11[%rem3A_135, %dma_wait3A_158, %dma_wait3A_159] : memref<4x80x64xf32, #tpu.memory_space<vmem>> -> memref<1x80x64xf32, #tpu.memory_space<vmem>>
      %dma_wait3A_161 = tpu.memref_squeeze %dma_wait3A_160 : memref<1x80x64xf32, #tpu.memory_space<vmem>> -> memref<80x64xf32, #tpu.memory_space<vmem>>
      %dma_wait3A_162 = arith.constant 0 : i32
      %dma_wait3A_163 = arith.constant 0 : i32
      %dma_wait3A_164 = tpu.memref_slice %arg3[%dma_wait3A_162, %dma_wait3A_163] : memref<10000x64xf32, #tpu.memory_space<hbm>> -> memref<80x64xf32, #tpu.memory_space<hbm>>
      %dma_wait3A_165 = arith.constant 0 : i32
      %dma_wait3A_166 = arith.constant 0 : i32
      %dma_wait3A_167 = tpu.memref_slice %arg11[%rem3A_135, %dma_wait3A_165, %dma_wait3A_166] : memref<4x80x64xf32, #tpu.memory_space<vmem>> -> memref<1x80x64xf32, #tpu.memory_space<vmem>>
      %dma_wait3A_168 = tpu.memref_squeeze %dma_wait3A_167 : memref<1x80x64xf32, #tpu.memory_space<vmem>> -> memref<80x64xf32, #tpu.memory_space<vmem>>
      %dma_wait3A_169 = arith.constant 0 : i32
      %dma_wait3A_170 = arith.constant 0 : i32
      %dma_wait3A_171 = tpu.memref_slice %arg3[%dma_wait3A_169, %dma_wait3A_170] : memref<10000x64xf32, #tpu.memory_space<hbm>> -> memref<80x64xf32, #tpu.memory_space<hbm>>
      tpu.wait_dma2 semaphore(%arg13 : memref<!tpu.dma_semaphore, #tpu.memory_space<semaphore_mem>>) src(%dma_wait3A_171 : memref<80x64xf32, #tpu.memory_space<hbm>>) dst(%dma_wait3A_168 : memref<80x64xf32, #tpu.memory_space<vmem>>)
      %mul3A_172 = arith.constant 80 : i32
      %mul3A_173 = arith.muli %scan3A_134, %mul3A_172 : i32
      %add3A_174 = arith.addi %mul3A_2, %mul3A_173 : i32
      %dma_start3A_175 = arith.constant 0 : i32
      %dma_start3A_176 = arith.constant 0 : i32
      %dma_start3A_177 = tpu.memref_slice %arg10[%rem3A_135, %dma_start3A_175, %dma_start3A_176] : memref<4x80x64xf32, #tpu.memory_space<vmem>> -> memref<1x80x64xf32, #tpu.memory_space<vmem>>
      %dma_start3A_178 = tpu.memref_squeeze %dma_start3A_177 : memref<1x80x64xf32, #tpu.memory_space<vmem>> -> memref<80x64xf32, #tpu.memory_space<vmem>>
      %dma_start3A_179 = arith.constant 0 : i32
      %dma_start3A_180 = tpu.memref_slice %arg6[%add3A_174, %dma_start3A_179] : memref<320000x64xf32, #tpu.memory_space<hbm>> -> memref<80x64xf32, #tpu.memory_space<hbm>>
      %dma_start3A_181 = arith.constant 0 : i32
      %dma_start3A_182 = tpu.memref_slice %arg6[%add3A_174, %dma_start3A_181] : memref<320000x64xf32, #tpu.memory_space<hbm>> -> memref<80x64xf32, #tpu.memory_space<hbm>>
      %dma_start3A_183 = arith.constant 0 : i32
      %dma_start3A_184 = arith.constant 0 : i32
      %dma_start3A_185 = tpu.memref_slice %arg10[%rem3A_135, %dma_start3A_183, %dma_start3A_184] : memref<4x80x64xf32, #tpu.memory_space<vmem>> -> memref<1x80x64xf32, #tpu.memory_space<vmem>>
      %dma_start3A_186 = tpu.memref_squeeze %dma_start3A_185 : memref<1x80x64xf32, #tpu.memory_space<vmem>> -> memref<80x64xf32, #tpu.memory_space<vmem>>
      tpu.enqueue_dma source(%dma_start3A_186 : memref<80x64xf32, #tpu.memory_space<vmem>>) target(%dma_start3A_182 : memref<80x64xf32, #tpu.memory_space<hbm>>) target_semaphore(%arg14 : memref<!tpu.dma_semaphore, #tpu.memory_space<semaphore_mem>>)
      %dma_start3A_187 = arith.constant 0 : i32
      %dma_start3A_188 = arith.constant 0 : i32
      %dma_start3A_189 = tpu.memref_slice %arg11[%rem3A_135, %dma_start3A_187, %dma_start3A_188] : memref<4x80x64xf32, #tpu.memory_space<vmem>> -> memref<1x80x64xf32, #tpu.memory_space<vmem>>
      %dma_start3A_190 = tpu.memref_squeeze %dma_start3A_189 : memref<1x80x64xf32, #tpu.memory_space<vmem>> -> memref<80x64xf32, #tpu.memory_space<vmem>>
      %dma_start3A_191 = arith.constant 0 : i32
      %dma_start3A_192 = tpu.memref_slice %arg7[%add3A_174, %dma_start3A_191] : memref<320000x64xf32, #tpu.memory_space<hbm>> -> memref<80x64xf32, #tpu.memory_space<hbm>>
      %dma_start3A_193 = arith.constant 0 : i32
      %dma_start3A_194 = tpu.memref_slice %arg7[%add3A_174, %dma_start3A_193] : memref<320000x64xf32, #tpu.memory_space<hbm>> -> memref<80x64xf32, #tpu.memory_space<hbm>>
      %dma_start3A_195 = arith.constant 0 : i32
      %dma_start3A_196 = arith.constant 0 : i32
      %dma_start3A_197 = tpu.memref_slice %arg11[%rem3A_135, %dma_start3A_195, %dma_start3A_196] : memref<4x80x64xf32, #tpu.memory_space<vmem>> -> memref<1x80x64xf32, #tpu.memory_space<vmem>>
      %dma_start3A_198 = tpu.memref_squeeze %dma_start3A_197 : memref<1x80x64xf32, #tpu.memory_space<vmem>> -> memref<80x64xf32, #tpu.memory_space<vmem>>
      tpu.enqueue_dma source(%dma_start3A_198 : memref<80x64xf32, #tpu.memory_space<vmem>>) target(%dma_start3A_194 : memref<80x64xf32, #tpu.memory_space<hbm>>) target_semaphore(%arg15 : memref<!tpu.dma_semaphore, #tpu.memory_space<semaphore_mem>>)
    }
    %scan3A_30 = arith.constant 125 : i32
    %dma_wait3A = arith.constant 0 : i32
    %dma_wait3A_31 = arith.constant 0 : i32
    %dma_wait3A_32 = arith.constant 0 : i32
    %dma_wait3A_33 = tpu.memref_slice %arg10[%dma_wait3A, %dma_wait3A_31, %dma_wait3A_32] : memref<4x80x64xf32, #tpu.memory_space<vmem>> -> memref<1x80x64xf32, #tpu.memory_space<vmem>>
    %dma_wait3A_34 = tpu.memref_squeeze %dma_wait3A_33 : memref<1x80x64xf32, #tpu.memory_space<vmem>> -> memref<80x64xf32, #tpu.memory_space<vmem>>
    %dma_wait3A_35 = arith.constant 0 : i32
    %dma_wait3A_36 = tpu.memref_slice %arg6[%mul3A_2, %dma_wait3A_35] : memref<320000x64xf32, #tpu.memory_space<hbm>> -> memref<80x64xf32, #tpu.memory_space<hbm>>
    %dma_wait3A_37 = arith.constant 0 : i32
    %dma_wait3A_38 = tpu.memref_slice %arg6[%mul3A_2, %dma_wait3A_37] : memref<320000x64xf32, #tpu.memory_space<hbm>> -> memref<80x64xf32, #tpu.memory_space<hbm>>
    %dma_wait3A_39 = arith.constant 0 : i32
    %dma_wait3A_40 = arith.constant 0 : i32
    %dma_wait3A_41 = tpu.memref_slice %arg10[%dma_wait3A, %dma_wait3A_39, %dma_wait3A_40] : memref<4x80x64xf32, #tpu.memory_space<vmem>> -> memref<1x80x64xf32, #tpu.memory_space<vmem>>
    %dma_wait3A_42 = tpu.memref_squeeze %dma_wait3A_41 : memref<1x80x64xf32, #tpu.memory_space<vmem>> -> memref<80x64xf32, #tpu.memory_space<vmem>>
    tpu.wait_dma2 semaphore(%arg14 : memref<!tpu.dma_semaphore, #tpu.memory_space<semaphore_mem>>) src(%dma_wait3A_42 : memref<80x64xf32, #tpu.memory_space<vmem>>) dst(%dma_wait3A_38 : memref<80x64xf32, #tpu.memory_space<hbm>>)
    %dma_wait3A_43 = arith.constant 0 : i32
    %dma_wait3A_44 = arith.constant 0 : i32
    %dma_wait3A_45 = arith.constant 0 : i32
    %dma_wait3A_46 = tpu.memref_slice %arg11[%dma_wait3A_43, %dma_wait3A_44, %dma_wait3A_45] : memref<4x80x64xf32, #tpu.memory_space<vmem>> -> memref<1x80x64xf32, #tpu.memory_space<vmem>>
    %dma_wait3A_47 = tpu.memref_squeeze %dma_wait3A_46 : memref<1x80x64xf32, #tpu.memory_space<vmem>> -> memref<80x64xf32, #tpu.memory_space<vmem>>
    %dma_wait3A_48 = arith.constant 0 : i32
    %dma_wait3A_49 = tpu.memref_slice %arg7[%mul3A_2, %dma_wait3A_48] : memref<320000x64xf32, #tpu.memory_space<hbm>> -> memref<80x64xf32, #tpu.memory_space<hbm>>
    %dma_wait3A_50 = arith.constant 0 : i32
    %dma_wait3A_51 = tpu.memref_slice %arg7[%mul3A_2, %dma_wait3A_50] : memref<320000x64xf32, #tpu.memory_space<hbm>> -> memref<80x64xf32, #tpu.memory_space<hbm>>
    %dma_wait3A_52 = arith.constant 0 : i32
    %dma_wait3A_53 = arith.constant 0 : i32
    %dma_wait3A_54 = tpu.memref_slice %arg11[%dma_wait3A_43, %dma_wait3A_52, %dma_wait3A_53] : memref<4x80x64xf32, #tpu.memory_space<vmem>> -> memref<1x80x64xf32, #tpu.memory_space<vmem>>
    %dma_wait3A_55 = tpu.memref_squeeze %dma_wait3A_54 : memref<1x80x64xf32, #tpu.memory_space<vmem>> -> memref<80x64xf32, #tpu.memory_space<vmem>>
    tpu.wait_dma2 semaphore(%arg15 : memref<!tpu.dma_semaphore, #tpu.memory_space<semaphore_mem>>) src(%dma_wait3A_55 : memref<80x64xf32, #tpu.memory_space<vmem>>) dst(%dma_wait3A_51 : memref<80x64xf32, #tpu.memory_space<hbm>>)
    %dma_wait3A_56 = arith.constant 0 : i32
    %dma_wait3A_57 = arith.constant 0 : i32
    %dma_wait3A_58 = arith.constant 0 : i32
    %dma_wait3A_59 = tpu.memref_slice %arg10[%dma_wait3A_56, %dma_wait3A_57, %dma_wait3A_58] : memref<4x80x64xf32, #tpu.memory_space<vmem>> -> memref<1x80x64xf32, #tpu.memory_space<vmem>>
    %dma_wait3A_60 = tpu.memref_squeeze %dma_wait3A_59 : memref<1x80x64xf32, #tpu.memory_space<vmem>> -> memref<80x64xf32, #tpu.memory_space<vmem>>
    %dma_wait3A_61 = arith.constant 0 : i32
    %dma_wait3A_62 = tpu.memref_slice %arg6[%mul3A_2, %dma_wait3A_61] : memref<320000x64xf32, #tpu.memory_space<hbm>> -> memref<80x64xf32, #tpu.memory_space<hbm>>
    %dma_wait3A_63 = arith.constant 0 : i32
    %dma_wait3A_64 = tpu.memref_slice %arg6[%mul3A_2, %dma_wait3A_63] : memref<320000x64xf32, #tpu.memory_space<hbm>> -> memref<80x64xf32, #tpu.memory_space<hbm>>
    %dma_wait3A_65 = arith.constant 0 : i32
    %dma_wait3A_66 = arith.constant 0 : i32
    %dma_wait3A_67 = tpu.memref_slice %arg10[%dma_wait3A_56, %dma_wait3A_65, %dma_wait3A_66] : memref<4x80x64xf32, #tpu.memory_space<vmem>> -> memref<1x80x64xf32, #tpu.memory_space<vmem>>
    %dma_wait3A_68 = tpu.memref_squeeze %dma_wait3A_67 : memref<1x80x64xf32, #tpu.memory_space<vmem>> -> memref<80x64xf32, #tpu.memory_space<vmem>>
    tpu.wait_dma2 semaphore(%arg14 : memref<!tpu.dma_semaphore, #tpu.memory_space<semaphore_mem>>) src(%dma_wait3A_68 : memref<80x64xf32, #tpu.memory_space<vmem>>) dst(%dma_wait3A_64 : memref<80x64xf32, #tpu.memory_space<hbm>>)
    %dma_wait3A_69 = arith.constant 0 : i32
    %dma_wait3A_70 = arith.constant 0 : i32
    %dma_wait3A_71 = arith.constant 0 : i32
    %dma_wait3A_72 = tpu.memref_slice %arg11[%dma_wait3A_69, %dma_wait3A_70, %dma_wait3A_71] : memref<4x80x64xf32, #tpu.memory_space<vmem>> -> memref<1x80x64xf32, #tpu.memory_space<vmem>>
    %dma_wait3A_73 = tpu.memref_squeeze %dma_wait3A_72 : memref<1x80x64xf32, #tpu.memory_space<vmem>> -> memref<80x64xf32, #tpu.memory_space<vmem>>
    %dma_wait3A_74 = arith.constant 0 : i32
    %dma_wait3A_75 = tpu.memref_slice %arg7[%mul3A_2, %dma_wait3A_74] : memref<320000x64xf32, #tpu.memory_space<hbm>> -> memref<80x64xf32, #tpu.memory_space<hbm>>
    %dma_wait3A_76 = arith.constant 0 : i32
    %dma_wait3A_77 = tpu.memref_slice %arg7[%mul3A_2, %dma_wait3A_76] : memref<320000x64xf32, #tpu.memory_space<hbm>> -> memref<80x64xf32, #tpu.memory_space<hbm>>
    %dma_wait3A_78 = arith.constant 0 : i32
    %dma_wait3A_79 = arith.constant 0 : i32
    %dma_wait3A_80 = tpu.memref_slice %arg11[%dma_wait3A_69, %dma_wait3A_78, %dma_wait3A_79] : memref<4x80x64xf32, #tpu.memory_space<vmem>> -> memref<1x80x64xf32, #tpu.memory_space<vmem>>
    %dma_wait3A_81 = tpu.memref_squeeze %dma_wait3A_80 : memref<1x80x64xf32, #tpu.memory_space<vmem>> -> memref<80x64xf32, #tpu.memory_space<vmem>>
    tpu.wait_dma2 semaphore(%arg15 : memref<!tpu.dma_semaphore, #tpu.memory_space<semaphore_mem>>) src(%dma_wait3A_81 : memref<80x64xf32, #tpu.memory_space<vmem>>) dst(%dma_wait3A_77 : memref<80x64xf32, #tpu.memory_space<hbm>>)
    %dma_wait3A_82 = arith.constant 0 : i32
    %dma_wait3A_83 = arith.constant 0 : i32
    %dma_wait3A_84 = arith.constant 0 : i32
    %dma_wait3A_85 = tpu.memref_slice %arg10[%dma_wait3A_82, %dma_wait3A_83, %dma_wait3A_84] : memref<4x80x64xf32, #tpu.memory_space<vmem>> -> memref<1x80x64xf32, #tpu.memory_space<vmem>>
    %dma_wait3A_86 = tpu.memref_squeeze %dma_wait3A_85 : memref<1x80x64xf32, #tpu.memory_space<vmem>> -> memref<80x64xf32, #tpu.memory_space<vmem>>
    %dma_wait3A_87 = arith.constant 0 : i32
    %dma_wait3A_88 = tpu.memref_slice %arg6[%mul3A_2, %dma_wait3A_87] : memref<320000x64xf32, #tpu.memory_space<hbm>> -> memref<80x64xf32, #tpu.memory_space<hbm>>
    %dma_wait3A_89 = arith.constant 0 : i32
    %dma_wait3A_90 = tpu.memref_slice %arg6[%mul3A_2, %dma_wait3A_89] : memref<320000x64xf32, #tpu.memory_space<hbm>> -> memref<80x64xf32, #tpu.memory_space<hbm>>
    %dma_wait3A_91 = arith.constant 0 : i32
    %dma_wait3A_92 = arith.constant 0 : i32
    %dma_wait3A_93 = tpu.memref_slice %arg10[%dma_wait3A_82, %dma_wait3A_91, %dma_wait3A_92] : memref<4x80x64xf32, #tpu.memory_space<vmem>> -> memref<1x80x64xf32, #tpu.memory_space<vmem>>
    %dma_wait3A_94 = tpu.memref_squeeze %dma_wait3A_93 : memref<1x80x64xf32, #tpu.memory_space<vmem>> -> memref<80x64xf32, #tpu.memory_space<vmem>>
    tpu.wait_dma2 semaphore(%arg14 : memref<!tpu.dma_semaphore, #tpu.memory_space<semaphore_mem>>) src(%dma_wait3A_94 : memref<80x64xf32, #tpu.memory_space<vmem>>) dst(%dma_wait3A_90 : memref<80x64xf32, #tpu.memory_space<hbm>>)
    %dma_wait3A_95 = arith.constant 0 : i32
    %dma_wait3A_96 = arith.constant 0 : i32
    %dma_wait3A_97 = arith.constant 0 : i32
    %dma_wait3A_98 = tpu.memref_slice %arg11[%dma_wait3A_95, %dma_wait3A_96, %dma_wait3A_97] : memref<4x80x64xf32, #tpu.memory_space<vmem>> -> memref<1x80x64xf32, #tpu.memory_space<vmem>>
    %dma_wait3A_99 = tpu.memref_squeeze %dma_wait3A_98 : memref<1x80x64xf32, #tpu.memory_space<vmem>> -> memref<80x64xf32, #tpu.memory_space<vmem>>
    %dma_wait3A_100 = arith.constant 0 : i32
    %dma_wait3A_101 = tpu.memref_slice %arg7[%mul3A_2, %dma_wait3A_100] : memref<320000x64xf32, #tpu.memory_space<hbm>> -> memref<80x64xf32, #tpu.memory_space<hbm>>
    %dma_wait3A_102 = arith.constant 0 : i32
    %dma_wait3A_103 = tpu.memref_slice %arg7[%mul3A_2, %dma_wait3A_102] : memref<320000x64xf32, #tpu.memory_space<hbm>> -> memref<80x64xf32, #tpu.memory_space<hbm>>
    %dma_wait3A_104 = arith.constant 0 : i32
    %dma_wait3A_105 = arith.constant 0 : i32
    %dma_wait3A_106 = tpu.memref_slice %arg11[%dma_wait3A_95, %dma_wait3A_104, %dma_wait3A_105] : memref<4x80x64xf32, #tpu.memory_space<vmem>> -> memref<1x80x64xf32, #tpu.memory_space<vmem>>
    %dma_wait3A_107 = tpu.memref_squeeze %dma_wait3A_106 : memref<1x80x64xf32, #tpu.memory_space<vmem>> -> memref<80x64xf32, #tpu.memory_space<vmem>>
    tpu.wait_dma2 semaphore(%arg15 : memref<!tpu.dma_semaphore, #tpu.memory_space<semaphore_mem>>) src(%dma_wait3A_107 : memref<80x64xf32, #tpu.memory_space<vmem>>) dst(%dma_wait3A_103 : memref<80x64xf32, #tpu.memory_space<hbm>>)
    %dma_wait3A_108 = arith.constant 0 : i32
    %dma_wait3A_109 = arith.constant 0 : i32
    %dma_wait3A_110 = arith.constant 0 : i32
    %dma_wait3A_111 = tpu.memref_slice %arg10[%dma_wait3A_108, %dma_wait3A_109, %dma_wait3A_110] : memref<4x80x64xf32, #tpu.memory_space<vmem>> -> memref<1x80x64xf32, #tpu.memory_space<vmem>>
    %dma_wait3A_112 = tpu.memref_squeeze %dma_wait3A_111 : memref<1x80x64xf32, #tpu.memory_space<vmem>> -> memref<80x64xf32, #tpu.memory_space<vmem>>
    %dma_wait3A_113 = arith.constant 0 : i32
    %dma_wait3A_114 = tpu.memref_slice %arg6[%mul3A_2, %dma_wait3A_113] : memref<320000x64xf32, #tpu.memory_space<hbm>> -> memref<80x64xf32, #tpu.memory_space<hbm>>
    %dma_wait3A_115 = arith.constant 0 : i32
    %dma_wait3A_116 = tpu.memref_slice %arg6[%mul3A_2, %dma_wait3A_115] : memref<320000x64xf32, #tpu.memory_space<hbm>> -> memref<80x64xf32, #tpu.memory_space<hbm>>
    %dma_wait3A_117 = arith.constant 0 : i32
    %dma_wait3A_118 = arith.constant 0 : i32
    %dma_wait3A_119 = tpu.memref_slice %arg10[%dma_wait3A_108, %dma_wait3A_117, %dma_wait3A_118] : memref<4x80x64xf32, #tpu.memory_space<vmem>> -> memref<1x80x64xf32, #tpu.memory_space<vmem>>
    %dma_wait3A_120 = tpu.memref_squeeze %dma_wait3A_119 : memref<1x80x64xf32, #tpu.memory_space<vmem>> -> memref<80x64xf32, #tpu.memory_space<vmem>>
    tpu.wait_dma2 semaphore(%arg14 : memref<!tpu.dma_semaphore, #tpu.memory_space<semaphore_mem>>) src(%dma_wait3A_120 : memref<80x64xf32, #tpu.memory_space<vmem>>) dst(%dma_wait3A_116 : memref<80x64xf32, #tpu.memory_space<hbm>>)
    %dma_wait3A_121 = arith.constant 0 : i32
    %dma_wait3A_122 = arith.constant 0 : i32
    %dma_wait3A_123 = arith.constant 0 : i32
    %dma_wait3A_124 = tpu.memref_slice %arg11[%dma_wait3A_121, %dma_wait3A_122, %dma_wait3A_123] : memref<4x80x64xf32, #tpu.memory_space<vmem>> -> memref<1x80x64xf32, #tpu.memory_space<vmem>>
    %dma_wait3A_125 = tpu.memref_squeeze %dma_wait3A_124 : memref<1x80x64xf32, #tpu.memory_space<vmem>> -> memref<80x64xf32, #tpu.memory_space<vmem>>
    %dma_wait3A_126 = arith.constant 0 : i32
    %dma_wait3A_127 = tpu.memref_slice %arg7[%mul3A_2, %dma_wait3A_126] : memref<320000x64xf32, #tpu.memory_space<hbm>> -> memref<80x64xf32, #tpu.memory_space<hbm>>
    %dma_wait3A_128 = arith.constant 0 : i32
    %dma_wait3A_129 = tpu.memref_slice %arg7[%mul3A_2, %dma_wait3A_128] : memref<320000x64xf32, #tpu.memory_space<hbm>> -> memref<80x64xf32, #tpu.memory_space<hbm>>
    %dma_wait3A_130 = arith.constant 0 : i32
    %dma_wait3A_131 = arith.constant 0 : i32
    %dma_wait3A_132 = tpu.memref_slice %arg11[%dma_wait3A_121, %dma_wait3A_130, %dma_wait3A_131] : memref<4x80x64xf32, #tpu.memory_space<vmem>> -> memref<1x80x64xf32, #tpu.memory_space<vmem>>
    %dma_wait3A_133 = tpu.memref_squeeze %dma_wait3A_132 : memref<1x80x64xf32, #tpu.memory_space<vmem>> -> memref<80x64xf32, #tpu.memory_space<vmem>>
    tpu.wait_dma2 semaphore(%arg15 : memref<!tpu.dma_semaphore, #tpu.memory_space<semaphore_mem>>) src(%dma_wait3A_133 : memref<80x64xf32, #tpu.memory_space<vmem>>) dst(%dma_wait3A_129 : memref<80x64xf32, #tpu.memory_space<hbm>>)
    return
  }
}

#map = affine_map<(d0, d1) -> (0, 0)>
#map1 = affine_map<(d0, d1) -> (0, 0, 0)>
module attributes {stable_mosaic.version = 14 : i64} {
  func.func @_scatter_body(%arg0: i32, %arg1: i32, %arg2: memref<320000x64xf32, #tpu.memory_space<hbm>>, %arg3: memref<32x125x80xi32, #tpu.memory_space<hbm>>, %arg4: memref<10000x64xf32, #tpu.memory_space<hbm>>, %arg5: memref<2x10000x64xf32, #tpu.memory_space<hbm>>, %arg6: memref<125x80xi32, #tpu.memory_space<vmem>>, %arg7: memref<4x80x64xf32, #tpu.memory_space<vmem>>, %arg8: memref<10000x64xf32, #tpu.memory_space<vmem_shared>>, %arg9: memref<!tpu.dma_semaphore, #tpu.memory_space<semaphore_mem>>, %arg10: memref<!tpu.dma_semaphore, #tpu.memory_space<semaphore_mem>>) attributes {dimension_semantics = [#tpu.dimension_semantics<core_parallel>, #tpu.dimension_semantics<subcore_parallel>], iteration_bounds = array<i64: 2, 16>, scalar_prefetch = 0 : i64, scratch_operands = 5 : i64, tpu.core_type = #tpu.core_type<sc_vector_subcore>, window_params = [{transform_indices = #map}, {transform_indices = #map1}, {transform_indices = #map}, {transform_indices = #map1}]} {
    %mul3A = arith.constant 2 : i32
    %mul3A_0 = arith.muli %arg1, %mul3A : i32
    %add3A = arith.addi %mul3A_0, %arg0 : i32
    %mul3A_1 = arith.constant 625 : i32
    %mul3A_2 = arith.muli %arg1, %mul3A_1 : i32
    "tpu.region"() ({
      %run_scoped3A = tpu.sem_alloc : memref<!tpu.dma_semaphore, #tpu.memory_space<semaphore_mem>>
      %dma_start3A_84 = arith.constant 0 : i32
      %dma_start3A_85 = tpu.memref_slice %arg8[%mul3A_2, %dma_start3A_84] : memref<10000x64xf32, #tpu.memory_space<vmem_shared>> -> memref<625x64xf32, #tpu.memory_space<vmem_shared>>
      %dma_start3A_86 = arith.constant 0 : i32
      %dma_start3A_87 = tpu.memref_slice %arg4[%mul3A_2, %dma_start3A_86] : memref<10000x64xf32, #tpu.memory_space<hbm>> -> memref<625x64xf32, #tpu.memory_space<hbm>>
      tpu.enqueue_dma source(%dma_start3A_87 : memref<625x64xf32, #tpu.memory_space<hbm>>) target(%dma_start3A_85 : memref<625x64xf32, #tpu.memory_space<vmem_shared>>) target_semaphore(%run_scoped3A : memref<!tpu.dma_semaphore, #tpu.memory_space<semaphore_mem>>)
      %dma_wait3A_88 = arith.constant 0 : i32
      %dma_wait3A_89 = tpu.memref_slice %arg8[%mul3A_2, %dma_wait3A_88] : memref<10000x64xf32, #tpu.memory_space<vmem_shared>> -> memref<625x64xf32, #tpu.memory_space<vmem_shared>>
      %dma_wait3A_90 = arith.constant 0 : i32
      %dma_wait3A_91 = tpu.memref_slice %arg4[%mul3A_2, %dma_wait3A_90] : memref<10000x64xf32, #tpu.memory_space<hbm>> -> memref<625x64xf32, #tpu.memory_space<hbm>>
      tpu.wait_dma2 semaphore(%run_scoped3A : memref<!tpu.dma_semaphore, #tpu.memory_space<semaphore_mem>>) src(%dma_wait3A_91 : memref<625x64xf32, #tpu.memory_space<hbm>>) dst(%dma_wait3A_89 : memref<625x64xf32, #tpu.memory_space<vmem_shared>>)
      tpu.yield
    }) : () -> ()
    "tpu.region"() ({
      %run_scoped3A = tpu.sem_alloc : memref<!tpu.dma_semaphore, #tpu.memory_space<semaphore_mem>>
      %dma_start3A_84 = arith.constant 0 : i32
      %dma_start3A_85 = arith.constant 0 : i32
      %dma_start3A_86 = tpu.memref_slice %arg3[%add3A, %dma_start3A_84, %dma_start3A_85] : memref<32x125x80xi32, #tpu.memory_space<hbm>> -> memref<1x125x80xi32, #tpu.memory_space<hbm>>
      %dma_start3A_87 = tpu.memref_squeeze %dma_start3A_86 : memref<1x125x80xi32, #tpu.memory_space<hbm>> -> memref<125x80xi32, #tpu.memory_space<hbm>>
      %dma_start3A_88 = arith.constant 0 : i32
      %dma_start3A_89 = arith.constant 0 : i32
      %dma_start3A_90 = tpu.memref_slice %arg3[%add3A, %dma_start3A_88, %dma_start3A_89] : memref<32x125x80xi32, #tpu.memory_space<hbm>> -> memref<1x125x80xi32, #tpu.memory_space<hbm>>
      %dma_start3A_91 = tpu.memref_squeeze %dma_start3A_90 : memref<1x125x80xi32, #tpu.memory_space<hbm>> -> memref<125x80xi32, #tpu.memory_space<hbm>>
      tpu.enqueue_dma source(%dma_start3A_91 : memref<125x80xi32, #tpu.memory_space<hbm>>) target(%arg6 : memref<125x80xi32, #tpu.memory_space<vmem>>) target_semaphore(%run_scoped3A : memref<!tpu.dma_semaphore, #tpu.memory_space<semaphore_mem>>)
      %dma_wait3A_92 = arith.constant 0 : i32
      %dma_wait3A_93 = arith.constant 0 : i32
      %dma_wait3A_94 = tpu.memref_slice %arg3[%add3A, %dma_wait3A_92, %dma_wait3A_93] : memref<32x125x80xi32, #tpu.memory_space<hbm>> -> memref<1x125x80xi32, #tpu.memory_space<hbm>>
      %dma_wait3A_95 = tpu.memref_squeeze %dma_wait3A_94 : memref<1x125x80xi32, #tpu.memory_space<hbm>> -> memref<125x80xi32, #tpu.memory_space<hbm>>
      %dma_wait3A_96 = arith.constant 0 : i32
      %dma_wait3A_97 = arith.constant 0 : i32
      %dma_wait3A_98 = tpu.memref_slice %arg3[%add3A, %dma_wait3A_96, %dma_wait3A_97] : memref<32x125x80xi32, #tpu.memory_space<hbm>> -> memref<1x125x80xi32, #tpu.memory_space<hbm>>
      %dma_wait3A_99 = tpu.memref_squeeze %dma_wait3A_98 : memref<1x125x80xi32, #tpu.memory_space<hbm>> -> memref<125x80xi32, #tpu.memory_space<hbm>>
      tpu.wait_dma2 semaphore(%run_scoped3A : memref<!tpu.dma_semaphore, #tpu.memory_space<semaphore_mem>>) src(%dma_wait3A_99 : memref<125x80xi32, #tpu.memory_space<hbm>>) dst(%arg6 : memref<125x80xi32, #tpu.memory_space<vmem>>)
      tpu.yield
    }) : () -> ()
    %barrier3A = arith.constant 0 : index
    tpu.barrier barrier_id(%barrier3A)
    %mul3A_3 = arith.constant 10000 : i32
    %mul3A_4 = arith.muli %add3A, %mul3A_3 : i32
    %add3A_5 = arith.constant 0 : i32
    %add3A_6 = arith.addi %mul3A_4, %add3A_5 : i32
    %dma_start3A = arith.constant 0 : i32
    %dma_start3A_7 = arith.constant 0 : i32
    %dma_start3A_8 = arith.constant 0 : i32
    %dma_start3A_9 = tpu.memref_slice %arg7[%dma_start3A, %dma_start3A_7, %dma_start3A_8] : memref<4x80x64xf32, #tpu.memory_space<vmem>> -> memref<1x80x64xf32, #tpu.memory_space<vmem>>
    %dma_start3A_10 = tpu.memref_squeeze %dma_start3A_9 : memref<1x80x64xf32, #tpu.memory_space<vmem>> -> memref<80x64xf32, #tpu.memory_space<vmem>>
    %dma_start3A_11 = arith.constant 0 : i32
    %dma_start3A_12 = tpu.memref_slice %arg2[%add3A_6, %dma_start3A_11] : memref<320000x64xf32, #tpu.memory_space<hbm>> -> memref<80x64xf32, #tpu.memory_space<hbm>>
    %dma_start3A_13 = arith.constant 0 : i32
    %dma_start3A_14 = arith.constant 0 : i32
    %dma_start3A_15 = tpu.memref_slice %arg7[%dma_start3A, %dma_start3A_13, %dma_start3A_14] : memref<4x80x64xf32, #tpu.memory_space<vmem>> -> memref<1x80x64xf32, #tpu.memory_space<vmem>>
    %dma_start3A_16 = tpu.memref_squeeze %dma_start3A_15 : memref<1x80x64xf32, #tpu.memory_space<vmem>> -> memref<80x64xf32, #tpu.memory_space<vmem>>
    %dma_start3A_17 = arith.constant 0 : i32
    %dma_start3A_18 = tpu.memref_slice %arg2[%add3A_6, %dma_start3A_17] : memref<320000x64xf32, #tpu.memory_space<hbm>> -> memref<80x64xf32, #tpu.memory_space<hbm>>
    tpu.enqueue_dma source(%dma_start3A_18 : memref<80x64xf32, #tpu.memory_space<hbm>>) target(%dma_start3A_16 : memref<80x64xf32, #tpu.memory_space<vmem>>) target_semaphore(%arg9 : memref<!tpu.dma_semaphore, #tpu.memory_space<semaphore_mem>>)
    %scan3A = arith.constant 0 : i32
    %scan3A_19 = arith.constant 0 : i32
    %scan3A_20 = arith.constant 125 : i32
    %scan3A_21 = arith.addi %scan3A_19, %scan3A_20 : i32
    %scan3A_22 = arith.constant 1 : i32
    scf.for %scan3A_84 = %scan3A_19 to %scan3A_21 step %scan3A_22  : i32 {
      %rem3A = arith.constant 4 : i32
      %rem3A_85 = arith.remsi %scan3A_84, %rem3A : i32
      %add3A_86 = arith.constant 1 : i32
      %add3A_87 = arith.addi %scan3A_84, %add3A_86 : i32
      %rem3A_88 = arith.constant 4 : i32
      %rem3A_89 = arith.remsi %add3A_87, %rem3A_88 : i32
      %add3A_90 = arith.constant 1 : i32
      %add3A_91 = arith.addi %scan3A_84, %add3A_90 : i32
      %lt3A = arith.constant 125 : i32
      %lt3A_92 = arith.cmpi slt, %add3A_91, %lt3A : i32
      %convert_element_type3A = arith.extui %lt3A_92 : i1 to i32
      %cond3A = arith.constant 0 : i32
      %cond3A_93 = arith.cmpi ne, %convert_element_type3A, %cond3A : i32
      scf.if %cond3A_93 {
        %add3A_116 = arith.constant 1 : i32
        %add3A_117 = arith.addi %scan3A_84, %add3A_116 : i32
        %ge3A = arith.constant 4 : i32
        %ge3A_118 = arith.cmpi sge, %add3A_117, %ge3A : i32
        %convert_element_type3A_119 = arith.extui %ge3A_118 : i1 to i32
        %cond3A_120 = arith.constant 0 : i32
        %cond3A_121 = arith.cmpi ne, %convert_element_type3A_119, %cond3A_120 : i32
        scf.if %cond3A_121 {
          %dma_wait3A_139 = arith.constant 0 : i32
          %dma_wait3A_140 = arith.constant 0 : i32
          %dma_wait3A_141 = tpu.memref_slice %arg7[%rem3A_89, %dma_wait3A_139, %dma_wait3A_140] : memref<4x80x64xf32, #tpu.memory_space<vmem>> -> memref<1x80x64xf32, #tpu.memory_space<vmem>>
          %dma_wait3A_142 = tpu.memref_squeeze %dma_wait3A_141 : memref<1x80x64xf32, #tpu.memory_space<vmem>> -> memref<80x64xf32, #tpu.memory_space<vmem>>
          %dma_wait3A_143 = arith.constant 0 : i32
          %dma_wait3A_144 = arith.constant 0 : i32
          %dma_wait3A_145 = tpu.memref_slice %arg8[%dma_wait3A_143, %dma_wait3A_144] : memref<10000x64xf32, #tpu.memory_space<vmem_shared>> -> memref<80x64xf32, #tpu.memory_space<vmem_shared>>
          %dma_wait3A_146 = arith.constant 0 : i32
          %dma_wait3A_147 = arith.constant 0 : i32
          %dma_wait3A_148 = tpu.memref_slice %arg8[%dma_wait3A_146, %dma_wait3A_147] : memref<10000x64xf32, #tpu.memory_space<vmem_shared>> -> memref<80x64xf32, #tpu.memory_space<vmem_shared>>
          %dma_wait3A_149 = arith.constant 0 : i32
          %dma_wait3A_150 = arith.constant 0 : i32
          %dma_wait3A_151 = tpu.memref_slice %arg7[%rem3A_89, %dma_wait3A_149, %dma_wait3A_150] : memref<4x80x64xf32, #tpu.memory_space<vmem>> -> memref<1x80x64xf32, #tpu.memory_space<vmem>>
          %dma_wait3A_152 = tpu.memref_squeeze %dma_wait3A_151 : memref<1x80x64xf32, #tpu.memory_space<vmem>> -> memref<80x64xf32, #tpu.memory_space<vmem>>
          tpu.wait_dma2 semaphore(%arg10 : memref<!tpu.dma_semaphore, #tpu.memory_space<semaphore_mem>>) src(%dma_wait3A_152 : memref<80x64xf32, #tpu.memory_space<vmem>>) dst(%dma_wait3A_148 : memref<80x64xf32, #tpu.memory_space<vmem_shared>>)
        } else {
        }
        %add3A_122 = arith.constant 1 : i32
        %add3A_123 = arith.addi %scan3A_84, %add3A_122 : i32
        %mul3A_124 = arith.constant 80 : i32
        %mul3A_125 = arith.muli %add3A_123, %mul3A_124 : i32
        %add3A_126 = arith.addi %mul3A_4, %mul3A_125 : i32
        %dma_start3A_127 = arith.constant 0 : i32
        %dma_start3A_128 = arith.constant 0 : i32
        %dma_start3A_129 = tpu.memref_slice %arg7[%rem3A_89, %dma_start3A_127, %dma_start3A_128] : memref<4x80x64xf32, #tpu.memory_space<vmem>> -> memref<1x80x64xf32, #tpu.memory_space<vmem>>
        %dma_start3A_130 = tpu.memref_squeeze %dma_start3A_129 : memref<1x80x64xf32, #tpu.memory_space<vmem>> -> memref<80x64xf32, #tpu.memory_space<vmem>>
        %dma_start3A_131 = arith.constant 0 : i32
        %dma_start3A_132 = tpu.memref_slice %arg2[%add3A_126, %dma_start3A_131] : memref<320000x64xf32, #tpu.memory_space<hbm>> -> memref<80x64xf32, #tpu.memory_space<hbm>>
        %dma_start3A_133 = arith.constant 0 : i32
        %dma_start3A_134 = arith.constant 0 : i32
        %dma_start3A_135 = tpu.memref_slice %arg7[%rem3A_89, %dma_start3A_133, %dma_start3A_134] : memref<4x80x64xf32, #tpu.memory_space<vmem>> -> memref<1x80x64xf32, #tpu.memory_space<vmem>>
        %dma_start3A_136 = tpu.memref_squeeze %dma_start3A_135 : memref<1x80x64xf32, #tpu.memory_space<vmem>> -> memref<80x64xf32, #tpu.memory_space<vmem>>
        %dma_start3A_137 = arith.constant 0 : i32
        %dma_start3A_138 = tpu.memref_slice %arg2[%add3A_126, %dma_start3A_137] : memref<320000x64xf32, #tpu.memory_space<hbm>> -> memref<80x64xf32, #tpu.memory_space<hbm>>
        tpu.enqueue_dma source(%dma_start3A_138 : memref<80x64xf32, #tpu.memory_space<hbm>>) target(%dma_start3A_136 : memref<80x64xf32, #tpu.memory_space<vmem>>) target_semaphore(%arg9 : memref<!tpu.dma_semaphore, #tpu.memory_space<semaphore_mem>>)
      } else {
      }
      %dma_wait3A_94 = arith.constant 0 : i32
      %dma_wait3A_95 = arith.constant 0 : i32
      %dma_wait3A_96 = tpu.memref_slice %arg7[%rem3A_85, %dma_wait3A_94, %dma_wait3A_95] : memref<4x80x64xf32, #tpu.memory_space<vmem>> -> memref<1x80x64xf32, #tpu.memory_space<vmem>>
      %dma_wait3A_97 = tpu.memref_squeeze %dma_wait3A_96 : memref<1x80x64xf32, #tpu.memory_space<vmem>> -> memref<80x64xf32, #tpu.memory_space<vmem>>
      %dma_wait3A_98 = arith.constant 0 : i32
      %dma_wait3A_99 = tpu.memref_slice %arg2[%mul3A_4, %dma_wait3A_98] : memref<320000x64xf32, #tpu.memory_space<hbm>> -> memref<80x64xf32, #tpu.memory_space<hbm>>
      %dma_wait3A_100 = arith.constant 0 : i32
      %dma_wait3A_101 = arith.constant 0 : i32
      %dma_wait3A_102 = tpu.memref_slice %arg7[%rem3A_85, %dma_wait3A_100, %dma_wait3A_101] : memref<4x80x64xf32, #tpu.memory_space<vmem>> -> memref<1x80x64xf32, #tpu.memory_space<vmem>>
      %dma_wait3A_103 = tpu.memref_squeeze %dma_wait3A_102 : memref<1x80x64xf32, #tpu.memory_space<vmem>> -> memref<80x64xf32, #tpu.memory_space<vmem>>
      %dma_wait3A_104 = arith.constant 0 : i32
      %dma_wait3A_105 = tpu.memref_slice %arg2[%mul3A_4, %dma_wait3A_104] : memref<320000x64xf32, #tpu.memory_space<hbm>> -> memref<80x64xf32, #tpu.memory_space<hbm>>
      tpu.wait_dma2 semaphore(%arg9 : memref<!tpu.dma_semaphore, #tpu.memory_space<semaphore_mem>>) src(%dma_wait3A_105 : memref<80x64xf32, #tpu.memory_space<hbm>>) dst(%dma_wait3A_103 : memref<80x64xf32, #tpu.memory_space<vmem>>)
      %dma_start3A_106 = arith.constant 0 : i32
      %dma_start3A_107 = arith.constant 0 : i32
      %dma_start3A_108 = tpu.memref_slice %arg7[%rem3A_85, %dma_start3A_106, %dma_start3A_107] : memref<4x80x64xf32, #tpu.memory_space<vmem>> -> memref<1x80x64xf32, #tpu.memory_space<vmem>>
      %dma_start3A_109 = tpu.memref_squeeze %dma_start3A_108 : memref<1x80x64xf32, #tpu.memory_space<vmem>> -> memref<80x64xf32, #tpu.memory_space<vmem>>
      %dma_start3A_110 = arith.constant 0 : i32
      %dma_start3A_111 = tpu.memref_slice %arg6[%scan3A_84, %dma_start3A_110] : memref<125x80xi32, #tpu.memory_space<vmem>> -> memref<1x80xi32, #tpu.memory_space<vmem>>
      %dma_start3A_112 = tpu.memref_squeeze %dma_start3A_111 : memref<1x80xi32, #tpu.memory_space<vmem>> -> memref<80xi32, #tpu.memory_space<vmem>>
      %dma_start3A_113 = arith.constant 0 : i32
      %dma_start3A_114 = arith.constant 0 : i32
      %dma_start3A_115 = tpu.memref_slice %arg8[%dma_start3A_113, %dma_start3A_114] : memref<10000x64xf32, #tpu.memory_space<vmem_shared>> -> memref<10000x64xf32, #tpu.memory_space<vmem_shared>>
      tpu.enqueue_indirect_dma source(%dma_start3A_109 : memref<80x64xf32, #tpu.memory_space<vmem>>) target(%dma_start3A_115 : memref<10000x64xf32, #tpu.memory_space<vmem_shared>>) offsets(%dma_start3A_112 : memref<80xi32, #tpu.memory_space<vmem>>) semaphore(%arg10 : memref<!tpu.dma_semaphore, #tpu.memory_space<semaphore_mem>>) {add = true}
    }
    %scan3A_23 = arith.constant 125 : i32
    %dma_wait3A = arith.constant 0 : i32
    %dma_wait3A_24 = arith.constant 0 : i32
    %dma_wait3A_25 = arith.constant 0 : i32
    %dma_wait3A_26 = tpu.memref_slice %arg7[%dma_wait3A, %dma_wait3A_24, %dma_wait3A_25] : memref<4x80x64xf32, #tpu.memory_space<vmem>> -> memref<1x80x64xf32, #tpu.memory_space<vmem>>
    %dma_wait3A_27 = tpu.memref_squeeze %dma_wait3A_26 : memref<1x80x64xf32, #tpu.memory_space<vmem>> -> memref<80x64xf32, #tpu.memory_space<vmem>>
    %dma_wait3A_28 = arith.constant 0 : i32
    %dma_wait3A_29 = arith.constant 0 : i32
    %dma_wait3A_30 = tpu.memref_slice %arg8[%dma_wait3A_28, %dma_wait3A_29] : memref<10000x64xf32, #tpu.memory_space<vmem_shared>> -> memref<80x64xf32, #tpu.memory_space<vmem_shared>>
    %dma_wait3A_31 = arith.constant 0 : i32
    %dma_wait3A_32 = arith.constant 0 : i32
    %dma_wait3A_33 = tpu.memref_slice %arg8[%dma_wait3A_31, %dma_wait3A_32] : memref<10000x64xf32, #tpu.memory_space<vmem_shared>> -> memref<80x64xf32, #tpu.memory_space<vmem_shared>>
    %dma_wait3A_34 = arith.constant 0 : i32
    %dma_wait3A_35 = arith.constant 0 : i32
    %dma_wait3A_36 = tpu.memref_slice %arg7[%dma_wait3A, %dma_wait3A_34, %dma_wait3A_35] : memref<4x80x64xf32, #tpu.memory_space<vmem>> -> memref<1x80x64xf32, #tpu.memory_space<vmem>>
    %dma_wait3A_37 = tpu.memref_squeeze %dma_wait3A_36 : memref<1x80x64xf32, #tpu.memory_space<vmem>> -> memref<80x64xf32, #tpu.memory_space<vmem>>
    tpu.wait_dma2 semaphore(%arg10 : memref<!tpu.dma_semaphore, #tpu.memory_space<semaphore_mem>>) src(%dma_wait3A_37 : memref<80x64xf32, #tpu.memory_space<vmem>>) dst(%dma_wait3A_33 : memref<80x64xf32, #tpu.memory_space<vmem_shared>>)
    %dma_wait3A_38 = arith.constant 0 : i32
    %dma_wait3A_39 = arith.constant 0 : i32
    %dma_wait3A_40 = arith.constant 0 : i32
    %dma_wait3A_41 = tpu.memref_slice %arg7[%dma_wait3A_38, %dma_wait3A_39, %dma_wait3A_40] : memref<4x80x64xf32, #tpu.memory_space<vmem>> -> memref<1x80x64xf32, #tpu.memory_space<vmem>>
    %dma_wait3A_42 = tpu.memref_squeeze %dma_wait3A_41 : memref<1x80x64xf32, #tpu.memory_space<vmem>> -> memref<80x64xf32, #tpu.memory_space<vmem>>
    %dma_wait3A_43 = arith.constant 0 : i32
    %dma_wait3A_44 = arith.constant 0 : i32
    %dma_wait3A_45 = tpu.memref_slice %arg8[%dma_wait3A_43, %dma_wait3A_44] : memref<10000x64xf32, #tpu.memory_space<vmem_shared>> -> memref<80x64xf32, #tpu.memory_space<vmem_shared>>
    %dma_wait3A_46 = arith.constant 0 : i32
    %dma_wait3A_47 = arith.constant 0 : i32
    %dma_wait3A_48 = tpu.memref_slice %arg8[%dma_wait3A_46, %dma_wait3A_47] : memref<10000x64xf32, #tpu.memory_space<vmem_shared>> -> memref<80x64xf32, #tpu.memory_space<vmem_shared>>
    %dma_wait3A_49 = arith.constant 0 : i32
    %dma_wait3A_50 = arith.constant 0 : i32
    %dma_wait3A_51 = tpu.memref_slice %arg7[%dma_wait3A_38, %dma_wait3A_49, %dma_wait3A_50] : memref<4x80x64xf32, #tpu.memory_space<vmem>> -> memref<1x80x64xf32, #tpu.memory_space<vmem>>
    %dma_wait3A_52 = tpu.memref_squeeze %dma_wait3A_51 : memref<1x80x64xf32, #tpu.memory_space<vmem>> -> memref<80x64xf32, #tpu.memory_space<vmem>>
    tpu.wait_dma2 semaphore(%arg10 : memref<!tpu.dma_semaphore, #tpu.memory_space<semaphore_mem>>) src(%dma_wait3A_52 : memref<80x64xf32, #tpu.memory_space<vmem>>) dst(%dma_wait3A_48 : memref<80x64xf32, #tpu.memory_space<vmem_shared>>)
    %dma_wait3A_53 = arith.constant 0 : i32
    %dma_wait3A_54 = arith.constant 0 : i32
    %dma_wait3A_55 = arith.constant 0 : i32
    %dma_wait3A_56 = tpu.memref_slice %arg7[%dma_wait3A_53, %dma_wait3A_54, %dma_wait3A_55] : memref<4x80x64xf32, #tpu.memory_space<vmem>> -> memref<1x80x64xf32, #tpu.memory_space<vmem>>
    %dma_wait3A_57 = tpu.memref_squeeze %dma_wait3A_56 : memref<1x80x64xf32, #tpu.memory_space<vmem>> -> memref<80x64xf32, #tpu.memory_space<vmem>>
    %dma_wait3A_58 = arith.constant 0 : i32
    %dma_wait3A_59 = arith.constant 0 : i32
    %dma_wait3A_60 = tpu.memref_slice %arg8[%dma_wait3A_58, %dma_wait3A_59] : memref<10000x64xf32, #tpu.memory_space<vmem_shared>> -> memref<80x64xf32, #tpu.memory_space<vmem_shared>>
    %dma_wait3A_61 = arith.constant 0 : i32
    %dma_wait3A_62 = arith.constant 0 : i32
    %dma_wait3A_63 = tpu.memref_slice %arg8[%dma_wait3A_61, %dma_wait3A_62] : memref<10000x64xf32, #tpu.memory_space<vmem_shared>> -> memref<80x64xf32, #tpu.memory_space<vmem_shared>>
    %dma_wait3A_64 = arith.constant 0 : i32
    %dma_wait3A_65 = arith.constant 0 : i32
    %dma_wait3A_66 = tpu.memref_slice %arg7[%dma_wait3A_53, %dma_wait3A_64, %dma_wait3A_65] : memref<4x80x64xf32, #tpu.memory_space<vmem>> -> memref<1x80x64xf32, #tpu.memory_space<vmem>>
    %dma_wait3A_67 = tpu.memref_squeeze %dma_wait3A_66 : memref<1x80x64xf32, #tpu.memory_space<vmem>> -> memref<80x64xf32, #tpu.memory_space<vmem>>
    tpu.wait_dma2 semaphore(%arg10 : memref<!tpu.dma_semaphore, #tpu.memory_space<semaphore_mem>>) src(%dma_wait3A_67 : memref<80x64xf32, #tpu.memory_space<vmem>>) dst(%dma_wait3A_63 : memref<80x64xf32, #tpu.memory_space<vmem_shared>>)
    %dma_wait3A_68 = arith.constant 0 : i32
    %dma_wait3A_69 = arith.constant 0 : i32
    %dma_wait3A_70 = arith.constant 0 : i32
    %dma_wait3A_71 = tpu.memref_slice %arg7[%dma_wait3A_68, %dma_wait3A_69, %dma_wait3A_70] : memref<4x80x64xf32, #tpu.memory_space<vmem>> -> memref<1x80x64xf32, #tpu.memory_space<vmem>>
    %dma_wait3A_72 = tpu.memref_squeeze %dma_wait3A_71 : memref<1x80x64xf32, #tpu.memory_space<vmem>> -> memref<80x64xf32, #tpu.memory_space<vmem>>
    %dma_wait3A_73 = arith.constant 0 : i32
    %dma_wait3A_74 = arith.constant 0 : i32
    %dma_wait3A_75 = tpu.memref_slice %arg8[%dma_wait3A_73, %dma_wait3A_74] : memref<10000x64xf32, #tpu.memory_space<vmem_shared>> -> memref<80x64xf32, #tpu.memory_space<vmem_shared>>
    %dma_wait3A_76 = arith.constant 0 : i32
    %dma_wait3A_77 = arith.constant 0 : i32
    %dma_wait3A_78 = tpu.memref_slice %arg8[%dma_wait3A_76, %dma_wait3A_77] : memref<10000x64xf32, #tpu.memory_space<vmem_shared>> -> memref<80x64xf32, #tpu.memory_space<vmem_shared>>
    %dma_wait3A_79 = arith.constant 0 : i32
    %dma_wait3A_80 = arith.constant 0 : i32
    %dma_wait3A_81 = tpu.memref_slice %arg7[%dma_wait3A_68, %dma_wait3A_79, %dma_wait3A_80] : memref<4x80x64xf32, #tpu.memory_space<vmem>> -> memref<1x80x64xf32, #tpu.memory_space<vmem>>
    %dma_wait3A_82 = tpu.memref_squeeze %dma_wait3A_81 : memref<1x80x64xf32, #tpu.memory_space<vmem>> -> memref<80x64xf32, #tpu.memory_space<vmem>>
    tpu.wait_dma2 semaphore(%arg10 : memref<!tpu.dma_semaphore, #tpu.memory_space<semaphore_mem>>) src(%dma_wait3A_82 : memref<80x64xf32, #tpu.memory_space<vmem>>) dst(%dma_wait3A_78 : memref<80x64xf32, #tpu.memory_space<vmem_shared>>)
    %barrier3A_83 = arith.constant 0 : index
    tpu.barrier barrier_id(%barrier3A_83)
    "tpu.region"() ({
      %run_scoped3A = tpu.sem_alloc : memref<!tpu.dma_semaphore, #tpu.memory_space<semaphore_mem>>
      %dma_start3A_84 = arith.constant 0 : i32
      %dma_start3A_85 = tpu.memref_slice %arg5[%arg0, %mul3A_2, %dma_start3A_84] : memref<2x10000x64xf32, #tpu.memory_space<hbm>> -> memref<1x625x64xf32, #tpu.memory_space<hbm>>
      %dma_start3A_86 = tpu.memref_squeeze %dma_start3A_85 : memref<1x625x64xf32, #tpu.memory_space<hbm>> -> memref<625x64xf32, #tpu.memory_space<hbm>>
      %dma_start3A_87 = arith.constant 0 : i32
      %dma_start3A_88 = tpu.memref_slice %arg8[%mul3A_2, %dma_start3A_87] : memref<10000x64xf32, #tpu.memory_space<vmem_shared>> -> memref<625x64xf32, #tpu.memory_space<vmem_shared>>
      tpu.enqueue_dma source(%dma_start3A_88 : memref<625x64xf32, #tpu.memory_space<vmem_shared>>) target(%dma_start3A_86 : memref<625x64xf32, #tpu.memory_space<hbm>>) target_semaphore(%run_scoped3A : memref<!tpu.dma_semaphore, #tpu.memory_space<semaphore_mem>>)
      %dma_wait3A_89 = arith.constant 0 : i32
      %dma_wait3A_90 = tpu.memref_slice %arg5[%arg0, %mul3A_2, %dma_wait3A_89] : memref<2x10000x64xf32, #tpu.memory_space<hbm>> -> memref<1x625x64xf32, #tpu.memory_space<hbm>>
      %dma_wait3A_91 = tpu.memref_squeeze %dma_wait3A_90 : memref<1x625x64xf32, #tpu.memory_space<hbm>> -> memref<625x64xf32, #tpu.memory_space<hbm>>
      %dma_wait3A_92 = arith.constant 0 : i32
      %dma_wait3A_93 = tpu.memref_slice %arg8[%mul3A_2, %dma_wait3A_92] : memref<10000x64xf32, #tpu.memory_space<vmem_shared>> -> memref<625x64xf32, #tpu.memory_space<vmem_shared>>
      tpu.wait_dma2 semaphore(%run_scoped3A : memref<!tpu.dma_semaphore, #tpu.memory_space<semaphore_mem>>) src(%dma_wait3A_93 : memref<625x64xf32, #tpu.memory_space<vmem_shared>>) dst(%dma_wait3A_91 : memref<625x64xf32, #tpu.memory_space<hbm>>)
      tpu.yield
    }) : () -> ()
    return
  }
}

module attributes {stable_mosaic.version = 14 : i64} {
  func.func @_btab_body(%arg0: i32, %arg1: memref<2000x128xf32, #tpu.memory_space<vmem>>, %arg2: memref<128x64xf32, #tpu.memory_space<vmem>>, %arg3: memref<2000x64xf32, #tpu.memory_space<vmem>>) attributes {dimension_semantics = [#tpu.dimension_semantics<arbitrary>], iteration_bounds = array<i64: 5>, scalar_prefetch = 0 : i64, scratch_operands = 0 : i64, tpu.core_type = #tpu.core_type<tc>, window_params = [{transform_indices = @transform_0, window_bounds = array<i64: 2000, 128>}, {pipeline_mode = #tpu.pipeline_mode<synchronous>, transform_indices = @transform_1, window_bounds = array<i64: 128, 64>}, {transform_indices = @transform_2, window_bounds = array<i64: 2000, 64>}]} {
    %get3A = arith.constant 0 : index
    %get3A_0 = arith.constant 0 : index
    %get3A_1 = vector.load %arg1[%get3A, %get3A_0] : memref<2000x128xf32, #tpu.memory_space<vmem>>, vector<2000x128xf32>
    %get3A_2 = arith.constant 0 : index
    %get3A_3 = arith.constant 0 : index
    %get3A_4 = vector.load %arg2[%get3A_2, %get3A_3] : memref<128x64xf32, #tpu.memory_space<vmem>>, vector<128x64xf32>
    %dot_general3A = arith.constant dense<0.000000e+00> : vector<2000x64xf32>
    %dot_general3A_5 = tpu.matmul %get3A_1, %get3A_4, %dot_general3A {dimension_numbers = #tpu.dot_dimension_numbers<[1], [0], [0], [1], [0, 0, 1, 1], [], []>, transpose_lhs_hint = false} : vector<2000x128xf32>, vector<128x64xf32>, vector<2000x64xf32> -> vector<2000x64xf32>
    %swap3A = arith.constant 0 : index
    %swap3A_6 = arith.constant 0 : index
    %swap3A_7 = vector.load %arg3[%swap3A, %swap3A_6] : memref<2000x64xf32, #tpu.memory_space<vmem>>, vector<2000x64xf32>
    tpu.vector_store %arg3[%swap3A, %swap3A_6], %dot_general3A_5 {strides = array<i32>} : memref<2000x64xf32, #tpu.memory_space<vmem>>, vector<2000x64xf32>,
    return
  }
  func.func @transform_0(%arg0: i32) -> (i32, i32) {
    %c0_i32 = arith.constant 0 : i32
    %c0_i32_0 = arith.constant 0 : i32
    return %arg0, %c0_i32 : i32, i32
  }
  func.func @transform_1(%arg0: i32) -> (i32, i32) {
    %c0_i32 = arith.constant 0 : i32
    %c0_i32_0 = arith.constant 0 : i32
    %c0_i32_1 = arith.constant 0 : i32
    return %c0_i32, %c0_i32_0 : i32, i32
  }
  func.func @transform_2(%arg0: i32) -> (i32, i32) {
    %c0_i32 = arith.constant 0 : i32
    %c0_i32_0 = arith.constant 0 : i32
    return %arg0, %c0_i32 : i32, i32
  }
}

module attributes {stable_mosaic.version = 14 : i64} {
  func.func @_edge1_tc_body(%arg0: i32, %arg1: memref<1000x128xf32, #tpu.memory_space<vmem>>, %arg2: memref<1000x128xf32, #tpu.memory_space<vmem>>, %arg3: memref<1000x128xf32, #tpu.memory_space<vmem>>, %arg4: memref<1000x32xf32, #tpu.memory_space<vmem>>, %arg5: memref<128x128xf32, #tpu.memory_space<vmem>>, %arg6: memref<128x128xf32, #tpu.memory_space<vmem>>, %arg7: memref<32x128xf32, #tpu.memory_space<vmem>>, %arg8: memref<128x128xf32, #tpu.memory_space<vmem>>, %arg9: memref<128x128xf32, #tpu.memory_space<vmem>>, %arg10: memref<128x128xf32, #tpu.memory_space<vmem>>, %arg11: memref<1x128xf32, #tpu.memory_space<vmem>>, %arg12: memref<1x128xf32, #tpu.memory_space<vmem>>, %arg13: memref<1000x128xf32, #tpu.memory_space<vmem>>, %arg14: memref<1000x128xf32, #tpu.memory_space<vmem>>) attributes {dimension_semantics = [#tpu.dimension_semantics<arbitrary>], iteration_bounds = array<i64: 160>, scalar_prefetch = 0 : i64, scratch_operands = 0 : i64, tpu.core_type = #tpu.core_type<tc>, window_params = [{transform_indices = @transform_0, window_bounds = array<i64: 1000, 128>}, {transform_indices = @transform_1, window_bounds = array<i64: 1000, 128>}, {transform_indices = @transform_2, window_bounds = array<i64: 1000, 128>}, {transform_indices = @transform_3, window_bounds = array<i64: 1000, 32>}, {pipeline_mode = #tpu.pipeline_mode<synchronous>, transform_indices = @transform_4, window_bounds = array<i64: 128, 128>}, {pipeline_mode = #tpu.pipeline_mode<synchronous>, transform_indices = @transform_5, window_bounds = array<i64: 128, 128>}, {pipeline_mode = #tpu.pipeline_mode<synchronous>, transform_indices = @transform_6, window_bounds = array<i64: 32, 128>}, {pipeline_mode = #tpu.pipeline_mode<synchronous>, transform_indices = @transform_7, window_bounds = array<i64: 128, 128>}, {pipeline_mode = #tpu.pipeline_mode<synchronous>, transform_indices = @transform_8, window_bounds = array<i64: 128, 128>}, {pipeline_mode = #tpu.pipeline_mode<synchronous>, transform_indices = @transform_9, window_bounds = array<i64: 128, 128>}, {pipeline_mode = #tpu.pipeline_mode<synchronous>, transform_indices = @transform_10, window_bounds = array<i64: 1, 128>}, {pipeline_mode = #tpu.pipeline_mode<synchronous>, transform_indices = @transform_11, window_bounds = array<i64: 1, 128>}, {transform_indices = @transform_12, window_bounds = array<i64: 1000, 128>}, {transform_indices = @transform_13, window_bounds = array<i64: 1000, 128>}]} {
    %get3A = arith.constant 0 : index
    %get3A_0 = arith.constant 0 : index
    %get3A_1 = vector.load %arg1[%get3A, %get3A_0] : memref<1000x128xf32, #tpu.memory_space<vmem>>, vector<1000x128xf32>
    %get3A_2 = arith.constant 0 : index
    %get3A_3 = arith.constant 0 : index
    %get3A_4 = vector.load %arg2[%get3A_2, %get3A_3] : memref<1000x128xf32, #tpu.memory_space<vmem>>, vector<1000x128xf32>
    %get3A_5 = arith.constant 0 : index
    %get3A_6 = arith.constant 0 : index
    %get3A_7 = vector.load %arg5[%get3A_5, %get3A_6] : memref<128x128xf32, #tpu.memory_space<vmem>>, vector<128x128xf32>
    %dot_general3A = arith.constant dense<0.000000e+00> : vector<1000x128xf32>
    %dot_general3A_8 = tpu.matmul %get3A_1, %get3A_7, %dot_general3A {dimension_numbers = #tpu.dot_dimension_numbers<[1], [0], [0], [1], [0, 0, 1, 1], [], []>, transpose_lhs_hint = false} : vector<1000x128xf32>, vector<128x128xf32>, vector<1000x128xf32> -> vector<1000x128xf32>
    %get3A_9 = arith.constant 0 : index
    %get3A_10 = arith.constant 0 : index
    %get3A_11 = vector.load %arg6[%get3A_9, %get3A_10] : memref<128x128xf32, #tpu.memory_space<vmem>>, vector<128x128xf32>
    %dot_general3A_12 = arith.constant dense<0.000000e+00> : vector<1000x128xf32>
    %dot_general3A_13 = tpu.matmul %get3A_4, %get3A_11, %dot_general3A_12 {dimension_numbers = #tpu.dot_dimension_numbers<[1], [0], [0], [1], [0, 0, 1, 1], [], []>, transpose_lhs_hint = false} : vector<1000x128xf32>, vector<128x128xf32>, vector<1000x128xf32> -> vector<1000x128xf32>
    %add3A = arith.addf %dot_general3A_8, %dot_general3A_13 : vector<1000x128xf32>
    %get3A_14 = arith.constant 0 : index
    %get3A_15 = arith.constant 0 : index
    %get3A_16 = vector.load %arg3[%get3A_14, %get3A_15] : memref<1000x128xf32, #tpu.memory_space<vmem>>, vector<1000x128xf32>
    %add3A_17 = arith.addf %add3A, %get3A_16 : vector<1000x128xf32>
    %get3A_18 = arith.constant 0 : index
    %get3A_19 = arith.constant 0 : index
    %get3A_20 = vector.load %arg4[%get3A_18, %get3A_19] : memref<1000x32xf32, #tpu.memory_space<vmem>>, vector<1000x32xf32>
    %get3A_21 = arith.constant 0 : index
    %get3A_22 = arith.constant 0 : index
    %get3A_23 = vector.load %arg7[%get3A_21, %get3A_22] : memref<32x128xf32, #tpu.memory_space<vmem>>, vector<32x128xf32>
    %dot_general3A_24 = arith.constant dense<0.000000e+00> : vector<1000x128xf32>
    %dot_general3A_25 = tpu.matmul %get3A_20, %get3A_23, %dot_general3A_24 {dimension_numbers = #tpu.dot_dimension_numbers<[1], [0], [0], [1], [0, 0, 1, 1], [], []>, transpose_lhs_hint = false} : vector<1000x32xf32>, vector<32x128xf32>, vector<1000x128xf32> -> vector<1000x128xf32>
    %add3A_26 = arith.addf %add3A_17, %dot_general3A_25 : vector<1000x128xf32>
    %get3A_27 = arith.constant 0 : index
    %get3A_28 = arith.constant 0 : index
    %get3A_29 = vector.load %arg11[%get3A_27, %get3A_28] : memref<1x128xf32, #tpu.memory_space<vmem>>, vector<1x128xf32>
    %add3A_30 = vector.broadcast %get3A_29 : vector<1x128xf32> to vector<1000x128xf32>
    %add3A_31 = arith.addf %add3A_26, %add3A_30 : vector<1000x128xf32>
    %max3A = arith.constant 0.000000e+00 : f32
    %max3A_32 = vector.broadcast %max3A : f32 to vector<1000x128xf32>
    %max3A_33 = arith.maximumf %add3A_31, %max3A_32 : vector<1000x128xf32>
    %swap3A = arith.constant 0 : index
    %swap3A_34 = arith.constant 0 : index
    %swap3A_35 = vector.load %arg13[%swap3A, %swap3A_34] : memref<1000x128xf32, #tpu.memory_space<vmem>>, vector<1000x128xf32>
    tpu.vector_store %arg13[%swap3A, %swap3A_34], %max3A_33 {strides = array<i32>} : memref<1000x128xf32, #tpu.memory_space<vmem>>, vector<1000x128xf32>,
    %get3A_36 = arith.constant 0 : index
    %get3A_37 = arith.constant 0 : index
    %get3A_38 = vector.load %arg8[%get3A_36, %get3A_37] : memref<128x128xf32, #tpu.memory_space<vmem>>, vector<128x128xf32>
    %dot_general3A_39 = arith.constant dense<0.000000e+00> : vector<1000x128xf32>
    %dot_general3A_40 = tpu.matmul %get3A_1, %get3A_38, %dot_general3A_39 {dimension_numbers = #tpu.dot_dimension_numbers<[1], [0], [0], [1], [0, 0, 1, 1], [], []>, transpose_lhs_hint = false} : vector<1000x128xf32>, vector<128x128xf32>, vector<1000x128xf32> -> vector<1000x128xf32>
    %get3A_41 = arith.constant 0 : index
    %get3A_42 = arith.constant 0 : index
    %get3A_43 = vector.load %arg9[%get3A_41, %get3A_42] : memref<128x128xf32, #tpu.memory_space<vmem>>, vector<128x128xf32>
    %dot_general3A_44 = arith.constant dense<0.000000e+00> : vector<1000x128xf32>
    %dot_general3A_45 = tpu.matmul %get3A_4, %get3A_43, %dot_general3A_44 {dimension_numbers = #tpu.dot_dimension_numbers<[1], [0], [0], [1], [0, 0, 1, 1], [], []>, transpose_lhs_hint = false} : vector<1000x128xf32>, vector<128x128xf32>, vector<1000x128xf32> -> vector<1000x128xf32>
    %add3A_46 = arith.addf %dot_general3A_40, %dot_general3A_45 : vector<1000x128xf32>
    %get3A_47 = arith.constant 0 : index
    %get3A_48 = arith.constant 0 : index
    %get3A_49 = vector.load %arg10[%get3A_47, %get3A_48] : memref<128x128xf32, #tpu.memory_space<vmem>>, vector<128x128xf32>
    %dot_general3A_50 = arith.constant dense<0.000000e+00> : vector<1000x128xf32>
    %dot_general3A_51 = tpu.matmul %max3A_33, %get3A_49, %dot_general3A_50 {dimension_numbers = #tpu.dot_dimension_numbers<[1], [0], [0], [1], [0, 0, 1, 1], [], []>, transpose_lhs_hint = false} : vector<1000x128xf32>, vector<128x128xf32>, vector<1000x128xf32> -> vector<1000x128xf32>
    %add3A_52 = arith.addf %add3A_46, %dot_general3A_51 : vector<1000x128xf32>
    %get3A_53 = arith.constant 0 : index
    %get3A_54 = arith.constant 0 : index
    %get3A_55 = vector.load %arg12[%get3A_53, %get3A_54] : memref<1x128xf32, #tpu.memory_space<vmem>>, vector<1x128xf32>
    %add3A_56 = vector.broadcast %get3A_55 : vector<1x128xf32> to vector<1000x128xf32>
    %add3A_57 = arith.addf %add3A_52, %add3A_56 : vector<1000x128xf32>
    %max3A_58 = arith.constant 0.000000e+00 : f32
    %max3A_59 = vector.broadcast %max3A_58 : f32 to vector<1000x128xf32>
    %max3A_60 = arith.maximumf %add3A_57, %max3A_59 : vector<1000x128xf32>
    %swap3A_61 = arith.constant 0 : index
    %swap3A_62 = arith.constant 0 : index
    %swap3A_63 = vector.load %arg14[%swap3A_61, %swap3A_62] : memref<1000x128xf32, #tpu.memory_space<vmem>>, vector<1000x128xf32>
    tpu.vector_store %arg14[%swap3A_61, %swap3A_62], %max3A_60 {strides = array<i32>} : memref<1000x128xf32, #tpu.memory_space<vmem>>, vector<1000x128xf32>,
    return
  }
  func.func @transform_0(%arg0: i32) -> (i32, i32) {
    %c0_i32 = arith.constant 0 : i32
    %c0_i32_0 = arith.constant 0 : i32
    return %arg0, %c0_i32 : i32, i32
  }
  func.func @transform_1(%arg0: i32) -> (i32, i32) {
    %c0_i32 = arith.constant 0 : i32
    %c0_i32_0 = arith.constant 0 : i32
    return %arg0, %c0_i32 : i32, i32
  }
  func.func @transform_2(%arg0: i32) -> (i32, i32) {
    %c0_i32 = arith.constant 0 : i32
    %c0_i32_0 = arith.constant 0 : i32
    return %arg0, %c0_i32 : i32, i32
  }
  func.func @transform_3(%arg0: i32) -> (i32, i32) {
    %c0_i32 = arith.constant 0 : i32
    %c0_i32_0 = arith.constant 0 : i32
    return %arg0, %c0_i32 : i32, i32
  }
  func.func @transform_4(%arg0: i32) -> (i32, i32) {
    %c0_i32 = arith.constant 0 : i32
    %c0_i32_0 = arith.constant 0 : i32
    %c0_i32_1 = arith.constant 0 : i32
    return %c0_i32, %c0_i32_0 : i32, i32
  }
  func.func @transform_5(%arg0: i32) -> (i32, i32) {
    %c0_i32 = arith.constant 0 : i32
    %c0_i32_0 = arith.constant 0 : i32
    %c0_i32_1 = arith.constant 0 : i32
    return %c0_i32, %c0_i32_0 : i32, i32
  }
  func.func @transform_6(%arg0: i32) -> (i32, i32) {
    %c0_i32 = arith.constant 0 : i32
    %c0_i32_0 = arith.constant 0 : i32
    %c0_i32_1 = arith.constant 0 : i32
    return %c0_i32, %c0_i32_0 : i32, i32
  }
  func.func @transform_7(%arg0: i32) -> (i32, i32) {
    %c0_i32 = arith.constant 0 : i32
    %c0_i32_0 = arith.constant 0 : i32
    %c0_i32_1 = arith.constant 0 : i32
    return %c0_i32, %c0_i32_0 : i32, i32
  }
  func.func @transform_8(%arg0: i32) -> (i32, i32) {
    %c0_i32 = arith.constant 0 : i32
    %c0_i32_0 = arith.constant 0 : i32
    %c0_i32_1 = arith.constant 0 : i32
    return %c0_i32, %c0_i32_0 : i32, i32
  }
  func.func @transform_9(%arg0: i32) -> (i32, i32) {
    %c0_i32 = arith.constant 0 : i32
    %c0_i32_0 = arith.constant 0 : i32
    %c0_i32_1 = arith.constant 0 : i32
    return %c0_i32, %c0_i32_0 : i32, i32
  }
  func.func @transform_10(%arg0: i32) -> (i32, i32) {
    %c0_i32 = arith.constant 0 : i32
    %c0_i32_0 = arith.constant 0 : i32
    %c0_i32_1 = arith.constant 0 : i32
    return %c0_i32, %c0_i32_0 : i32, i32
  }
  func.func @transform_11(%arg0: i32) -> (i32, i32) {
    %c0_i32 = arith.constant 0 : i32
    %c0_i32_0 = arith.constant 0 : i32
    %c0_i32_1 = arith.constant 0 : i32
    return %c0_i32, %c0_i32_0 : i32, i32
  }
  func.func @transform_12(%arg0: i32) -> (i32, i32) {
    %c0_i32 = arith.constant 0 : i32
    %c0_i32_0 = arith.constant 0 : i32
    return %arg0, %c0_i32 : i32, i32
  }
  func.func @transform_13(%arg0: i32) -> (i32, i32) {
    %c0_i32 = arith.constant 0 : i32
    %c0_i32_0 = arith.constant 0 : i32
    return %arg0, %c0_i32 : i32, i32
  }
}

module attributes {stable_mosaic.version = 14 : i64} {
  func.func @_node_tc_body(%arg0: i32, %arg1: memref<2x2000x64xf32, #tpu.memory_space<vmem>>, %arg2: memref<2000x32xf32, #tpu.memory_space<vmem>>, %arg3: memref<2000x128xf32, #tpu.memory_space<vmem>>, %arg4: memref<128x64xf32, #tpu.memory_space<vmem>>, %arg5: memref<64x64xf32, #tpu.memory_space<vmem>>, %arg6: memref<1x64xf32, #tpu.memory_space<vmem>>, %arg7: memref<64x64xf32, #tpu.memory_space<vmem>>, %arg8: memref<2000x64xf32, #tpu.memory_space<vmem>>, %arg9: memref<2000x64xf32, #tpu.memory_space<vmem>>) attributes {dimension_semantics = [#tpu.dimension_semantics<arbitrary>], iteration_bounds = array<i64: 5>, scalar_prefetch = 0 : i64, scratch_operands = 0 : i64, tpu.core_type = #tpu.core_type<tc>, window_params = [{transform_indices = @transform_0, window_bounds = array<i64: 2, 2000, 64>}, {transform_indices = @transform_1, window_bounds = array<i64: 2000, 32>}, {transform_indices = @transform_2, window_bounds = array<i64: 2000, 128>}, {pipeline_mode = #tpu.pipeline_mode<synchronous>, transform_indices = @transform_3, window_bounds = array<i64: 128, 64>}, {pipeline_mode = #tpu.pipeline_mode<synchronous>, transform_indices = @transform_4, window_bounds = array<i64: 64, 64>}, {pipeline_mode = #tpu.pipeline_mode<synchronous>, transform_indices = @transform_5, window_bounds = array<i64: 1, 64>}, {pipeline_mode = #tpu.pipeline_mode<synchronous>, transform_indices = @transform_6, window_bounds = array<i64: 64, 64>}, {transform_indices = @transform_7, window_bounds = array<i64: 2000, 64>}, {transform_indices = @transform_8, window_bounds = array<i64: 2000, 64>}]} {
    %get3A = arith.constant 0 : index
    %get3A_0 = arith.constant 0 : index
    %get3A_1 = arith.constant 0 : index
    %get3A_2 = vector.load %arg1[%get3A, %get3A_0, %get3A_1] : memref<2x2000x64xf32, #tpu.memory_space<vmem>>, vector<1x2000x64xf32>
    %get3A_3 = vector.shape_cast %get3A_2 : vector<1x2000x64xf32> to vector<2000x64xf32>
    %get3A_4 = arith.constant 1 : index
    %get3A_5 = arith.constant 0 : index
    %get3A_6 = arith.constant 0 : index
    %get3A_7 = vector.load %arg1[%get3A_4, %get3A_5, %get3A_6] : memref<2x2000x64xf32, #tpu.memory_space<vmem>>, vector<1x2000x64xf32>
    %get3A_8 = vector.shape_cast %get3A_7 : vector<1x2000x64xf32> to vector<2000x64xf32>
    %add3A = arith.addf %get3A_3, %get3A_8 : vector<2000x64xf32>
    %get3A_9 = arith.constant 0 : index
    %get3A_10 = arith.constant 0 : index
    %get3A_11 = vector.load %arg2[%get3A_9, %get3A_10] : memref<2000x32xf32, #tpu.memory_space<vmem>>, vector<2000x32xf32>
    %reduce_sum3A = arith.constant dense<0.000000e+00> : vector<2000xf32>
    %reduce_sum3A_12 = vector.multi_reduction <add>, %get3A_11, %reduce_sum3A [1] : vector<2000x32xf32> to vector<2000xf32>
    %max3A = arith.constant 1.000000e+00 : f32
    %max3A_13 = vector.broadcast %max3A : f32 to vector<2000xf32>
    %max3A_14 = arith.maximumf %reduce_sum3A_12, %max3A_13 : vector<2000xf32>
    %broadcast_in_dim3A = vector.shape_cast %max3A_14 : vector<2000xf32> to vector<2000x1xf32>
    %div3A = vector.broadcast %broadcast_in_dim3A : vector<2000x1xf32> to vector<2000x64xf32>
    %div3A_15 = arith.divf %add3A, %div3A : vector<2000x64xf32>
    %get3A_16 = arith.constant 0 : index
    %get3A_17 = arith.constant 0 : index
    %get3A_18 = vector.load %arg3[%get3A_16, %get3A_17] : memref<2000x128xf32, #tpu.memory_space<vmem>>, vector<2000x128xf32>
    %get3A_19 = arith.constant 0 : index
    %get3A_20 = arith.constant 0 : index
    %get3A_21 = vector.load %arg4[%get3A_19, %get3A_20] : memref<128x64xf32, #tpu.memory_space<vmem>>, vector<128x64xf32>
    %dot_general3A = arith.constant dense<0.000000e+00> : vector<2000x64xf32>
    %dot_general3A_22 = tpu.matmul %get3A_18, %get3A_21, %dot_general3A {dimension_numbers = #tpu.dot_dimension_numbers<[1], [0], [0], [1], [0, 0, 1, 1], [], []>, transpose_lhs_hint = false} : vector<2000x128xf32>, vector<128x64xf32>, vector<2000x64xf32> -> vector<2000x64xf32>
    %get3A_23 = arith.constant 0 : index
    %get3A_24 = arith.constant 0 : index
    %get3A_25 = vector.load %arg5[%get3A_23, %get3A_24] : memref<64x64xf32, #tpu.memory_space<vmem>>, vector<64x64xf32>
    %dot_general3A_26 = arith.constant dense<0.000000e+00> : vector<2000x64xf32>
    %dot_general3A_27 = tpu.matmul %div3A_15, %get3A_25, %dot_general3A_26 {dimension_numbers = #tpu.dot_dimension_numbers<[1], [0], [0], [1], [0, 0, 1, 1], [], []>, transpose_lhs_hint = false} : vector<2000x64xf32>, vector<64x64xf32>, vector<2000x64xf32> -> vector<2000x64xf32>
    %add3A_28 = arith.addf %dot_general3A_22, %dot_general3A_27 : vector<2000x64xf32>
    %get3A_29 = arith.constant 0 : index
    %get3A_30 = arith.constant 0 : index
    %get3A_31 = vector.load %arg6[%get3A_29, %get3A_30] : memref<1x64xf32, #tpu.memory_space<vmem>>, vector<1x64xf32>
    %add3A_32 = vector.broadcast %get3A_31 : vector<1x64xf32> to vector<2000x64xf32>
    %add3A_33 = arith.addf %add3A_28, %add3A_32 : vector<2000x64xf32>
    %max3A_34 = arith.constant 0.000000e+00 : f32
    %max3A_35 = vector.broadcast %max3A_34 : f32 to vector<2000x64xf32>
    %max3A_36 = arith.maximumf %add3A_33, %max3A_35 : vector<2000x64xf32>
    %swap3A = arith.constant 0 : index
    %swap3A_37 = arith.constant 0 : index
    %swap3A_38 = vector.load %arg8[%swap3A, %swap3A_37] : memref<2000x64xf32, #tpu.memory_space<vmem>>, vector<2000x64xf32>
    tpu.vector_store %arg8[%swap3A, %swap3A_37], %max3A_36 {strides = array<i32>} : memref<2000x64xf32, #tpu.memory_space<vmem>>, vector<2000x64xf32>,
    %get3A_39 = arith.constant 0 : index
    %get3A_40 = arith.constant 0 : index
    %get3A_41 = vector.load %arg7[%get3A_39, %get3A_40] : memref<64x64xf32, #tpu.memory_space<vmem>>, vector<64x64xf32>
    %dot_general3A_42 = arith.constant dense<0.000000e+00> : vector<2000x64xf32>
    %dot_general3A_43 = tpu.matmul %max3A_36, %get3A_41, %dot_general3A_42 {dimension_numbers = #tpu.dot_dimension_numbers<[1], [0], [0], [1], [0, 0, 1, 1], [], []>, transpose_lhs_hint = false} : vector<2000x64xf32>, vector<64x64xf32>, vector<2000x64xf32> -> vector<2000x64xf32>
    %swap3A_44 = arith.constant 0 : index
    %swap3A_45 = arith.constant 0 : index
    %swap3A_46 = vector.load %arg9[%swap3A_44, %swap3A_45] : memref<2000x64xf32, #tpu.memory_space<vmem>>, vector<2000x64xf32>
    tpu.vector_store %arg9[%swap3A_44, %swap3A_45], %dot_general3A_43 {strides = array<i32>} : memref<2000x64xf32, #tpu.memory_space<vmem>>, vector<2000x64xf32>,
    return
  }
  func.func @transform_0(%arg0: i32) -> (i32, i32, i32) {
    %c0_i32 = arith.constant 0 : i32
    %c0_i32_0 = arith.constant 0 : i32
    %c0_i32_1 = arith.constant 0 : i32
    return %c0_i32, %arg0, %c0_i32_0 : i32, i32, i32
  }
  func.func @transform_1(%arg0: i32) -> (i32, i32) {
    %c0_i32 = arith.constant 0 : i32
    %c0_i32_0 = arith.constant 0 : i32
    return %arg0, %c0_i32 : i32, i32
  }
  func.func @transform_2(%arg0: i32) -> (i32, i32) {
    %c0_i32 = arith.constant 0 : i32
    %c0_i32_0 = arith.constant 0 : i32
    return %arg0, %c0_i32 : i32, i32
  }
  func.func @transform_3(%arg0: i32) -> (i32, i32) {
    %c0_i32 = arith.constant 0 : i32
    %c0_i32_0 = arith.constant 0 : i32
    %c0_i32_1 = arith.constant 0 : i32
    return %c0_i32, %c0_i32_0 : i32, i32
  }
  func.func @transform_4(%arg0: i32) -> (i32, i32) {
    %c0_i32 = arith.constant 0 : i32
    %c0_i32_0 = arith.constant 0 : i32
    %c0_i32_1 = arith.constant 0 : i32
    return %c0_i32, %c0_i32_0 : i32, i32
  }
  func.func @transform_5(%arg0: i32) -> (i32, i32) {
    %c0_i32 = arith.constant 0 : i32
    %c0_i32_0 = arith.constant 0 : i32
    %c0_i32_1 = arith.constant 0 : i32
    return %c0_i32, %c0_i32_0 : i32, i32
  }
  func.func @transform_6(%arg0: i32) -> (i32, i32) {
    %c0_i32 = arith.constant 0 : i32
    %c0_i32_0 = arith.constant 0 : i32
    %c0_i32_1 = arith.constant 0 : i32
    return %c0_i32, %c0_i32_0 : i32, i32
  }
  func.func @transform_7(%arg0: i32) -> (i32, i32) {
    %c0_i32 = arith.constant 0 : i32
    %c0_i32_0 = arith.constant 0 : i32
    return %arg0, %c0_i32 : i32, i32
  }
  func.func @transform_8(%arg0: i32) -> (i32, i32) {
    %c0_i32 = arith.constant 0 : i32
    %c0_i32_0 = arith.constant 0 : i32
    return %arg0, %c0_i32 : i32, i32
  }
}

module attributes {stable_mosaic.version = 14 : i64} {
  func.func @_edge_tc_body(%arg0: i32, %arg1: memref<1000x128xf32, #tpu.memory_space<vmem>>, %arg2: memref<1000x128xf32, #tpu.memory_space<vmem>>, %arg3: memref<1000x128xf32, #tpu.memory_space<vmem>>, %arg4: memref<128x128xf32, #tpu.memory_space<vmem>>, %arg5: memref<128x128xf32, #tpu.memory_space<vmem>>, %arg6: memref<128x128xf32, #tpu.memory_space<vmem>>, %arg7: memref<128x128xf32, #tpu.memory_space<vmem>>, %arg8: memref<1x128xf32, #tpu.memory_space<vmem>>, %arg9: memref<1x128xf32, #tpu.memory_space<vmem>>, %arg10: memref<1000x128xf32, #tpu.memory_space<vmem>>, %arg11: memref<1000x128xf32, #tpu.memory_space<vmem>>) attributes {dimension_semantics = [#tpu.dimension_semantics<arbitrary>], iteration_bounds = array<i64: 160>, scalar_prefetch = 0 : i64, scratch_operands = 0 : i64, tpu.core_type = #tpu.core_type<tc>, window_params = [{transform_indices = @transform_0, window_bounds = array<i64: 1000, 128>}, {transform_indices = @transform_1, window_bounds = array<i64: 1000, 128>}, {transform_indices = @transform_2, window_bounds = array<i64: 1000, 128>}, {pipeline_mode = #tpu.pipeline_mode<synchronous>, transform_indices = @transform_3, window_bounds = array<i64: 128, 128>}, {pipeline_mode = #tpu.pipeline_mode<synchronous>, transform_indices = @transform_4, window_bounds = array<i64: 128, 128>}, {pipeline_mode = #tpu.pipeline_mode<synchronous>, transform_indices = @transform_5, window_bounds = array<i64: 128, 128>}, {pipeline_mode = #tpu.pipeline_mode<synchronous>, transform_indices = @transform_6, window_bounds = array<i64: 128, 128>}, {pipeline_mode = #tpu.pipeline_mode<synchronous>, transform_indices = @transform_7, window_bounds = array<i64: 1, 128>}, {pipeline_mode = #tpu.pipeline_mode<synchronous>, transform_indices = @transform_8, window_bounds = array<i64: 1, 128>}, {transform_indices = @transform_9, window_bounds = array<i64: 1000, 128>}, {transform_indices = @transform_10, window_bounds = array<i64: 1000, 128>}]} {
    %get3A = arith.constant 0 : index
    %get3A_0 = arith.constant 0 : index
    %get3A_1 = vector.load %arg1[%get3A, %get3A_0] : memref<1000x128xf32, #tpu.memory_space<vmem>>, vector<1000x128xf32>
    %get3A_2 = arith.constant 0 : index
    %get3A_3 = arith.constant 0 : index
    %get3A_4 = vector.load %arg4[%get3A_2, %get3A_3] : memref<128x128xf32, #tpu.memory_space<vmem>>, vector<128x128xf32>
    %dot_general3A = arith.constant dense<0.000000e+00> : vector<1000x128xf32>
    %dot_general3A_5 = tpu.matmul %get3A_1, %get3A_4, %dot_general3A {dimension_numbers = #tpu.dot_dimension_numbers<[1], [0], [0], [1], [0, 0, 1, 1], [], []>, transpose_lhs_hint = false} : vector<1000x128xf32>, vector<128x128xf32>, vector<1000x128xf32> -> vector<1000x128xf32>
    %get3A_6 = arith.constant 0 : index
    %get3A_7 = arith.constant 0 : index
    %get3A_8 = vector.load %arg2[%get3A_6, %get3A_7] : memref<1000x128xf32, #tpu.memory_space<vmem>>, vector<1000x128xf32>
    %add3A = arith.addf %dot_general3A_5, %get3A_8 : vector<1000x128xf32>
    %get3A_9 = arith.constant 0 : index
    %get3A_10 = arith.constant 0 : index
    %get3A_11 = vector.load %arg3[%get3A_9, %get3A_10] : memref<1000x128xf32, #tpu.memory_space<vmem>>, vector<1000x128xf32>
    %get3A_12 = arith.constant 0 : index
    %get3A_13 = arith.constant 0 : index
    %get3A_14 = vector.load %arg5[%get3A_12, %get3A_13] : memref<128x128xf32, #tpu.memory_space<vmem>>, vector<128x128xf32>
    %dot_general3A_15 = arith.constant dense<0.000000e+00> : vector<1000x128xf32>
    %dot_general3A_16 = tpu.matmul %get3A_11, %get3A_14, %dot_general3A_15 {dimension_numbers = #tpu.dot_dimension_numbers<[1], [0], [0], [1], [0, 0, 1, 1], [], []>, transpose_lhs_hint = false} : vector<1000x128xf32>, vector<128x128xf32>, vector<1000x128xf32> -> vector<1000x128xf32>
    %add3A_17 = arith.addf %add3A, %dot_general3A_16 : vector<1000x128xf32>
    %get3A_18 = arith.constant 0 : index
    %get3A_19 = arith.constant 0 : index
    %get3A_20 = vector.load %arg8[%get3A_18, %get3A_19] : memref<1x128xf32, #tpu.memory_space<vmem>>, vector<1x128xf32>
    %add3A_21 = vector.broadcast %get3A_20 : vector<1x128xf32> to vector<1000x128xf32>
    %add3A_22 = arith.addf %add3A_17, %add3A_21 : vector<1000x128xf32>
    %max3A = arith.constant 0.000000e+00 : f32
    %max3A_23 = vector.broadcast %max3A : f32 to vector<1000x128xf32>
    %max3A_24 = arith.maximumf %add3A_22, %max3A_23 : vector<1000x128xf32>
    %swap3A = arith.constant 0 : index
    %swap3A_25 = arith.constant 0 : index
    %swap3A_26 = vector.load %arg10[%swap3A, %swap3A_25] : memref<1000x128xf32, #tpu.memory_space<vmem>>, vector<1000x128xf32>
    tpu.vector_store %arg10[%swap3A, %swap3A_25], %max3A_24 {strides = array<i32>} : memref<1000x128xf32, #tpu.memory_space<vmem>>, vector<1000x128xf32>,
    %get3A_27 = arith.constant 0 : index
    %get3A_28 = arith.constant 0 : index
    %get3A_29 = vector.load %arg6[%get3A_27, %get3A_28] : memref<128x128xf32, #tpu.memory_space<vmem>>, vector<128x128xf32>
    %dot_general3A_30 = arith.constant dense<0.000000e+00> : vector<1000x128xf32>
    %dot_general3A_31 = tpu.matmul %get3A_1, %get3A_29, %dot_general3A_30 {dimension_numbers = #tpu.dot_dimension_numbers<[1], [0], [0], [1], [0, 0, 1, 1], [], []>, transpose_lhs_hint = false} : vector<1000x128xf32>, vector<128x128xf32>, vector<1000x128xf32> -> vector<1000x128xf32>
    %get3A_32 = arith.constant 0 : index
    %get3A_33 = arith.constant 0 : index
    %get3A_34 = vector.load %arg7[%get3A_32, %get3A_33] : memref<128x128xf32, #tpu.memory_space<vmem>>, vector<128x128xf32>
    %dot_general3A_35 = arith.constant dense<0.000000e+00> : vector<1000x128xf32>
    %dot_general3A_36 = tpu.matmul %max3A_24, %get3A_34, %dot_general3A_35 {dimension_numbers = #tpu.dot_dimension_numbers<[1], [0], [0], [1], [0, 0, 1, 1], [], []>, transpose_lhs_hint = false} : vector<1000x128xf32>, vector<128x128xf32>, vector<1000x128xf32> -> vector<1000x128xf32>
    %add3A_37 = arith.addf %dot_general3A_31, %dot_general3A_36 : vector<1000x128xf32>
    %get3A_38 = arith.constant 0 : index
    %get3A_39 = arith.constant 0 : index
    %get3A_40 = vector.load %arg9[%get3A_38, %get3A_39] : memref<1x128xf32, #tpu.memory_space<vmem>>, vector<1x128xf32>
    %add3A_41 = vector.broadcast %get3A_40 : vector<1x128xf32> to vector<1000x128xf32>
    %add3A_42 = arith.addf %add3A_37, %add3A_41 : vector<1000x128xf32>
    %max3A_43 = arith.constant 0.000000e+00 : f32
    %max3A_44 = vector.broadcast %max3A_43 : f32 to vector<1000x128xf32>
    %max3A_45 = arith.maximumf %add3A_42, %max3A_44 : vector<1000x128xf32>
    %swap3A_46 = arith.constant 0 : index
    %swap3A_47 = arith.constant 0 : index
    %swap3A_48 = vector.load %arg11[%swap3A_46, %swap3A_47] : memref<1000x128xf32, #tpu.memory_space<vmem>>, vector<1000x128xf32>
    tpu.vector_store %arg11[%swap3A_46, %swap3A_47], %max3A_45 {strides = array<i32>} : memref<1000x128xf32, #tpu.memory_space<vmem>>, vector<1000x128xf32>,
    return
  }
  func.func @transform_0(%arg0: i32) -> (i32, i32) {
    %c0_i32 = arith.constant 0 : i32
    %c0_i32_0 = arith.constant 0 : i32
    return %arg0, %c0_i32 : i32, i32
  }
  func.func @transform_1(%arg0: i32) -> (i32, i32) {
    %c0_i32 = arith.constant 0 : i32
    %c0_i32_0 = arith.constant 0 : i32
    return %arg0, %c0_i32 : i32, i32
  }
  func.func @transform_2(%arg0: i32) -> (i32, i32) {
    %c0_i32 = arith.constant 0 : i32
    %c0_i32_0 = arith.constant 0 : i32
    return %arg0, %c0_i32 : i32, i32
  }
  func.func @transform_3(%arg0: i32) -> (i32, i32) {
    %c0_i32 = arith.constant 0 : i32
    %c0_i32_0 = arith.constant 0 : i32
    %c0_i32_1 = arith.constant 0 : i32
    return %c0_i32, %c0_i32_0 : i32, i32
  }
  func.func @transform_4(%arg0: i32) -> (i32, i32) {
    %c0_i32 = arith.constant 0 : i32
    %c0_i32_0 = arith.constant 0 : i32
    %c0_i32_1 = arith.constant 0 : i32
    return %c0_i32, %c0_i32_0 : i32, i32
  }
  func.func @transform_5(%arg0: i32) -> (i32, i32) {
    %c0_i32 = arith.constant 0 : i32
    %c0_i32_0 = arith.constant 0 : i32
    %c0_i32_1 = arith.constant 0 : i32
    return %c0_i32, %c0_i32_0 : i32, i32
  }
  func.func @transform_6(%arg0: i32) -> (i32, i32) {
    %c0_i32 = arith.constant 0 : i32
    %c0_i32_0 = arith.constant 0 : i32
    %c0_i32_1 = arith.constant 0 : i32
    return %c0_i32, %c0_i32_0 : i32, i32
  }
  func.func @transform_7(%arg0: i32) -> (i32, i32) {
    %c0_i32 = arith.constant 0 : i32
    %c0_i32_0 = arith.constant 0 : i32
    %c0_i32_1 = arith.constant 0 : i32
    return %c0_i32, %c0_i32_0 : i32, i32
  }
  func.func @transform_8(%arg0: i32) -> (i32, i32) {
    %c0_i32 = arith.constant 0 : i32
    %c0_i32_0 = arith.constant 0 : i32
    %c0_i32_1 = arith.constant 0 : i32
    return %c0_i32, %c0_i32_0 : i32, i32
  }
  func.func @transform_9(%arg0: i32) -> (i32, i32) {
    %c0_i32 = arith.constant 0 : i32
    %c0_i32_0 = arith.constant 0 : i32
    return %arg0, %c0_i32 : i32, i32
  }
  func.func @transform_10(%arg0: i32) -> (i32, i32) {
    %c0_i32 = arith.constant 0 : i32
    %c0_i32_0 = arith.constant 0 : i32
    return %arg0, %c0_i32 : i32, i32
  }
}

module attributes {stable_mosaic.version = 14 : i64} {
  func.func @_node_tc_body(%arg0: i32, %arg1: memref<2x2000x64xf32, #tpu.memory_space<vmem>>, %arg2: memref<2000x32xf32, #tpu.memory_space<vmem>>, %arg3: memref<2000x64xf32, #tpu.memory_space<vmem>>, %arg4: memref<64x64xf32, #tpu.memory_space<vmem>>, %arg5: memref<64x64xf32, #tpu.memory_space<vmem>>, %arg6: memref<1x64xf32, #tpu.memory_space<vmem>>, %arg7: memref<64x64xf32, #tpu.memory_space<vmem>>, %arg8: memref<2000x64xf32, #tpu.memory_space<vmem>>, %arg9: memref<2000x64xf32, #tpu.memory_space<vmem>>) attributes {dimension_semantics = [#tpu.dimension_semantics<arbitrary>], iteration_bounds = array<i64: 5>, scalar_prefetch = 0 : i64, scratch_operands = 0 : i64, tpu.core_type = #tpu.core_type<tc>, window_params = [{transform_indices = @transform_0, window_bounds = array<i64: 2, 2000, 64>}, {transform_indices = @transform_1, window_bounds = array<i64: 2000, 32>}, {transform_indices = @transform_2, window_bounds = array<i64: 2000, 64>}, {pipeline_mode = #tpu.pipeline_mode<synchronous>, transform_indices = @transform_3, window_bounds = array<i64: 64, 64>}, {pipeline_mode = #tpu.pipeline_mode<synchronous>, transform_indices = @transform_4, window_bounds = array<i64: 64, 64>}, {pipeline_mode = #tpu.pipeline_mode<synchronous>, transform_indices = @transform_5, window_bounds = array<i64: 1, 64>}, {pipeline_mode = #tpu.pipeline_mode<synchronous>, transform_indices = @transform_6, window_bounds = array<i64: 64, 64>}, {transform_indices = @transform_7, window_bounds = array<i64: 2000, 64>}, {transform_indices = @transform_8, window_bounds = array<i64: 2000, 64>}]} {
    %get3A = arith.constant 0 : index
    %get3A_0 = arith.constant 0 : index
    %get3A_1 = arith.constant 0 : index
    %get3A_2 = vector.load %arg1[%get3A, %get3A_0, %get3A_1] : memref<2x2000x64xf32, #tpu.memory_space<vmem>>, vector<1x2000x64xf32>
    %get3A_3 = vector.shape_cast %get3A_2 : vector<1x2000x64xf32> to vector<2000x64xf32>
    %get3A_4 = arith.constant 1 : index
    %get3A_5 = arith.constant 0 : index
    %get3A_6 = arith.constant 0 : index
    %get3A_7 = vector.load %arg1[%get3A_4, %get3A_5, %get3A_6] : memref<2x2000x64xf32, #tpu.memory_space<vmem>>, vector<1x2000x64xf32>
    %get3A_8 = vector.shape_cast %get3A_7 : vector<1x2000x64xf32> to vector<2000x64xf32>
    %add3A = arith.addf %get3A_3, %get3A_8 : vector<2000x64xf32>
    %get3A_9 = arith.constant 0 : index
    %get3A_10 = arith.constant 0 : index
    %get3A_11 = vector.load %arg2[%get3A_9, %get3A_10] : memref<2000x32xf32, #tpu.memory_space<vmem>>, vector<2000x32xf32>
    %reduce_sum3A = arith.constant dense<0.000000e+00> : vector<2000xf32>
    %reduce_sum3A_12 = vector.multi_reduction <add>, %get3A_11, %reduce_sum3A [1] : vector<2000x32xf32> to vector<2000xf32>
    %max3A = arith.constant 1.000000e+00 : f32
    %max3A_13 = vector.broadcast %max3A : f32 to vector<2000xf32>
    %max3A_14 = arith.maximumf %reduce_sum3A_12, %max3A_13 : vector<2000xf32>
    %broadcast_in_dim3A = vector.shape_cast %max3A_14 : vector<2000xf32> to vector<2000x1xf32>
    %div3A = vector.broadcast %broadcast_in_dim3A : vector<2000x1xf32> to vector<2000x64xf32>
    %div3A_15 = arith.divf %add3A, %div3A : vector<2000x64xf32>
    %get3A_16 = arith.constant 0 : index
    %get3A_17 = arith.constant 0 : index
    %get3A_18 = vector.load %arg3[%get3A_16, %get3A_17] : memref<2000x64xf32, #tpu.memory_space<vmem>>, vector<2000x64xf32>
    %get3A_19 = arith.constant 0 : index
    %get3A_20 = arith.constant 0 : index
    %get3A_21 = vector.load %arg4[%get3A_19, %get3A_20] : memref<64x64xf32, #tpu.memory_space<vmem>>, vector<64x64xf32>
    %dot_general3A = arith.constant dense<0.000000e+00> : vector<2000x64xf32>
    %dot_general3A_22 = tpu.matmul %get3A_18, %get3A_21, %dot_general3A {dimension_numbers = #tpu.dot_dimension_numbers<[1], [0], [0], [1], [0, 0, 1, 1], [], []>, transpose_lhs_hint = false} : vector<2000x64xf32>, vector<64x64xf32>, vector<2000x64xf32> -> vector<2000x64xf32>
    %get3A_23 = arith.constant 0 : index
    %get3A_24 = arith.constant 0 : index
    %get3A_25 = vector.load %arg5[%get3A_23, %get3A_24] : memref<64x64xf32, #tpu.memory_space<vmem>>, vector<64x64xf32>
    %dot_general3A_26 = arith.constant dense<0.000000e+00> : vector<2000x64xf32>
    %dot_general3A_27 = tpu.matmul %div3A_15, %get3A_25, %dot_general3A_26 {dimension_numbers = #tpu.dot_dimension_numbers<[1], [0], [0], [1], [0, 0, 1, 1], [], []>, transpose_lhs_hint = false} : vector<2000x64xf32>, vector<64x64xf32>, vector<2000x64xf32> -> vector<2000x64xf32>
    %add3A_28 = arith.addf %dot_general3A_22, %dot_general3A_27 : vector<2000x64xf32>
    %get3A_29 = arith.constant 0 : index
    %get3A_30 = arith.constant 0 : index
    %get3A_31 = vector.load %arg6[%get3A_29, %get3A_30] : memref<1x64xf32, #tpu.memory_space<vmem>>, vector<1x64xf32>
    %add3A_32 = vector.broadcast %get3A_31 : vector<1x64xf32> to vector<2000x64xf32>
    %add3A_33 = arith.addf %add3A_28, %add3A_32 : vector<2000x64xf32>
    %max3A_34 = arith.constant 0.000000e+00 : f32
    %max3A_35 = vector.broadcast %max3A_34 : f32 to vector<2000x64xf32>
    %max3A_36 = arith.maximumf %add3A_33, %max3A_35 : vector<2000x64xf32>
    %swap3A = arith.constant 0 : index
    %swap3A_37 = arith.constant 0 : index
    %swap3A_38 = vector.load %arg8[%swap3A, %swap3A_37] : memref<2000x64xf32, #tpu.memory_space<vmem>>, vector<2000x64xf32>
    tpu.vector_store %arg8[%swap3A, %swap3A_37], %max3A_36 {strides = array<i32>} : memref<2000x64xf32, #tpu.memory_space<vmem>>, vector<2000x64xf32>,
    %get3A_39 = arith.constant 0 : index
    %get3A_40 = arith.constant 0 : index
    %get3A_41 = vector.load %arg7[%get3A_39, %get3A_40] : memref<64x64xf32, #tpu.memory_space<vmem>>, vector<64x64xf32>
    %dot_general3A_42 = arith.constant dense<0.000000e+00> : vector<2000x64xf32>
    %dot_general3A_43 = tpu.matmul %max3A_36, %get3A_41, %dot_general3A_42 {dimension_numbers = #tpu.dot_dimension_numbers<[1], [0], [0], [1], [0, 0, 1, 1], [], []>, transpose_lhs_hint = false} : vector<2000x64xf32>, vector<64x64xf32>, vector<2000x64xf32> -> vector<2000x64xf32>
    %swap3A_44 = arith.constant 0 : index
    %swap3A_45 = arith.constant 0 : index
    %swap3A_46 = vector.load %arg9[%swap3A_44, %swap3A_45] : memref<2000x64xf32, #tpu.memory_space<vmem>>, vector<2000x64xf32>
    tpu.vector_store %arg9[%swap3A_44, %swap3A_45], %dot_general3A_43 {strides = array<i32>} : memref<2000x64xf32, #tpu.memory_space<vmem>>, vector<2000x64xf32>,
    return
  }
  func.func @transform_0(%arg0: i32) -> (i32, i32, i32) {
    %c0_i32 = arith.constant 0 : i32
    %c0_i32_0 = arith.constant 0 : i32
    %c0_i32_1 = arith.constant 0 : i32
    return %c0_i32, %arg0, %c0_i32_0 : i32, i32, i32
  }
  func.func @transform_1(%arg0: i32) -> (i32, i32) {
    %c0_i32 = arith.constant 0 : i32
    %c0_i32_0 = arith.constant 0 : i32
    return %arg0, %c0_i32 : i32, i32
  }
  func.func @transform_2(%arg0: i32) -> (i32, i32) {
    %c0_i32 = arith.constant 0 : i32
    %c0_i32_0 = arith.constant 0 : i32
    return %arg0, %c0_i32 : i32, i32
  }
  func.func @transform_3(%arg0: i32) -> (i32, i32) {
    %c0_i32 = arith.constant 0 : i32
    %c0_i32_0 = arith.constant 0 : i32
    %c0_i32_1 = arith.constant 0 : i32
    return %c0_i32, %c0_i32_0 : i32, i32
  }
  func.func @transform_4(%arg0: i32) -> (i32, i32) {
    %c0_i32 = arith.constant 0 : i32
    %c0_i32_0 = arith.constant 0 : i32
    %c0_i32_1 = arith.constant 0 : i32
    return %c0_i32, %c0_i32_0 : i32, i32
  }
  func.func @transform_5(%arg0: i32) -> (i32, i32) {
    %c0_i32 = arith.constant 0 : i32
    %c0_i32_0 = arith.constant 0 : i32
    %c0_i32_1 = arith.constant 0 : i32
    return %c0_i32, %c0_i32_0 : i32, i32
  }
  func.func @transform_6(%arg0: i32) -> (i32, i32) {
    %c0_i32 = arith.constant 0 : i32
    %c0_i32_0 = arith.constant 0 : i32
    %c0_i32_1 = arith.constant 0 : i32
    return %c0_i32, %c0_i32_0 : i32, i32
  }
  func.func @transform_7(%arg0: i32) -> (i32, i32) {
    %c0_i32 = arith.constant 0 : i32
    %c0_i32_0 = arith.constant 0 : i32
    return %arg0, %c0_i32 : i32, i32
  }
  func.func @transform_8(%arg0: i32) -> (i32, i32) {
    %c0_i32 = arith.constant 0 : i32
    %c0_i32_0 = arith.constant 0 : i32
    return %arg0, %c0_i32 : i32, i32
  }
}

module attributes {stable_mosaic.version = 14 : i64} {
  func.func @_edge_tc_body(%arg0: i32, %arg1: memref<1000x128xf32, #tpu.memory_space<vmem>>, %arg2: memref<1000x128xf32, #tpu.memory_space<vmem>>, %arg3: memref<1000x128xf32, #tpu.memory_space<vmem>>, %arg4: memref<128x128xf32, #tpu.memory_space<vmem>>, %arg5: memref<128x128xf32, #tpu.memory_space<vmem>>, %arg6: memref<128x128xf32, #tpu.memory_space<vmem>>, %arg7: memref<128x128xf32, #tpu.memory_space<vmem>>, %arg8: memref<1x128xf32, #tpu.memory_space<vmem>>, %arg9: memref<1x128xf32, #tpu.memory_space<vmem>>, %arg10: memref<1000x128xf32, #tpu.memory_space<vmem>>, %arg11: memref<1000x128xf32, #tpu.memory_space<vmem>>) attributes {dimension_semantics = [#tpu.dimension_semantics<arbitrary>], iteration_bounds = array<i64: 160>, scalar_prefetch = 0 : i64, scratch_operands = 0 : i64, tpu.core_type = #tpu.core_type<tc>, window_params = [{transform_indices = @transform_0, window_bounds = array<i64: 1000, 128>}, {transform_indices = @transform_1, window_bounds = array<i64: 1000, 128>}, {transform_indices = @transform_2, window_bounds = array<i64: 1000, 128>}, {pipeline_mode = #tpu.pipeline_mode<synchronous>, transform_indices = @transform_3, window_bounds = array<i64: 128, 128>}, {pipeline_mode = #tpu.pipeline_mode<synchronous>, transform_indices = @transform_4, window_bounds = array<i64: 128, 128>}, {pipeline_mode = #tpu.pipeline_mode<synchronous>, transform_indices = @transform_5, window_bounds = array<i64: 128, 128>}, {pipeline_mode = #tpu.pipeline_mode<synchronous>, transform_indices = @transform_6, window_bounds = array<i64: 128, 128>}, {pipeline_mode = #tpu.pipeline_mode<synchronous>, transform_indices = @transform_7, window_bounds = array<i64: 1, 128>}, {pipeline_mode = #tpu.pipeline_mode<synchronous>, transform_indices = @transform_8, window_bounds = array<i64: 1, 128>}, {transform_indices = @transform_9, window_bounds = array<i64: 1000, 128>}, {transform_indices = @transform_10, window_bounds = array<i64: 1000, 128>}]} {
    %get3A = arith.constant 0 : index
    %get3A_0 = arith.constant 0 : index
    %get3A_1 = vector.load %arg1[%get3A, %get3A_0] : memref<1000x128xf32, #tpu.memory_space<vmem>>, vector<1000x128xf32>
    %get3A_2 = arith.constant 0 : index
    %get3A_3 = arith.constant 0 : index
    %get3A_4 = vector.load %arg4[%get3A_2, %get3A_3] : memref<128x128xf32, #tpu.memory_space<vmem>>, vector<128x128xf32>
    %dot_general3A = arith.constant dense<0.000000e+00> : vector<1000x128xf32>
    %dot_general3A_5 = tpu.matmul %get3A_1, %get3A_4, %dot_general3A {dimension_numbers = #tpu.dot_dimension_numbers<[1], [0], [0], [1], [0, 0, 1, 1], [], []>, transpose_lhs_hint = false} : vector<1000x128xf32>, vector<128x128xf32>, vector<1000x128xf32> -> vector<1000x128xf32>
    %get3A_6 = arith.constant 0 : index
    %get3A_7 = arith.constant 0 : index
    %get3A_8 = vector.load %arg2[%get3A_6, %get3A_7] : memref<1000x128xf32, #tpu.memory_space<vmem>>, vector<1000x128xf32>
    %add3A = arith.addf %dot_general3A_5, %get3A_8 : vector<1000x128xf32>
    %get3A_9 = arith.constant 0 : index
    %get3A_10 = arith.constant 0 : index
    %get3A_11 = vector.load %arg3[%get3A_9, %get3A_10] : memref<1000x128xf32, #tpu.memory_space<vmem>>, vector<1000x128xf32>
    %get3A_12 = arith.constant 0 : index
    %get3A_13 = arith.constant 0 : index
    %get3A_14 = vector.load %arg5[%get3A_12, %get3A_13] : memref<128x128xf32, #tpu.memory_space<vmem>>, vector<128x128xf32>
    %dot_general3A_15 = arith.constant dense<0.000000e+00> : vector<1000x128xf32>
    %dot_general3A_16 = tpu.matmul %get3A_11, %get3A_14, %dot_general3A_15 {dimension_numbers = #tpu.dot_dimension_numbers<[1], [0], [0], [1], [0, 0, 1, 1], [], []>, transpose_lhs_hint = false} : vector<1000x128xf32>, vector<128x128xf32>, vector<1000x128xf32> -> vector<1000x128xf32>
    %add3A_17 = arith.addf %add3A, %dot_general3A_16 : vector<1000x128xf32>
    %get3A_18 = arith.constant 0 : index
    %get3A_19 = arith.constant 0 : index
    %get3A_20 = vector.load %arg8[%get3A_18, %get3A_19] : memref<1x128xf32, #tpu.memory_space<vmem>>, vector<1x128xf32>
    %add3A_21 = vector.broadcast %get3A_20 : vector<1x128xf32> to vector<1000x128xf32>
    %add3A_22 = arith.addf %add3A_17, %add3A_21 : vector<1000x128xf32>
    %swap3A = arith.constant 0 : index
    %swap3A_23 = arith.constant 0 : index
    %swap3A_24 = vector.load %arg10[%swap3A, %swap3A_23] : memref<1000x128xf32, #tpu.memory_space<vmem>>, vector<1000x128xf32>
    tpu.vector_store %arg10[%swap3A, %swap3A_23], %add3A_22 {strides = array<i32>} : memref<1000x128xf32, #tpu.memory_space<vmem>>, vector<1000x128xf32>,
    %get3A_25 = arith.constant 0 : index
    %get3A_26 = arith.constant 0 : index
    %get3A_27 = vector.load %arg6[%get3A_25, %get3A_26] : memref<128x128xf32, #tpu.memory_space<vmem>>, vector<128x128xf32>
    %dot_general3A_28 = arith.constant dense<0.000000e+00> : vector<1000x128xf32>
    %dot_general3A_29 = tpu.matmul %get3A_1, %get3A_27, %dot_general3A_28 {dimension_numbers = #tpu.dot_dimension_numbers<[1], [0], [0], [1], [0, 0, 1, 1], [], []>, transpose_lhs_hint = false} : vector<1000x128xf32>, vector<128x128xf32>, vector<1000x128xf32> -> vector<1000x128xf32>
    %get3A_30 = arith.constant 0 : index
    %get3A_31 = arith.constant 0 : index
    %get3A_32 = vector.load %arg7[%get3A_30, %get3A_31] : memref<128x128xf32, #tpu.memory_space<vmem>>, vector<128x128xf32>
    %dot_general3A_33 = arith.constant dense<0.000000e+00> : vector<1000x128xf32>
    %dot_general3A_34 = tpu.matmul %add3A_22, %get3A_32, %dot_general3A_33 {dimension_numbers = #tpu.dot_dimension_numbers<[1], [0], [0], [1], [0, 0, 1, 1], [], []>, transpose_lhs_hint = false} : vector<1000x128xf32>, vector<128x128xf32>, vector<1000x128xf32> -> vector<1000x128xf32>
    %add3A_35 = arith.addf %dot_general3A_29, %dot_general3A_34 : vector<1000x128xf32>
    %get3A_36 = arith.constant 0 : index
    %get3A_37 = arith.constant 0 : index
    %get3A_38 = vector.load %arg9[%get3A_36, %get3A_37] : memref<1x128xf32, #tpu.memory_space<vmem>>, vector<1x128xf32>
    %add3A_39 = vector.broadcast %get3A_38 : vector<1x128xf32> to vector<1000x128xf32>
    %add3A_40 = arith.addf %add3A_35, %add3A_39 : vector<1000x128xf32>
    %swap3A_41 = arith.constant 0 : index
    %swap3A_42 = arith.constant 0 : index
    %swap3A_43 = vector.load %arg11[%swap3A_41, %swap3A_42] : memref<1000x128xf32, #tpu.memory_space<vmem>>, vector<1000x128xf32>
    tpu.vector_store %arg11[%swap3A_41, %swap3A_42], %add3A_40 {strides = array<i32>} : memref<1000x128xf32, #tpu.memory_space<vmem>>, vector<1000x128xf32>,
    return
  }
  func.func @transform_0(%arg0: i32) -> (i32, i32) {
    %c0_i32 = arith.constant 0 : i32
    %c0_i32_0 = arith.constant 0 : i32
    return %arg0, %c0_i32 : i32, i32
  }
  func.func @transform_1(%arg0: i32) -> (i32, i32) {
    %c0_i32 = arith.constant 0 : i32
    %c0_i32_0 = arith.constant 0 : i32
    return %arg0, %c0_i32 : i32, i32
  }
  func.func @transform_2(%arg0: i32) -> (i32, i32) {
    %c0_i32 = arith.constant 0 : i32
    %c0_i32_0 = arith.constant 0 : i32
    return %arg0, %c0_i32 : i32, i32
  }
  func.func @transform_3(%arg0: i32) -> (i32, i32) {
    %c0_i32 = arith.constant 0 : i32
    %c0_i32_0 = arith.constant 0 : i32
    %c0_i32_1 = arith.constant 0 : i32
    return %c0_i32, %c0_i32_0 : i32, i32
  }
  func.func @transform_4(%arg0: i32) -> (i32, i32) {
    %c0_i32 = arith.constant 0 : i32
    %c0_i32_0 = arith.constant 0 : i32
    %c0_i32_1 = arith.constant 0 : i32
    return %c0_i32, %c0_i32_0 : i32, i32
  }
  func.func @transform_5(%arg0: i32) -> (i32, i32) {
    %c0_i32 = arith.constant 0 : i32
    %c0_i32_0 = arith.constant 0 : i32
    %c0_i32_1 = arith.constant 0 : i32
    return %c0_i32, %c0_i32_0 : i32, i32
  }
  func.func @transform_6(%arg0: i32) -> (i32, i32) {
    %c0_i32 = arith.constant 0 : i32
    %c0_i32_0 = arith.constant 0 : i32
    %c0_i32_1 = arith.constant 0 : i32
    return %c0_i32, %c0_i32_0 : i32, i32
  }
  func.func @transform_7(%arg0: i32) -> (i32, i32) {
    %c0_i32 = arith.constant 0 : i32
    %c0_i32_0 = arith.constant 0 : i32
    %c0_i32_1 = arith.constant 0 : i32
    return %c0_i32, %c0_i32_0 : i32, i32
  }
  func.func @transform_8(%arg0: i32) -> (i32, i32) {
    %c0_i32 = arith.constant 0 : i32
    %c0_i32_0 = arith.constant 0 : i32
    %c0_i32_1 = arith.constant 0 : i32
    return %c0_i32, %c0_i32_0 : i32, i32
  }
  func.func @transform_9(%arg0: i32) -> (i32, i32) {
    %c0_i32 = arith.constant 0 : i32
    %c0_i32_0 = arith.constant 0 : i32
    return %arg0, %c0_i32 : i32, i32
  }
  func.func @transform_10(%arg0: i32) -> (i32, i32) {
    %c0_i32 = arith.constant 0 : i32
    %c0_i32_0 = arith.constant 0 : i32
    return %arg0, %c0_i32 : i32, i32
  }
}

module attributes {stable_mosaic.version = 14 : i64} {
  func.func @_node_tc_body(%arg0: i32, %arg1: memref<2x2000x64xf32, #tpu.memory_space<vmem>>, %arg2: memref<2000x32xf32, #tpu.memory_space<vmem>>, %arg3: memref<2000x64xf32, #tpu.memory_space<vmem>>, %arg4: memref<64x64xf32, #tpu.memory_space<vmem>>, %arg5: memref<64x64xf32, #tpu.memory_space<vmem>>, %arg6: memref<1x64xf32, #tpu.memory_space<vmem>>, %arg7: memref<64x64xf32, #tpu.memory_space<vmem>>, %arg8: memref<2000x64xf32, #tpu.memory_space<vmem>>, %arg9: memref<2000x64xf32, #tpu.memory_space<vmem>>) attributes {dimension_semantics = [#tpu.dimension_semantics<arbitrary>], iteration_bounds = array<i64: 5>, scalar_prefetch = 0 : i64, scratch_operands = 0 : i64, tpu.core_type = #tpu.core_type<tc>, window_params = [{transform_indices = @transform_0, window_bounds = array<i64: 2, 2000, 64>}, {transform_indices = @transform_1, window_bounds = array<i64: 2000, 32>}, {transform_indices = @transform_2, window_bounds = array<i64: 2000, 64>}, {pipeline_mode = #tpu.pipeline_mode<synchronous>, transform_indices = @transform_3, window_bounds = array<i64: 64, 64>}, {pipeline_mode = #tpu.pipeline_mode<synchronous>, transform_indices = @transform_4, window_bounds = array<i64: 64, 64>}, {pipeline_mode = #tpu.pipeline_mode<synchronous>, transform_indices = @transform_5, window_bounds = array<i64: 1, 64>}, {pipeline_mode = #tpu.pipeline_mode<synchronous>, transform_indices = @transform_6, window_bounds = array<i64: 64, 64>}, {transform_indices = @transform_7, window_bounds = array<i64: 2000, 64>}, {transform_indices = @transform_8, window_bounds = array<i64: 2000, 64>}]} {
    %get3A = arith.constant 0 : index
    %get3A_0 = arith.constant 0 : index
    %get3A_1 = arith.constant 0 : index
    %get3A_2 = vector.load %arg1[%get3A, %get3A_0, %get3A_1] : memref<2x2000x64xf32, #tpu.memory_space<vmem>>, vector<1x2000x64xf32>
    %get3A_3 = vector.shape_cast %get3A_2 : vector<1x2000x64xf32> to vector<2000x64xf32>
    %get3A_4 = arith.constant 1 : index
    %get3A_5 = arith.constant 0 : index
    %get3A_6 = arith.constant 0 : index
    %get3A_7 = vector.load %arg1[%get3A_4, %get3A_5, %get3A_6] : memref<2x2000x64xf32, #tpu.memory_space<vmem>>, vector<1x2000x64xf32>
    %get3A_8 = vector.shape_cast %get3A_7 : vector<1x2000x64xf32> to vector<2000x64xf32>
    %add3A = arith.addf %get3A_3, %get3A_8 : vector<2000x64xf32>
    %get3A_9 = arith.constant 0 : index
    %get3A_10 = arith.constant 0 : index
    %get3A_11 = vector.load %arg2[%get3A_9, %get3A_10] : memref<2000x32xf32, #tpu.memory_space<vmem>>, vector<2000x32xf32>
    %reduce_sum3A = arith.constant dense<0.000000e+00> : vector<2000xf32>
    %reduce_sum3A_12 = vector.multi_reduction <add>, %get3A_11, %reduce_sum3A [1] : vector<2000x32xf32> to vector<2000xf32>
    %max3A = arith.constant 1.000000e+00 : f32
    %max3A_13 = vector.broadcast %max3A : f32 to vector<2000xf32>
    %max3A_14 = arith.maximumf %reduce_sum3A_12, %max3A_13 : vector<2000xf32>
    %broadcast_in_dim3A = vector.shape_cast %max3A_14 : vector<2000xf32> to vector<2000x1xf32>
    %div3A = vector.broadcast %broadcast_in_dim3A : vector<2000x1xf32> to vector<2000x64xf32>
    %div3A_15 = arith.divf %add3A, %div3A : vector<2000x64xf32>
    %get3A_16 = arith.constant 0 : index
    %get3A_17 = arith.constant 0 : index
    %get3A_18 = vector.load %arg3[%get3A_16, %get3A_17] : memref<2000x64xf32, #tpu.memory_space<vmem>>, vector<2000x64xf32>
    %get3A_19 = arith.constant 0 : index
    %get3A_20 = arith.constant 0 : index
    %get3A_21 = vector.load %arg4[%get3A_19, %get3A_20] : memref<64x64xf32, #tpu.memory_space<vmem>>, vector<64x64xf32>
    %dot_general3A = arith.constant dense<0.000000e+00> : vector<2000x64xf32>
    %dot_general3A_22 = tpu.matmul %get3A_18, %get3A_21, %dot_general3A {dimension_numbers = #tpu.dot_dimension_numbers<[1], [0], [0], [1], [0, 0, 1, 1], [], []>, transpose_lhs_hint = false} : vector<2000x64xf32>, vector<64x64xf32>, vector<2000x64xf32> -> vector<2000x64xf32>
    %get3A_23 = arith.constant 0 : index
    %get3A_24 = arith.constant 0 : index
    %get3A_25 = vector.load %arg5[%get3A_23, %get3A_24] : memref<64x64xf32, #tpu.memory_space<vmem>>, vector<64x64xf32>
    %dot_general3A_26 = arith.constant dense<0.000000e+00> : vector<2000x64xf32>
    %dot_general3A_27 = tpu.matmul %div3A_15, %get3A_25, %dot_general3A_26 {dimension_numbers = #tpu.dot_dimension_numbers<[1], [0], [0], [1], [0, 0, 1, 1], [], []>, transpose_lhs_hint = false} : vector<2000x64xf32>, vector<64x64xf32>, vector<2000x64xf32> -> vector<2000x64xf32>
    %add3A_28 = arith.addf %dot_general3A_22, %dot_general3A_27 : vector<2000x64xf32>
    %get3A_29 = arith.constant 0 : index
    %get3A_30 = arith.constant 0 : index
    %get3A_31 = vector.load %arg6[%get3A_29, %get3A_30] : memref<1x64xf32, #tpu.memory_space<vmem>>, vector<1x64xf32>
    %add3A_32 = vector.broadcast %get3A_31 : vector<1x64xf32> to vector<2000x64xf32>
    %add3A_33 = arith.addf %add3A_28, %add3A_32 : vector<2000x64xf32>
    %swap3A = arith.constant 0 : index
    %swap3A_34 = arith.constant 0 : index
    %swap3A_35 = vector.load %arg8[%swap3A, %swap3A_34] : memref<2000x64xf32, #tpu.memory_space<vmem>>, vector<2000x64xf32>
    tpu.vector_store %arg8[%swap3A, %swap3A_34], %add3A_33 {strides = array<i32>} : memref<2000x64xf32, #tpu.memory_space<vmem>>, vector<2000x64xf32>,
    %broadcast_in_dim3A_36 = arith.constant 0.000000e+00 : f32
    %broadcast_in_dim3A_37 = vector.broadcast %broadcast_in_dim3A_36 : f32 to vector<2000x64xf32>
    %swap3A_38 = arith.constant 0 : index
    %swap3A_39 = arith.constant 0 : index
    %swap3A_40 = vector.load %arg9[%swap3A_38, %swap3A_39] : memref<2000x64xf32, #tpu.memory_space<vmem>>, vector<2000x64xf32>
    tpu.vector_store %arg9[%swap3A_38, %swap3A_39], %broadcast_in_dim3A_37 {strides = array<i32>} : memref<2000x64xf32, #tpu.memory_space<vmem>>, vector<2000x64xf32>,
    return
  }
  func.func @transform_0(%arg0: i32) -> (i32, i32, i32) {
    %c0_i32 = arith.constant 0 : i32
    %c0_i32_0 = arith.constant 0 : i32
    %c0_i32_1 = arith.constant 0 : i32
    return %c0_i32, %arg0, %c0_i32_0 : i32, i32, i32
  }
  func.func @transform_1(%arg0: i32) -> (i32, i32) {
    %c0_i32 = arith.constant 0 : i32
    %c0_i32_0 = arith.constant 0 : i32
    return %arg0, %c0_i32 : i32, i32
  }
  func.func @transform_2(%arg0: i32) -> (i32, i32) {
    %c0_i32 = arith.constant 0 : i32
    %c0_i32_0 = arith.constant 0 : i32
    return %arg0, %c0_i32 : i32, i32
  }
  func.func @transform_3(%arg0: i32) -> (i32, i32) {
    %c0_i32 = arith.constant 0 : i32
    %c0_i32_0 = arith.constant 0 : i32
    %c0_i32_1 = arith.constant 0 : i32
    return %c0_i32, %c0_i32_0 : i32, i32
  }
  func.func @transform_4(%arg0: i32) -> (i32, i32) {
    %c0_i32 = arith.constant 0 : i32
    %c0_i32_0 = arith.constant 0 : i32
    %c0_i32_1 = arith.constant 0 : i32
    return %c0_i32, %c0_i32_0 : i32, i32
  }
  func.func @transform_5(%arg0: i32) -> (i32, i32) {
    %c0_i32 = arith.constant 0 : i32
    %c0_i32_0 = arith.constant 0 : i32
    %c0_i32_1 = arith.constant 0 : i32
    return %c0_i32, %c0_i32_0 : i32, i32
  }
  func.func @transform_6(%arg0: i32) -> (i32, i32) {
    %c0_i32 = arith.constant 0 : i32
    %c0_i32_0 = arith.constant 0 : i32
    %c0_i32_1 = arith.constant 0 : i32
    return %c0_i32, %c0_i32_0 : i32, i32
  }
  func.func @transform_7(%arg0: i32) -> (i32, i32) {
    %c0_i32 = arith.constant 0 : i32
    %c0_i32_0 = arith.constant 0 : i32
    return %arg0, %c0_i32 : i32, i32
  }
  func.func @transform_8(%arg0: i32) -> (i32, i32) {
    %c0_i32 = arith.constant 0 : i32
    %c0_i32_0 = arith.constant 0 : i32
    return %arg0, %c0_i32 : i32, i32
  }
}

</mosaic_0001>

<sc_bundles>
// kernel: kernel.16.cloned.1.call-start
scs
__scs_entry_jumppad:
0x0: {  	(pc) =	sbr.rel $0x88, $3  }
0x1: {  	(tag) =	ssettag $0x0;
	lr =	simm.s32 $0x1  }
0x2: {  	[smem:$0x3F8C] =	sst lr;
	_ =	strace $0xD0000000  }
0x3: {  	_ = 	snop  }
0x4: {  	_ = 	snop  }
0x5: {  	_ = 	snop  }
0x6: {  	_ = 	snop  }
0x7: {  	_ = 	snop  }
__scs_overlays_trampoline_lowered:
0x8: {  	[smem:$0x3F9B] =	sst s0  }
0x9: {  	[smem:$0x3F9C] =	sst s1  }
0xa: {  	[smem:$0x3F9D] =	sst s2  }
0xb: {  	[smem:$0x3F9E] =	sst s3  }
0xc: {  	[smem:$0x3F9F] =	sst s4  }
0xd: {  	[smem:$0x3FA0] =	sst s5  }
0xe: {  	[smem:$0x3FA1] =	sst s6  }
0xf: {  	[smem:$0x3FA2] =	sst s7  }
0x10: {  	[smem:$0x3FA3] =	sst s8  }
0x11: {  	[smem:$0x3FA4] =	sst s9;
	s0 =	simm.s32 @!p0 $0x0  }
0x12: {  	s1 =	sld [smem:$0x3F8A];
	s0 =	simm.s32 @p0 $0x1  }
0x13: {  	[smem:$0x3FA5] =	sst s0;
	s0 =	simm.s32 @!p1 $0x0  }
0x14: {  	s2 =	sld [smem:$0x3F89];
	s0 =	simm.s32 @p1 $0x1  }
0x15: {  	[smem:$0x3FA6] =	sst s0;
	s0 =	simm.s32 @!p2 $0x0  }
0x16: {  	s3 =	sld [smem:$0x3FDB];
	s0 =	simm.s32 @p2 $0x1  }
0x17: {  	s4 =	simm.s32 $0x1BF5;
	[smem:$0x3FA8] =	sst s0  }
0x18: {  	s0 =	sld [smem:$0x3F8B];
	_ =	swait.ge [sflag:s4], $0x0  }
0x19: {  	s7 =	sld [smem:$0x3F8C]  }
0x1a: {  	s8 =	sadd.s32 $0xFFFFE003, lr  }
0x1b: {  	s9 =	sadd.s32 $0xFFFFFEF7, lr;
	s5 =	simm.s32 $0xFFFFFFFF;
	p2 =	slt.u32 s8, $0xFFFFF086  }
0x1c: {  	p1 =	slt.u32 s9, $0xF7A;
	s5 =	simm.s32 @!p2 $0x0  }
0x1d: {  	s5 =	simm.s32 @p1 $0x1;
	p0 =	seq.s32 s7, s2  }
0x1e: {  	s7 =	smul.u32 @!p0 $0xF7A, s2;
	p2 =	seq.s32 @!p0 s5, $0x0  }
0x1f: {  	s9 =	smul.u32 $0xF7A, s1;
	s8 =	simm.s32 @!p0 $0x1BF5;
	p2 =	por !p2, p0  }
0x20: {  	[sflag:s8] =	ssyncset.s32 @!p0 $0xFFFFF086;
	s6 =	sadd.s32 @!p0 s3, s7;
	s7 =	simm.s32 @!p0 $0x108  }
0x21: {  	s3 =	sadd.s32 s3, s9;
	s6 =	sadd.s32 @!p0 $0x88, s6;
	s7 =	simm.s32 @p2 $0x1082  }
0x22: {  	[simem:s7], [sflag:s8] =	dma.local @!p0 [hbm:s6], $0xF7A  }
0x23: {  	s9 =	sor.u32 $0xD0000000, s2;
	s6 =	simm.s32 $0x108;
	_ =	swait.ge @!p0 [sflag:s8], $0x0  }
0x24: {  	s3 =	sadd.s32 $0x88, s3;
	s6 =	simm.s32 @!p1 $0x1082;
	[sflag:s4] =	ssyncset.s32 $0xFFFFF086  }
0x25: {  	[simem:s6], [sflag:s4] =	dma.local [hbm:s3], $0xF7A  }
0x26: {  	[smem:$0x3F8C] =	sst s1;
	(tag) =	ssettag s2;
	_ =	strace s9  }
0x27: {  	s1 =	sld [smem:$0x3F9C]  }
0x28: {  	s2 =	sld [smem:$0x3F9D]  }
0x29: {  	s4 =	sld [smem:$0x3F9F]  }
0x2a: {  	p0 =	seq.s32 s5, $0x0;
	s5 =	sld [smem:$0x3FA0]  }
0x2b: {  	s6 =	sld [smem:$0x3FA1]  }
0x2c: {  	s7 =	sld [smem:$0x3FA2]  }
0x2d: {  	s3 =	simm.s32 $0x108;
	s8 =	sld [smem:$0x3FA3]  }
0x2e: {  	s3 =	simm.s32 @!p0 $0x1082;
	s9 =	sld [smem:$0x3FA4]  }
0x2f: {  	lr =	sadd.s32 s0, s3;
	s0 =	sld [smem:$0x3F9B]  }
0x30: {  	s3 =	sld [smem:$0x3F9E]  }
0x31: {  	[smem:$0x3FA7] =	sst s10  }
0x32: {  	s10 =	sld [smem:$0x3FA5];
	_ =	sdelay $0x3  }
0x33: {  	p0 =	seq.s32 s10, $0x1;
	s10 =	sld [smem:$0x3FA7];
	_ =	sdelay $0x3  }
0x34: {  	[smem:$0x3FA7] =	sst s10  }
0x35: {  	s10 =	sld [smem:$0x3FA6];
	_ =	sdelay $0x3  }
0x36: {  	p1 =	seq.s32 s10, $0x1;
	s10 =	sld [smem:$0x3FA7];
	_ =	sdelay $0x3  }
0x37: {  	[smem:$0x3FA7] =	sst s10  }
0x38: {  	s10 =	sld [smem:$0x3FA8]  }
0x39: {  	_ = 	snop;
	(pc) =	sbr.ind lr, $3  }
0x3a: {  	_ = 	snop  }
0x3b: {  	_ = 	snop  }
0x3c: {  	p2 =	seq.s32 s10, $0x1;
	s10 =	sld [smem:$0x3FA7]  }
0x3d: {  	_ =	shalt  }
0x3e: {  	_ =	shalt  }
0x3f: {  	_ =	shalt  }
0x40: {  	_ =	shalt  }
0x41: {  	_ =	shalt  }
0x42: {  	_ =	shalt  }
0x43: {  	_ =	shalt  }
0x44: {  	_ =	shalt  }
0x45: {  	_ =	shalt  }
0x46: {  	_ =	shalt  }
0x47: {  	_ =	shalt  }
0x48: {  	_ =	shalt  }
0x49: {  	_ =	shalt  }
0x4a: {  	_ =	shalt  }
0x4b: {  	_ =	shalt  }
0x4c: {  	_ =	shalt  }
0x4d: {  	_ =	shalt  }
0x4e: {  	_ =	shalt  }
0x4f: {  	_ =	shalt  }
0x50: {  	_ =	shalt  }
0x51: {  	_ =	shalt  }
0x52: {  	_ =	shalt  }
0x53: {  	_ =	shalt  }
0x54: {  	_ =	shalt  }
0x55: {  	_ =	shalt  }
0x56: {  	_ =	shalt  }
0x57: {  	_ =	shalt  }
0x58: {  	_ =	shalt  }
0x59: {  	_ =	shalt  }
0x5a: {  	_ =	shalt  }
0x5b: {  	_ =	shalt  }
0x5c: {  	_ =	shalt  }
0x5d: {  	_ =	shalt  }
0x5e: {  	_ =	shalt  }
0x5f: {  	_ =	shalt  }
0x60: {  	_ =	shalt  }
0x61: {  	_ =	shalt  }
0x62: {  	_ =	shalt  }
0x63: {  	_ =	shalt  }
0x64: {  	_ =	shalt  }
0x65: {  	_ =	shalt  }
0x66: {  	_ =	shalt  }
0x67: {  	_ =	shalt  }
0x68: {  	_ =	shalt  }
0x69: {  	_ =	shalt  }
0x6a: {  	_ =	shalt  }
0x6b: {  	_ =	shalt  }
0x6c: {  	_ =	shalt  }
0x6d: {  	_ =	shalt  }
0x6e: {  	_ =	shalt  }
0x6f: {  	_ =	shalt  }
0x70: {  	_ =	shalt  }
0x71: {  	_ =	shalt  }
0x72: {  	_ =	shalt  }
0x73: {  	_ =	shalt  }
0x74: {  	_ =	shalt  }
0x75: {  	_ =	shalt  }
0x76: {  	_ =	shalt  }
0x77: {  	_ =	shalt  }
0x78: {  	_ =	shalt  }
0x79: {  	_ =	shalt  }
0x7a: {  	_ =	shalt  }
0x7b: {  	_ =	shalt  }
0x7c: {  	_ =	shalt  }
0x7d: {  	_ =	shalt  }
0x7e: {  	_ =	shalt  }
0x7f: {  	_ =	shalt  }
0x80: {  	_ =	shalt  }
0x81: {  	_ =	shalt  }
0x82: {  	_ =	shalt  }
0x83: {  	_ =	shalt  }
0x84: {  	_ =	shalt  }
0x85: {  	_ =	shalt  }
0x86: {  	_ =	shalt  }
0x87: {  	_ =	shalt  }
.Lfunc_end0:
.L_simem_size_0:
called_computation.1_lowered:
.L_overlay_start_0:
0x88: {  	s2 =	sld [smem:$0x3FD9]  }
0x89: {  	s3 =	sld [smem:$0x3FFE];
	_ =	sdelay $0x1  }
0x8a: {  	s1 =	srdreg.scid  }
0x8b: {  	s0 =	sand.u32 $0x1, s1  }
0x8c: {  	s17 =	sshll.u32 s0, $0xA;
	s2 =	sadd.s32 s3, s2  }
0x8d: {  	s2 =	sadd.s32 s2, s17  }
0x8e: {  	[smem:$0x3FB3] =	sst s2  }
0x8f: {  	_ = 	snop  }
0x90: {  	(tm) =	ssettm $0x1  }
0x91: {  	s18 =	sld [smem:$0x3FFB];
	_ =	sdelay $0x3  }
0x92: {  	_ =	strace s18  }
0x93: {  	s2 =	sld [smem:$0x3FFC];
	_ =	sdelay $0x3  }
0x94: {  	_ =	strace s2  }
0x95: {  	s2 =	sld [smem:$0x3FFD];
	_ =	sdelay $0x3  }
0x96: {  	_ =	strace s2  }
0x97: {  	_ =	strace $0x8FFFFFFF  }
0x98: {  	s19 =	sld [smem:$0x3FDB];
	_ =	sdelay $0x1  }
0x99: {  	s20 =	simm.s32 $_scs_section_size  }
0x9a: {  	s4 =	simm.s32 $_size__tile_overlayer_lowered;
	s5 =	simm.s32 $_tile_overlayer_lowered  }
0x9b: {  	s6 =	simm.s32 $0x1BFF;
	s21 =	sshll.u32 s5, $0x1;
	s3 =	sadd.s32 s20, s19  }
0x9c: {  	s22 =	simm.s32 $0x0;
	s4 =	sshll.u32 s4, $0x1;
	s5 =	sadd.s32 s21, s3  }
0x9d: {  	[timem:s22], [sflag:s6] =	dma.local [hbm:s5], s4  }
0x9e: {  	_ =	swait.ge [sflag:s6], s4  }
0x9f: {  	s4 =	ssub.s32 $0x0, s4;
	[sflag:s6] =	ssyncset.done $0x0  }
0xa0: {  	[sflag:s6] =	ssyncadd.s32 s4;
	_ =	sdelay $0x1  }
0xa1: {  	s23 =	simm.s32 $0x1B8B  }
0xa2: {  	_ =	swait.ge [sflag:s23], $0x1  }
0xa3: {  	[sflag:s23] =	ssyncset.done $0x0  }
0xa4: {  	[sflag:s23] =	ssyncadd.s32 $0xFFFFFFFF  }
0xa5: {  	s4 =	sld [smem:$0x0]  }
0xa6: {  	s5 =	sand.u32 $0xFFFFFFFE, s1  }
0xa7: {  	p0 =	sne.s32 s1, s5  }
0xa8: {  	s5 =	sshll.u32 @p0 s5, $0xE  }
0xa9: {  	s5 =	sadd.s32 @p0 $0x11B8D, s5;
	s6 =	sshll.u32 @p0 s4, $0x11  }
0xaa: {  	s5 =	sor.u32 @p0 s6, s5  }
0xab: {  	[sflag:s5] =	ssyncadd.remote.s32 @p0 $0x1;
	_ =	sdelay $0x1  }
0xac: {  	s5 =	simm.s32 @p0 $0x1B8D  }
0xad: {  	_ =	swait.eq @p0 [sflag:s5], $0x1  }
0xae: {  	[sflag:s5] =	ssyncadd.s32 @p0 $0xFFFFFFFF  }
0xaf: {  	s6 =	sshll.u32 @!p0 s1, $0xE  }
0xb0: {  	s6 =	sor.u32 @!p0 $0x4000, s6;
	s5 =	simm.s32 @!p0 $0x1B8D  }
0xb1: {  	s4 =	sshll.u32 @!p0 s4, $0x11;
	s6 =	sadd.s32 @!p0 $0x11B8D, s6;
	_ =	swait.eq @!p0 [sflag:s5], $0x1  }
0xb2: {  	s4 =	sor.u32 @!p0 s4, s6;
	[sflag:s5] =	ssyncadd.s32 @!p0 $0xFFFFFFFF  }
0xb3: {  	s25 =	simm.s32 $0x1B8E;
	s24 =	sld [smem:$0x3FFE];
	[sflag:s4] =	ssyncadd.remote.s32 @!p0 $0x1  }
0xb4: {  	s26 =	simm.s32 $execute0_lowered;
	[smem:$0x3FD2] =	sst s25  }
0xb5: {  	s5 =	sshll.u32 s26, $0x1;
	_ =	strace $0x80000049;
	[dreg:$0x1] =	wrdreg $0xFFFFFFFF  }
0xb6: {  	s28 =	simm.s32 $_size_execute0_lowered;
	s3 =	sadd.s32 s3, s5;
	[dreg:$0x0] =	wrdreg $0x0  }
0xb7: {  	s5 =	sshll.u32 s28, $0x1;
	[dreg:$0x2] =	wrdreg s3  }
0xb8: {  	[dreg:$0x3] =	wrdreg s5  }
0xb9: {  	[dreg:$0x4] =	wrdreg $0xC0  }
0xba: {  	_ =	task [dreg:s22], $0x5FFFF  }
0xbb: {  	[dreg:$0x1] =	wrdreg $0xFFFFFFFF  }
0xbc: {  	[dreg:$0x0] =	wrdreg $0x60  }
0xbd: {  	[dreg:$0x2] =	wrdreg s24  }
0xbe: {  	[dreg:$0x3] =	wrdreg $0x9  }
0xbf: {  	_ =	task.clear_ibuf [dreg:s22], $0x4FFFF;
	_ =	strace $0x90000049  }
0xc0: {  	s29 =	simm.s32 $0x9;
	_ =	strace $0x8000004B  }
0xc1: {  	_ =	swait.ge [sflag:s29], $0x1  }
0xc2: {  	[sflag:s29] =	ssyncadd.s32 $0xFFFFFFFF  }
0xc3: {  	_ =	strace $0x9000004B  }
0xc4: {  	_ =	sfence  }
0xc5: {  	s30 =	sld [smem:$0x0];
	_ =	sdelay $0x2  }
0xc6: {  	s31 =	sshll.u32 s1, $0xD;
	s1 =	sshrl.u32 s1, $0x2  }
0xc7: {  	s4 =	sand.u32 $0x4000, s31;
	s1 =	sadd.s32 s1, s30  }
0xc8: {  	s0 =	sor.u32 s4, s0;
	s1 =	sshll.u32 s1, $0x11  }
0xc9: {  	s0 =	sor.u32 s1, s0  }
0xca: {  	s0 =	sadd.s32 $0x8F2B, s0  }
0xcb: {  	[sflag:s0] =	ssyncadd.remote.s32 $0x1  }
0xcc: {  	_ =	sfence.sel $0xFFFF  }
0xcd: {  	[dreg:$0x0] =	wrdreg $0xFFFFFFFF;
	(pc) =	sbr.abs _section_cstart, $3  }
0xce: {  	[dreg:$0x1] =	wrdreg $0xFFFFFFFF  }
0xcf: {  	_ =	task.clear_ibuf [dreg:s22], $0x2FFFF;
	_ =	strace $0x9FFFFFFF  }
0xd0: {  	(tm) =	ssettm $0x7FFFFFFF  }
0xd1: {  	_ =	shalt  }
tec
execute0_lowered:
.L_overlay_start_1:
0x0: {  	(tag) =	ssettag $0x1  }
0x1: {  	s1 =	srdreg.scid  }
0x2: {  	s0 =	stileid.u32;
	s4 =	rddreg [dreg:$0x0];
	s2 =	simm.s32 $0x0  }
0x3: {  	s8 =	simm.s32 $0x1;
	s3 =	sand.u32 $0x1, s1;
	s5 =	sshll.u32 s0, $0x1  }
0x4: {  	s9 =	simm.s32 $0x0;
	s1 =	rddreg [dreg:$0x1];
	s5 =	sor.u32 s3, s5  }
0x5: {  	[smem:$0x7FF] =	sst s2;
	s6 =	ssub.s32 $0x2, s3;
	s5 =	smul.u32 $0x4E2, s5  }
0x6: {  	_ =	strace $0x8000004A;
	s3 =	sadd.s32 $0x799800, s4;
	s7 =	sshrl.u32 s6, $0x1  }
0x7: {  	s6 =	ssub.s32 s6, s7;
	s7 =	simm.s32 $0x2710;
	s5 =	sadd.s32 s5, s4  }
0x8: {  	v0 =	vimm.f32 $1.000000000e+00;
	s6 =	smax.u32 s6, $0x1;
	s4 =	sadd.s32 $0x15600, s5;
	s5 =	sadd.s32 $0x799E00, s5  }
.LBB2_1:
0x9: {  	[tilespmem:s7], [sflag:$0x1] =	stream.linear.gather [hbm4b:s3+s2], $0x2710, $0x38;
	[tilespmem:$0x4E20] =	vst v63  }
0xa: {  	_ =	swait.ge [sflag:s8], $0x2710  }
0xb: {  	[sflag:s8] =	ssyncset.done $0x0  }
0xc: {  	[sflag:s8] =	ssyncadd.s32 $0xFFFFD8F0  }
0xd: {  	[tilespmem:s2], [sflag:$0x1] =	stream.linear.gather [hbm4b:s4+s2], $0x2710, $0x38;
	[tilespmem:$0x4E20] =	vst v63  }
0xe: {  	_ =	swait.ge [sflag:s8], $0x2710  }
0xf: {  	[sflag:s8] =	ssyncset.done $0x0  }
0x10: {  	s11 =	simm.s32 $0x0;
	s10 =	simm.s32 $0x40;
	[sflag:s8] =	ssyncadd.s32 $0xFFFFD8F0  }
.LBB2_2:
0x11: {  	p0 =	sne.s32 s10, $0x9C00;
	v1 =	vld [tilespmem:s11+$0x0];
	_ =	sdelay $0x3  }
.Ltmp0:
0x12: {  	(pc) =	sbr.rel @p0 .LBB2_2-.Ltmp0, $2  }
0x13: {  	_ =	sdelay $0x2  }
0x14: {  	s11 =	sshra.s32 s10, $0x2;
	s10 =	sadd.s32 $0x40, s10;
	[tilespmem:v1+s7+$0x0] =	vst.idx.add.f32.msk $0xffff, v0  }
0x15: {  	v1 =	vld [tilespmem:s11+$0x0];
	_ =	sdelay $0x5  }
0x16: {  	s9 =	sadd.s32 $0x1, s9  }
0x17: {  	p0 =	sne.s32 s9, s6  }
.Ltmp1:
0x18: {  	[tilespmem:v1+s7+$0x0] =	vst.idx.add.f32.msk $0xffff, v0;
	(pc) =	sbr.rel @p0 .LBB2_1-.Ltmp1, $4  }
0x19: {  	[hbm4b:s5+s2] =	stream.linear.scatter [tilespmem:s7], [sflag:$0x1], $0x2710, $0x38;
	[tilespmem:$0x4E20] =	vst v63  }
0x1a: {  	_ =	swait.ge [sflag:s8], $0x2710  }
0x1b: {  	[sflag:s8] =	ssyncset.done $0x0  }
0x1c: {  	[sflag:s8] =	ssyncadd.s32 $0xFFFFD8F0  }
0x1d: {  	_ =	sfence.sel $0x180000  }
0x1e: {  	[bflag:$0x0] =	sbarrier.arrive $0xFFFF  }
0x1f: {  	p0 =	sne.s32 s0, $0x0;
	_ =	strace $0x9000004A  }
0x20: {  	s0 =	sadd.s32 @!p0 $0x100000, s1;
	[bflag:$0x2] =	sbarrier.arrive $0xFFFF  }
0x21: {  	[sflag:s0] =	ssyncadd.tile.s32 @!p0 $0x1;
	_ =	shalt  }
.Lfunc_end2:
_tile_overlayer_lowered:
.L_overlay_start_2:
0x22: {  	(tag) =	ssettag $0x2  }
0x23: {  	s0 =	rddreg [dreg:$0x0];
	s2 =	stileid.u32  }
0x24: {  	s1 =	rddreg [dreg:$0x1];
	p0 =	sne.s32 s2, $0x0  }
0x25: {  	s3 =	rddreg [dreg:$0x2];
	[bflag:$0x3] =	sbarrier.arrive $0xFFFF;
	s2 =	simm.s32 @!p0 $0x1C01  }
0x26: {  	[timem:s3], [sflag:s2] =	dma.local @!p0 [hbm:s0], s1  }
0x27: {  	s0 =	simm.s32 @!p0 $0x1  }
0x28: {  	_ =	swait.ge @!p0 [sflag:s0], s1  }
0x29: {  	s1 =	ssub.s32 @!p0 $0x0, s1;
	[sflag:s0] =	ssyncset.done @!p0 $0x0  }
0x2a: {  	[sflag:s0] =	ssyncadd.s32 @!p0 s1  }
0x2b: {  	[bflag:$0x3] =	sbarrier.arrive $0xFFFF  }
0x2c: {  	_ =	shalt  }

// kernel: kernel.19.cloned.1.call-start
scs
__scs_entry_jumppad:
0x0: {  	(pc) =	sbr.rel $0x88, $3  }
0x1: {  	(tag) =	ssettag $0x0;
	lr =	simm.s32 $0x1  }
0x2: {  	[smem:$0x3F8C] =	sst lr;
	_ =	strace $0xD0000000  }
0x3: {  	_ = 	snop  }
0x4: {  	_ = 	snop  }
0x5: {  	_ = 	snop  }
0x6: {  	_ = 	snop  }
0x7: {  	_ = 	snop  }
__scs_overlays_trampoline_lowered:
0x8: {  	[smem:$0x3F9B] =	sst s0  }
0x9: {  	[smem:$0x3F9C] =	sst s1  }
0xa: {  	[smem:$0x3F9D] =	sst s2  }
0xb: {  	[smem:$0x3F9E] =	sst s3  }
0xc: {  	[smem:$0x3F9F] =	sst s4  }
0xd: {  	[smem:$0x3FA0] =	sst s5  }
0xe: {  	[smem:$0x3FA1] =	sst s6  }
0xf: {  	[smem:$0x3FA2] =	sst s7  }
0x10: {  	[smem:$0x3FA3] =	sst s8  }
0x11: {  	[smem:$0x3FA4] =	sst s9;
	s0 =	simm.s32 @!p0 $0x0  }
0x12: {  	s1 =	sld [smem:$0x3F8A];
	s0 =	simm.s32 @p0 $0x1  }
0x13: {  	[smem:$0x3FA5] =	sst s0;
	s0 =	simm.s32 @!p1 $0x0  }
0x14: {  	s2 =	sld [smem:$0x3F89];
	s0 =	simm.s32 @p1 $0x1  }
0x15: {  	[smem:$0x3FA6] =	sst s0;
	s0 =	simm.s32 @!p2 $0x0  }
0x16: {  	s3 =	sld [smem:$0x3FDB];
	s0 =	simm.s32 @p2 $0x1  }
0x17: {  	s4 =	simm.s32 $0x1BF5;
	[smem:$0x3FA8] =	sst s0  }
0x18: {  	s0 =	sld [smem:$0x3F8B];
	_ =	swait.ge [sflag:s4], $0x0  }
0x19: {  	s7 =	sld [smem:$0x3F8C]  }
0x1a: {  	s8 =	sadd.s32 $0xFFFFE003, lr  }
0x1b: {  	s9 =	sadd.s32 $0xFFFFFEF7, lr;
	s5 =	simm.s32 $0xFFFFFFFF;
	p2 =	slt.u32 s8, $0xFFFFF086  }
0x1c: {  	p1 =	slt.u32 s9, $0xF7A;
	s5 =	simm.s32 @!p2 $0x0  }
0x1d: {  	s5 =	simm.s32 @p1 $0x1;
	p0 =	seq.s32 s7, s2  }
0x1e: {  	s7 =	smul.u32 @!p0 $0xF7A, s2;
	p2 =	seq.s32 @!p0 s5, $0x0  }
0x1f: {  	s9 =	smul.u32 $0xF7A, s1;
	s8 =	simm.s32 @!p0 $0x1BF5;
	p2 =	por !p2, p0  }
0x20: {  	[sflag:s8] =	ssyncset.s32 @!p0 $0xFFFFF086;
	s6 =	sadd.s32 @!p0 s3, s7;
	s7 =	simm.s32 @!p0 $0x108  }
0x21: {  	s3 =	sadd.s32 s3, s9;
	s6 =	sadd.s32 @!p0 $0x88, s6;
	s7 =	simm.s32 @p2 $0x1082  }
0x22: {  	[simem:s7], [sflag:s8] =	dma.local @!p0 [hbm:s6], $0xF7A  }
0x23: {  	s9 =	sor.u32 $0xD0000000, s2;
	s6 =	simm.s32 $0x108;
	_ =	swait.ge @!p0 [sflag:s8], $0x0  }
0x24: {  	s3 =	sadd.s32 $0x88, s3;
	s6 =	simm.s32 @!p1 $0x1082;
	[sflag:s4] =	ssyncset.s32 $0xFFFFF086  }
0x25: {  	[simem:s6], [sflag:s4] =	dma.local [hbm:s3], $0xF7A  }
0x26: {  	[smem:$0x3F8C] =	sst s1;
	(tag) =	ssettag s2;
	_ =	strace s9  }
0x27: {  	s1 =	sld [smem:$0x3F9C]  }
0x28: {  	s2 =	sld [smem:$0x3F9D]  }
0x29: {  	s4 =	sld [smem:$0x3F9F]  }
0x2a: {  	p0 =	seq.s32 s5, $0x0;
	s5 =	sld [smem:$0x3FA0]  }
0x2b: {  	s6 =	sld [smem:$0x3FA1]  }
0x2c: {  	s7 =	sld [smem:$0x3FA2]  }
0x2d: {  	s3 =	simm.s32 $0x108;
	s8 =	sld [smem:$0x3FA3]  }
0x2e: {  	s3 =	simm.s32 @!p0 $0x1082;
	s9 =	sld [smem:$0x3FA4]  }
0x2f: {  	lr =	sadd.s32 s0, s3;
	s0 =	sld [smem:$0x3F9B]  }
0x30: {  	s3 =	sld [smem:$0x3F9E]  }
0x31: {  	[smem:$0x3FA7] =	sst s10  }
0x32: {  	s10 =	sld [smem:$0x3FA5];
	_ =	sdelay $0x3  }
0x33: {  	p0 =	seq.s32 s10, $0x1;
	s10 =	sld [smem:$0x3FA7];
	_ =	sdelay $0x3  }
0x34: {  	[smem:$0x3FA7] =	sst s10  }
0x35: {  	s10 =	sld [smem:$0x3FA6];
	_ =	sdelay $0x3  }
0x36: {  	p1 =	seq.s32 s10, $0x1;
	s10 =	sld [smem:$0x3FA7];
	_ =	sdelay $0x3  }
0x37: {  	[smem:$0x3FA7] =	sst s10  }
0x38: {  	s10 =	sld [smem:$0x3FA8]  }
0x39: {  	_ = 	snop;
	(pc) =	sbr.ind lr, $3  }
0x3a: {  	_ = 	snop  }
0x3b: {  	_ = 	snop  }
0x3c: {  	p2 =	seq.s32 s10, $0x1;
	s10 =	sld [smem:$0x3FA7]  }
0x3d: {  	_ =	shalt  }
0x3e: {  	_ =	shalt  }
0x3f: {  	_ =	shalt  }
0x40: {  	_ =	shalt  }
0x41: {  	_ =	shalt  }
0x42: {  	_ =	shalt  }
0x43: {  	_ =	shalt  }
0x44: {  	_ =	shalt  }
0x45: {  	_ =	shalt  }
0x46: {  	_ =	shalt  }
0x47: {  	_ =	shalt  }
0x48: {  	_ =	shalt  }
0x49: {  	_ =	shalt  }
0x4a: {  	_ =	shalt  }
0x4b: {  	_ =	shalt  }
0x4c: {  	_ =	shalt  }
0x4d: {  	_ =	shalt  }
0x4e: {  	_ =	shalt  }
0x4f: {  	_ =	shalt  }
0x50: {  	_ =	shalt  }
0x51: {  	_ =	shalt  }
0x52: {  	_ =	shalt  }
0x53: {  	_ =	shalt  }
0x54: {  	_ =	shalt  }
0x55: {  	_ =	shalt  }
0x56: {  	_ =	shalt  }
0x57: {  	_ =	shalt  }
0x58: {  	_ =	shalt  }
0x59: {  	_ =	shalt  }
0x5a: {  	_ =	shalt  }
0x5b: {  	_ =	shalt  }
0x5c: {  	_ =	shalt  }
0x5d: {  	_ =	shalt  }
0x5e: {  	_ =	shalt  }
0x5f: {  	_ =	shalt  }
0x60: {  	_ =	shalt  }
0x61: {  	_ =	shalt  }
0x62: {  	_ =	shalt  }
0x63: {  	_ =	shalt  }
0x64: {  	_ =	shalt  }
0x65: {  	_ =	shalt  }
0x66: {  	_ =	shalt  }
0x67: {  	_ =	shalt  }
0x68: {  	_ =	shalt  }
0x69: {  	_ =	shalt  }
0x6a: {  	_ =	shalt  }
0x6b: {  	_ =	shalt  }
0x6c: {  	_ =	shalt  }
0x6d: {  	_ =	shalt  }
0x6e: {  	_ =	shalt  }
0x6f: {  	_ =	shalt  }
0x70: {  	_ =	shalt  }
0x71: {  	_ =	shalt  }
0x72: {  	_ =	shalt  }
0x73: {  	_ =	shalt  }
0x74: {  	_ =	shalt  }
0x75: {  	_ =	shalt  }
0x76: {  	_ =	shalt  }
0x77: {  	_ =	shalt  }
0x78: {  	_ =	shalt  }
0x79: {  	_ =	shalt  }
0x7a: {  	_ =	shalt  }
0x7b: {  	_ =	shalt  }
0x7c: {  	_ =	shalt  }
0x7d: {  	_ =	shalt  }
0x7e: {  	_ =	shalt  }
0x7f: {  	_ =	shalt  }
0x80: {  	_ =	shalt  }
0x81: {  	_ =	shalt  }
0x82: {  	_ =	shalt  }
0x83: {  	_ =	shalt  }
0x84: {  	_ =	shalt  }
0x85: {  	_ =	shalt  }
0x86: {  	_ =	shalt  }
0x87: {  	_ =	shalt  }
.Lfunc_end0:
.L_simem_size_0:
called_computation.2_lowered:
.L_overlay_start_0:
0x88: {  	s2 =	sld [smem:$0x3FD9]  }
0x89: {  	s3 =	sld [smem:$0x3FFE];
	_ =	sdelay $0x1  }
0x8a: {  	s1 =	srdreg.scid  }
0x8b: {  	s0 =	sand.u32 $0x1, s1  }
0x8c: {  	s14 =	sshll.u32 s0, $0xA;
	s2 =	sadd.s32 s3, s2  }
0x8d: {  	s2 =	sadd.s32 s2, s14  }
0x8e: {  	[smem:$0x3FB3] =	sst s2  }
0x8f: {  	_ = 	snop  }
0x90: {  	s2 =	sld [smem:$0x3FD0];
	_ =	sdelay $0x2  }
0x91: {  	s15 =	simm.s32 $0xB;
	s4 =	simm.s32 $0x10  }
0x92: {  	[smem:s4], [sflag:s15] =	dma.local [hbm:s2], $0x1  }
0x93: {  	_ =	swait.eq [sflag:s15], $0x1  }
0x94: {  	[sflag:s15] =	ssyncset.done $0x0  }
0x95: {  	[sflag:s15] =	ssyncadd.s32 $0xFFFFFFFF  }
0x96: {  	s16 =	sld [smem:$0x10];
	(tm) =	ssettm $0x1  }
0x97: {  	s17 =	sld [smem:$0x3FFB];
	_ =	sdelay $0x3  }
0x98: {  	_ =	strace s17  }
0x99: {  	s3 =	sld [smem:$0x3FFC];
	_ =	sdelay $0x3  }
0x9a: {  	_ =	strace s3  }
0x9b: {  	s3 =	sld [smem:$0x3FFD];
	_ =	sdelay $0x3  }
0x9c: {  	_ =	strace s3  }
0x9d: {  	_ =	strace $0x8FFFFFFF  }
0x9e: {  	s18 =	sld [smem:$0x3FDB];
	_ =	sdelay $0x1  }
0x9f: {  	s19 =	simm.s32 $_scs_section_size  }
0xa0: {  	s5 =	simm.s32 $_size__tile_overlayer_lowered;
	s6 =	simm.s32 $_tile_overlayer_lowered  }
0xa1: {  	s22 =	simm.s32 $0x1BFF;
	s21 =	sshll.u32 s6, $0x1;
	s3 =	sadd.s32 s19, s18  }
0xa2: {  	s7 =	simm.s32 $0x0;
	s20 =	sshll.u32 s5, $0x1;
	s5 =	sadd.s32 s21, s3  }
0xa3: {  	[timem:s7], [sflag:s22] =	dma.local [hbm:s5], s20  }
0xa4: {  	_ =	swait.ge [sflag:s22], s20  }
0xa5: {  	s4 =	ssub.s32 $0x0, s20;
	[sflag:s22] =	ssyncset.done $0x0  }
0xa6: {  	[sflag:s22] =	ssyncadd.s32 s4;
	_ =	sdelay $0x1  }
0xa7: {  	s23 =	simm.s32 $0x1B8B  }
0xa8: {  	_ =	swait.ge [sflag:s23], $0x1  }
0xa9: {  	[sflag:s23] =	ssyncset.done $0x0  }
0xaa: {  	s25 =	simm.s32 $0x1B8E;
	s24 =	sld [smem:$0x3FFE];
	[sflag:s23] =	ssyncadd.s32 $0xFFFFFFFF  }
0xab: {  	s26 =	simm.s32 $execute0_lowered;
	[smem:$0x3FD2] =	sst s25  }
0xac: {  	s5 =	sshll.u32 s26, $0x1;
	_ =	strace $0x80000046;
	[dreg:$0x1] =	wrdreg $0xFFFFFFFF  }
0xad: {  	s28 =	simm.s32 $_size_execute0_lowered;
	s3 =	sadd.s32 s3, s5;
	[dreg:$0x0] =	wrdreg $0x0  }
0xae: {  	s5 =	sshll.u32 s28, $0x1;
	[dreg:$0x2] =	wrdreg s3  }
0xaf: {  	[dreg:$0x3] =	wrdreg s5  }
0xb0: {  	[dreg:$0x4] =	wrdreg $0xC0  }
0xb1: {  	_ =	task [dreg:s7], $0x5FFFF  }
0xb2: {  	[dreg:$0x1] =	wrdreg $0xFFFFFFFF  }
0xb3: {  	[dreg:$0x0] =	wrdreg $0x60  }
0xb4: {  	[dreg:$0x2] =	wrdreg s16  }
0xb5: {  	[dreg:$0x3] =	wrdreg s24  }
0xb6: {  	[dreg:$0x4] =	wrdreg $0xA  }
0xb7: {  	_ =	task.clear_ibuf [dreg:s7], $0x5FFFF;
	_ =	strace $0x90000046  }
0xb8: {  	s29 =	simm.s32 $0xA;
	_ =	strace $0x80000048  }
0xb9: {  	_ =	swait.ge [sflag:s29], $0x1  }
0xba: {  	[sflag:s29] =	ssyncadd.s32 $0xFFFFFFFF  }
0xbb: {  	_ =	strace $0x90000048  }
0xbc: {  	_ =	sfence  }
0xbd: {  	s30 =	sld [smem:$0x0];
	_ =	sdelay $0x2  }
0xbe: {  	s31 =	sshll.u32 s1, $0xD;
	s1 =	sshrl.u32 s1, $0x2  }
0xbf: {  	s3 =	sand.u32 $0x4000, s31;
	s1 =	sadd.s32 s1, s30  }
0xc0: {  	s0 =	sor.u32 s3, s0;
	s1 =	sshll.u32 s1, $0x11  }
0xc1: {  	s0 =	sor.u32 s1, s0  }
0xc2: {  	s0 =	sadd.s32 $0x8F2B, s0  }
0xc3: {  	[sflag:s0] =	ssyncadd.remote.s32 $0x1  }
0xc4: {  	_ =	sfence.sel $0xFFFF  }
0xc5: {  	[dreg:$0x0] =	wrdreg $0xFFFFFFFF;
	(pc) =	sbr.abs _section_cstart, $3  }
0xc6: {  	[dreg:$0x1] =	wrdreg $0xFFFFFFFF  }
0xc7: {  	_ =	task.clear_ibuf [dreg:s7], $0x2FFFF;
	_ =	strace $0x9FFFFFFF  }
0xc8: {  	(tm) =	ssettm $0x7FFFFFFF  }
0xc9: {  	_ =	shalt  }
tec
execute0_lowered:
.L_overlay_start_1:
0x0: {  	(tag) =	ssettag $0x1  }
0x1: {  	s0 =	srdreg.scid;
	s2 =	rddreg [dreg:$0x0]  }
0x2: {  	s12 =	stileid.u32;
	s6 =	rddreg [dreg:$0x1];
	s3 =	simm.s32 $0x0  }
0x3: {  	s14 =	simm.s32 $0x7;
	s17 =	simm.s32 $0x9E20;
	s18 =	simm.s32 $0xEE20  }
0x4: {  	s19 =	simm.s32 $0x50;
	s20 =	simm.s32 $0x1;
	s21 =	simm.s32 $0x2  }
0x5: {  	s22 =	simm.s32 $0x3;
	s0 =	sand.u32 $0x1, s0;
	s1 =	sshll.u32 s12, $0x1  }
0x6: {  	[smem:$0x7FF] =	sst s3;
	s5 =	sadd.s32 $0x32E00, s6;
	s25 =	smul.u32 $0x27100, s12  }
0x7: {  	s1 =	sor.u32 s0, s1;
	s10 =	ssub.s32 $0x2, s0;
	s0 =	smul.u32 $0x13880, s0  }
0x8: {  	s8 =	sadd.s32 $0x46800, s6;
	s9 =	sadd.s32 $0x2B7800, s6;
	s4 =	smul.u32 $0x2710, s1  }
0x9: {  	_ =	strace $0x80000047;
	s11 =	sshrl.u32 s10, $0x1;
	s1 =	smul.u32 $0x13880, s1  }
0xa: {  	s30 =	sadd.s32 s25, s8;
	s31 =	sadd.s32 s25, s9;
	s10 =	ssub.s32 s10, s11  }
0xb: {  	s13 =	sadd.s32 s0, s31;
	s7 =	sshrl.u32 s4, $0x3;
	s4 =	sadd.s32 $0x1F400, s6  }
0xc: {  	s24 =	smax.u32 s10, $0x1;
	s1 =	sadd.s32 $0x13600, s1;
	s7 =	sadd.s32 s7, s6  }
0xd: {  	s6 =	sadd.s32 $0x528800, s6;
	[dreg:$0x6] =	wrdreg s24;
	s26 =	sadd.s32 s8, s1  }
0xe: {  	s28 =	sadd.s32 s9, s1;
	s24 =	simm.s32 $0x5;
	[dreg:$0x7] =	wrdreg s26  }
0xf: {  	s23 =	sadd.s32 $0xB800, s7;
	s7 =	sadd.s32 $0x15600, s7;
	[dreg:$0x8] =	wrdreg s28  }
0x10: {  	s1 =	sadd.s32 s6, s1;
	s29 =	sadd.s32 s25, s6;
	[dreg:$0x4] =	wrdreg s23  }
0x11: {  	s6 =	sadd.s32 s0, s30;
	s25 =	simm.s32 $0x6;
	[dreg:$0x5] =	wrdreg s7  }
0x12: {  	s26 =	simm.s32 $0x0;
	[dreg:$0x9] =	wrdreg s1;
	s12 =	sadd.s32 s0, s29  }
0x13: {  	[dreg:$0x3] =	wrdreg s6;
	s6 =	simm.s32 $0x4E20;
	s23 =	simm.s32 $0x4  }
.LBB2_1:
0x14: {  	s0 =	rddreg [dreg:$0x4]  }
0x15: {  	[tilespmem:s3], [sflag:$0x7] =	stream.linear.gather [hbm4b:s0+s3], $0x2710, $0x38;
	[tilespmem:$0x13E20] =	vst v63  }
0x16: {  	_ =	swait.ge [sflag:s14], $0x2710  }
0x17: {  	[sflag:s14] =	ssyncset.done $0x0  }
0x18: {  	s1 =	simm.s32 $0x2710;
	s16 =	rddreg [dreg:$0x5];
	[sflag:s14] =	ssyncadd.s32 $0xFFFFD8F0  }
0x19: {  	[tilespmem:s1], [sflag:$0x7] =	stream.linear.gather [hbm4b:s16+s3], $0x2710, $0x38;
	[tilespmem:$0x13E20] =	vst v63  }
0x1a: {  	_ =	swait.ge [sflag:s14], $0x2710  }
0x1b: {  	[sflag:s14] =	ssyncset.done $0x0  }
0x1c: {  	[sflag:s14] =	ssyncadd.s32 $0xFFFFD8F0  }
0x1d: {  	[tilespmem:s6], [sflag:$0x1] =	stream.indirect.gather [hbm4b:s2+s19], $0x40, s3, s19, $0xb8;
	[tilespmem:$0x13E20] =	vst v63  }
0x1e: {  	p0 =	por $0x1, $0x1  }
0x1f: {  	[tilespmem:s17], [sflag:$0x2] =	stream.indirect.gather [hbm4b:s4+s19], $0x40, s3, s19, $0xb8;
	[tilespmem:$0x13E20] =	vst v63  }
0x20: {  	s0 =	simm.s32 @!p0 $0x4  }
0x21: {  	[tilespmem:s18], [sflag:$0x3] =	stream.indirect.gather [hbm4b:s5+s19], $0x40, s1, s19, $0xb8;
	[tilespmem:$0x13E20] =	vst v63  }
0x22: {  	_ =	swait.ge @!p0 [sflag:s0], $0x1400  }
0x23: {  	[sflag:s0] =	ssyncset.done @!p0 $0x0  }
0x24: {  	[sflag:s0] =	ssyncadd.s32 @!p0 $0xFFFFEC00;
	s0 =	simm.s32 @!p0 $0x5  }
0x25: {  	_ =	swait.ge @!p0 [sflag:s0], $0x1400  }
0x26: {  	[sflag:s0] =	ssyncset.done @!p0 $0x0  }
0x27: {  	s7 =	sand.u32 $0x3, s20;
	[sflag:s0] =	ssyncadd.s32 @!p0 $0xFFFFEC00;
	s0 =	simm.s32 @!p0 $0x6  }
0x28: {  	s1 =	smul.u32 $0x1400, s7;
	_ =	swait.ge @!p0 [sflag:s0], $0x1400  }
0x29: {  	[sflag:s0] =	ssyncset.done @!p0 $0x0  }
0x2a: {  	s8 =	sadd.s32 $0x4E20, s1;
	[sflag:s0] =	ssyncadd.s32 @!p0 $0xFFFFEC00  }
0x2b: {  	[tilespmem:s8], [sflag:$0x1] =	stream.indirect.gather [hbm4b:s2+s19], $0x40, s19, s19, $0xb8;
	[tilespmem:$0x13E20] =	vst v63  }
0x2c: {  	s9 =	sadd.s32 $0x9E20, s1  }
0x2d: {  	[tilespmem:s9], [sflag:$0x2] =	stream.indirect.gather [hbm4b:s4+s19], $0x40, s19, s19, $0xb8;
	[tilespmem:$0x13E20] =	vst v63  }
0x2e: {  	s10 =	simm.s32 $0x2760;
	s1 =	sadd.s32 $0xEE20, s1  }
0x2f: {  	[tilespmem:s1], [sflag:$0x3] =	stream.indirect.gather [hbm4b:s5+s19], $0x40, s10, s19, $0xb8;
	[tilespmem:$0x13E20] =	vst v63  }
0x30: {  	_ =	swait.ge [sflag:s20], $0x1400  }
0x31: {  	s28 =	simm.s32 $0x280;
	s11 =	simm.s32 $0x0;
	[sflag:s20] =	ssyncset.done $0x0  }
0x32: {  	s29 =	sadd.s32 $0x280, s12;
	s30 =	simm.s32 $0xA0;
	[sflag:s20] =	ssyncadd.s32 $0xFFFFEC00  }
0x33: {  	p1 =	por $0x1, $0x1;
	s31 =	simm.s32 $0x27B0;
	_ =	swait.ge [sflag:s21], $0x1400  }
0x34: {  	s16 =	simm.s32 $0x1;
	s0 =	sand.u32 $0x3, s11;
	[sflag:s21] =	ssyncset.done $0x0  }
0x35: {  	s7 =	simm.s32 $0x500;
	s8 =	smul.u32 $0x1400, s0;
	[sflag:s21] =	ssyncadd.s32 $0xFFFFEC00  }
0x36: {  	s0 =	simm.s32 $0x2;
	s9 =	sadd.s32 $0x0, s13;
	_ =	swait.ge [sflag:s22], $0x1400  }
0x37: {  	s11 =	sadd.s32 $0x9E20, s8;
	s15 =	rddreg [dreg:$0x3];
	[sflag:s22] =	ssyncset.done $0x0  }
0x38: {  	s10 =	sadd.s32 $0x4E20, s8;
	[sflag:s22] =	ssyncadd.s32 $0xFFFFEC00;
	s6 =	sadd.s32 $0x0, s15  }
0x39: {  	[hbm4b:s6+s3] =	stream.linear.scatter [tilespmem:s10], [sflag:$0x4], $0x1400, $0x38;
	[tilespmem:$0x13E20] =	vst v63  }
0x3a: {  	s1 =	sadd.s32 $0x0, s12;
	s10 =	sadd.s32 $0xEE20, s8;
	s6 =	sand.u32 $0x3, s16  }
.LBB2_2:
0x3b: {  	[hbm4b:s9+s3] =	stream.linear.scatter [tilespmem:s11], [sflag:$0x5], $0x1400, $0x38;
	[tilespmem:$0x13E20] =	vst v63  }
0x3c: {  	s11 =	simm.s32 @!p1 $0x4  }
0x3d: {  	[hbm4b:s1+s3] =	stream.linear.scatter [tilespmem:s10], [sflag:$0x6], $0x1400, $0x38;
	[tilespmem:$0x13E20] =	vst v63  }
0x3e: {  	_ =	swait.ge @!p1 [sflag:s11], $0x1400  }
0x3f: {  	[sflag:s11] =	ssyncset.done @!p1 $0x0  }
0x40: {  	s9 =	simm.s32 @!p1 $0x5;
	[sflag:s11] =	ssyncadd.s32 @!p1 $0xFFFFEC00  }
0x41: {  	_ =	swait.ge @!p1 [sflag:s9], $0x1400  }
0x42: {  	[sflag:s9] =	ssyncset.done @!p1 $0x0  }
0x43: {  	s16 =	sand.u32 $0x3, s0;
	[sflag:s9] =	ssyncadd.s32 @!p1 $0xFFFFEC00;
	s9 =	simm.s32 @!p1 $0x6  }
0x44: {  	s10 =	smul.u32 $0x1400, s16;
	_ =	swait.ge @!p1 [sflag:s9], $0x1400  }
0x45: {  	s8 =	smov.u32 s28;
	s28 =	smov.u32 s7;
	[sflag:s9] =	ssyncset.done @!p1 $0x0  }
0x46: {  	s15 =	sadd.s32 s28, s12;
	s11 =	sadd.s32 $0x4E20, s10;
	[sflag:s9] =	ssyncadd.s32 @!p1 $0xFFFFEC00  }
0x47: {  	[tilespmem:s11], [sflag:$0x1] =	stream.indirect.gather [hbm4b:s2+s19], $0x40, s30, s19, $0xb8;
	[tilespmem:$0x13E20] =	vst v63  }
0x48: {  	s1 =	smov.u32 s29;
	s29 =	smov.u32 s15;
	s15 =	sadd.s32 $0x9E20, s10  }
0x49: {  	[tilespmem:s15], [sflag:$0x2] =	stream.indirect.gather [hbm4b:s4+s19], $0x40, s30, s19, $0xb8;
	[tilespmem:$0x13E20] =	vst v63  }
0x4a: {  	s16 =	sadd.s32 $0xEE20, s10  }
0x4b: {  	[tilespmem:s16], [sflag:$0x3] =	stream.indirect.gather [hbm4b:s5+s19], $0x40, s31, s19, $0xb8;
	[tilespmem:$0x13E20] =	vst v63  }
0x4c: {  	_ =	swait.ge [sflag:s20], $0x1400  }
0x4d: {  	[sflag:s20] =	ssyncset.done $0x0  }
0x4e: {  	s6 =	smul.u32 $0x1400, s6;
	[sflag:s20] =	ssyncadd.s32 $0xFFFFEC00  }
0x4f: {  	s7 =	sadd.s32 $0x280, s7;
	s0 =	sadd.s32 $0x1, s0;
	_ =	swait.ge [sflag:s21], $0x1400  }
0x50: {  	p0 =	sne.s32 s7, $0x13600;
	s10 =	sadd.s32 $0xEE20, s6;
	[sflag:s21] =	ssyncset.done $0x0  }
0x51: {  	s9 =	sadd.s32 s8, s13;
	s11 =	sadd.s32 $0x9E20, s6;
	[sflag:s21] =	ssyncadd.s32 $0xFFFFEC00  }
.Ltmp0:
0x52: {  	s6 =	sadd.s32 $0x4E20, s6;
	_ =	swait.ge [sflag:s22], $0x1400;
	(pc) =	sbr.rel @p0 .LBB2_2-.Ltmp0, $4  }
0x53: {  	s30 =	sadd.s32 $0x50, s30;
	s15 =	rddreg [dreg:$0x3];
	[sflag:s22] =	ssyncset.done $0x0  }
0x54: {  	s16 =	sadd.s32 $0xFFFFFFFF, s0;
	[sflag:s22] =	ssyncadd.s32 $0xFFFFEC00;
	s8 =	sadd.s32 s8, s15  }
0x55: {  	[hbm4b:s8+s3] =	stream.linear.scatter [tilespmem:s6], [sflag:$0x4], $0x1400, $0x38;
	[tilespmem:$0x13E20] =	vst v63  }
0x56: {  	s31 =	sadd.s32 $0x50, s31;
	p1 =	slt.u32 s16, $0x3;
	s6 =	sand.u32 $0x3, s16  }
0x57: {  	[hbm4b:s9+s3] =	stream.linear.scatter [tilespmem:s11], [sflag:$0x5], $0x1400, $0x38;
	[tilespmem:$0x13E20] =	vst v63  }
0x58: {  	_ = 	snop  }
0x59: {  	[hbm4b:s1+s3] =	stream.linear.scatter [tilespmem:s10], [sflag:$0x6], $0x1400, $0x38;
	[tilespmem:$0x13E20] =	vst v63  }
0x5a: {  	s1 =	simm.s32 @!p1 $0x4  }
0x5b: {  	_ =	swait.ge @!p1 [sflag:s1], $0x1400  }
0x5c: {  	[sflag:s1] =	ssyncset.done @!p1 $0x0  }
0x5d: {  	[sflag:s1] =	ssyncadd.s32 @!p1 $0xFFFFEC00;
	s1 =	simm.s32 @!p1 $0x5  }
0x5e: {  	_ =	swait.ge @!p1 [sflag:s1], $0x1400  }
0x5f: {  	[sflag:s1] =	ssyncset.done @!p1 $0x0  }
0x60: {  	s0 =	sand.u32 $0x3, s0;
	[sflag:s1] =	ssyncadd.s32 @!p1 $0xFFFFEC00;
	s1 =	simm.s32 @!p1 $0x6  }
0x61: {  	s0 =	smul.u32 $0x1400, s0;
	_ =	swait.ge @!p1 [sflag:s1], $0x1400  }
0x62: {  	[sflag:s1] =	ssyncset.done @!p1 $0x0  }
0x63: {  	s7 =	sadd.s32 $0x4E20, s0;
	[sflag:s1] =	ssyncadd.s32 @!p1 $0xFFFFEC00  }
0x64: {  	[tilespmem:s7], [sflag:$0x1] =	stream.indirect.gather [hbm4b:s2+s19], $0x40, s30, s19, $0xb8;
	[tilespmem:$0x13E20] =	vst v63  }
0x65: {  	s8 =	sadd.s32 $0x9E20, s0  }
0x66: {  	[tilespmem:s8], [sflag:$0x2] =	stream.indirect.gather [hbm4b:s4+s19], $0x40, s30, s19, $0xb8;
	[tilespmem:$0x13E20] =	vst v63  }
0x67: {  	s0 =	sadd.s32 $0xEE20, s0  }
0x68: {  	[tilespmem:s0], [sflag:$0x3] =	stream.indirect.gather [hbm4b:s5+s19], $0x40, s31, s19, $0xb8;
	[tilespmem:$0x13E20] =	vst v63  }
0x69: {  	_ =	swait.ge [sflag:s20], $0x1400  }
0x6a: {  	[sflag:s20] =	ssyncset.done $0x0  }
0x6b: {  	[sflag:s20] =	ssyncadd.s32 $0xFFFFEC00  }
0x6c: {  	_ =	swait.ge [sflag:s21], $0x1400  }
0x6d: {  	[sflag:s21] =	ssyncset.done $0x0  }
0x6e: {  	[sflag:s21] =	ssyncadd.s32 $0xFFFFEC00  }
0x6f: {  	s10 =	smul.u32 $0x1400, s6;
	_ =	swait.ge [sflag:s22], $0x1400  }
0x70: {  	s9 =	rddreg [dreg:$0x3];
	[sflag:s22] =	ssyncset.done $0x0  }
0x71: {  	s6 =	sadd.s32 $0x4E20, s10;
	[sflag:s22] =	ssyncadd.s32 $0xFFFFEC00;
	s0 =	sadd.s32 s28, s9  }
0x72: {  	[hbm4b:s0+s3] =	stream.linear.scatter [tilespmem:s6], [sflag:$0x4], $0x1400, $0x38;
	[tilespmem:$0x13E20] =	vst v63  }
0x73: {  	s11 =	sadd.s32 s28, s13;
	s15 =	sadd.s32 $0x9E20, s10  }
0x74: {  	[hbm4b:s11+s3] =	stream.linear.scatter [tilespmem:s15], [sflag:$0x5], $0x1400, $0x38;
	[tilespmem:$0x13E20] =	vst v63  }
0x75: {  	s16 =	sadd.s32 $0xEE20, s10  }
0x76: {  	[hbm4b:s29+s3] =	stream.linear.scatter [tilespmem:s16], [sflag:$0x6], $0x1400, $0x38;
	[tilespmem:$0x13E20] =	vst v63  }
0x77: {  	_ =	swait.ge [sflag:s20], $0x1400  }
0x78: {  	[sflag:s20] =	ssyncset.done $0x0  }
0x79: {  	[sflag:s20] =	ssyncadd.s32 $0xFFFFEC00  }
0x7a: {  	_ =	swait.ge [sflag:s21], $0x1400  }
0x7b: {  	[sflag:s21] =	ssyncset.done $0x0  }
0x7c: {  	[sflag:s21] =	ssyncadd.s32 $0xFFFFEC00  }
0x7d: {  	_ =	swait.ge [sflag:s22], $0x1400  }
0x7e: {  	[sflag:s22] =	ssyncset.done $0x0  }
0x7f: {  	s6 =	simm.s32 $0x4E20;
	s28 =	rddreg [dreg:$0x7];
	[sflag:s22] =	ssyncadd.s32 $0xFFFFEC00  }
0x80: {  	[hbm4b:s28+s3] =	stream.linear.scatter [tilespmem:s6], [sflag:$0x4], $0x1400, $0x38;
	[tilespmem:$0x13E20] =	vst v63  }
0x81: {  	s29 =	rddreg [dreg:$0x8]  }
0x82: {  	[hbm4b:s29+s3] =	stream.linear.scatter [tilespmem:s17], [sflag:$0x5], $0x1400, $0x38;
	[tilespmem:$0x13E20] =	vst v63  }
0x83: {  	s30 =	rddreg [dreg:$0x9]  }
0x84: {  	[hbm4b:s30+s3] =	stream.linear.scatter [tilespmem:s18], [sflag:$0x6], $0x1400, $0x38;
	[tilespmem:$0x13E20] =	vst v63  }
0x85: {  	_ =	swait.ge [sflag:s23], $0x1400  }
0x86: {  	[sflag:s23] =	ssyncset.done $0x0  }
0x87: {  	[sflag:s23] =	ssyncadd.s32 $0xFFFFEC00  }
0x88: {  	_ =	swait.ge [sflag:s24], $0x1400  }
0x89: {  	[sflag:s24] =	ssyncset.done $0x0  }
0x8a: {  	[sflag:s24] =	ssyncadd.s32 $0xFFFFEC00  }
0x8b: {  	_ =	swait.ge [sflag:s25], $0x1400  }
0x8c: {  	[sflag:s25] =	ssyncset.done $0x0  }
0x8d: {  	[sflag:s25] =	ssyncadd.s32 $0xFFFFEC00  }
0x8e: {  	_ =	swait.ge [sflag:s23], $0x1400  }
0x8f: {  	[sflag:s23] =	ssyncset.done $0x0  }
0x90: {  	[sflag:s23] =	ssyncadd.s32 $0xFFFFEC00  }
0x91: {  	_ =	swait.ge [sflag:s24], $0x1400  }
0x92: {  	[sflag:s24] =	ssyncset.done $0x0  }
0x93: {  	[sflag:s24] =	ssyncadd.s32 $0xFFFFEC00  }
0x94: {  	_ =	swait.ge [sflag:s25], $0x1400  }
0x95: {  	[sflag:s25] =	ssyncset.done $0x0  }
0x96: {  	[sflag:s25] =	ssyncadd.s32 $0xFFFFEC00  }
0x97: {  	_ =	swait.ge [sflag:s23], $0x1400  }
0x98: {  	[sflag:s23] =	ssyncset.done $0x0  }
0x99: {  	[sflag:s23] =	ssyncadd.s32 $0xFFFFEC00  }
0x9a: {  	_ =	swait.ge [sflag:s24], $0x1400  }
0x9b: {  	[sflag:s24] =	ssyncset.done $0x0  }
0x9c: {  	[sflag:s24] =	ssyncadd.s32 $0xFFFFEC00  }
0x9d: {  	_ =	swait.ge [sflag:s25], $0x1400  }
0x9e: {  	[sflag:s25] =	ssyncset.done $0x0  }
0x9f: {  	[sflag:s25] =	ssyncadd.s32 $0xFFFFEC00  }
0xa0: {  	_ =	swait.ge [sflag:s23], $0x1400  }
0xa1: {  	[sflag:s23] =	ssyncset.done $0x0  }
0xa2: {  	[sflag:s23] =	ssyncadd.s32 $0xFFFFEC00  }
0xa3: {  	_ =	swait.ge [sflag:s24], $0x1400  }
0xa4: {  	[sflag:s24] =	ssyncset.done $0x0  }
0xa5: {  	[sflag:s24] =	ssyncadd.s32 $0xFFFFEC00  }
0xa6: {  	_ =	swait.ge [sflag:s25], $0x1400  }
0xa7: {  	s26 =	sadd.s32 $0x1, s26;
	s31 =	rddreg [dreg:$0x6]  }
0xa8: {  	p0 =	sne.s32 s26, s31  }
.Ltmp1:
0xa9: {  	_ = 	snop;
	(pc) =	sbr.rel @p0 .LBB2_1-.Ltmp1, $3  }
0xaa: {  	_ =	sdelay $0x1  }
0xab: {  	[sflag:s25] =	ssyncset.done $0x0  }
0xac: {  	[sflag:s25] =	ssyncadd.s32 $0xFFFFEC00  }
0xad: {  	_ =	sfence.sel $0x180000  }
0xae: {  	[bflag:$0x0] =	sbarrier.arrive $0xFFFF  }
0xaf: {  	_ =	strace $0x90000047  }
0xb0: {  	s0 =	stileid.u32;
	[bflag:$0x2] =	sbarrier.arrive $0xFFFF  }
0xb1: {  	p0 =	sne.s32 s0, $0x0;
	s0 =	rddreg [dreg:$0x2]  }
0xb2: {  	s0 =	sadd.s32 @!p0 $0x100000, s0  }
0xb3: {  	[sflag:s0] =	ssyncadd.tile.s32 @!p0 $0x1;
	_ =	shalt  }
.Lfunc_end2:
_tile_overlayer_lowered:
.L_overlay_start_2:
0xb4: {  	(tag) =	ssettag $0x2  }
0xb5: {  	s0 =	rddreg [dreg:$0x0];
	s2 =	stileid.u32  }
0xb6: {  	s1 =	rddreg [dreg:$0x1];
	p0 =	sne.s32 s2, $0x0  }
0xb7: {  	s3 =	rddreg [dreg:$0x2];
	[bflag:$0x3] =	sbarrier.arrive $0xFFFF;
	s2 =	simm.s32 @!p0 $0x1C07  }
0xb8: {  	[timem:s3], [sflag:s2] =	dma.local @!p0 [hbm:s0], s1  }
0xb9: {  	s0 =	simm.s32 @!p0 $0x7  }
0xba: {  	_ =	swait.ge @!p0 [sflag:s0], s1  }
0xbb: {  	s1 =	ssub.s32 @!p0 $0x0, s1;
	[sflag:s0] =	ssyncset.done @!p0 $0x0  }
0xbc: {  	[sflag:s0] =	ssyncadd.s32 @!p0 s1  }
0xbd: {  	[bflag:$0x3] =	sbarrier.arrive $0xFFFF  }
0xbe: {  	_ =	shalt  }

// kernel: kernel.22.cloned.1.call-start
scs
__scs_entry_jumppad:
0x0: {  	(pc) =	sbr.rel $0x88, $3  }
0x1: {  	(tag) =	ssettag $0x0;
	lr =	simm.s32 $0x1  }
0x2: {  	[smem:$0x3F8C] =	sst lr;
	_ =	strace $0xD0000000  }
0x3: {  	_ = 	snop  }
0x4: {  	_ = 	snop  }
0x5: {  	_ = 	snop  }
0x6: {  	_ = 	snop  }
0x7: {  	_ = 	snop  }
__scs_overlays_trampoline_lowered:
0x8: {  	[smem:$0x3F9B] =	sst s0  }
0x9: {  	[smem:$0x3F9C] =	sst s1  }
0xa: {  	[smem:$0x3F9D] =	sst s2  }
0xb: {  	[smem:$0x3F9E] =	sst s3  }
0xc: {  	[smem:$0x3F9F] =	sst s4  }
0xd: {  	[smem:$0x3FA0] =	sst s5  }
0xe: {  	[smem:$0x3FA1] =	sst s6  }
0xf: {  	[smem:$0x3FA2] =	sst s7  }
0x10: {  	[smem:$0x3FA3] =	sst s8  }
0x11: {  	[smem:$0x3FA4] =	sst s9;
	s0 =	simm.s32 @!p0 $0x0  }
0x12: {  	s1 =	sld [smem:$0x3F8A];
	s0 =	simm.s32 @p0 $0x1  }
0x13: {  	[smem:$0x3FA5] =	sst s0;
	s0 =	simm.s32 @!p1 $0x0  }
0x14: {  	s2 =	sld [smem:$0x3F89];
	s0 =	simm.s32 @p1 $0x1  }
0x15: {  	[smem:$0x3FA6] =	sst s0;
	s0 =	simm.s32 @!p2 $0x0  }
0x16: {  	s3 =	sld [smem:$0x3FDB];
	s0 =	simm.s32 @p2 $0x1  }
0x17: {  	s4 =	simm.s32 $0x1BF5;
	[smem:$0x3FA8] =	sst s0  }
0x18: {  	s0 =	sld [smem:$0x3F8B];
	_ =	swait.ge [sflag:s4], $0x0  }
0x19: {  	s7 =	sld [smem:$0x3F8C]  }
0x1a: {  	s8 =	sadd.s32 $0xFFFFE003, lr  }
0x1b: {  	s9 =	sadd.s32 $0xFFFFFEF7, lr;
	s5 =	simm.s32 $0xFFFFFFFF;
	p2 =	slt.u32 s8, $0xFFFFF086  }
0x1c: {  	p1 =	slt.u32 s9, $0xF7A;
	s5 =	simm.s32 @!p2 $0x0  }
0x1d: {  	s5 =	simm.s32 @p1 $0x1;
	p0 =	seq.s32 s7, s2  }
0x1e: {  	s7 =	smul.u32 @!p0 $0xF7A, s2;
	p2 =	seq.s32 @!p0 s5, $0x0  }
0x1f: {  	s9 =	smul.u32 $0xF7A, s1;
	s8 =	simm.s32 @!p0 $0x1BF5;
	p2 =	por !p2, p0  }
0x20: {  	[sflag:s8] =	ssyncset.s32 @!p0 $0xFFFFF086;
	s6 =	sadd.s32 @!p0 s3, s7;
	s7 =	simm.s32 @!p0 $0x108  }
0x21: {  	s3 =	sadd.s32 s3, s9;
	s6 =	sadd.s32 @!p0 $0x88, s6;
	s7 =	simm.s32 @p2 $0x1082  }
0x22: {  	[simem:s7], [sflag:s8] =	dma.local @!p0 [hbm:s6], $0xF7A  }
0x23: {  	s9 =	sor.u32 $0xD0000000, s2;
	s6 =	simm.s32 $0x108;
	_ =	swait.ge @!p0 [sflag:s8], $0x0  }
0x24: {  	s3 =	sadd.s32 $0x88, s3;
	s6 =	simm.s32 @!p1 $0x1082;
	[sflag:s4] =	ssyncset.s32 $0xFFFFF086  }
0x25: {  	[simem:s6], [sflag:s4] =	dma.local [hbm:s3], $0xF7A  }
0x26: {  	[smem:$0x3F8C] =	sst s1;
	(tag) =	ssettag s2;
	_ =	strace s9  }
0x27: {  	s1 =	sld [smem:$0x3F9C]  }
0x28: {  	s2 =	sld [smem:$0x3F9D]  }
0x29: {  	s4 =	sld [smem:$0x3F9F]  }
0x2a: {  	p0 =	seq.s32 s5, $0x0;
	s5 =	sld [smem:$0x3FA0]  }
0x2b: {  	s6 =	sld [smem:$0x3FA1]  }
0x2c: {  	s7 =	sld [smem:$0x3FA2]  }
0x2d: {  	s3 =	simm.s32 $0x108;
	s8 =	sld [smem:$0x3FA3]  }
0x2e: {  	s3 =	simm.s32 @!p0 $0x1082;
	s9 =	sld [smem:$0x3FA4]  }
0x2f: {  	lr =	sadd.s32 s0, s3;
	s0 =	sld [smem:$0x3F9B]  }
0x30: {  	s3 =	sld [smem:$0x3F9E]  }
0x31: {  	[smem:$0x3FA7] =	sst s10  }
0x32: {  	s10 =	sld [smem:$0x3FA5];
	_ =	sdelay $0x3  }
0x33: {  	p0 =	seq.s32 s10, $0x1;
	s10 =	sld [smem:$0x3FA7];
	_ =	sdelay $0x3  }
0x34: {  	[smem:$0x3FA7] =	sst s10  }
0x35: {  	s10 =	sld [smem:$0x3FA6];
	_ =	sdelay $0x3  }
0x36: {  	p1 =	seq.s32 s10, $0x1;
	s10 =	sld [smem:$0x3FA7];
	_ =	sdelay $0x3  }
0x37: {  	[smem:$0x3FA7] =	sst s10  }
0x38: {  	s10 =	sld [smem:$0x3FA8]  }
0x39: {  	_ = 	snop;
	(pc) =	sbr.ind lr, $3  }
0x3a: {  	_ = 	snop  }
0x3b: {  	_ = 	snop  }
0x3c: {  	p2 =	seq.s32 s10, $0x1;
	s10 =	sld [smem:$0x3FA7]  }
0x3d: {  	_ =	shalt  }
0x3e: {  	_ =	shalt  }
0x3f: {  	_ =	shalt  }
0x40: {  	_ =	shalt  }
0x41: {  	_ =	shalt  }
0x42: {  	_ =	shalt  }
0x43: {  	_ =	shalt  }
0x44: {  	_ =	shalt  }
0x45: {  	_ =	shalt  }
0x46: {  	_ =	shalt  }
0x47: {  	_ =	shalt  }
0x48: {  	_ =	shalt  }
0x49: {  	_ =	shalt  }
0x4a: {  	_ =	shalt  }
0x4b: {  	_ =	shalt  }
0x4c: {  	_ =	shalt  }
0x4d: {  	_ =	shalt  }
0x4e: {  	_ =	shalt  }
0x4f: {  	_ =	shalt  }
0x50: {  	_ =	shalt  }
0x51: {  	_ =	shalt  }
0x52: {  	_ =	shalt  }
0x53: {  	_ =	shalt  }
0x54: {  	_ =	shalt  }
0x55: {  	_ =	shalt  }
0x56: {  	_ =	shalt  }
0x57: {  	_ =	shalt  }
0x58: {  	_ =	shalt  }
0x59: {  	_ =	shalt  }
0x5a: {  	_ =	shalt  }
0x5b: {  	_ =	shalt  }
0x5c: {  	_ =	shalt  }
0x5d: {  	_ =	shalt  }
0x5e: {  	_ =	shalt  }
0x5f: {  	_ =	shalt  }
0x60: {  	_ =	shalt  }
0x61: {  	_ =	shalt  }
0x62: {  	_ =	shalt  }
0x63: {  	_ =	shalt  }
0x64: {  	_ =	shalt  }
0x65: {  	_ =	shalt  }
0x66: {  	_ =	shalt  }
0x67: {  	_ =	shalt  }
0x68: {  	_ =	shalt  }
0x69: {  	_ =	shalt  }
0x6a: {  	_ =	shalt  }
0x6b: {  	_ =	shalt  }
0x6c: {  	_ =	shalt  }
0x6d: {  	_ =	shalt  }
0x6e: {  	_ =	shalt  }
0x6f: {  	_ =	shalt  }
0x70: {  	_ =	shalt  }
0x71: {  	_ =	shalt  }
0x72: {  	_ =	shalt  }
0x73: {  	_ =	shalt  }
0x74: {  	_ =	shalt  }
0x75: {  	_ =	shalt  }
0x76: {  	_ =	shalt  }
0x77: {  	_ =	shalt  }
0x78: {  	_ =	shalt  }
0x79: {  	_ =	shalt  }
0x7a: {  	_ =	shalt  }
0x7b: {  	_ =	shalt  }
0x7c: {  	_ =	shalt  }
0x7d: {  	_ =	shalt  }
0x7e: {  	_ =	shalt  }
0x7f: {  	_ =	shalt  }
0x80: {  	_ =	shalt  }
0x81: {  	_ =	shalt  }
0x82: {  	_ =	shalt  }
0x83: {  	_ =	shalt  }
0x84: {  	_ =	shalt  }
0x85: {  	_ =	shalt  }
0x86: {  	_ =	shalt  }
0x87: {  	_ =	shalt  }
.Lfunc_end0:
.L_simem_size_0:
called_computation.3_lowered:
.L_overlay_start_0:
0x88: {  	s2 =	sld [smem:$0x3FD9]  }
0x89: {  	s3 =	sld [smem:$0x3FFE];
	_ =	sdelay $0x1  }
0x8a: {  	s1 =	srdreg.scid  }
0x8b: {  	s0 =	sand.u32 $0x1, s1  }
0x8c: {  	s15 =	sshll.u32 s0, $0xA;
	s2 =	sadd.s32 s3, s2  }
0x8d: {  	s2 =	sadd.s32 s2, s15  }
0x8e: {  	[smem:$0x3FB3] =	sst s2  }
0x8f: {  	_ = 	snop  }
0x90: {  	s2 =	sld [smem:$0x3FD0];
	_ =	sdelay $0x2  }
0x91: {  	s16 =	simm.s32 $0xB;
	s4 =	simm.s32 $0x10  }
0x92: {  	[smem:s4], [sflag:s16] =	dma.local [hbm:s2], $0x1  }
0x93: {  	_ =	swait.eq [sflag:s16], $0x1  }
0x94: {  	[sflag:s16] =	ssyncset.done $0x0  }
0x95: {  	[sflag:s16] =	ssyncadd.s32 $0xFFFFFFFF  }
0x96: {  	s17 =	sld [smem:$0x10];
	(tm) =	ssettm $0x1  }
0x97: {  	s18 =	sld [smem:$0x3FFB];
	_ =	sdelay $0x3  }
0x98: {  	_ =	strace s18  }
0x99: {  	s2 =	sld [smem:$0x3FFC];
	_ =	sdelay $0x3  }
0x9a: {  	_ =	strace s2  }
0x9b: {  	s2 =	sld [smem:$0x3FFD];
	_ =	sdelay $0x3  }
0x9c: {  	_ =	strace s2  }
0x9d: {  	_ =	strace $0x8FFFFFFF  }
0x9e: {  	s19 =	sld [smem:$0x3FDB];
	_ =	sdelay $0x1  }
0x9f: {  	s20 =	simm.s32 $_scs_section_size  }
0xa0: {  	s5 =	simm.s32 $_size__tile_overlayer_lowered;
	s6 =	simm.s32 $_tile_overlayer_lowered  }
0xa1: {  	s7 =	simm.s32 $0x1BFF;
	s21 =	sshll.u32 s6, $0x1;
	s4 =	sadd.s32 s20, s19  }
0xa2: {  	s22 =	simm.s32 $0x0;
	s5 =	sshll.u32 s5, $0x1;
	s6 =	sadd.s32 s21, s4  }
0xa3: {  	[timem:s22], [sflag:s7] =	dma.local [hbm:s6], s5  }
0xa4: {  	_ =	swait.ge [sflag:s7], s5  }
0xa5: {  	s5 =	ssub.s32 $0x0, s5;
	[sflag:s7] =	ssyncset.done $0x0  }
0xa6: {  	[sflag:s7] =	ssyncadd.s32 s5;
	_ =	sdelay $0x1  }
0xa7: {  	s23 =	simm.s32 $0x1B8B  }
0xa8: {  	_ =	swait.ge [sflag:s23], $0x1  }
0xa9: {  	[sflag:s23] =	ssyncset.done $0x0  }
0xaa: {  	[sflag:s23] =	ssyncadd.s32 $0xFFFFFFFF  }
0xab: {  	s5 =	sld [smem:$0x0]  }
0xac: {  	s6 =	sand.u32 $0xFFFFFFFE, s1  }
0xad: {  	p0 =	sne.s32 s1, s6  }
0xae: {  	s6 =	sshll.u32 @p0 s6, $0xE  }
0xaf: {  	s6 =	sadd.s32 @p0 $0x11B8D, s6;
	s7 =	sshll.u32 @p0 s5, $0x11  }
0xb0: {  	s6 =	sor.u32 @p0 s7, s6  }
0xb1: {  	[sflag:s6] =	ssyncadd.remote.s32 @p0 $0x1;
	_ =	sdelay $0x1  }
0xb2: {  	s6 =	simm.s32 @p0 $0x1B8D  }
0xb3: {  	_ =	swait.eq @p0 [sflag:s6], $0x1  }
0xb4: {  	[sflag:s6] =	ssyncadd.s32 @p0 $0xFFFFFFFF  }
0xb5: {  	s7 =	sshll.u32 @!p0 s1, $0xE  }
0xb6: {  	s7 =	sor.u32 @!p0 $0x4000, s7;
	s6 =	simm.s32 @!p0 $0x1B8D  }
0xb7: {  	s5 =	sshll.u32 @!p0 s5, $0x11;
	s7 =	sadd.s32 @!p0 $0x11B8D, s7;
	_ =	swait.eq @!p0 [sflag:s6], $0x1  }
0xb8: {  	s5 =	sor.u32 @!p0 s5, s7;
	[sflag:s6] =	ssyncadd.s32 @!p0 $0xFFFFFFFF  }
0xb9: {  	s25 =	simm.s32 $0x1B8E;
	s24 =	sld [smem:$0x3FFE];
	[sflag:s5] =	ssyncadd.remote.s32 @!p0 $0x1  }
0xba: {  	s26 =	simm.s32 $execute0_lowered;
	[smem:$0x3FD2] =	sst s25  }
0xbb: {  	s6 =	sshll.u32 s26, $0x1;
	_ =	strace $0x8000004C;
	[dreg:$0x1] =	wrdreg $0xFFFFFFFF  }
0xbc: {  	s28 =	simm.s32 $_size_execute0_lowered;
	s4 =	sadd.s32 s4, s6;
	[dreg:$0x0] =	wrdreg $0x0  }
0xbd: {  	s6 =	sshll.u32 s28, $0x1;
	[dreg:$0x2] =	wrdreg s4  }
0xbe: {  	[dreg:$0x3] =	wrdreg s6  }
0xbf: {  	[dreg:$0x4] =	wrdreg $0xC0  }
0xc0: {  	_ =	task [dreg:s22], $0x5FFFF  }
0xc1: {  	[dreg:$0x1] =	wrdreg $0xFFFFFFFF  }
0xc2: {  	[dreg:$0x0] =	wrdreg $0x60  }
0xc3: {  	[dreg:$0x2] =	wrdreg s24  }
0xc4: {  	[dreg:$0x3] =	wrdreg s17  }
0xc5: {  	[dreg:$0x4] =	wrdreg $0x77100  }
0xc6: {  	[dreg:$0x5] =	wrdreg $0xA  }
0xc7: {  	_ =	task.clear_ibuf [dreg:s22], $0x6FFFF;
	_ =	strace $0x9000004C  }
0xc8: {  	s29 =	simm.s32 $0xA;
	_ =	strace $0x8000004E  }
0xc9: {  	_ =	swait.ge [sflag:s29], $0x1  }
0xca: {  	[sflag:s29] =	ssyncadd.s32 $0xFFFFFFFF  }
0xcb: {  	_ =	strace $0x9000004E  }
0xcc: {  	_ =	sfence  }
0xcd: {  	s30 =	sld [smem:$0x0];
	_ =	sdelay $0x2  }
0xce: {  	s31 =	sshll.u32 s1, $0xD;
	s1 =	sshrl.u32 s1, $0x2  }
0xcf: {  	s4 =	sand.u32 $0x4000, s31;
	s1 =	sadd.s32 s1, s30  }
0xd0: {  	s0 =	sor.u32 s4, s0;
	s1 =	sshll.u32 s1, $0x11  }
0xd1: {  	s0 =	sor.u32 s1, s0  }
0xd2: {  	s0 =	sadd.s32 $0x8F2B, s0  }
0xd3: {  	[sflag:s0] =	ssyncadd.remote.s32 $0x1  }
0xd4: {  	_ =	sfence.sel $0xFFFF  }
0xd5: {  	[dreg:$0x0] =	wrdreg $0xFFFFFFFF;
	(pc) =	sbr.abs _section_cstart, $3  }
0xd6: {  	[dreg:$0x1] =	wrdreg $0xFFFFFFFF  }
0xd7: {  	_ =	task.clear_ibuf [dreg:s22], $0x2FFFF;
	_ =	strace $0x9FFFFFFF  }
0xd8: {  	(tm) =	ssettm $0x7FFFFFFF  }
0xd9: {  	_ =	shalt  }
tec
execute0_lowered:
.L_overlay_start_1:
0x0: {  	(tag) =	ssettag $0x1  }
0x1: {  	s4 =	rddreg [dreg:$0x0]  }
0x2: {  	s1 =	srdreg.scid;
	s6 =	rddreg [dreg:$0x1]  }
0x3: {  	s0 =	stileid.u32;
	s2 =	rddreg [dreg:$0x2]  }
0x4: {  	s3 =	simm.s32 $0x0;
	s16 =	simm.s32 $0x2710;
	s17 =	simm.s32 $0x3B10  }
0x5: {  	s18 =	simm.s32 $0x1;
	s19 =	simm.s32 $0x50;
	s20 =	simm.s32 $0x4F10  }
0x6: {  	s21 =	simm.s32 $0x6310;
	s22 =	simm.s32 $0xA0;
	s23 =	simm.s32 $0x2  }
0x7: {  	s24 =	simm.s32 $0x0;
	s5 =	sand.u32 $0x1, s1;
	s9 =	smul.u32 $0x9C40, s0  }
0x8: {  	s28 =	sshll.u32 s0, $0x1;
	[smem:$0x7FF] =	sst s3;
	s12 =	smul.u32 $0x4E20, s0  }
0x9: {  	s13 =	sadd.s32 $0x7A3C00, s4;
	s31 =	sshll.u32 s0, $0x6;
	s10 =	smul.u32 $0x9C400, s5  }
0xa: {  	s7 =	sor.u32 s5, s28;
	_ =	strace $0x8000004D;
	s15 =	smul.u32 $0x2710, s5  }
0xb: {  	s11 =	ssub.s32 $0x2, s5;
	s5 =	sor.u32 $0x1C03, s31;
	s8 =	smul.u32 $0x2710, s7  }
0xc: {  	s29 =	sshrl.u32 s11, $0x1;
	s7 =	smul.u32 $0x13880, s7;
	s14 =	sadd.s32 s9, s2  }
0xd: {  	s30 =	sshrl.u32 s9, $0x3;
	s10 =	sadd.s32 s9, s10;
	s11 =	ssub.s32 s11, s29  }
0xe: {  	s12 =	sadd.s32 s15, s12;
	s14 =	sshrl.u32 s14, $0x3;
	s8 =	sshrl.u32 s8, $0x3  }
0xf: {  	s10 =	sshrl.u32 s10, $0x3;
	s7 =	sadd.s32 s13, s7;
	s9 =	smax.u32 s11, $0x1  }
0x10: {  	s15 =	sshll.u32 s12, $0x3;
	s8 =	sadd.s32 s8, s4;
	s10 =	sadd.s32 s10, s4  }
0x11: {  	s4 =	sadd.s32 s6, s30;
	s11 =	sadd.s32 $0x500, s7;
	s12 =	sadd.s32 $0x780, s7  }
0x12: {  	s13 =	sadd.s32 s13, s15;
	s15 =	simm.s32 $0x3;
	s6 =	sadd.s32 $0x15600, s8  }
0x13: {  	s8 =	sadd.s32 $0x1F400, s10;
	s10 =	sadd.s32 $0x280, s7;
	s13 =	sadd.s32 $0xA00, s13  }
.LBB2_1:
0x14: {  	[spmem:s14], [sflag:s5] =	dma.local [hbm:s4], $0x1388  }
0x15: {  	_ =	swait.ge [sflag:s15], $0x1388  }
0x16: {  	[sflag:s15] =	ssyncset.done $0x0  }
0x17: {  	[sflag:s15] =	ssyncadd.s32 $0xFFFFEC78  }
0x18: {  	[tilespmem:s3], [sflag:$0x3] =	stream.linear.gather [hbm4b:s6+s3], $0x2710, $0x38;
	[tilespmem:$0x11350] =	vst v63  }
0x19: {  	_ =	swait.ge [sflag:s15], $0x2710  }
0x1a: {  	[sflag:s15] =	ssyncset.done $0x0  }
0x1b: {  	[sflag:s15] =	ssyncadd.s32 $0xFFFFD8F0  }
0x1c: {  	[bflag:$0x0] =	sbarrier.arrive $0xFFFF  }
0x1d: {  	[tilespmem:s16], [sflag:$0x1] =	stream.linear.gather [hbm4b:s7+s3], $0x1400, $0x38;
	[tilespmem:$0x11350] =	vst v63  }
0x1e: {  	_ = 	snop  }
0x1f: {  	[tilespmem:s17], [sflag:$0x1] =	stream.linear.gather [hbm4b:s10+s3], $0x1400, $0x38;
	[tilespmem:$0x11350] =	vst v63  }
0x20: {  	_ =	swait.ge [sflag:s18], $0x1400  }
0x21: {  	[sflag:s18] =	ssyncset.done $0x0  }
0x22: {  	[sflag:s18] =	ssyncadd.s32 $0xFFFFEC00  }
0x23: {  	[spmem:s2] =	stream.indirect.scatter.add.f32 [tilespmem:s16], [sflag:$0x2], $0x40, s3, s19, $0xb8;
	[tilespmem:$0x11350] =	vst v63  }
0x24: {  	_ = 	snop  }
0x25: {  	[tilespmem:s20], [sflag:$0x1] =	stream.linear.gather [hbm4b:s11+s3], $0x1400, $0x38;
	[tilespmem:$0x11350] =	vst v63  }
0x26: {  	_ =	swait.ge [sflag:s18], $0x1400  }
0x27: {  	[sflag:s18] =	ssyncset.done $0x0  }
0x28: {  	[sflag:s18] =	ssyncadd.s32 $0xFFFFEC00  }
0x29: {  	[spmem:s2] =	stream.indirect.scatter.add.f32 [tilespmem:s17], [sflag:$0x2], $0x40, s19, s19, $0xb8;
	[tilespmem:$0x11350] =	vst v63  }
0x2a: {  	_ = 	snop  }
0x2b: {  	[tilespmem:s21], [sflag:$0x1] =	stream.linear.gather [hbm4b:s12+s3], $0x1400, $0x38;
	[tilespmem:$0x11350] =	vst v63  }
0x2c: {  	s25 =	simm.s32 $0x4;
	_ =	swait.ge [sflag:s18], $0x1400  }
0x2d: {  	s25 =	sand.u32 $0x3, s25;
	[sflag:s18] =	ssyncset.done $0x0  }
0x2e: {  	s25 =	smul.u32 $0x5000, s25;
	[sflag:s18] =	ssyncadd.s32 $0xFFFFEC00  }
0x2f: {  	[spmem:s2] =	stream.indirect.scatter.add.f32 [tilespmem:s20], [sflag:$0x2], $0x40, s22, s19, $0xb8;
	[tilespmem:$0x11350] =	vst v63  }
0x30: {  	s26 =	simm.s32 $0x3;
	_ =	swait.ge [sflag:s23], $0x1400  }
0x31: {  	s26 =	sand.u32 $0x3, s26;
	s25 =	sshrl.u32 s25, $0x2;
	[sflag:s23] =	ssyncset.done $0x0  }
0x32: {  	s28 =	smul.u32 $0x5000, s26;
	s25 =	sadd.s32 $0x2710, s25;
	[sflag:s23] =	ssyncadd.s32 $0xFFFFEC00  }
0x33: {  	[tilespmem:s25], [sflag:$0x1] =	stream.linear.gather [hbm4b:s13+s3], $0x1400, $0x38;
	[tilespmem:$0x11350] =	vst v63  }
0x34: {  	s29 =	simm.s32 $0xF0;
	_ =	swait.ge [sflag:s18], $0x1400  }
0x35: {  	s26 =	simm.s32 $0x5;
	s30 =	sshrl.u32 s28, $0x2;
	[sflag:s18] =	ssyncset.done $0x0  }
0x36: {  	s28 =	sadd.s32 $0x280, s13;
	s25 =	simm.s32 $0xF0;
	[sflag:s18] =	ssyncadd.s32 $0xFFFFEC00  }
.LBB2_2:
0x37: {  	s31 =	sand.u32 $0x3, s26  }
0x38: {  	s30 =	sadd.s32 $0x2710, s30;
	s25 =	sadd.s32 $0x50, s25;
	s1 =	smov.u32 s26  }
0x39: {  	[spmem:s2] =	stream.indirect.scatter.add.f32 [tilespmem:s30], [sflag:$0x2], $0x40, s29, s19, $0xb8;
	[tilespmem:$0x11350] =	vst v63  }
0x3a: {  	p0 =	sne.s32 s26, $0x7C;
	s26 =	sadd.s32 $0x1, s26;
	s30 =	smul.u32 $0x5000, s31  }
0x3b: {  	s29 =	smov.u32 s25;
	s1 =	sadd.s32 $0xFFFFFFFF, s1;
	_ =	swait.ge [sflag:s23], $0x1400  }
0x3c: {  	s1 =	sand.u32 $0x3, s1;
	s30 =	sshrl.u32 s30, $0x2;
	[sflag:s23] =	ssyncset.done $0x0  }
.Ltmp0:
0x3d: {  	s30 =	sadd.s32 $0x2710, s30;
	[sflag:s23] =	ssyncadd.s32 $0xFFFFEC00;
	(pc) =	sbr.rel @p0 .LBB2_2-.Ltmp0, $4  }
0x3e: {  	[tilespmem:s30], [sflag:$0x1] =	stream.linear.gather [hbm4b:s28+s3], $0x1400, $0x38;
	[tilespmem:$0x11350] =	vst v63  }
0x3f: {  	s1 =	smul.u32 $0x5000, s1;
	_ =	swait.ge [sflag:s18], $0x1400  }
0x40: {  	[sflag:s18] =	ssyncset.done $0x0  }
0x41: {  	s30 =	sshrl.u32 s1, $0x2;
	s28 =	sadd.s32 $0x280, s28;
	[sflag:s18] =	ssyncadd.s32 $0xFFFFEC00  }
0x42: {  	s1 =	sadd.s32 $0x2710, s30  }
0x43: {  	[spmem:s2] =	stream.indirect.scatter.add.f32 [tilespmem:s1], [sflag:$0x2], $0x40, s29, s19, $0xb8;
	[tilespmem:$0x11350] =	vst v63  }
0x44: {  	_ =	swait.ge [sflag:s18], $0x1400  }
0x45: {  	[sflag:s18] =	ssyncset.done $0x0  }
0x46: {  	s31 =	sadd.s32 $0x50, s25;
	[sflag:s18] =	ssyncadd.s32 $0xFFFFEC00  }
0x47: {  	[spmem:s2] =	stream.indirect.scatter.add.f32 [tilespmem:s16], [sflag:$0x2], $0x40, s31, s19, $0xb8;
	[tilespmem:$0x11350] =	vst v63  }
0x48: {  	_ =	swait.ge [sflag:s23], $0x1400  }
0x49: {  	[sflag:s23] =	ssyncset.done $0x0  }
0x4a: {  	[sflag:s23] =	ssyncadd.s32 $0xFFFFEC00  }
0x4b: {  	_ =	swait.ge [sflag:s23], $0x1400  }
0x4c: {  	[sflag:s23] =	ssyncset.done $0x0  }
0x4d: {  	[sflag:s23] =	ssyncadd.s32 $0xFFFFEC00  }
0x4e: {  	_ =	swait.ge [sflag:s23], $0x1400  }
0x4f: {  	[sflag:s23] =	ssyncset.done $0x0  }
0x50: {  	[sflag:s23] =	ssyncadd.s32 $0xFFFFEC00  }
0x51: {  	_ =	swait.ge [sflag:s23], $0x1400  }
0x52: {  	s24 =	sadd.s32 $0x1, s24;
	[sflag:s23] =	ssyncset.done $0x0  }
0x53: {  	p0 =	sne.s32 s24, s9;
	[sflag:s23] =	ssyncadd.s32 $0xFFFFEC00  }
.Ltmp1:
0x54: {  	[bflag:$0x0] =	sbarrier.arrive $0xFFFF;
	(pc) =	sbr.rel @p0 .LBB2_1-.Ltmp1, $4  }
0x55: {  	[hbm:s8], [sflag:s5] =	dma.local [spmem:s14], $0x1388  }
0x56: {  	_ =	swait.ge [sflag:s15], $0x1388  }
0x57: {  	[sflag:s15] =	ssyncset.done $0x0  }
0x58: {  	[sflag:s15] =	ssyncadd.s32 $0xFFFFEC78  }
0x59: {  	_ =	sfence.sel $0x180000  }
0x5a: {  	[bflag:$0x0] =	sbarrier.arrive $0xFFFF  }
0x5b: {  	_ =	strace $0x9000004D  }
0x5c: {  	[bflag:$0x2] =	sbarrier.arrive $0xFFFF  }
0x5d: {  	p0 =	sne.s32 s0, $0x0;
	s0 =	rddreg [dreg:$0x3]  }
0x5e: {  	s0 =	sadd.s32 @!p0 $0x100000, s0  }
0x5f: {  	[sflag:s0] =	ssyncadd.tile.s32 @!p0 $0x1;
	_ =	shalt  }
.Lfunc_end2:
_tile_overlayer_lowered:
.L_overlay_start_2:
0x60: {  	(tag) =	ssettag $0x2  }
0x61: {  	s0 =	rddreg [dreg:$0x0];
	s2 =	stileid.u32  }
0x62: {  	s1 =	rddreg [dreg:$0x1];
	p0 =	sne.s32 s2, $0x0  }
0x63: {  	s3 =	rddreg [dreg:$0x2];
	[bflag:$0x3] =	sbarrier.arrive $0xFFFF;
	s2 =	simm.s32 @!p0 $0x1C03  }
0x64: {  	[timem:s3], [sflag:s2] =	dma.local @!p0 [hbm:s0], s1  }
0x65: {  	s0 =	simm.s32 @!p0 $0x3  }
0x66: {  	_ =	swait.ge @!p0 [sflag:s0], s1  }
0x67: {  	s1 =	ssub.s32 @!p0 $0x0, s1;
	[sflag:s0] =	ssyncset.done @!p0 $0x0  }
0x68: {  	[sflag:s0] =	ssyncadd.s32 @!p0 s1  }
0x69: {  	[bflag:$0x3] =	sbarrier.arrive $0xFFFF  }
0x6a: {  	_ =	shalt  }

// kernel: kernel.25.cloned.1.call-start
scs
__scs_entry_jumppad:
0x0: {  	(pc) =	sbr.rel $0x88, $3  }
0x1: {  	(tag) =	ssettag $0x0;
	lr =	simm.s32 $0x1  }
0x2: {  	[smem:$0x3F8C] =	sst lr;
	_ =	strace $0xD0000000  }
0x3: {  	_ = 	snop  }
0x4: {  	_ = 	snop  }
0x5: {  	_ = 	snop  }
0x6: {  	_ = 	snop  }
0x7: {  	_ = 	snop  }
__scs_overlays_trampoline_lowered:
0x8: {  	[smem:$0x3F9B] =	sst s0  }
0x9: {  	[smem:$0x3F9C] =	sst s1  }
0xa: {  	[smem:$0x3F9D] =	sst s2  }
0xb: {  	[smem:$0x3F9E] =	sst s3  }
0xc: {  	[smem:$0x3F9F] =	sst s4  }
0xd: {  	[smem:$0x3FA0] =	sst s5  }
0xe: {  	[smem:$0x3FA1] =	sst s6  }
0xf: {  	[smem:$0x3FA2] =	sst s7  }
0x10: {  	[smem:$0x3FA3] =	sst s8  }
0x11: {  	[smem:$0x3FA4] =	sst s9;
	s0 =	simm.s32 @!p0 $0x0  }
0x12: {  	s1 =	sld [smem:$0x3F8A];
	s0 =	simm.s32 @p0 $0x1  }
0x13: {  	[smem:$0x3FA5] =	sst s0;
	s0 =	simm.s32 @!p1 $0x0  }
0x14: {  	s2 =	sld [smem:$0x3F89];
	s0 =	simm.s32 @p1 $0x1  }
0x15: {  	[smem:$0x3FA6] =	sst s0;
	s0 =	simm.s32 @!p2 $0x0  }
0x16: {  	s3 =	sld [smem:$0x3FDB];
	s0 =	simm.s32 @p2 $0x1  }
0x17: {  	s4 =	simm.s32 $0x1BF5;
	[smem:$0x3FA8] =	sst s0  }
0x18: {  	s0 =	sld [smem:$0x3F8B];
	_ =	swait.ge [sflag:s4], $0x0  }
0x19: {  	s7 =	sld [smem:$0x3F8C]  }
0x1a: {  	s8 =	sadd.s32 $0xFFFFE003, lr  }
0x1b: {  	s9 =	sadd.s32 $0xFFFFFEF7, lr;
	s5 =	simm.s32 $0xFFFFFFFF;
	p2 =	slt.u32 s8, $0xFFFFF086  }
0x1c: {  	p1 =	slt.u32 s9, $0xF7A;
	s5 =	simm.s32 @!p2 $0x0  }
0x1d: {  	s5 =	simm.s32 @p1 $0x1;
	p0 =	seq.s32 s7, s2  }
0x1e: {  	s7 =	smul.u32 @!p0 $0xF7A, s2;
	p2 =	seq.s32 @!p0 s5, $0x0  }
0x1f: {  	s9 =	smul.u32 $0xF7A, s1;
	s8 =	simm.s32 @!p0 $0x1BF5;
	p2 =	por !p2, p0  }
0x20: {  	[sflag:s8] =	ssyncset.s32 @!p0 $0xFFFFF086;
	s6 =	sadd.s32 @!p0 s3, s7;
	s7 =	simm.s32 @!p0 $0x108  }
0x21: {  	s3 =	sadd.s32 s3, s9;
	s6 =	sadd.s32 @!p0 $0x88, s6;
	s7 =	simm.s32 @p2 $0x1082  }
0x22: {  	[simem:s7], [sflag:s8] =	dma.local @!p0 [hbm:s6], $0xF7A  }
0x23: {  	s9 =	sor.u32 $0xD0000000, s2;
	s6 =	simm.s32 $0x108;
	_ =	swait.ge @!p0 [sflag:s8], $0x0  }
0x24: {  	s3 =	sadd.s32 $0x88, s3;
	s6 =	simm.s32 @!p1 $0x1082;
	[sflag:s4] =	ssyncset.s32 $0xFFFFF086  }
0x25: {  	[simem:s6], [sflag:s4] =	dma.local [hbm:s3], $0xF7A  }
0x26: {  	[smem:$0x3F8C] =	sst s1;
	(tag) =	ssettag s2;
	_ =	strace s9  }
0x27: {  	s1 =	sld [smem:$0x3F9C]  }
0x28: {  	s2 =	sld [smem:$0x3F9D]  }
0x29: {  	s4 =	sld [smem:$0x3F9F]  }
0x2a: {  	p0 =	seq.s32 s5, $0x0;
	s5 =	sld [smem:$0x3FA0]  }
0x2b: {  	s6 =	sld [smem:$0x3FA1]  }
0x2c: {  	s7 =	sld [smem:$0x3FA2]  }
0x2d: {  	s3 =	simm.s32 $0x108;
	s8 =	sld [smem:$0x3FA3]  }
0x2e: {  	s3 =	simm.s32 @!p0 $0x1082;
	s9 =	sld [smem:$0x3FA4]  }
0x2f: {  	lr =	sadd.s32 s0, s3;
	s0 =	sld [smem:$0x3F9B]  }
0x30: {  	s3 =	sld [smem:$0x3F9E]  }
0x31: {  	[smem:$0x3FA7] =	sst s10  }
0x32: {  	s10 =	sld [smem:$0x3FA5];
	_ =	sdelay $0x3  }
0x33: {  	p0 =	seq.s32 s10, $0x1;
	s10 =	sld [smem:$0x3FA7];
	_ =	sdelay $0x3  }
0x34: {  	[smem:$0x3FA7] =	sst s10  }
0x35: {  	s10 =	sld [smem:$0x3FA6];
	_ =	sdelay $0x3  }
0x36: {  	p1 =	seq.s32 s10, $0x1;
	s10 =	sld [smem:$0x3FA7];
	_ =	sdelay $0x3  }
0x37: {  	[smem:$0x3FA7] =	sst s10  }
0x38: {  	s10 =	sld [smem:$0x3FA8]  }
0x39: {  	_ = 	snop;
	(pc) =	sbr.ind lr, $3  }
0x3a: {  	_ = 	snop  }
0x3b: {  	_ = 	snop  }
0x3c: {  	p2 =	seq.s32 s10, $0x1;
	s10 =	sld [smem:$0x3FA7]  }
0x3d: {  	_ =	shalt  }
0x3e: {  	_ =	shalt  }
0x3f: {  	_ =	shalt  }
0x40: {  	_ =	shalt  }
0x41: {  	_ =	shalt  }
0x42: {  	_ =	shalt  }
0x43: {  	_ =	shalt  }
0x44: {  	_ =	shalt  }
0x45: {  	_ =	shalt  }
0x46: {  	_ =	shalt  }
0x47: {  	_ =	shalt  }
0x48: {  	_ =	shalt  }
0x49: {  	_ =	shalt  }
0x4a: {  	_ =	shalt  }
0x4b: {  	_ =	shalt  }
0x4c: {  	_ =	shalt  }
0x4d: {  	_ =	shalt  }
0x4e: {  	_ =	shalt  }
0x4f: {  	_ =	shalt  }
0x50: {  	_ =	shalt  }
0x51: {  	_ =	shalt  }
0x52: {  	_ =	shalt  }
0x53: {  	_ =	shalt  }
0x54: {  	_ =	shalt  }
0x55: {  	_ =	shalt  }
0x56: {  	_ =	shalt  }
0x57: {  	_ =	shalt  }
0x58: {  	_ =	shalt  }
0x59: {  	_ =	shalt  }
0x5a: {  	_ =	shalt  }
0x5b: {  	_ =	shalt  }
0x5c: {  	_ =	shalt  }
0x5d: {  	_ =	shalt  }
0x5e: {  	_ =	shalt  }
0x5f: {  	_ =	shalt  }
0x60: {  	_ =	shalt  }
0x61: {  	_ =	shalt  }
0x62: {  	_ =	shalt  }
0x63: {  	_ =	shalt  }
0x64: {  	_ =	shalt  }
0x65: {  	_ =	shalt  }
0x66: {  	_ =	shalt  }
0x67: {  	_ =	shalt  }
0x68: {  	_ =	shalt  }
0x69: {  	_ =	shalt  }
0x6a: {  	_ =	shalt  }
0x6b: {  	_ =	shalt  }
0x6c: {  	_ =	shalt  }
0x6d: {  	_ =	shalt  }
0x6e: {  	_ =	shalt  }
0x6f: {  	_ =	shalt  }
0x70: {  	_ =	shalt  }
0x71: {  	_ =	shalt  }
0x72: {  	_ =	shalt  }
0x73: {  	_ =	shalt  }
0x74: {  	_ =	shalt  }
0x75: {  	_ =	shalt  }
0x76: {  	_ =	shalt  }
0x77: {  	_ =	shalt  }
0x78: {  	_ =	shalt  }
0x79: {  	_ =	shalt  }
0x7a: {  	_ =	shalt  }
0x7b: {  	_ =	shalt  }
0x7c: {  	_ =	shalt  }
0x7d: {  	_ =	shalt  }
0x7e: {  	_ =	shalt  }
0x7f: {  	_ =	shalt  }
0x80: {  	_ =	shalt  }
0x81: {  	_ =	shalt  }
0x82: {  	_ =	shalt  }
0x83: {  	_ =	shalt  }
0x84: {  	_ =	shalt  }
0x85: {  	_ =	shalt  }
0x86: {  	_ =	shalt  }
0x87: {  	_ =	shalt  }
.Lfunc_end0:
.L_simem_size_0:
called_computation.4_lowered:
.L_overlay_start_0:
0x88: {  	s2 =	sld [smem:$0x3FD9]  }
0x89: {  	s3 =	sld [smem:$0x3FFE];
	_ =	sdelay $0x1  }
0x8a: {  	s1 =	srdreg.scid  }
0x8b: {  	s0 =	sand.u32 $0x1, s1  }
0x8c: {  	s14 =	sshll.u32 s0, $0xA;
	s2 =	sadd.s32 s3, s2  }
0x8d: {  	s2 =	sadd.s32 s2, s14  }
0x8e: {  	[smem:$0x3FB3] =	sst s2  }
0x8f: {  	_ = 	snop  }
0x90: {  	s2 =	sld [smem:$0x3FD0];
	_ =	sdelay $0x2  }
0x91: {  	s15 =	simm.s32 $0xB;
	s4 =	simm.s32 $0x10  }
0x92: {  	[smem:s4], [sflag:s15] =	dma.local [hbm:s2], $0x1  }
0x93: {  	_ =	swait.eq [sflag:s15], $0x1  }
0x94: {  	[sflag:s15] =	ssyncset.done $0x0  }
0x95: {  	[sflag:s15] =	ssyncadd.s32 $0xFFFFFFFF  }
0x96: {  	s16 =	sld [smem:$0x11];
	(tm) =	ssettm $0x1  }
0x97: {  	s17 =	sld [smem:$0x3FFB];
	_ =	sdelay $0x3  }
0x98: {  	_ =	strace s17  }
0x99: {  	s3 =	sld [smem:$0x3FFC];
	_ =	sdelay $0x3  }
0x9a: {  	_ =	strace s3  }
0x9b: {  	s3 =	sld [smem:$0x3FFD];
	_ =	sdelay $0x3  }
0x9c: {  	_ =	strace s3  }
0x9d: {  	_ =	strace $0x8FFFFFFF  }
0x9e: {  	s18 =	sld [smem:$0x3FDB];
	_ =	sdelay $0x1  }
0x9f: {  	s19 =	simm.s32 $_scs_section_size  }
0xa0: {  	s5 =	simm.s32 $_size__tile_overlayer_lowered;
	s6 =	simm.s32 $_tile_overlayer_lowered  }
0xa1: {  	s22 =	simm.s32 $0x1BFF;
	s21 =	sshll.u32 s6, $0x1;
	s3 =	sadd.s32 s19, s18  }
0xa2: {  	s7 =	simm.s32 $0x0;
	s20 =	sshll.u32 s5, $0x1;
	s5 =	sadd.s32 s21, s3  }
0xa3: {  	[timem:s7], [sflag:s22] =	dma.local [hbm:s5], s20  }
0xa4: {  	_ =	swait.ge [sflag:s22], s20  }
0xa5: {  	s4 =	ssub.s32 $0x0, s20;
	[sflag:s22] =	ssyncset.done $0x0  }
0xa6: {  	[sflag:s22] =	ssyncadd.s32 s4;
	_ =	sdelay $0x1  }
0xa7: {  	s23 =	simm.s32 $0x1B8B  }
0xa8: {  	_ =	swait.ge [sflag:s23], $0x1  }
0xa9: {  	[sflag:s23] =	ssyncset.done $0x0  }
0xaa: {  	s25 =	simm.s32 $0x1B8E;
	s24 =	sld [smem:$0x3FFE];
	[sflag:s23] =	ssyncadd.s32 $0xFFFFFFFF  }
0xab: {  	s26 =	simm.s32 $execute0_lowered;
	[smem:$0x3FD2] =	sst s25  }
0xac: {  	s5 =	sshll.u32 s26, $0x1;
	_ =	strace $0x8000004F;
	[dreg:$0x1] =	wrdreg $0xFFFFFFFF  }
0xad: {  	s28 =	simm.s32 $_size_execute0_lowered;
	s3 =	sadd.s32 s3, s5;
	[dreg:$0x0] =	wrdreg $0x0  }
0xae: {  	s5 =	sshll.u32 s28, $0x1;
	[dreg:$0x2] =	wrdreg s3  }
0xaf: {  	[dreg:$0x3] =	wrdreg s5  }
0xb0: {  	[dreg:$0x4] =	wrdreg $0xC0  }
0xb1: {  	_ =	task [dreg:s7], $0x5FFFF  }
0xb2: {  	[dreg:$0x1] =	wrdreg $0xFFFFFFFF  }
0xb3: {  	[dreg:$0x0] =	wrdreg $0x60  }
0xb4: {  	[dreg:$0x2] =	wrdreg s16  }
0xb5: {  	[dreg:$0x3] =	wrdreg s24  }
0xb6: {  	[dreg:$0x4] =	wrdreg $0x9  }
0xb7: {  	_ =	task.clear_ibuf [dreg:s7], $0x5FFFF;
	_ =	strace $0x9000004F  }
0xb8: {  	s29 =	simm.s32 $0x9;
	_ =	strace $0x80000051  }
0xb9: {  	_ =	swait.ge [sflag:s29], $0x1  }
0xba: {  	[sflag:s29] =	ssyncadd.s32 $0xFFFFFFFF  }
0xbb: {  	_ =	strace $0x90000051  }
0xbc: {  	_ =	sfence  }
0xbd: {  	s30 =	sld [smem:$0x0];
	_ =	sdelay $0x2  }
0xbe: {  	s31 =	sshll.u32 s1, $0xD;
	s1 =	sshrl.u32 s1, $0x2  }
0xbf: {  	s3 =	sand.u32 $0x4000, s31;
	s1 =	sadd.s32 s1, s30  }
0xc0: {  	s0 =	sor.u32 s3, s0;
	s1 =	sshll.u32 s1, $0x11  }
0xc1: {  	s0 =	sor.u32 s1, s0  }
0xc2: {  	s0 =	sadd.s32 $0x8F2B, s0  }
0xc3: {  	[sflag:s0] =	ssyncadd.remote.s32 $0x1  }
0xc4: {  	_ =	sfence.sel $0xFFFF  }
0xc5: {  	[dreg:$0x0] =	wrdreg $0xFFFFFFFF;
	(pc) =	sbr.abs _section_cstart, $3  }
0xc6: {  	[dreg:$0x1] =	wrdreg $0xFFFFFFFF  }
0xc7: {  	_ =	task.clear_ibuf [dreg:s7], $0x2FFFF;
	_ =	strace $0x9FFFFFFF  }
0xc8: {  	(tm) =	ssettm $0x7FFFFFFF  }
0xc9: {  	_ =	shalt  }
tec
execute0_lowered:
.L_overlay_start_1:
0x0: {  	(tag) =	ssettag $0x1  }
0x1: {  	s0 =	srdreg.scid;
	s2 =	rddreg [dreg:$0x0]  }
0x2: {  	s9 =	stileid.u32;
	s5 =	rddreg [dreg:$0x1]  }
0x3: {  	s3 =	simm.s32 $0x0;
	s13 =	simm.s32 $0x2710;
	s14 =	simm.s32 $0x4E20  }
0x4: {  	s15 =	simm.s32 $0x9E20;
	s16 =	simm.s32 $0x50;
	s17 =	simm.s32 $0x1  }
0x5: {  	s18 =	simm.s32 $0x2;
	s19 =	simm.s32 $0x3;
	s20 =	simm.s32 $0x4  }
0x6: {  	s21 =	simm.s32 $0x0;
	s0 =	sand.u32 $0x1, s0;
	s1 =	sshll.u32 s9, $0x1  }
0x7: {  	[smem:$0x7FF] =	sst s3;
	s11 =	sadd.s32 $0x2F2200, s5;
	s12 =	smul.u32 $0x27100, s9  }
0x8: {  	s1 =	sor.u32 s0, s1;
	s7 =	ssub.s32 $0x2, s0;
	s0 =	smul.u32 $0x13880, s0  }
0x9: {  	s10 =	sadd.s32 $0x81200, s5;
	_ =	strace $0x80000050;
	s4 =	smul.u32 $0x2710, s1  }
0xa: {  	s8 =	sshrl.u32 s7, $0x1;
	s1 =	smul.u32 $0x13880, s1;
	s30 =	sadd.s32 s12, s11  }
0xb: {  	s31 =	sadd.s32 s12, s10;
	s12 =	simm.s32 $0x5;
	s7 =	ssub.s32 s7, s8  }
0xc: {  	s6 =	sshrl.u32 s4, $0x3;
	s4 =	sadd.s32 $0x6D800, s5;
	s1 =	sadd.s32 $0x13600, s1  }
0xd: {  	s7 =	smax.u32 s7, $0x1;
	s6 =	sadd.s32 s6, s5;
	s8 =	sadd.s32 s10, s1  }
0xe: {  	s9 =	sadd.s32 s11, s1;
	s10 =	sadd.s32 s0, s30;
	s29 =	sadd.s32 $0xB800, s6  }
0xf: {  	s11 =	sadd.s32 s0, s31;
	s6 =	sadd.s32 $0x15600, s6;
	[dreg:$0x3] =	wrdreg s29  }
.LBB2_1:
0x10: {  	s0 =	rddreg [dreg:$0x3]  }
0x11: {  	[tilespmem:s3], [sflag:$0x5] =	stream.linear.gather [hbm4b:s0+s3], $0x2710, $0x38;
	[tilespmem:$0xEE20] =	vst v63  }
0x12: {  	_ =	swait.ge [sflag:s12], $0x2710  }
0x13: {  	[sflag:s12] =	ssyncset.done $0x0  }
0x14: {  	[sflag:s12] =	ssyncadd.s32 $0xFFFFD8F0  }
0x15: {  	[tilespmem:s13], [sflag:$0x5] =	stream.linear.gather [hbm4b:s6+s3], $0x2710, $0x38;
	[tilespmem:$0xEE20] =	vst v63  }
0x16: {  	_ =	swait.ge [sflag:s12], $0x2710  }
0x17: {  	[sflag:s12] =	ssyncset.done $0x0  }
0x18: {  	p0 =	por $0x1, $0x1;
	[sflag:s12] =	ssyncadd.s32 $0xFFFFD8F0  }
0x19: {  	[tilespmem:s14], [sflag:$0x1] =	stream.indirect.gather [hbm4b:s2+s16], $0x40, s3, s16, $0xb8;
	[tilespmem:$0xEE20] =	vst v63  }
0x1a: {  	s0 =	simm.s32 @!p0 $0x3  }
0x1b: {  	[tilespmem:s15], [sflag:$0x2] =	stream.indirect.gather [hbm4b:s4+s16], $0x40, s13, s16, $0xb8;
	[tilespmem:$0xEE20] =	vst v63  }
0x1c: {  	_ =	swait.ge @!p0 [sflag:s0], $0x1400  }
0x1d: {  	[sflag:s0] =	ssyncset.done @!p0 $0x0  }
0x1e: {  	s1 =	sand.u32 $0x3, s17;
	[sflag:s0] =	ssyncadd.s32 @!p0 $0xFFFFEC00;
	s0 =	simm.s32 @!p0 $0x4  }
0x1f: {  	s1 =	smul.u32 $0x1400, s1;
	_ =	swait.ge @!p0 [sflag:s0], $0x1400  }
0x20: {  	s24 =	simm.s32 $0x2760;
	[sflag:s0] =	ssyncset.done @!p0 $0x0  }
0x21: {  	s22 =	simm.s32 $0x0;
	s23 =	sadd.s32 $0x4E20, s1;
	[sflag:s0] =	ssyncadd.s32 @!p0 $0xFFFFEC00  }
0x22: {  	[tilespmem:s23], [sflag:$0x1] =	stream.indirect.gather [hbm4b:s2+s16], $0x40, s16, s16, $0xb8;
	[tilespmem:$0xEE20] =	vst v63  }
0x23: {  	s26 =	simm.s32 $0x2;
	s28 =	simm.s32 $0x3;
	s1 =	sadd.s32 $0x9E20, s1  }
0x24: {  	[tilespmem:s1], [sflag:$0x2] =	stream.indirect.gather [hbm4b:s4+s16], $0x40, s24, s16, $0xb8;
	[tilespmem:$0xEE20] =	vst v63  }
0x25: {  	s29 =	simm.s32 $0x1;
	s30 =	smov.u32 s11;
	_ =	swait.ge [sflag:s17], $0x1400  }
0x26: {  	s31 =	smov.u32 s10;
	s25 =	sand.u32 $0x3, s22;
	[sflag:s17] =	ssyncset.done $0x0  }
0x27: {  	s22 =	sadd.s32 $0x280, s10;
	s29 =	sand.u32 $0x3, s29;
	[sflag:s17] =	ssyncadd.s32 $0xFFFFEC00  }
0x28: {  	p0 =	por $0x1, $0x1;
	s1 =	smul.u32 $0x1400, s25;
	_ =	swait.ge [sflag:s18], $0x1400  }
0x29: {  	s23 =	sadd.s32 $0x280, s11;
	s24 =	simm.s32 $0xA0;
	[sflag:s18] =	ssyncset.done $0x0  }
0x2a: {  	s25 =	simm.s32 $0x27B0;
	s0 =	sadd.s32 $0x4E20, s1;
	[sflag:s18] =	ssyncadd.s32 $0xFFFFEC00  }
.LBB2_2:
0x2b: {  	[hbm4b:s30+s3] =	stream.linear.scatter [tilespmem:s0], [sflag:$0x3], $0x1400, $0x38;
	[tilespmem:$0xEE20] =	vst v63  }
0x2c: {  	s0 =	smov.u32 s28;
	s30 =	smov.u32 s23  }
0x2d: {  	s28 =	sadd.s32 $0x1, s28;
	s5 =	simm.s32 @!p0 $0x3;
	s1 =	sadd.s32 $0x9E20, s1  }
0x2e: {  	[hbm4b:s31+s3] =	stream.linear.scatter [tilespmem:s1], [sflag:$0x4], $0x1400, $0x38;
	[tilespmem:$0xEE20] =	vst v63  }
0x2f: {  	p1 =	sne.s32 s28, $0x7D;
	s31 =	smov.u32 s22;
	_ =	swait.ge @!p0 [sflag:s5], $0x1400  }
0x30: {  	[sflag:s5] =	ssyncset.done @!p0 $0x0  }
0x31: {  	s1 =	sand.u32 $0x3, s26;
	[sflag:s5] =	ssyncadd.s32 @!p0 $0xFFFFEC00;
	s5 =	simm.s32 @!p0 $0x4  }
0x32: {  	s26 =	smov.u32 s0;
	s1 =	smul.u32 $0x1400, s1;
	_ =	swait.ge @!p0 [sflag:s5], $0x1400  }
0x33: {  	[sflag:s5] =	ssyncset.done @!p0 $0x0  }
0x34: {  	s0 =	sadd.s32 $0x4E20, s1;
	[sflag:s5] =	ssyncadd.s32 @!p0 $0xFFFFEC00  }
0x35: {  	[tilespmem:s0], [sflag:$0x1] =	stream.indirect.gather [hbm4b:s2+s16], $0x40, s24, s16, $0xb8;
	[tilespmem:$0xEE20] =	vst v63  }
0x36: {  	s0 =	sadd.s32 $0x9E20, s1  }
0x37: {  	[tilespmem:s0], [sflag:$0x2] =	stream.indirect.gather [hbm4b:s4+s16], $0x40, s25, s16, $0xb8;
	[tilespmem:$0xEE20] =	vst v63  }
0x38: {  	_ =	swait.ge [sflag:s17], $0x1400  }
.Ltmp0:
0x39: {  	s24 =	sadd.s32 $0x50, s24;
	[sflag:s17] =	ssyncset.done $0x0;
	(pc) =	sbr.rel @p1 .LBB2_2-.Ltmp0, $4  }
0x3a: {  	s1 =	smul.u32 $0x1400, s29;
	s25 =	sadd.s32 $0x50, s25;
	[sflag:s17] =	ssyncadd.s32 $0xFFFFEC00  }
0x3b: {  	s23 =	sadd.s32 $0x280, s23;
	s22 =	sadd.s32 $0x280, s22;
	_ =	swait.ge [sflag:s18], $0x1400  }
0x3c: {  	s5 =	sadd.s32 $0xFFFFFFFF, s26;
	s0 =	sadd.s32 $0x4E20, s1;
	[sflag:s18] =	ssyncset.done $0x0  }
0x3d: {  	s29 =	sand.u32 $0x3, s5;
	p0 =	slt.u32 s5, $0x3;
	[sflag:s18] =	ssyncadd.s32 $0xFFFFEC00  }
0x3e: {  	[hbm4b:s30+s3] =	stream.linear.scatter [tilespmem:s0], [sflag:$0x3], $0x1400, $0x38;
	[tilespmem:$0xEE20] =	vst v63  }
0x3f: {  	s0 =	simm.s32 @!p0 $0x3;
	s1 =	sadd.s32 $0x9E20, s1  }
0x40: {  	[hbm4b:s31+s3] =	stream.linear.scatter [tilespmem:s1], [sflag:$0x4], $0x1400, $0x38;
	[tilespmem:$0xEE20] =	vst v63  }
0x41: {  	_ =	swait.ge @!p0 [sflag:s0], $0x1400  }
0x42: {  	[sflag:s0] =	ssyncset.done @!p0 $0x0  }
0x43: {  	s5 =	sand.u32 $0x3, s26;
	[sflag:s0] =	ssyncadd.s32 @!p0 $0xFFFFEC00;
	s0 =	simm.s32 @!p0 $0x4  }
0x44: {  	s1 =	smul.u32 $0x1400, s5;
	_ =	swait.ge @!p0 [sflag:s0], $0x1400  }
0x45: {  	[sflag:s0] =	ssyncset.done @!p0 $0x0  }
0x46: {  	s26 =	sadd.s32 $0x4E20, s1;
	[sflag:s0] =	ssyncadd.s32 @!p0 $0xFFFFEC00  }
0x47: {  	[tilespmem:s26], [sflag:$0x1] =	stream.indirect.gather [hbm4b:s2+s16], $0x40, s24, s16, $0xb8;
	[tilespmem:$0xEE20] =	vst v63  }
0x48: {  	s28 =	sadd.s32 $0x9E20, s1  }
0x49: {  	[tilespmem:s28], [sflag:$0x2] =	stream.indirect.gather [hbm4b:s4+s16], $0x40, s25, s16, $0xb8;
	[tilespmem:$0xEE20] =	vst v63  }
0x4a: {  	_ =	swait.ge [sflag:s17], $0x1400  }
0x4b: {  	[sflag:s17] =	ssyncset.done $0x0  }
0x4c: {  	[sflag:s17] =	ssyncadd.s32 $0xFFFFEC00  }
0x4d: {  	s30 =	smul.u32 $0x1400, s29;
	_ =	swait.ge [sflag:s18], $0x1400  }
0x4e: {  	[sflag:s18] =	ssyncset.done $0x0  }
0x4f: {  	s31 =	sadd.s32 $0x4E20, s30;
	[sflag:s18] =	ssyncadd.s32 $0xFFFFEC00  }
0x50: {  	[hbm4b:s23+s3] =	stream.linear.scatter [tilespmem:s31], [sflag:$0x3], $0x1400, $0x38;
	[tilespmem:$0xEE20] =	vst v63  }
0x51: {  	s0 =	sadd.s32 $0x9E20, s30  }
0x52: {  	[hbm4b:s22+s3] =	stream.linear.scatter [tilespmem:s0], [sflag:$0x4], $0x1400, $0x38;
	[tilespmem:$0xEE20] =	vst v63  }
0x53: {  	_ =	swait.ge [sflag:s17], $0x1400  }
0x54: {  	[sflag:s17] =	ssyncset.done $0x0  }
0x55: {  	[sflag:s17] =	ssyncadd.s32 $0xFFFFEC00  }
0x56: {  	_ =	swait.ge [sflag:s18], $0x1400  }
0x57: {  	[sflag:s18] =	ssyncset.done $0x0  }
0x58: {  	[sflag:s18] =	ssyncadd.s32 $0xFFFFEC00  }
0x59: {  	[hbm4b:s8+s3] =	stream.linear.scatter [tilespmem:s14], [sflag:$0x3], $0x1400, $0x38;
	[tilespmem:$0xEE20] =	vst v63  }
0x5a: {  	_ = 	snop  }
0x5b: {  	[hbm4b:s9+s3] =	stream.linear.scatter [tilespmem:s15], [sflag:$0x4], $0x1400, $0x38;
	[tilespmem:$0xEE20] =	vst v63  }
0x5c: {  	_ =	swait.ge [sflag:s19], $0x1400  }
0x5d: {  	[sflag:s19] =	ssyncset.done $0x0  }
0x5e: {  	[sflag:s19] =	ssyncadd.s32 $0xFFFFEC00  }
0x5f: {  	_ =	swait.ge [sflag:s20], $0x1400  }
0x60: {  	[sflag:s20] =	ssyncset.done $0x0  }
0x61: {  	[sflag:s20] =	ssyncadd.s32 $0xFFFFEC00  }
0x62: {  	_ =	swait.ge [sflag:s19], $0x1400  }
0x63: {  	[sflag:s19] =	ssyncset.done $0x0  }
0x64: {  	[sflag:s19] =	ssyncadd.s32 $0xFFFFEC00  }
0x65: {  	_ =	swait.ge [sflag:s20], $0x1400  }
0x66: {  	[sflag:s20] =	ssyncset.done $0x0  }
0x67: {  	[sflag:s20] =	ssyncadd.s32 $0xFFFFEC00  }
0x68: {  	_ =	swait.ge [sflag:s19], $0x1400  }
0x69: {  	[sflag:s19] =	ssyncset.done $0x0  }
0x6a: {  	[sflag:s19] =	ssyncadd.s32 $0xFFFFEC00  }
0x6b: {  	_ =	swait.ge [sflag:s20], $0x1400  }
0x6c: {  	[sflag:s20] =	ssyncset.done $0x0  }
0x6d: {  	s21 =	sadd.s32 $0x1, s21;
	[sflag:s20] =	ssyncadd.s32 $0xFFFFEC00  }
0x6e: {  	p0 =	sne.s32 s21, s7;
	_ =	swait.ge [sflag:s19], $0x1400  }
.Ltmp1:
0x6f: {  	[sflag:s19] =	ssyncset.done $0x0;
	(pc) =	sbr.rel @p0 .LBB2_1-.Ltmp1, $4  }
0x70: {  	[sflag:s19] =	ssyncadd.s32 $0xFFFFEC00  }
0x71: {  	_ =	swait.ge [sflag:s20], $0x1400  }
0x72: {  	[sflag:s20] =	ssyncset.done $0x0  }
0x73: {  	[sflag:s20] =	ssyncadd.s32 $0xFFFFEC00  }
0x74: {  	_ =	sfence.sel $0x180000  }
0x75: {  	[bflag:$0x0] =	sbarrier.arrive $0xFFFF  }
0x76: {  	_ =	strace $0x90000050  }
0x77: {  	s0 =	stileid.u32;
	[bflag:$0x2] =	sbarrier.arrive $0xFFFF  }
0x78: {  	p0 =	sne.s32 s0, $0x0;
	s0 =	rddreg [dreg:$0x2]  }
0x79: {  	s0 =	sadd.s32 @!p0 $0x100000, s0  }
0x7a: {  	[sflag:s0] =	ssyncadd.tile.s32 @!p0 $0x1;
	_ =	shalt  }
.Lfunc_end2:
_tile_overlayer_lowered:
.L_overlay_start_2:
0x7b: {  	(tag) =	ssettag $0x2  }
0x7c: {  	s0 =	rddreg [dreg:$0x0];
	s2 =	stileid.u32  }
0x7d: {  	s1 =	rddreg [dreg:$0x1];
	p0 =	sne.s32 s2, $0x0  }
0x7e: {  	s3 =	rddreg [dreg:$0x2];
	[bflag:$0x3] =	sbarrier.arrive $0xFFFF;
	s2 =	simm.s32 @!p0 $0x1C05  }
0x7f: {  	[timem:s3], [sflag:s2] =	dma.local @!p0 [hbm:s0], s1  }
0x80: {  	s0 =	simm.s32 @!p0 $0x5  }
0x81: {  	_ =	swait.ge @!p0 [sflag:s0], s1  }
0x82: {  	s1 =	ssub.s32 @!p0 $0x0, s1;
	[sflag:s0] =	ssyncset.done @!p0 $0x0  }
0x83: {  	[sflag:s0] =	ssyncadd.s32 @!p0 s1  }
0x84: {  	[bflag:$0x3] =	sbarrier.arrive $0xFFFF  }
0x85: {  	_ =	shalt  }

// kernel: kernel.28.cloned.1.call-start
scs
__scs_entry_jumppad:
0x0: {  	(pc) =	sbr.rel $0x88, $3  }
0x1: {  	(tag) =	ssettag $0x0;
	lr =	simm.s32 $0x1  }
0x2: {  	[smem:$0x3F8C] =	sst lr;
	_ =	strace $0xD0000000  }
0x3: {  	_ = 	snop  }
0x4: {  	_ = 	snop  }
0x5: {  	_ = 	snop  }
0x6: {  	_ = 	snop  }
0x7: {  	_ = 	snop  }
__scs_overlays_trampoline_lowered:
0x8: {  	[smem:$0x3F9B] =	sst s0  }
0x9: {  	[smem:$0x3F9C] =	sst s1  }
0xa: {  	[smem:$0x3F9D] =	sst s2  }
0xb: {  	[smem:$0x3F9E] =	sst s3  }
0xc: {  	[smem:$0x3F9F] =	sst s4  }
0xd: {  	[smem:$0x3FA0] =	sst s5  }
0xe: {  	[smem:$0x3FA1] =	sst s6  }
0xf: {  	[smem:$0x3FA2] =	sst s7  }
0x10: {  	[smem:$0x3FA3] =	sst s8  }
0x11: {  	[smem:$0x3FA4] =	sst s9;
	s0 =	simm.s32 @!p0 $0x0  }
0x12: {  	s1 =	sld [smem:$0x3F8A];
	s0 =	simm.s32 @p0 $0x1  }
0x13: {  	[smem:$0x3FA5] =	sst s0;
	s0 =	simm.s32 @!p1 $0x0  }
0x14: {  	s2 =	sld [smem:$0x3F89];
	s0 =	simm.s32 @p1 $0x1  }
0x15: {  	[smem:$0x3FA6] =	sst s0;
	s0 =	simm.s32 @!p2 $0x0  }
0x16: {  	s3 =	sld [smem:$0x3FDB];
	s0 =	simm.s32 @p2 $0x1  }
0x17: {  	s4 =	simm.s32 $0x1BF5;
	[smem:$0x3FA8] =	sst s0  }
0x18: {  	s0 =	sld [smem:$0x3F8B];
	_ =	swait.ge [sflag:s4], $0x0  }
0x19: {  	s7 =	sld [smem:$0x3F8C]  }
0x1a: {  	s8 =	sadd.s32 $0xFFFFE003, lr  }
0x1b: {  	s9 =	sadd.s32 $0xFFFFFEF7, lr;
	s5 =	simm.s32 $0xFFFFFFFF;
	p2 =	slt.u32 s8, $0xFFFFF086  }
0x1c: {  	p1 =	slt.u32 s9, $0xF7A;
	s5 =	simm.s32 @!p2 $0x0  }
0x1d: {  	s5 =	simm.s32 @p1 $0x1;
	p0 =	seq.s32 s7, s2  }
0x1e: {  	s7 =	smul.u32 @!p0 $0xF7A, s2;
	p2 =	seq.s32 @!p0 s5, $0x0  }
0x1f: {  	s9 =	smul.u32 $0xF7A, s1;
	s8 =	simm.s32 @!p0 $0x1BF5;
	p2 =	por !p2, p0  }
0x20: {  	[sflag:s8] =	ssyncset.s32 @!p0 $0xFFFFF086;
	s6 =	sadd.s32 @!p0 s3, s7;
	s7 =	simm.s32 @!p0 $0x108  }
0x21: {  	s3 =	sadd.s32 s3, s9;
	s6 =	sadd.s32 @!p0 $0x88, s6;
	s7 =	simm.s32 @p2 $0x1082  }
0x22: {  	[simem:s7], [sflag:s8] =	dma.local @!p0 [hbm:s6], $0xF7A  }
0x23: {  	s9 =	sor.u32 $0xD0000000, s2;
	s6 =	simm.s32 $0x108;
	_ =	swait.ge @!p0 [sflag:s8], $0x0  }
0x24: {  	s3 =	sadd.s32 $0x88, s3;
	s6 =	simm.s32 @!p1 $0x1082;
	[sflag:s4] =	ssyncset.s32 $0xFFFFF086  }
0x25: {  	[simem:s6], [sflag:s4] =	dma.local [hbm:s3], $0xF7A  }
0x26: {  	[smem:$0x3F8C] =	sst s1;
	(tag) =	ssettag s2;
	_ =	strace s9  }
0x27: {  	s1 =	sld [smem:$0x3F9C]  }
0x28: {  	s2 =	sld [smem:$0x3F9D]  }
0x29: {  	s4 =	sld [smem:$0x3F9F]  }
0x2a: {  	p0 =	seq.s32 s5, $0x0;
	s5 =	sld [smem:$0x3FA0]  }
0x2b: {  	s6 =	sld [smem:$0x3FA1]  }
0x2c: {  	s7 =	sld [smem:$0x3FA2]  }
0x2d: {  	s3 =	simm.s32 $0x108;
	s8 =	sld [smem:$0x3FA3]  }
0x2e: {  	s3 =	simm.s32 @!p0 $0x1082;
	s9 =	sld [smem:$0x3FA4]  }
0x2f: {  	lr =	sadd.s32 s0, s3;
	s0 =	sld [smem:$0x3F9B]  }
0x30: {  	s3 =	sld [smem:$0x3F9E]  }
0x31: {  	[smem:$0x3FA7] =	sst s10  }
0x32: {  	s10 =	sld [smem:$0x3FA5];
	_ =	sdelay $0x3  }
0x33: {  	p0 =	seq.s32 s10, $0x1;
	s10 =	sld [smem:$0x3FA7];
	_ =	sdelay $0x3  }
0x34: {  	[smem:$0x3FA7] =	sst s10  }
0x35: {  	s10 =	sld [smem:$0x3FA6];
	_ =	sdelay $0x3  }
0x36: {  	p1 =	seq.s32 s10, $0x1;
	s10 =	sld [smem:$0x3FA7];
	_ =	sdelay $0x3  }
0x37: {  	[smem:$0x3FA7] =	sst s10  }
0x38: {  	s10 =	sld [smem:$0x3FA8]  }
0x39: {  	_ = 	snop;
	(pc) =	sbr.ind lr, $3  }
0x3a: {  	_ = 	snop  }
0x3b: {  	_ = 	snop  }
0x3c: {  	p2 =	seq.s32 s10, $0x1;
	s10 =	sld [smem:$0x3FA7]  }
0x3d: {  	_ =	shalt  }
0x3e: {  	_ =	shalt  }
0x3f: {  	_ =	shalt  }
0x40: {  	_ =	shalt  }
0x41: {  	_ =	shalt  }
0x42: {  	_ =	shalt  }
0x43: {  	_ =	shalt  }
0x44: {  	_ =	shalt  }
0x45: {  	_ =	shalt  }
0x46: {  	_ =	shalt  }
0x47: {  	_ =	shalt  }
0x48: {  	_ =	shalt  }
0x49: {  	_ =	shalt  }
0x4a: {  	_ =	shalt  }
0x4b: {  	_ =	shalt  }
0x4c: {  	_ =	shalt  }
0x4d: {  	_ =	shalt  }
0x4e: {  	_ =	shalt  }
0x4f: {  	_ =	shalt  }
0x50: {  	_ =	shalt  }
0x51: {  	_ =	shalt  }
0x52: {  	_ =	shalt  }
0x53: {  	_ =	shalt  }
0x54: {  	_ =	shalt  }
0x55: {  	_ =	shalt  }
0x56: {  	_ =	shalt  }
0x57: {  	_ =	shalt  }
0x58: {  	_ =	shalt  }
0x59: {  	_ =	shalt  }
0x5a: {  	_ =	shalt  }
0x5b: {  	_ =	shalt  }
0x5c: {  	_ =	shalt  }
0x5d: {  	_ =	shalt  }
0x5e: {  	_ =	shalt  }
0x5f: {  	_ =	shalt  }
0x60: {  	_ =	shalt  }
0x61: {  	_ =	shalt  }
0x62: {  	_ =	shalt  }
0x63: {  	_ =	shalt  }
0x64: {  	_ =	shalt  }
0x65: {  	_ =	shalt  }
0x66: {  	_ =	shalt  }
0x67: {  	_ =	shalt  }
0x68: {  	_ =	shalt  }
0x69: {  	_ =	shalt  }
0x6a: {  	_ =	shalt  }
0x6b: {  	_ =	shalt  }
0x6c: {  	_ =	shalt  }
0x6d: {  	_ =	shalt  }
0x6e: {  	_ =	shalt  }
0x6f: {  	_ =	shalt  }
0x70: {  	_ =	shalt  }
0x71: {  	_ =	shalt  }
0x72: {  	_ =	shalt  }
0x73: {  	_ =	shalt  }
0x74: {  	_ =	shalt  }
0x75: {  	_ =	shalt  }
0x76: {  	_ =	shalt  }
0x77: {  	_ =	shalt  }
0x78: {  	_ =	shalt  }
0x79: {  	_ =	shalt  }
0x7a: {  	_ =	shalt  }
0x7b: {  	_ =	shalt  }
0x7c: {  	_ =	shalt  }
0x7d: {  	_ =	shalt  }
0x7e: {  	_ =	shalt  }
0x7f: {  	_ =	shalt  }
0x80: {  	_ =	shalt  }
0x81: {  	_ =	shalt  }
0x82: {  	_ =	shalt  }
0x83: {  	_ =	shalt  }
0x84: {  	_ =	shalt  }
0x85: {  	_ =	shalt  }
0x86: {  	_ =	shalt  }
0x87: {  	_ =	shalt  }
.Lfunc_end0:
.L_simem_size_0:
called_computation.5_lowered:
.L_overlay_start_0:
0x88: {  	s2 =	sld [smem:$0x3FD9]  }
0x89: {  	s3 =	sld [smem:$0x3FFE];
	_ =	sdelay $0x1  }
0x8a: {  	s1 =	srdreg.scid  }
0x8b: {  	s0 =	sand.u32 $0x1, s1  }
0x8c: {  	s14 =	sshll.u32 s0, $0xA;
	s2 =	sadd.s32 s3, s2  }
0x8d: {  	s2 =	sadd.s32 s2, s14  }
0x8e: {  	[smem:$0x3FB3] =	sst s2  }
0x8f: {  	_ = 	snop  }
0x90: {  	s2 =	sld [smem:$0x3FD0];
	_ =	sdelay $0x2  }
0x91: {  	s15 =	simm.s32 $0xB;
	s4 =	simm.s32 $0x10  }
0x92: {  	[smem:s4], [sflag:s15] =	dma.local [hbm:s2], $0x1  }
0x93: {  	_ =	swait.eq [sflag:s15], $0x1  }
0x94: {  	[sflag:s15] =	ssyncset.done $0x0  }
0x95: {  	[sflag:s15] =	ssyncadd.s32 $0xFFFFFFFF  }
0x96: {  	s16 =	sld [smem:$0x10];
	(tm) =	ssettm $0x1  }
0x97: {  	s17 =	sld [smem:$0x3FFB];
	_ =	sdelay $0x3  }
0x98: {  	_ =	strace s17  }
0x99: {  	s3 =	sld [smem:$0x3FFC];
	_ =	sdelay $0x3  }
0x9a: {  	_ =	strace s3  }
0x9b: {  	s3 =	sld [smem:$0x3FFD];
	_ =	sdelay $0x3  }
0x9c: {  	_ =	strace s3  }
0x9d: {  	_ =	strace $0x8FFFFFFF  }
0x9e: {  	s18 =	sld [smem:$0x3FDB];
	_ =	sdelay $0x1  }
0x9f: {  	s19 =	simm.s32 $_scs_section_size  }
0xa0: {  	s5 =	simm.s32 $_size__tile_overlayer_lowered;
	s6 =	simm.s32 $_tile_overlayer_lowered  }
0xa1: {  	s22 =	simm.s32 $0x1BFF;
	s21 =	sshll.u32 s6, $0x1;
	s3 =	sadd.s32 s19, s18  }
0xa2: {  	s7 =	simm.s32 $0x0;
	s20 =	sshll.u32 s5, $0x1;
	s5 =	sadd.s32 s21, s3  }
0xa3: {  	[timem:s7], [sflag:s22] =	dma.local [hbm:s5], s20  }
0xa4: {  	_ =	swait.ge [sflag:s22], s20  }
0xa5: {  	s4 =	ssub.s32 $0x0, s20;
	[sflag:s22] =	ssyncset.done $0x0  }
0xa6: {  	[sflag:s22] =	ssyncadd.s32 s4;
	_ =	sdelay $0x1  }
0xa7: {  	s23 =	simm.s32 $0x1B8B  }
0xa8: {  	_ =	swait.ge [sflag:s23], $0x1  }
0xa9: {  	[sflag:s23] =	ssyncset.done $0x0  }
0xaa: {  	s25 =	simm.s32 $0x1B8E;
	s24 =	sld [smem:$0x3FFE];
	[sflag:s23] =	ssyncadd.s32 $0xFFFFFFFF  }
0xab: {  	s26 =	simm.s32 $execute0_lowered;
	[smem:$0x3FD2] =	sst s25  }
0xac: {  	s5 =	sshll.u32 s26, $0x1;
	_ =	strace $0x80000052;
	[dreg:$0x1] =	wrdreg $0xFFFFFFFF  }
0xad: {  	s28 =	simm.s32 $_size_execute0_lowered;
	s3 =	sadd.s32 s3, s5;
	[dreg:$0x0] =	wrdreg $0x0  }
0xae: {  	s5 =	sshll.u32 s28, $0x1;
	[dreg:$0x2] =	wrdreg s3  }
0xaf: {  	[dreg:$0x3] =	wrdreg s5  }
0xb0: {  	[dreg:$0x4] =	wrdreg $0xC0  }
0xb1: {  	_ =	task [dreg:s7], $0x5FFFF  }
0xb2: {  	[dreg:$0x1] =	wrdreg $0xFFFFFFFF  }
0xb3: {  	[dreg:$0x0] =	wrdreg $0x60  }
0xb4: {  	[dreg:$0x2] =	wrdreg s24  }
0xb5: {  	[dreg:$0x3] =	wrdreg s16  }
0xb6: {  	[dreg:$0x4] =	wrdreg $0x77100  }
0xb7: {  	[dreg:$0x5] =	wrdreg $0x9  }
0xb8: {  	_ =	task.clear_ibuf [dreg:s7], $0x6FFFF;
	_ =	strace $0x90000052  }
0xb9: {  	s29 =	simm.s32 $0x9;
	_ =	strace $0x80000054  }
0xba: {  	_ =	swait.ge [sflag:s29], $0x1  }
0xbb: {  	[sflag:s29] =	ssyncadd.s32 $0xFFFFFFFF  }
0xbc: {  	_ =	strace $0x90000054  }
0xbd: {  	_ =	sfence  }
0xbe: {  	s30 =	sld [smem:$0x0];
	_ =	sdelay $0x2  }
0xbf: {  	s31 =	sshll.u32 s1, $0xD;
	s1 =	sshrl.u32 s1, $0x2  }
0xc0: {  	s3 =	sand.u32 $0x4000, s31;
	s1 =	sadd.s32 s1, s30  }
0xc1: {  	s0 =	sor.u32 s3, s0;
	s1 =	sshll.u32 s1, $0x11  }
0xc2: {  	s0 =	sor.u32 s1, s0  }
0xc3: {  	s0 =	sadd.s32 $0x8F2B, s0  }
0xc4: {  	[sflag:s0] =	ssyncadd.remote.s32 $0x1  }
0xc5: {  	_ =	sfence.sel $0xFFFF  }
0xc6: {  	[dreg:$0x0] =	wrdreg $0xFFFFFFFF;
	(pc) =	sbr.abs _section_cstart, $3  }
0xc7: {  	[dreg:$0x1] =	wrdreg $0xFFFFFFFF  }
0xc8: {  	_ =	task.clear_ibuf [dreg:s7], $0x2FFFF;
	_ =	strace $0x9FFFFFFF  }
0xc9: {  	(tm) =	ssettm $0x7FFFFFFF  }
tec
execute0_lowered:
.L_overlay_start_1:
0x0: {  	(tag) =	ssettag $0x1  }
0x1: {  	s4 =	rddreg [dreg:$0x0]  }
0x2: {  	s1 =	srdreg.scid;
	s6 =	rddreg [dreg:$0x1]  }
0x3: {  	s0 =	stileid.u32;
	s2 =	rddreg [dreg:$0x2]  }
0x4: {  	s3 =	simm.s32 $0x0;
	s16 =	simm.s32 $0x2710;
	s17 =	simm.s32 $0x3B10  }
0x5: {  	s18 =	simm.s32 $0x1;
	s19 =	simm.s32 $0x50;
	s20 =	simm.s32 $0x4F10  }
0x6: {  	s21 =	simm.s32 $0x6310;
	s22 =	simm.s32 $0xA0;
	s23 =	simm.s32 $0x2  }
0x7: {  	s24 =	simm.s32 $0x0;
	s5 =	sand.u32 $0x1, s1;
	s9 =	smul.u32 $0x9C40, s0  }
0x8: {  	s28 =	sshll.u32 s0, $0x1;
	[smem:$0x7FF] =	sst s3;
	s12 =	smul.u32 $0x4E20, s0  }
0x9: {  	s13 =	sadd.s32 $0x563200, s4;
	s31 =	sshll.u32 s0, $0x6;
	s10 =	smul.u32 $0x9C400, s5  }
0xa: {  	s7 =	sor.u32 s5, s28;
	_ =	strace $0x80000053;
	s15 =	smul.u32 $0x2710, s5  }
0xb: {  	s11 =	ssub.s32 $0x2, s5;
	s5 =	sor.u32 $0x1C03, s31;
	s8 =	smul.u32 $0x2710, s7  }
0xc: {  	s29 =	sshrl.u32 s11, $0x1;
	s7 =	smul.u32 $0x13880, s7;
	s14 =	sadd.s32 s9, s2  }
0xd: {  	s30 =	sshrl.u32 s9, $0x3;
	s10 =	sadd.s32 s9, s10;
	s11 =	ssub.s32 s11, s29  }
0xe: {  	s12 =	sadd.s32 s15, s12;
	s14 =	sshrl.u32 s14, $0x3;
	s8 =	sshrl.u32 s8, $0x3  }
0xf: {  	s10 =	sshrl.u32 s10, $0x3;
	s7 =	sadd.s32 s13, s7;
	s9 =	smax.u32 s11, $0x1  }
0x10: {  	s15 =	sshll.u32 s12, $0x3;
	s8 =	sadd.s32 s8, s4;
	s10 =	sadd.s32 s10, s4  }
0x11: {  	s4 =	sadd.s32 s6, s30;
	s11 =	sadd.s32 $0x500, s7;
	s12 =	sadd.s32 $0x780, s7  }
0x12: {  	s13 =	sadd.s32 s13, s15;
	s15 =	simm.s32 $0x3;
	s6 =	sadd.s32 $0x15600, s8  }
0x13: {  	s8 =	sadd.s32 $0x6D800, s10;
	s10 =	sadd.s32 $0x280, s7;
	s13 =	sadd.s32 $0xA00, s13  }
.LBB2_1:
0x14: {  	[spmem:s14], [sflag:s5] =	dma.local [hbm:s4], $0x1388  }
0x15: {  	_ =	swait.ge [sflag:s15], $0x1388  }
0x16: {  	[sflag:s15] =	ssyncset.done $0x0  }
0x17: {  	[sflag:s15] =	ssyncadd.s32 $0xFFFFEC78  }
0x18: {  	[tilespmem:s3], [sflag:$0x3] =	stream.linear.gather [hbm4b:s6+s3], $0x2710, $0x38;
	[tilespmem:$0x11350] =	vst v63  }
0x19: {  	_ =	swait.ge [sflag:s15], $0x2710  }
0x1a: {  	[sflag:s15] =	ssyncset.done $0x0  }
0x1b: {  	[sflag:s15] =	ssyncadd.s32 $0xFFFFD8F0  }
0x1c: {  	[bflag:$0x0] =	sbarrier.arrive $0xFFFF  }
0x1d: {  	[tilespmem:s16], [sflag:$0x1] =	stream.linear.gather [hbm4b:s7+s3], $0x1400, $0x38;
	[tilespmem:$0x11350] =	vst v63  }
0x1e: {  	_ = 	snop  }
0x1f: {  	[tilespmem:s17], [sflag:$0x1] =	stream.linear.gather [hbm4b:s10+s3], $0x1400, $0x38;
	[tilespmem:$0x11350] =	vst v63  }
0x20: {  	_ =	swait.ge [sflag:s18], $0x1400  }
0x21: {  	[sflag:s18] =	ssyncset.done $0x0  }
0x22: {  	[sflag:s18] =	ssyncadd.s32 $0xFFFFEC00  }
0x23: {  	[spmem:s2] =	stream.indirect.scatter.add.f32 [tilespmem:s16], [sflag:$0x2], $0x40, s3, s19, $0xb8;
	[tilespmem:$0x11350] =	vst v63  }
0x24: {  	_ = 	snop  }
0x25: {  	[tilespmem:s20], [sflag:$0x1] =	stream.linear.gather [hbm4b:s11+s3], $0x1400, $0x38;
	[tilespmem:$0x11350] =	vst v63  }
0x26: {  	_ =	swait.ge [sflag:s18], $0x1400  }
0x27: {  	[sflag:s18] =	ssyncset.done $0x0  }
0x28: {  	[sflag:s18] =	ssyncadd.s32 $0xFFFFEC00  }
0x29: {  	[spmem:s2] =	stream.indirect.scatter.add.f32 [tilespmem:s17], [sflag:$0x2], $0x40, s19, s19, $0xb8;
	[tilespmem:$0x11350] =	vst v63  }
0x2a: {  	_ = 	snop  }
0x2b: {  	[tilespmem:s21], [sflag:$0x1] =	stream.linear.gather [hbm4b:s12+s3], $0x1400, $0x38;
	[tilespmem:$0x11350] =	vst v63  }
0x2c: {  	s25 =	simm.s32 $0x4;
	_ =	swait.ge [sflag:s18], $0x1400  }
0x2d: {  	s25 =	sand.u32 $0x3, s25;
	[sflag:s18] =	ssyncset.done $0x0  }
0x2e: {  	s25 =	smul.u32 $0x5000, s25;
	[sflag:s18] =	ssyncadd.s32 $0xFFFFEC00  }
0x2f: {  	[spmem:s2] =	stream.indirect.scatter.add.f32 [tilespmem:s20], [sflag:$0x2], $0x40, s22, s19, $0xb8;
	[tilespmem:$0x11350] =	vst v63  }
0x30: {  	s26 =	simm.s32 $0x3;
	_ =	swait.ge [sflag:s23], $0x1400  }
0x31: {  	s26 =	sand.u32 $0x3, s26;
	s25 =	sshrl.u32 s25, $0x2;
	[sflag:s23] =	ssyncset.done $0x0  }
0x32: {  	s28 =	smul.u32 $0x5000, s26;
	s25 =	sadd.s32 $0x2710, s25;
	[sflag:s23] =	ssyncadd.s32 $0xFFFFEC00  }
0x33: {  	[tilespmem:s25], [sflag:$0x1] =	stream.linear.gather [hbm4b:s13+s3], $0x1400, $0x38;
	[tilespmem:$0x11350] =	vst v63  }
0x34: {  	s29 =	simm.s32 $0xF0;
	_ =	swait.ge [sflag:s18], $0x1400  }
0x35: {  	s26 =	simm.s32 $0x5;
	s30 =	sshrl.u32 s28, $0x2;
	[sflag:s18] =	ssyncset.done $0x0  }
0x36: {  	s28 =	sadd.s32 $0x280, s13;
	s25 =	simm.s32 $0xF0;
	[sflag:s18] =	ssyncadd.s32 $0xFFFFEC00  }
.LBB2_2:
0x37: {  	s31 =	sand.u32 $0x3, s26  }
0x38: {  	s30 =	sadd.s32 $0x2710, s30;
	s25 =	sadd.s32 $0x50, s25;
	s1 =	smov.u32 s26  }
0x39: {  	[spmem:s2] =	stream.indirect.scatter.add.f32 [tilespmem:s30], [sflag:$0x2], $0x40, s29, s19, $0xb8;
	[tilespmem:$0x11350] =	vst v63  }
0x3a: {  	p0 =	sne.s32 s26, $0x7C;
	s26 =	sadd.s32 $0x1, s26;
	s30 =	smul.u32 $0x5000, s31  }
0x3b: {  	s29 =	smov.u32 s25;
	s1 =	sadd.s32 $0xFFFFFFFF, s1;
	_ =	swait.ge [sflag:s23], $0x1400  }
0x3c: {  	s1 =	sand.u32 $0x3, s1;
	s30 =	sshrl.u32 s30, $0x2;
	[sflag:s23] =	ssyncset.done $0x0  }
.Ltmp0:
0x3d: {  	s30 =	sadd.s32 $0x2710, s30;
	[sflag:s23] =	ssyncadd.s32 $0xFFFFEC00;
	(pc) =	sbr.rel @p0 .LBB2_2-.Ltmp0, $4  }
0x3e: {  	[tilespmem:s30], [sflag:$0x1] =	stream.linear.gather [hbm4b:s28+s3], $0x1400, $0x38;
	[tilespmem:$0x11350] =	vst v63  }
0x3f: {  	s1 =	smul.u32 $0x5000, s1;
	_ =	swait.ge [sflag:s18], $0x1400  }
0x40: {  	[sflag:s18] =	ssyncset.done $0x0  }
0x41: {  	s30 =	sshrl.u32 s1, $0x2;
	s28 =	sadd.s32 $0x280, s28;
	[sflag:s18] =	ssyncadd.s32 $0xFFFFEC00  }
0x42: {  	s1 =	sadd.s32 $0x2710, s30  }
0x43: {  	[spmem:s2] =	stream.indirect.scatter.add.f32 [tilespmem:s1], [sflag:$0x2], $0x40, s29, s19, $0xb8;
	[tilespmem:$0x11350] =	vst v63  }
0x44: {  	_ =	swait.ge [sflag:s18], $0x1400  }
0x45: {  	[sflag:s18] =	ssyncset.done $0x0  }
0x46: {  	s31 =	sadd.s32 $0x50, s25;
	[sflag:s18] =	ssyncadd.s32 $0xFFFFEC00  }
0x47: {  	[spmem:s2] =	stream.indirect.scatter.add.f32 [tilespmem:s16], [sflag:$0x2], $0x40, s31, s19, $0xb8;
	[tilespmem:$0x11350] =	vst v63  }
0x48: {  	_ =	swait.ge [sflag:s23], $0x1400  }
0x49: {  	[sflag:s23] =	ssyncset.done $0x0  }
0x4a: {  	[sflag:s23] =	ssyncadd.s32 $0xFFFFEC00  }
0x4b: {  	_ =	swait.ge [sflag:s23], $0x1400  }
0x4c: {  	[sflag:s23] =	ssyncset.done $0x0  }
0x4d: {  	[sflag:s23] =	ssyncadd.s32 $0xFFFFEC00  }
0x4e: {  	_ =	swait.ge [sflag:s23], $0x1400  }
0x4f: {  	[sflag:s23] =	ssyncset.done $0x0  }
0x50: {  	[sflag:s23] =	ssyncadd.s32 $0xFFFFEC00  }
0x51: {  	_ =	swait.ge [sflag:s23], $0x1400  }
0x52: {  	s24 =	sadd.s32 $0x1, s24;
	[sflag:s23] =	ssyncset.done $0x0  }
0x53: {  	p0 =	sne.s32 s24, s9;
	[sflag:s23] =	ssyncadd.s32 $0xFFFFEC00  }
.Ltmp1:
0x54: {  	[bflag:$0x0] =	sbarrier.arrive $0xFFFF;
	(pc) =	sbr.rel @p0 .LBB2_1-.Ltmp1, $4  }
0x55: {  	[hbm:s8], [sflag:s5] =	dma.local [spmem:s14], $0x1388  }
0x56: {  	_ =	swait.ge [sflag:s15], $0x1388  }
0x57: {  	[sflag:s15] =	ssyncset.done $0x0  }
0x58: {  	[sflag:s15] =	ssyncadd.s32 $0xFFFFEC78  }
0x59: {  	_ =	sfence.sel $0x180000  }
0x5a: {  	[bflag:$0x0] =	sbarrier.arrive $0xFFFF  }
0x5b: {  	_ =	strace $0x90000053  }
0x5c: {  	[bflag:$0x2] =	sbarrier.arrive $0xFFFF  }
0x5d: {  	p0 =	sne.s32 s0, $0x0;
	s0 =	rddreg [dreg:$0x3]  }
0x5e: {  	s0 =	sadd.s32 @!p0 $0x100000, s0  }
0x5f: {  	[sflag:s0] =	ssyncadd.tile.s32 @!p0 $0x1;
	_ =	shalt  }
.Lfunc_end2:
_tile_overlayer_lowered:
.L_overlay_start_2:
0x60: {  	(tag) =	ssettag $0x2  }
0x61: {  	s0 =	rddreg [dreg:$0x0];
	s2 =	stileid.u32  }
0x62: {  	s1 =	rddreg [dreg:$0x1];
	p0 =	sne.s32 s2, $0x0  }
0x63: {  	s3 =	rddreg [dreg:$0x2];
	[bflag:$0x3] =	sbarrier.arrive $0xFFFF;
	s2 =	simm.s32 @!p0 $0x1C03  }
0x64: {  	[timem:s3], [sflag:s2] =	dma.local @!p0 [hbm:s0], s1  }
0x65: {  	s0 =	simm.s32 @!p0 $0x3  }
0x66: {  	_ =	swait.ge @!p0 [sflag:s0], s1  }
0x67: {  	s1 =	ssub.s32 @!p0 $0x0, s1;
	[sflag:s0] =	ssyncset.done @!p0 $0x0  }
0x68: {  	[sflag:s0] =	ssyncadd.s32 @!p0 s1  }
0x69: {  	[bflag:$0x3] =	sbarrier.arrive $0xFFFF  }
0x6a: {  	_ =	shalt  }

// kernel: kernel.31.cloned.1.call-start
scs
__scs_entry_jumppad:
0x0: {  	(pc) =	sbr.rel $0x88, $3  }
0x1: {  	(tag) =	ssettag $0x0;
	lr =	simm.s32 $0x1  }
0x2: {  	[smem:$0x3F8C] =	sst lr;
	_ =	strace $0xD0000000  }
0x3: {  	_ = 	snop  }
0x4: {  	_ = 	snop  }
0x5: {  	_ = 	snop  }
0x6: {  	_ = 	snop  }
0x7: {  	_ = 	snop  }
__scs_overlays_trampoline_lowered:
0x8: {  	[smem:$0x3F9B] =	sst s0  }
0x9: {  	[smem:$0x3F9C] =	sst s1  }
0xa: {  	[smem:$0x3F9D] =	sst s2  }
0xb: {  	[smem:$0x3F9E] =	sst s3  }
0xc: {  	[smem:$0x3F9F] =	sst s4  }
0xd: {  	[smem:$0x3FA0] =	sst s5  }
0xe: {  	[smem:$0x3FA1] =	sst s6  }
0xf: {  	[smem:$0x3FA2] =	sst s7  }
0x10: {  	[smem:$0x3FA3] =	sst s8  }
0x11: {  	[smem:$0x3FA4] =	sst s9;
	s0 =	simm.s32 @!p0 $0x0  }
0x12: {  	s1 =	sld [smem:$0x3F8A];
	s0 =	simm.s32 @p0 $0x1  }
0x13: {  	[smem:$0x3FA5] =	sst s0;
	s0 =	simm.s32 @!p1 $0x0  }
0x14: {  	s2 =	sld [smem:$0x3F89];
	s0 =	simm.s32 @p1 $0x1  }
0x15: {  	[smem:$0x3FA6] =	sst s0;
	s0 =	simm.s32 @!p2 $0x0  }
0x16: {  	s3 =	sld [smem:$0x3FDB];
	s0 =	simm.s32 @p2 $0x1  }
0x17: {  	s4 =	simm.s32 $0x1BF5;
	[smem:$0x3FA8] =	sst s0  }
0x18: {  	s0 =	sld [smem:$0x3F8B];
	_ =	swait.ge [sflag:s4], $0x0  }
0x19: {  	s7 =	sld [smem:$0x3F8C]  }
0x1a: {  	s8 =	sadd.s32 $0xFFFFE003, lr  }
0x1b: {  	s9 =	sadd.s32 $0xFFFFFEF7, lr;
	s5 =	simm.s32 $0xFFFFFFFF;
	p2 =	slt.u32 s8, $0xFFFFF086  }
0x1c: {  	p1 =	slt.u32 s9, $0xF7A;
	s5 =	simm.s32 @!p2 $0x0  }
0x1d: {  	s5 =	simm.s32 @p1 $0x1;
	p0 =	seq.s32 s7, s2  }
0x1e: {  	s7 =	smul.u32 @!p0 $0xF7A, s2;
	p2 =	seq.s32 @!p0 s5, $0x0  }
0x1f: {  	s9 =	smul.u32 $0xF7A, s1;
	s8 =	simm.s32 @!p0 $0x1BF5;
	p2 =	por !p2, p0  }
0x20: {  	[sflag:s8] =	ssyncset.s32 @!p0 $0xFFFFF086;
	s6 =	sadd.s32 @!p0 s3, s7;
	s7 =	simm.s32 @!p0 $0x108  }
0x21: {  	s3 =	sadd.s32 s3, s9;
	s6 =	sadd.s32 @!p0 $0x88, s6;
	s7 =	simm.s32 @p2 $0x1082  }
0x22: {  	[simem:s7], [sflag:s8] =	dma.local @!p0 [hbm:s6], $0xF7A  }
0x23: {  	s9 =	sor.u32 $0xD0000000, s2;
	s6 =	simm.s32 $0x108;
	_ =	swait.ge @!p0 [sflag:s8], $0x0  }
0x24: {  	s3 =	sadd.s32 $0x88, s3;
	s6 =	simm.s32 @!p1 $0x1082;
	[sflag:s4] =	ssyncset.s32 $0xFFFFF086  }
0x25: {  	[simem:s6], [sflag:s4] =	dma.local [hbm:s3], $0xF7A  }
0x26: {  	[smem:$0x3F8C] =	sst s1;
	(tag) =	ssettag s2;
	_ =	strace s9  }
0x27: {  	s1 =	sld [smem:$0x3F9C]  }
0x28: {  	s2 =	sld [smem:$0x3F9D]  }
0x29: {  	s4 =	sld [smem:$0x3F9F]  }
0x2a: {  	p0 =	seq.s32 s5, $0x0;
	s5 =	sld [smem:$0x3FA0]  }
0x2b: {  	s6 =	sld [smem:$0x3FA1]  }
0x2c: {  	s7 =	sld [smem:$0x3FA2]  }
0x2d: {  	s3 =	simm.s32 $0x108;
	s8 =	sld [smem:$0x3FA3]  }
0x2e: {  	s3 =	simm.s32 @!p0 $0x1082;
	s9 =	sld [smem:$0x3FA4]  }
0x2f: {  	lr =	sadd.s32 s0, s3;
	s0 =	sld [smem:$0x3F9B]  }
0x30: {  	s3 =	sld [smem:$0x3F9E]  }
0x31: {  	[smem:$0x3FA7] =	sst s10  }
0x32: {  	s10 =	sld [smem:$0x3FA5];
	_ =	sdelay $0x3  }
0x33: {  	p0 =	seq.s32 s10, $0x1;
	s10 =	sld [smem:$0x3FA7];
	_ =	sdelay $0x3  }
0x34: {  	[smem:$0x3FA7] =	sst s10  }
0x35: {  	s10 =	sld [smem:$0x3FA6];
	_ =	sdelay $0x3  }
0x36: {  	p1 =	seq.s32 s10, $0x1;
	s10 =	sld [smem:$0x3FA7];
	_ =	sdelay $0x3  }
0x37: {  	[smem:$0x3FA7] =	sst s10  }
0x38: {  	s10 =	sld [smem:$0x3FA8]  }
0x39: {  	_ = 	snop;
	(pc) =	sbr.ind lr, $3  }
0x3a: {  	_ = 	snop  }
0x3b: {  	_ = 	snop  }
0x3c: {  	p2 =	seq.s32 s10, $0x1;
	s10 =	sld [smem:$0x3FA7]  }
0x3d: {  	_ =	shalt  }
0x3e: {  	_ =	shalt  }
0x3f: {  	_ =	shalt  }
0x40: {  	_ =	shalt  }
0x41: {  	_ =	shalt  }
0x42: {  	_ =	shalt  }
0x43: {  	_ =	shalt  }
0x44: {  	_ =	shalt  }
0x45: {  	_ =	shalt  }
0x46: {  	_ =	shalt  }
0x47: {  	_ =	shalt  }
0x48: {  	_ =	shalt  }
0x49: {  	_ =	shalt  }
0x4a: {  	_ =	shalt  }
0x4b: {  	_ =	shalt  }
0x4c: {  	_ =	shalt  }
0x4d: {  	_ =	shalt  }
0x4e: {  	_ =	shalt  }
0x4f: {  	_ =	shalt  }
0x50: {  	_ =	shalt  }
0x51: {  	_ =	shalt  }
0x52: {  	_ =	shalt  }
0x53: {  	_ =	shalt  }
0x54: {  	_ =	shalt  }
0x55: {  	_ =	shalt  }
0x56: {  	_ =	shalt  }
0x57: {  	_ =	shalt  }
0x58: {  	_ =	shalt  }
0x59: {  	_ =	shalt  }
0x5a: {  	_ =	shalt  }
0x5b: {  	_ =	shalt  }
0x5c: {  	_ =	shalt  }
0x5d: {  	_ =	shalt  }
0x5e: {  	_ =	shalt  }
0x5f: {  	_ =	shalt  }
0x60: {  	_ =	shalt  }
0x61: {  	_ =	shalt  }
0x62: {  	_ =	shalt  }
0x63: {  	_ =	shalt  }
0x64: {  	_ =	shalt  }
0x65: {  	_ =	shalt  }
0x66: {  	_ =	shalt  }
0x67: {  	_ =	shalt  }
0x68: {  	_ =	shalt  }
0x69: {  	_ =	shalt  }
0x6a: {  	_ =	shalt  }
0x6b: {  	_ =	shalt  }
0x6c: {  	_ =	shalt  }
0x6d: {  	_ =	shalt  }
0x6e: {  	_ =	shalt  }
0x6f: {  	_ =	shalt  }
0x70: {  	_ =	shalt  }
0x71: {  	_ =	shalt  }
0x72: {  	_ =	shalt  }
0x73: {  	_ =	shalt  }
0x74: {  	_ =	shalt  }
0x75: {  	_ =	shalt  }
0x76: {  	_ =	shalt  }
0x77: {  	_ =	shalt  }
0x78: {  	_ =	shalt  }
0x79: {  	_ =	shalt  }
0x7a: {  	_ =	shalt  }
0x7b: {  	_ =	shalt  }
0x7c: {  	_ =	shalt  }
0x7d: {  	_ =	shalt  }
0x7e: {  	_ =	shalt  }
0x7f: {  	_ =	shalt  }
0x80: {  	_ =	shalt  }
0x81: {  	_ =	shalt  }
0x82: {  	_ =	shalt  }
0x83: {  	_ =	shalt  }
0x84: {  	_ =	shalt  }
0x85: {  	_ =	shalt  }
0x86: {  	_ =	shalt  }
0x87: {  	_ =	shalt  }
.Lfunc_end0:
.L_simem_size_0:
called_computation.6_lowered:
.L_overlay_start_0:
0x88: {  	s2 =	sld [smem:$0x3FD9]  }
0x89: {  	s3 =	sld [smem:$0x3FFE];
	_ =	sdelay $0x1  }
0x8a: {  	s1 =	srdreg.scid  }
0x8b: {  	s0 =	sand.u32 $0x1, s1  }
0x8c: {  	s16 =	sshll.u32 s0, $0xA;
	s2 =	sadd.s32 s3, s2  }
0x8d: {  	s2 =	sadd.s32 s2, s16  }
0x8e: {  	[smem:$0x3FB3] =	sst s2  }
0x8f: {  	_ = 	snop  }
0x90: {  	(tm) =	ssettm $0x1  }
0x91: {  	s17 =	sld [smem:$0x3FFB];
	_ =	sdelay $0x3  }
0x92: {  	_ =	strace s17  }
0x93: {  	s2 =	sld [smem:$0x3FFC];
	_ =	sdelay $0x3  }
0x94: {  	_ =	strace s2  }
0x95: {  	s2 =	sld [smem:$0x3FFD];
	_ =	sdelay $0x3  }
0x96: {  	_ =	strace s2  }
0x97: {  	_ =	strace $0x8FFFFFFF  }
0x98: {  	s18 =	sld [smem:$0x3FDB];
	_ =	sdelay $0x1  }
0x99: {  	s19 =	simm.s32 $_scs_section_size  }
0x9a: {  	s4 =	simm.s32 $_size__tile_overlayer_lowered;
	s5 =	simm.s32 $_tile_overlayer_lowered  }
0x9b: {  	s22 =	simm.s32 $0x1BFF;
	s21 =	sshll.u32 s5, $0x1;
	s2 =	sadd.s32 s19, s18  }
0x9c: {  	s6 =	simm.s32 $0x0;
	s20 =	sshll.u32 s4, $0x1;
	s4 =	sadd.s32 s21, s2  }
0x9d: {  	[timem:s6], [sflag:s22] =	dma.local [hbm:s4], s20  }
0x9e: {  	_ =	swait.ge [sflag:s22], s20  }
0x9f: {  	s3 =	ssub.s32 $0x0, s20;
	[sflag:s22] =	ssyncset.done $0x0  }
0xa0: {  	[sflag:s22] =	ssyncadd.s32 s3;
	_ =	sdelay $0x1  }
0xa1: {  	s23 =	simm.s32 $0x1B8B  }
0xa2: {  	_ =	swait.ge [sflag:s23], $0x1  }
0xa3: {  	[sflag:s23] =	ssyncset.done $0x0  }
0xa4: {  	s25 =	simm.s32 $0x1B8E;
	s24 =	sld [smem:$0x3FFE];
	[sflag:s23] =	ssyncadd.s32 $0xFFFFFFFF  }
0xa5: {  	s26 =	simm.s32 $execute0_lowered;
	[smem:$0x3FD2] =	sst s25  }
0xa6: {  	s4 =	sshll.u32 s26, $0x1;
	_ =	strace $0x80000055;
	[dreg:$0x1] =	wrdreg $0xFFFFFFFF  }
0xa7: {  	s28 =	simm.s32 $_size_execute0_lowered;
	s2 =	sadd.s32 s2, s4;
	[dreg:$0x0] =	wrdreg $0x0  }
0xa8: {  	s4 =	sshll.u32 s28, $0x1;
	[dreg:$0x2] =	wrdreg s2  }
0xa9: {  	[dreg:$0x3] =	wrdreg s4  }
0xaa: {  	[dreg:$0x4] =	wrdreg $0xC0  }
0xab: {  	_ =	task [dreg:s6], $0x5FFFF  }
0xac: {  	[dreg:$0x1] =	wrdreg $0xFFFFFFFF  }
0xad: {  	[dreg:$0x0] =	wrdreg $0x60  }
0xae: {  	[dreg:$0x2] =	wrdreg s24  }
0xaf: {  	[dreg:$0x3] =	wrdreg $0x9  }
0xb0: {  	_ =	task.clear_ibuf [dreg:s6], $0x4FFFF;
	_ =	strace $0x90000055  }
0xb1: {  	s29 =	simm.s32 $0x9;
	_ =	strace $0x80000057  }
0xb2: {  	_ =	swait.ge [sflag:s29], $0x1  }
0xb3: {  	[sflag:s29] =	ssyncadd.s32 $0xFFFFFFFF  }
0xb4: {  	_ =	strace $0x90000057  }
0xb5: {  	_ =	sfence  }
0xb6: {  	s30 =	sld [smem:$0x0];
	_ =	sdelay $0x2  }
0xb7: {  	s31 =	sshll.u32 s1, $0xD;
	s1 =	sshrl.u32 s1, $0x2  }
0xb8: {  	s3 =	sand.u32 $0x4000, s31;
	s1 =	sadd.s32 s1, s30  }
0xb9: {  	s0 =	sor.u32 s3, s0;
	s1 =	sshll.u32 s1, $0x11  }
0xba: {  	s0 =	sor.u32 s1, s0  }
0xbb: {  	s0 =	sadd.s32 $0x8F2B, s0  }
0xbc: {  	[sflag:s0] =	ssyncadd.remote.s32 $0x1  }
0xbd: {  	_ =	sfence.sel $0xFFFF  }
0xbe: {  	[dreg:$0x0] =	wrdreg $0xFFFFFFFF;
	(pc) =	sbr.abs _section_cstart, $3  }
0xbf: {  	[dreg:$0x1] =	wrdreg $0xFFFFFFFF  }
0xc0: {  	_ =	task.clear_ibuf [dreg:s6], $0x2FFFF;
	_ =	strace $0x9FFFFFFF  }
0xc1: {  	(tm) =	ssettm $0x7FFFFFFF  }
tec
execute0_lowered:
.L_overlay_start_1:
0x0: {  	(tag) =	ssettag $0x1  }
0x1: {  	s0 =	srdreg.scid  }
0x2: {  	s9 =	stileid.u32;
	s5 =	rddreg [dreg:$0x0];
	s2 =	simm.s32 $0x0  }
0x3: {  	s13 =	simm.s32 $0x2710;
	s14 =	simm.s32 $0x4E20;
	s15 =	simm.s32 $0x9E20  }
0x4: {  	s16 =	simm.s32 $0x50;
	s17 =	simm.s32 $0x1;
	s18 =	simm.s32 $0x2  }
0x5: {  	s19 =	simm.s32 $0x3;
	s20 =	simm.s32 $0x4;
	s21 =	simm.s32 $0x0  }
0x6: {  	s0 =	sand.u32 $0x1, s0;
	s1 =	sshll.u32 s9, $0x1;
	[smem:$0x7FF] =	sst s2  }
0x7: {  	s3 =	sadd.s32 $0x81200, s5;
	s11 =	sadd.s32 $0x305C00, s5;
	s12 =	smul.u32 $0x27100, s9  }
0x8: {  	s1 =	sor.u32 s0, s1;
	s7 =	ssub.s32 $0x2, s0;
	s0 =	smul.u32 $0x13880, s0  }
0x9: {  	s10 =	sadd.s32 $0x94C00, s5;
	_ =	strace $0x80000056;
	s4 =	smul.u32 $0x2710, s1  }
0xa: {  	s8 =	sshrl.u32 s7, $0x1;
	s1 =	smul.u32 $0x13880, s1;
	s30 =	sadd.s32 s12, s11  }
0xb: {  	s31 =	sadd.s32 s12, s10;
	s12 =	simm.s32 $0x5;
	s7 =	ssub.s32 s7, s8  }
0xc: {  	s6 =	sshrl.u32 s4, $0x3;
	s4 =	sadd.s32 $0x6D800, s5;
	s1 =	sadd.s32 $0x13600, s1  }
0xd: {  	s7 =	smax.u32 s7, $0x1;
	s6 =	sadd.s32 s6, s5;
	s8 =	sadd.s32 s10, s1  }
0xe: {  	s9 =	sadd.s32 s11, s1;
	s10 =	sadd.s32 s0, s30;
	s29 =	sadd.s32 $0xB800, s6  }
0xf: {  	s11 =	sadd.s32 s0, s31;
	s6 =	sadd.s32 $0x15600, s6;
	[dreg:$0x2] =	wrdreg s29  }
.LBB2_1:
0x10: {  	s0 =	rddreg [dreg:$0x2]  }
0x11: {  	[tilespmem:s2], [sflag:$0x5] =	stream.linear.gather [hbm4b:s0+s2], $0x2710, $0x38;
	[tilespmem:$0xEE20] =	vst v63  }
0x12: {  	_ =	swait.ge [sflag:s12], $0x2710  }
0x13: {  	[sflag:s12] =	ssyncset.done $0x0  }
0x14: {  	[sflag:s12] =	ssyncadd.s32 $0xFFFFD8F0  }
0x15: {  	[tilespmem:s13], [sflag:$0x5] =	stream.linear.gather [hbm4b:s6+s2], $0x2710, $0x38;
	[tilespmem:$0xEE20] =	vst v63  }
0x16: {  	_ =	swait.ge [sflag:s12], $0x2710  }
0x17: {  	[sflag:s12] =	ssyncset.done $0x0  }
0x18: {  	p0 =	por $0x1, $0x1;
	[sflag:s12] =	ssyncadd.s32 $0xFFFFD8F0  }
0x19: {  	[tilespmem:s14], [sflag:$0x1] =	stream.indirect.gather [hbm4b:s3+s16], $0x40, s2, s16, $0xb8;
	[tilespmem:$0xEE20] =	vst v63  }
0x1a: {  	s0 =	simm.s32 @!p0 $0x3  }
0x1b: {  	[tilespmem:s15], [sflag:$0x2] =	stream.indirect.gather [hbm4b:s4+s16], $0x40, s13, s16, $0xb8;
	[tilespmem:$0xEE20] =	vst v63  }
0x1c: {  	_ =	swait.ge @!p0 [sflag:s0], $0x1400  }
0x1d: {  	[sflag:s0] =	ssyncset.done @!p0 $0x0  }
0x1e: {  	s1 =	sand.u32 $0x3, s17;
	[sflag:s0] =	ssyncadd.s32 @!p0 $0xFFFFEC00;
	s0 =	simm.s32 @!p0 $0x4  }
0x1f: {  	s1 =	smul.u32 $0x1400, s1;
	_ =	swait.ge @!p0 [sflag:s0], $0x1400  }
0x20: {  	s24 =	simm.s32 $0x2760;
	[sflag:s0] =	ssyncset.done @!p0 $0x0  }
0x21: {  	s22 =	simm.s32 $0x0;
	s23 =	sadd.s32 $0x4E20, s1;
	[sflag:s0] =	ssyncadd.s32 @!p0 $0xFFFFEC00  }
0x22: {  	[tilespmem:s23], [sflag:$0x1] =	stream.indirect.gather [hbm4b:s3+s16], $0x40, s16, s16, $0xb8;
	[tilespmem:$0xEE20] =	vst v63  }
0x23: {  	s26 =	simm.s32 $0x2;
	s28 =	simm.s32 $0x3;
	s1 =	sadd.s32 $0x9E20, s1  }
0x24: {  	[tilespmem:s1], [sflag:$0x2] =	stream.indirect.gather [hbm4b:s4+s16], $0x40, s24, s16, $0xb8;
	[tilespmem:$0xEE20] =	vst v63  }
0x25: {  	s29 =	simm.s32 $0x1;
	s30 =	smov.u32 s11;
	_ =	swait.ge [sflag:s17], $0x1400  }
0x26: {  	s31 =	smov.u32 s10;
	s25 =	sand.u32 $0x3, s22;
	[sflag:s17] =	ssyncset.done $0x0  }
0x27: {  	s22 =	sadd.s32 $0x280, s10;
	s29 =	sand.u32 $0x3, s29;
	[sflag:s17] =	ssyncadd.s32 $0xFFFFEC00  }
0x28: {  	p0 =	por $0x1, $0x1;
	s1 =	smul.u32 $0x1400, s25;
	_ =	swait.ge [sflag:s18], $0x1400  }
0x29: {  	s23 =	sadd.s32 $0x280, s11;
	s24 =	simm.s32 $0xA0;
	[sflag:s18] =	ssyncset.done $0x0  }
0x2a: {  	s25 =	simm.s32 $0x27B0;
	s0 =	sadd.s32 $0x4E20, s1;
	[sflag:s18] =	ssyncadd.s32 $0xFFFFEC00  }
.LBB2_2:
0x2b: {  	[hbm4b:s30+s2] =	stream.linear.scatter [tilespmem:s0], [sflag:$0x3], $0x1400, $0x38;
	[tilespmem:$0xEE20] =	vst v63  }
0x2c: {  	s0 =	smov.u32 s28;
	s30 =	smov.u32 s23  }
0x2d: {  	s28 =	sadd.s32 $0x1, s28;
	s5 =	simm.s32 @!p0 $0x3;
	s1 =	sadd.s32 $0x9E20, s1  }
0x2e: {  	[hbm4b:s31+s2] =	stream.linear.scatter [tilespmem:s1], [sflag:$0x4], $0x1400, $0x38;
	[tilespmem:$0xEE20] =	vst v63  }
0x2f: {  	p1 =	sne.s32 s28, $0x7D;
	s31 =	smov.u32 s22;
	_ =	swait.ge @!p0 [sflag:s5], $0x1400  }
0x30: {  	[sflag:s5] =	ssyncset.done @!p0 $0x0  }
0x31: {  	s1 =	sand.u32 $0x3, s26;
	[sflag:s5] =	ssyncadd.s32 @!p0 $0xFFFFEC00;
	s5 =	simm.s32 @!p0 $0x4  }
0x32: {  	s26 =	smov.u32 s0;
	s1 =	smul.u32 $0x1400, s1;
	_ =	swait.ge @!p0 [sflag:s5], $0x1400  }
0x33: {  	[sflag:s5] =	ssyncset.done @!p0 $0x0  }
0x34: {  	s0 =	sadd.s32 $0x4E20, s1;
	[sflag:s5] =	ssyncadd.s32 @!p0 $0xFFFFEC00  }
0x35: {  	[tilespmem:s0], [sflag:$0x1] =	stream.indirect.gather [hbm4b:s3+s16], $0x40, s24, s16, $0xb8;
	[tilespmem:$0xEE20] =	vst v63  }
0x36: {  	s0 =	sadd.s32 $0x9E20, s1  }
0x37: {  	[tilespmem:s0], [sflag:$0x2] =	stream.indirect.gather [hbm4b:s4+s16], $0x40, s25, s16, $0xb8;
	[tilespmem:$0xEE20] =	vst v63  }
0x38: {  	_ =	swait.ge [sflag:s17], $0x1400  }
.Ltmp0:
0x39: {  	s24 =	sadd.s32 $0x50, s24;
	[sflag:s17] =	ssyncset.done $0x0;
	(pc) =	sbr.rel @p1 .LBB2_2-.Ltmp0, $4  }
0x3a: {  	s1 =	smul.u32 $0x1400, s29;
	s25 =	sadd.s32 $0x50, s25;
	[sflag:s17] =	ssyncadd.s32 $0xFFFFEC00  }
0x3b: {  	s23 =	sadd.s32 $0x280, s23;
	s22 =	sadd.s32 $0x280, s22;
	_ =	swait.ge [sflag:s18], $0x1400  }
0x3c: {  	s5 =	sadd.s32 $0xFFFFFFFF, s26;
	s0 =	sadd.s32 $0x4E20, s1;
	[sflag:s18] =	ssyncset.done $0x0  }
0x3d: {  	s29 =	sand.u32 $0x3, s5;
	p0 =	slt.u32 s5, $0x3;
	[sflag:s18] =	ssyncadd.s32 $0xFFFFEC00  }
0x3e: {  	[hbm4b:s30+s2] =	stream.linear.scatter [tilespmem:s0], [sflag:$0x3], $0x1400, $0x38;
	[tilespmem:$0xEE20] =	vst v63  }
0x3f: {  	s0 =	simm.s32 @!p0 $0x3;
	s1 =	sadd.s32 $0x9E20, s1  }
0x40: {  	[hbm4b:s31+s2] =	stream.linear.scatter [tilespmem:s1], [sflag:$0x4], $0x1400, $0x38;
	[tilespmem:$0xEE20] =	vst v63  }
0x41: {  	_ =	swait.ge @!p0 [sflag:s0], $0x1400  }
0x42: {  	[sflag:s0] =	ssyncset.done @!p0 $0x0  }
0x43: {  	s5 =	sand.u32 $0x3, s26;
	[sflag:s0] =	ssyncadd.s32 @!p0 $0xFFFFEC00;
	s0 =	simm.s32 @!p0 $0x4  }
0x44: {  	s1 =	smul.u32 $0x1400, s5;
	_ =	swait.ge @!p0 [sflag:s0], $0x1400  }
0x45: {  	[sflag:s0] =	ssyncset.done @!p0 $0x0  }
0x46: {  	s26 =	sadd.s32 $0x4E20, s1;
	[sflag:s0] =	ssyncadd.s32 @!p0 $0xFFFFEC00  }
0x47: {  	[tilespmem:s26], [sflag:$0x1] =	stream.indirect.gather [hbm4b:s3+s16], $0x40, s24, s16, $0xb8;
	[tilespmem:$0xEE20] =	vst v63  }
0x48: {  	s28 =	sadd.s32 $0x9E20, s1  }
0x49: {  	[tilespmem:s28], [sflag:$0x2] =	stream.indirect.gather [hbm4b:s4+s16], $0x40, s25, s16, $0xb8;
	[tilespmem:$0xEE20] =	vst v63  }
0x4a: {  	_ =	swait.ge [sflag:s17], $0x1400  }
0x4b: {  	[sflag:s17] =	ssyncset.done $0x0  }
0x4c: {  	[sflag:s17] =	ssyncadd.s32 $0xFFFFEC00  }
0x4d: {  	s30 =	smul.u32 $0x1400, s29;
	_ =	swait.ge [sflag:s18], $0x1400  }
0x4e: {  	[sflag:s18] =	ssyncset.done $0x0  }
0x4f: {  	s31 =	sadd.s32 $0x4E20, s30;
	[sflag:s18] =	ssyncadd.s32 $0xFFFFEC00  }
0x50: {  	[hbm4b:s23+s2] =	stream.linear.scatter [tilespmem:s31], [sflag:$0x3], $0x1400, $0x38;
	[tilespmem:$0xEE20] =	vst v63  }
0x51: {  	s0 =	sadd.s32 $0x9E20, s30  }
0x52: {  	[hbm4b:s22+s2] =	stream.linear.scatter [tilespmem:s0], [sflag:$0x4], $0x1400, $0x38;
	[tilespmem:$0xEE20] =	vst v63  }
0x53: {  	_ =	swait.ge [sflag:s17], $0x1400  }
0x54: {  	[sflag:s17] =	ssyncset.done $0x0  }
0x55: {  	[sflag:s17] =	ssyncadd.s32 $0xFFFFEC00  }
0x56: {  	_ =	swait.ge [sflag:s18], $0x1400  }
0x57: {  	[sflag:s18] =	ssyncset.done $0x0  }
0x58: {  	[sflag:s18] =	ssyncadd.s32 $0xFFFFEC00  }
0x59: {  	[hbm4b:s8+s2] =	stream.linear.scatter [tilespmem:s14], [sflag:$0x3], $0x1400, $0x38;
	[tilespmem:$0xEE20] =	vst v63  }
0x5a: {  	_ = 	snop  }
0x5b: {  	[hbm4b:s9+s2] =	stream.linear.scatter [tilespmem:s15], [sflag:$0x4], $0x1400, $0x38;
	[tilespmem:$0xEE20] =	vst v63  }
0x5c: {  	_ =	swait.ge [sflag:s19], $0x1400  }
0x5d: {  	[sflag:s19] =	ssyncset.done $0x0  }
0x5e: {  	[sflag:s19] =	ssyncadd.s32 $0xFFFFEC00  }
0x5f: {  	_ =	swait.ge [sflag:s20], $0x1400  }
0x60: {  	[sflag:s20] =	ssyncset.done $0x0  }
0x61: {  	[sflag:s20] =	ssyncadd.s32 $0xFFFFEC00  }
0x62: {  	_ =	swait.ge [sflag:s19], $0x1400  }
0x63: {  	[sflag:s19] =	ssyncset.done $0x0  }
0x64: {  	[sflag:s19] =	ssyncadd.s32 $0xFFFFEC00  }
0x65: {  	_ =	swait.ge [sflag:s20], $0x1400  }
0x66: {  	[sflag:s20] =	ssyncset.done $0x0  }
0x67: {  	[sflag:s20] =	ssyncadd.s32 $0xFFFFEC00  }
0x68: {  	_ =	swait.ge [sflag:s19], $0x1400  }
0x69: {  	[sflag:s19] =	ssyncset.done $0x0  }
0x6a: {  	[sflag:s19] =	ssyncadd.s32 $0xFFFFEC00  }
0x6b: {  	_ =	swait.ge [sflag:s20], $0x1400  }
0x6c: {  	[sflag:s20] =	ssyncset.done $0x0  }
0x6d: {  	s21 =	sadd.s32 $0x1, s21;
	[sflag:s20] =	ssyncadd.s32 $0xFFFFEC00  }
0x6e: {  	p0 =	sne.s32 s21, s7;
	_ =	swait.ge [sflag:s19], $0x1400  }
.Ltmp1:
0x6f: {  	[sflag:s19] =	ssyncset.done $0x0;
	(pc) =	sbr.rel @p0 .LBB2_1-.Ltmp1, $4  }
0x70: {  	[sflag:s19] =	ssyncadd.s32 $0xFFFFEC00  }
0x71: {  	_ =	swait.ge [sflag:s20], $0x1400  }
0x72: {  	[sflag:s20] =	ssyncset.done $0x0  }
0x73: {  	[sflag:s20] =	ssyncadd.s32 $0xFFFFEC00  }
0x74: {  	_ =	sfence.sel $0x180000  }
0x75: {  	[bflag:$0x0] =	sbarrier.arrive $0xFFFF  }
0x76: {  	_ =	strace $0x90000056  }
0x77: {  	s0 =	stileid.u32;
	[bflag:$0x2] =	sbarrier.arrive $0xFFFF  }
0x78: {  	p0 =	sne.s32 s0, $0x0;
	s0 =	rddreg [dreg:$0x1]  }
0x79: {  	s0 =	sadd.s32 @!p0 $0x100000, s0  }
0x7a: {  	[sflag:s0] =	ssyncadd.tile.s32 @!p0 $0x1;
	_ =	shalt  }
.Lfunc_end2:
_tile_overlayer_lowered:
.L_overlay_start_2:
0x7b: {  	(tag) =	ssettag $0x2  }
0x7c: {  	s0 =	rddreg [dreg:$0x0];
	s2 =	stileid.u32  }
0x7d: {  	s1 =	rddreg [dreg:$0x1];
	p0 =	sne.s32 s2, $0x0  }
0x7e: {  	s3 =	rddreg [dreg:$0x2];
	[bflag:$0x3] =	sbarrier.arrive $0xFFFF;
	s2 =	simm.s32 @!p0 $0x1C05  }
0x7f: {  	[timem:s3], [sflag:s2] =	dma.local @!p0 [hbm:s0], s1  }
0x80: {  	s0 =	simm.s32 @!p0 $0x5  }
0x81: {  	_ =	swait.ge @!p0 [sflag:s0], s1  }
0x82: {  	s1 =	ssub.s32 @!p0 $0x0, s1;
	[sflag:s0] =	ssyncset.done @!p0 $0x0  }
0x83: {  	[sflag:s0] =	ssyncadd.s32 @!p0 s1  }
0x84: {  	[bflag:$0x3] =	sbarrier.arrive $0xFFFF  }
0x85: {  	_ =	shalt  }

// kernel: kernel.34.cloned.1.call-start
scs
__scs_entry_jumppad:
0x0: {  	(pc) =	sbr.rel $0x88, $3  }
0x1: {  	(tag) =	ssettag $0x0;
	lr =	simm.s32 $0x1  }
0x2: {  	[smem:$0x3F8C] =	sst lr;
	_ =	strace $0xD0000000  }
0x3: {  	_ = 	snop  }
0x4: {  	_ = 	snop  }
0x5: {  	_ = 	snop  }
0x6: {  	_ = 	snop  }
0x7: {  	_ = 	snop  }
__scs_overlays_trampoline_lowered:
0x8: {  	[smem:$0x3F9B] =	sst s0  }
0x9: {  	[smem:$0x3F9C] =	sst s1  }
0xa: {  	[smem:$0x3F9D] =	sst s2  }
0xb: {  	[smem:$0x3F9E] =	sst s3  }
0xc: {  	[smem:$0x3F9F] =	sst s4  }
0xd: {  	[smem:$0x3FA0] =	sst s5  }
0xe: {  	[smem:$0x3FA1] =	sst s6  }
0xf: {  	[smem:$0x3FA2] =	sst s7  }
0x10: {  	[smem:$0x3FA3] =	sst s8  }
0x11: {  	[smem:$0x3FA4] =	sst s9;
	s0 =	simm.s32 @!p0 $0x0  }
0x12: {  	s1 =	sld [smem:$0x3F8A];
	s0 =	simm.s32 @p0 $0x1  }
0x13: {  	[smem:$0x3FA5] =	sst s0;
	s0 =	simm.s32 @!p1 $0x0  }
0x14: {  	s2 =	sld [smem:$0x3F89];
	s0 =	simm.s32 @p1 $0x1  }
0x15: {  	[smem:$0x3FA6] =	sst s0;
	s0 =	simm.s32 @!p2 $0x0  }
0x16: {  	s3 =	sld [smem:$0x3FDB];
	s0 =	simm.s32 @p2 $0x1  }
0x17: {  	s4 =	simm.s32 $0x1BF5;
	[smem:$0x3FA8] =	sst s0  }
0x18: {  	s0 =	sld [smem:$0x3F8B];
	_ =	swait.ge [sflag:s4], $0x0  }
0x19: {  	s7 =	sld [smem:$0x3F8C]  }
0x1a: {  	s8 =	sadd.s32 $0xFFFFE003, lr  }
0x1b: {  	s9 =	sadd.s32 $0xFFFFFEF7, lr;
	s5 =	simm.s32 $0xFFFFFFFF;
	p2 =	slt.u32 s8, $0xFFFFF086  }
0x1c: {  	p1 =	slt.u32 s9, $0xF7A;
	s5 =	simm.s32 @!p2 $0x0  }
0x1d: {  	s5 =	simm.s32 @p1 $0x1;
	p0 =	seq.s32 s7, s2  }
0x1e: {  	s7 =	smul.u32 @!p0 $0xF7A, s2;
	p2 =	seq.s32 @!p0 s5, $0x0  }
0x1f: {  	s9 =	smul.u32 $0xF7A, s1;
	s8 =	simm.s32 @!p0 $0x1BF5;
	p2 =	por !p2, p0  }
0x20: {  	[sflag:s8] =	ssyncset.s32 @!p0 $0xFFFFF086;
	s6 =	sadd.s32 @!p0 s3, s7;
	s7 =	simm.s32 @!p0 $0x108  }
0x21: {  	s3 =	sadd.s32 s3, s9;
	s6 =	sadd.s32 @!p0 $0x88, s6;
	s7 =	simm.s32 @p2 $0x1082  }
0x22: {  	[simem:s7], [sflag:s8] =	dma.local @!p0 [hbm:s6], $0xF7A  }
0x23: {  	s9 =	sor.u32 $0xD0000000, s2;
	s6 =	simm.s32 $0x108;
	_ =	swait.ge @!p0 [sflag:s8], $0x0  }
0x24: {  	s3 =	sadd.s32 $0x88, s3;
	s6 =	simm.s32 @!p1 $0x1082;
	[sflag:s4] =	ssyncset.s32 $0xFFFFF086  }
0x25: {  	[simem:s6], [sflag:s4] =	dma.local [hbm:s3], $0xF7A  }
0x26: {  	[smem:$0x3F8C] =	sst s1;
	(tag) =	ssettag s2;
	_ =	strace s9  }
0x27: {  	s1 =	sld [smem:$0x3F9C]  }
0x28: {  	s2 =	sld [smem:$0x3F9D]  }
0x29: {  	s4 =	sld [smem:$0x3F9F]  }
0x2a: {  	p0 =	seq.s32 s5, $0x0;
	s5 =	sld [smem:$0x3FA0]  }
0x2b: {  	s6 =	sld [smem:$0x3FA1]  }
0x2c: {  	s7 =	sld [smem:$0x3FA2]  }
0x2d: {  	s3 =	simm.s32 $0x108;
	s8 =	sld [smem:$0x3FA3]  }
0x2e: {  	s3 =	simm.s32 @!p0 $0x1082;
	s9 =	sld [smem:$0x3FA4]  }
0x2f: {  	lr =	sadd.s32 s0, s3;
	s0 =	sld [smem:$0x3F9B]  }
0x30: {  	s3 =	sld [smem:$0x3F9E]  }
0x31: {  	[smem:$0x3FA7] =	sst s10  }
0x32: {  	s10 =	sld [smem:$0x3FA5];
	_ =	sdelay $0x3  }
0x33: {  	p0 =	seq.s32 s10, $0x1;
	s10 =	sld [smem:$0x3FA7];
	_ =	sdelay $0x3  }
0x34: {  	[smem:$0x3FA7] =	sst s10  }
0x35: {  	s10 =	sld [smem:$0x3FA6];
	_ =	sdelay $0x3  }
0x36: {  	p1 =	seq.s32 s10, $0x1;
	s10 =	sld [smem:$0x3FA7];
	_ =	sdelay $0x3  }
0x37: {  	[smem:$0x3FA7] =	sst s10  }
0x38: {  	s10 =	sld [smem:$0x3FA8]  }
0x39: {  	_ = 	snop;
	(pc) =	sbr.ind lr, $3  }
0x3a: {  	_ = 	snop  }
0x3b: {  	_ = 	snop  }
0x3c: {  	p2 =	seq.s32 s10, $0x1;
	s10 =	sld [smem:$0x3FA7]  }
0x3d: {  	_ =	shalt  }
0x3e: {  	_ =	shalt  }
0x3f: {  	_ =	shalt  }
0x40: {  	_ =	shalt  }
0x41: {  	_ =	shalt  }
0x42: {  	_ =	shalt  }
0x43: {  	_ =	shalt  }
0x44: {  	_ =	shalt  }
0x45: {  	_ =	shalt  }
0x46: {  	_ =	shalt  }
0x47: {  	_ =	shalt  }
0x48: {  	_ =	shalt  }
0x49: {  	_ =	shalt  }
0x4a: {  	_ =	shalt  }
0x4b: {  	_ =	shalt  }
0x4c: {  	_ =	shalt  }
0x4d: {  	_ =	shalt  }
0x4e: {  	_ =	shalt  }
0x4f: {  	_ =	shalt  }
0x50: {  	_ =	shalt  }
0x51: {  	_ =	shalt  }
0x52: {  	_ =	shalt  }
0x53: {  	_ =	shalt  }
0x54: {  	_ =	shalt  }
0x55: {  	_ =	shalt  }
0x56: {  	_ =	shalt  }
0x57: {  	_ =	shalt  }
0x58: {  	_ =	shalt  }
0x59: {  	_ =	shalt  }
0x5a: {  	_ =	shalt  }
0x5b: {  	_ =	shalt  }
0x5c: {  	_ =	shalt  }
0x5d: {  	_ =	shalt  }
0x5e: {  	_ =	shalt  }
0x5f: {  	_ =	shalt  }
0x60: {  	_ =	shalt  }
0x61: {  	_ =	shalt  }
0x62: {  	_ =	shalt  }
0x63: {  	_ =	shalt  }
0x64: {  	_ =	shalt  }
0x65: {  	_ =	shalt  }
0x66: {  	_ =	shalt  }
0x67: {  	_ =	shalt  }
0x68: {  	_ =	shalt  }
0x69: {  	_ =	shalt  }
0x6a: {  	_ =	shalt  }
0x6b: {  	_ =	shalt  }
0x6c: {  	_ =	shalt  }
0x6d: {  	_ =	shalt  }
0x6e: {  	_ =	shalt  }
0x6f: {  	_ =	shalt  }
0x70: {  	_ =	shalt  }
0x71: {  	_ =	shalt  }
0x72: {  	_ =	shalt  }
0x73: {  	_ =	shalt  }
0x74: {  	_ =	shalt  }
0x75: {  	_ =	shalt  }
0x76: {  	_ =	shalt  }
0x77: {  	_ =	shalt  }
0x78: {  	_ =	shalt  }
0x79: {  	_ =	shalt  }
0x7a: {  	_ =	shalt  }
0x7b: {  	_ =	shalt  }
0x7c: {  	_ =	shalt  }
0x7d: {  	_ =	shalt  }
0x7e: {  	_ =	shalt  }
0x7f: {  	_ =	shalt  }
0x80: {  	_ =	shalt  }
0x81: {  	_ =	shalt  }
0x82: {  	_ =	shalt  }
0x83: {  	_ =	shalt  }
0x84: {  	_ =	shalt  }
0x85: {  	_ =	shalt  }
0x86: {  	_ =	shalt  }
0x87: {  	_ =	shalt  }
.Lfunc_end0:
.L_simem_size_0:
called_computation.7_lowered:
.L_overlay_start_0:
0x88: {  	s2 =	sld [smem:$0x3FD9]  }
0x89: {  	s3 =	sld [smem:$0x3FFE];
	_ =	sdelay $0x1  }
0x8a: {  	s1 =	srdreg.scid  }
0x8b: {  	s0 =	sand.u32 $0x1, s1  }
0x8c: {  	s14 =	sshll.u32 s0, $0xA;
	s2 =	sadd.s32 s3, s2  }
0x8d: {  	s2 =	sadd.s32 s2, s14  }
0x8e: {  	[smem:$0x3FB3] =	sst s2  }
0x8f: {  	_ = 	snop  }
0x90: {  	s2 =	sld [smem:$0x3FD0];
	_ =	sdelay $0x2  }
0x91: {  	s15 =	simm.s32 $0xB;
	s4 =	simm.s32 $0x10  }
0x92: {  	[smem:s4], [sflag:s15] =	dma.local [hbm:s2], $0x1  }
0x93: {  	_ =	swait.eq [sflag:s15], $0x1  }
0x94: {  	[sflag:s15] =	ssyncset.done $0x0  }
0x95: {  	[sflag:s15] =	ssyncadd.s32 $0xFFFFFFFF  }
0x96: {  	s16 =	sld [smem:$0x10];
	(tm) =	ssettm $0x1  }
0x97: {  	s17 =	sld [smem:$0x3FFB];
	_ =	sdelay $0x3  }
0x98: {  	_ =	strace s17  }
0x99: {  	s3 =	sld [smem:$0x3FFC];
	_ =	sdelay $0x3  }
0x9a: {  	_ =	strace s3  }
0x9b: {  	s3 =	sld [smem:$0x3FFD];
	_ =	sdelay $0x3  }
0x9c: {  	_ =	strace s3  }
0x9d: {  	_ =	strace $0x8FFFFFFF  }
0x9e: {  	s18 =	sld [smem:$0x3FDB];
	_ =	sdelay $0x1  }
0x9f: {  	s19 =	simm.s32 $_scs_section_size  }
0xa0: {  	s5 =	simm.s32 $_size__tile_overlayer_lowered;
	s6 =	simm.s32 $_tile_overlayer_lowered  }
0xa1: {  	s22 =	simm.s32 $0x1BFF;
	s21 =	sshll.u32 s6, $0x1;
	s3 =	sadd.s32 s19, s18  }
0xa2: {  	s7 =	simm.s32 $0x0;
	s20 =	sshll.u32 s5, $0x1;
	s5 =	sadd.s32 s21, s3  }
0xa3: {  	[timem:s7], [sflag:s22] =	dma.local [hbm:s5], s20  }
0xa4: {  	_ =	swait.ge [sflag:s22], s20  }
0xa5: {  	s4 =	ssub.s32 $0x0, s20;
	[sflag:s22] =	ssyncset.done $0x0  }
0xa6: {  	[sflag:s22] =	ssyncadd.s32 s4;
	_ =	sdelay $0x1  }
0xa7: {  	s23 =	simm.s32 $0x1B8B  }
0xa8: {  	_ =	swait.ge [sflag:s23], $0x1  }
0xa9: {  	[sflag:s23] =	ssyncset.done $0x0  }
0xaa: {  	s25 =	simm.s32 $0x1B8E;
	s24 =	sld [smem:$0x3FFE];
	[sflag:s23] =	ssyncadd.s32 $0xFFFFFFFF  }
0xab: {  	s26 =	simm.s32 $execute0_lowered;
	[smem:$0x3FD2] =	sst s25  }
0xac: {  	s5 =	sshll.u32 s26, $0x1;
	_ =	strace $0x80000058;
	[dreg:$0x1] =	wrdreg $0xFFFFFFFF  }
0xad: {  	s28 =	simm.s32 $_size_execute0_lowered;
	s3 =	sadd.s32 s3, s5;
	[dreg:$0x0] =	wrdreg $0x0  }
0xae: {  	s5 =	sshll.u32 s28, $0x1;
	[dreg:$0x2] =	wrdreg s3  }
0xaf: {  	[dreg:$0x3] =	wrdreg s5  }
0xb0: {  	[dreg:$0x4] =	wrdreg $0xC0  }
0xb1: {  	_ =	task [dreg:s7], $0x5FFFF  }
0xb2: {  	[dreg:$0x1] =	wrdreg $0xFFFFFFFF  }
0xb3: {  	[dreg:$0x0] =	wrdreg $0x60  }
0xb4: {  	[dreg:$0x2] =	wrdreg s24  }
0xb5: {  	[dreg:$0x3] =	wrdreg s16  }
0xb6: {  	[dreg:$0x4] =	wrdreg $0x77100  }
0xb7: {  	[dreg:$0x5] =	wrdreg $0xA  }
0xb8: {  	_ =	task.clear_ibuf [dreg:s7], $0x6FFFF;
	_ =	strace $0x90000058  }
0xb9: {  	s29 =	simm.s32 $0xA;
	_ =	strace $0x8000005A  }
0xba: {  	_ =	swait.ge [sflag:s29], $0x1  }
0xbb: {  	[sflag:s29] =	ssyncadd.s32 $0xFFFFFFFF  }
0xbc: {  	_ =	strace $0x9000005A  }
0xbd: {  	_ =	sfence  }
0xbe: {  	s30 =	sld [smem:$0x0];
	_ =	sdelay $0x2  }
0xbf: {  	s31 =	sshll.u32 s1, $0xD;
	s1 =	sshrl.u32 s1, $0x2  }
0xc0: {  	s3 =	sand.u32 $0x4000, s31;
	s1 =	sadd.s32 s1, s30  }
0xc1: {  	s0 =	sor.u32 s3, s0;
	s1 =	sshll.u32 s1, $0x11  }
0xc2: {  	s0 =	sor.u32 s1, s0  }
0xc3: {  	s0 =	sadd.s32 $0x8F2B, s0  }
0xc4: {  	[sflag:s0] =	ssyncadd.remote.s32 $0x1  }
0xc5: {  	_ =	sfence.sel $0xFFFF  }
0xc6: {  	[dreg:$0x0] =	wrdreg $0xFFFFFFFF;
	(pc) =	sbr.abs _section_cstart, $3  }
0xc7: {  	[dreg:$0x1] =	wrdreg $0xFFFFFFFF  }
0xc8: {  	_ =	task.clear_ibuf [dreg:s7], $0x2FFFF;
	_ =	strace $0x9FFFFFFF  }
0xc9: {  	(tm) =	ssettm $0x7FFFFFFF  }
tec
execute0_lowered:
.L_overlay_start_1:
0x0: {  	(tag) =	ssettag $0x1  }
0x1: {  	s4 =	rddreg [dreg:$0x0]  }
0x2: {  	s1 =	srdreg.scid;
	s6 =	rddreg [dreg:$0x1]  }
0x3: {  	s0 =	stileid.u32;
	s2 =	rddreg [dreg:$0x2]  }
0x4: {  	s3 =	simm.s32 $0x0;
	s16 =	simm.s32 $0x2710;
	s17 =	simm.s32 $0x3B10  }
0x5: {  	s18 =	simm.s32 $0x1;
	s19 =	simm.s32 $0x50;
	s20 =	simm.s32 $0x4F10  }
0x6: {  	s21 =	simm.s32 $0x6310;
	s22 =	simm.s32 $0xA0;
	s23 =	simm.s32 $0x2  }
0x7: {  	s24 =	simm.s32 $0x0;
	s5 =	sand.u32 $0x1, s1;
	s9 =	smul.u32 $0x9C40, s0  }
0x8: {  	s28 =	sshll.u32 s0, $0x1;
	[smem:$0x7FF] =	sst s3;
	s12 =	smul.u32 $0x4E20, s0  }
0x9: {  	s13 =	sadd.s32 $0x7E7C00, s4;
	s31 =	sshll.u32 s0, $0x6;
	s10 =	smul.u32 $0x9C400, s5  }
0xa: {  	s7 =	sor.u32 s5, s28;
	_ =	strace $0x80000059;
	s15 =	smul.u32 $0x2710, s5  }
0xb: {  	s11 =	ssub.s32 $0x2, s5;
	s5 =	sor.u32 $0x1C03, s31;
	s8 =	smul.u32 $0x2710, s7  }
0xc: {  	s29 =	sshrl.u32 s11, $0x1;
	s7 =	smul.u32 $0x13880, s7;
	s14 =	sadd.s32 s9, s2  }
0xd: {  	s30 =	sshrl.u32 s9, $0x3;
	s10 =	sadd.s32 s9, s10;
	s11 =	ssub.s32 s11, s29  }
0xe: {  	s12 =	sadd.s32 s15, s12;
	s14 =	sshrl.u32 s14, $0x3;
	s8 =	sshrl.u32 s8, $0x3  }
0xf: {  	s10 =	sshrl.u32 s10, $0x3;
	s7 =	sadd.s32 s13, s7;
	s9 =	smax.u32 s11, $0x1  }
0x10: {  	s15 =	sshll.u32 s12, $0x3;
	s8 =	sadd.s32 s8, s4;
	s10 =	sadd.s32 s10, s4  }
0x11: {  	s4 =	sadd.s32 s6, s30;
	s11 =	sadd.s32 $0x500, s7;
	s12 =	sadd.s32 $0x780, s7  }
0x12: {  	s13 =	sadd.s32 s13, s15;
	s15 =	simm.s32 $0x3;
	s6 =	sadd.s32 $0x15600, s8  }
0x13: {  	s8 =	sadd.s32 $0x6D800, s10;
	s10 =	sadd.s32 $0x280, s7;
	s13 =	sadd.s32 $0xA00, s13  }
.LBB2_1:
0x14: {  	[spmem:s14], [sflag:s5] =	dma.local [hbm:s4], $0x1388  }
0x15: {  	_ =	swait.ge [sflag:s15], $0x1388  }
0x16: {  	[sflag:s15] =	ssyncset.done $0x0  }
0x17: {  	[sflag:s15] =	ssyncadd.s32 $0xFFFFEC78  }
0x18: {  	[tilespmem:s3], [sflag:$0x3] =	stream.linear.gather [hbm4b:s6+s3], $0x2710, $0x38;
	[tilespmem:$0x11350] =	vst v63  }
0x19: {  	_ =	swait.ge [sflag:s15], $0x2710  }
0x1a: {  	[sflag:s15] =	ssyncset.done $0x0  }
0x1b: {  	[sflag:s15] =	ssyncadd.s32 $0xFFFFD8F0  }
0x1c: {  	[bflag:$0x0] =	sbarrier.arrive $0xFFFF  }
0x1d: {  	[tilespmem:s16], [sflag:$0x1] =	stream.linear.gather [hbm4b:s7+s3], $0x1400, $0x38;
	[tilespmem:$0x11350] =	vst v63  }
0x1e: {  	_ = 	snop  }
0x1f: {  	[tilespmem:s17], [sflag:$0x1] =	stream.linear.gather [hbm4b:s10+s3], $0x1400, $0x38;
	[tilespmem:$0x11350] =	vst v63  }
0x20: {  	_ =	swait.ge [sflag:s18], $0x1400  }
0x21: {  	[sflag:s18] =	ssyncset.done $0x0  }
0x22: {  	[sflag:s18] =	ssyncadd.s32 $0xFFFFEC00  }
0x23: {  	[spmem:s2] =	stream.indirect.scatter.add.f32 [tilespmem:s16], [sflag:$0x2], $0x40, s3, s19, $0xb8;
	[tilespmem:$0x11350] =	vst v63  }
0x24: {  	_ = 	snop  }
0x25: {  	[tilespmem:s20], [sflag:$0x1] =	stream.linear.gather [hbm4b:s11+s3], $0x1400, $0x38;
	[tilespmem:$0x11350] =	vst v63  }
0x26: {  	_ =	swait.ge [sflag:s18], $0x1400  }
0x27: {  	[sflag:s18] =	ssyncset.done $0x0  }
0x28: {  	[sflag:s18] =	ssyncadd.s32 $0xFFFFEC00  }
0x29: {  	[spmem:s2] =	stream.indirect.scatter.add.f32 [tilespmem:s17], [sflag:$0x2], $0x40, s19, s19, $0xb8;
	[tilespmem:$0x11350] =	vst v63  }
0x2a: {  	_ = 	snop  }
0x2b: {  	[tilespmem:s21], [sflag:$0x1] =	stream.linear.gather [hbm4b:s12+s3], $0x1400, $0x38;
	[tilespmem:$0x11350] =	vst v63  }
0x2c: {  	s25 =	simm.s32 $0x4;
	_ =	swait.ge [sflag:s18], $0x1400  }
0x2d: {  	s25 =	sand.u32 $0x3, s25;
	[sflag:s18] =	ssyncset.done $0x0  }
0x2e: {  	s25 =	smul.u32 $0x5000, s25;
	[sflag:s18] =	ssyncadd.s32 $0xFFFFEC00  }
0x2f: {  	[spmem:s2] =	stream.indirect.scatter.add.f32 [tilespmem:s20], [sflag:$0x2], $0x40, s22, s19, $0xb8;
	[tilespmem:$0x11350] =	vst v63  }
0x30: {  	s26 =	simm.s32 $0x3;
	_ =	swait.ge [sflag:s23], $0x1400  }
0x31: {  	s26 =	sand.u32 $0x3, s26;
	s25 =	sshrl.u32 s25, $0x2;
	[sflag:s23] =	ssyncset.done $0x0  }
0x32: {  	s28 =	smul.u32 $0x5000, s26;
	s25 =	sadd.s32 $0x2710, s25;
	[sflag:s23] =	ssyncadd.s32 $0xFFFFEC00  }
0x33: {  	[tilespmem:s25], [sflag:$0x1] =	stream.linear.gather [hbm4b:s13+s3], $0x1400, $0x38;
	[tilespmem:$0x11350] =	vst v63  }
0x34: {  	s29 =	simm.s32 $0xF0;
	_ =	swait.ge [sflag:s18], $0x1400  }
0x35: {  	s26 =	simm.s32 $0x5;
	s30 =	sshrl.u32 s28, $0x2;
	[sflag:s18] =	ssyncset.done $0x0  }
0x36: {  	s28 =	sadd.s32 $0x280, s13;
	s25 =	simm.s32 $0xF0;
	[sflag:s18] =	ssyncadd.s32 $0xFFFFEC00  }
.LBB2_2:
0x37: {  	s31 =	sand.u32 $0x3, s26  }
0x38: {  	s30 =	sadd.s32 $0x2710, s30;
	s25 =	sadd.s32 $0x50, s25;
	s1 =	smov.u32 s26  }
0x39: {  	[spmem:s2] =	stream.indirect.scatter.add.f32 [tilespmem:s30], [sflag:$0x2], $0x40, s29, s19, $0xb8;
	[tilespmem:$0x11350] =	vst v63  }
0x3a: {  	p0 =	sne.s32 s26, $0x7C;
	s26 =	sadd.s32 $0x1, s26;
	s30 =	smul.u32 $0x5000, s31  }
0x3b: {  	s29 =	smov.u32 s25;
	s1 =	sadd.s32 $0xFFFFFFFF, s1;
	_ =	swait.ge [sflag:s23], $0x1400  }
0x3c: {  	s1 =	sand.u32 $0x3, s1;
	s30 =	sshrl.u32 s30, $0x2;
	[sflag:s23] =	ssyncset.done $0x0  }
.Ltmp0:
0x3d: {  	s30 =	sadd.s32 $0x2710, s30;
	[sflag:s23] =	ssyncadd.s32 $0xFFFFEC00;
	(pc) =	sbr.rel @p0 .LBB2_2-.Ltmp0, $4  }
0x3e: {  	[tilespmem:s30], [sflag:$0x1] =	stream.linear.gather [hbm4b:s28+s3], $0x1400, $0x38;
	[tilespmem:$0x11350] =	vst v63  }
0x3f: {  	s1 =	smul.u32 $0x5000, s1;
	_ =	swait.ge [sflag:s18], $0x1400  }
0x40: {  	[sflag:s18] =	ssyncset.done $0x0  }
0x41: {  	s30 =	sshrl.u32 s1, $0x2;
	s28 =	sadd.s32 $0x280, s28;
	[sflag:s18] =	ssyncadd.s32 $0xFFFFEC00  }
0x42: {  	s1 =	sadd.s32 $0x2710, s30  }
0x43: {  	[spmem:s2] =	stream.indirect.scatter.add.f32 [tilespmem:s1], [sflag:$0x2], $0x40, s29, s19, $0xb8;
	[tilespmem:$0x11350] =	vst v63  }
0x44: {  	_ =	swait.ge [sflag:s18], $0x1400  }
0x45: {  	[sflag:s18] =	ssyncset.done $0x0  }
0x46: {  	s31 =	sadd.s32 $0x50, s25;
	[sflag:s18] =	ssyncadd.s32 $0xFFFFEC00  }
0x47: {  	[spmem:s2] =	stream.indirect.scatter.add.f32 [tilespmem:s16], [sflag:$0x2], $0x40, s31, s19, $0xb8;
	[tilespmem:$0x11350] =	vst v63  }
0x48: {  	_ =	swait.ge [sflag:s23], $0x1400  }
0x49: {  	[sflag:s23] =	ssyncset.done $0x0  }
0x4a: {  	[sflag:s23] =	ssyncadd.s32 $0xFFFFEC00  }
0x4b: {  	_ =	swait.ge [sflag:s23], $0x1400  }
0x4c: {  	[sflag:s23] =	ssyncset.done $0x0  }
0x4d: {  	[sflag:s23] =	ssyncadd.s32 $0xFFFFEC00  }
0x4e: {  	_ =	swait.ge [sflag:s23], $0x1400  }
0x4f: {  	[sflag:s23] =	ssyncset.done $0x0  }
0x50: {  	[sflag:s23] =	ssyncadd.s32 $0xFFFFEC00  }
0x51: {  	_ =	swait.ge [sflag:s23], $0x1400  }
0x52: {  	s24 =	sadd.s32 $0x1, s24;
	[sflag:s23] =	ssyncset.done $0x0  }
0x53: {  	p0 =	sne.s32 s24, s9;
	[sflag:s23] =	ssyncadd.s32 $0xFFFFEC00  }
.Ltmp1:
0x54: {  	[bflag:$0x0] =	sbarrier.arrive $0xFFFF;
	(pc) =	sbr.rel @p0 .LBB2_1-.Ltmp1, $4  }
0x55: {  	[hbm:s8], [sflag:s5] =	dma.local [spmem:s14], $0x1388  }
0x56: {  	_ =	swait.ge [sflag:s15], $0x1388  }
0x57: {  	[sflag:s15] =	ssyncset.done $0x0  }
0x58: {  	[sflag:s15] =	ssyncadd.s32 $0xFFFFEC78  }
0x59: {  	_ =	sfence.sel $0x180000  }
0x5a: {  	[bflag:$0x0] =	sbarrier.arrive $0xFFFF  }
0x5b: {  	_ =	strace $0x90000059  }
0x5c: {  	[bflag:$0x2] =	sbarrier.arrive $0xFFFF  }
0x5d: {  	p0 =	sne.s32 s0, $0x0;
	s0 =	rddreg [dreg:$0x3]  }
0x5e: {  	s0 =	sadd.s32 @!p0 $0x100000, s0  }
0x5f: {  	[sflag:s0] =	ssyncadd.tile.s32 @!p0 $0x1;
	_ =	shalt  }
.Lfunc_end2:
_tile_overlayer_lowered:
.L_overlay_start_2:
0x60: {  	(tag) =	ssettag $0x2  }
0x61: {  	s0 =	rddreg [dreg:$0x0];
	s2 =	stileid.u32  }
0x62: {  	s1 =	rddreg [dreg:$0x1];
	p0 =	sne.s32 s2, $0x0  }
0x63: {  	s3 =	rddreg [dreg:$0x2];
	[bflag:$0x3] =	sbarrier.arrive $0xFFFF;
	s2 =	simm.s32 @!p0 $0x1C03  }
0x64: {  	[timem:s3], [sflag:s2] =	dma.local @!p0 [hbm:s0], s1  }
0x65: {  	s0 =	simm.s32 @!p0 $0x3  }
0x66: {  	_ =	swait.ge @!p0 [sflag:s0], s1  }
0x67: {  	s1 =	ssub.s32 @!p0 $0x0, s1;
	[sflag:s0] =	ssyncset.done @!p0 $0x0  }
0x68: {  	[sflag:s0] =	ssyncadd.s32 @!p0 s1  }
0x69: {  	[bflag:$0x3] =	sbarrier.arrive $0xFFFF  }
0x6a: {  	_ =	shalt  }

// kernel: sparse-core-data-format-call.cloned.1.call-start
scs
called_computation_lowered:
.L_overlay_start_0:
0x0: {  	s2 =	sld [smem:$0x3FD9]  }
0x1: {  	s3 =	sld [smem:$0x3FFE];
	_ =	sdelay $0x1  }
0x2: {  	s1 =	srdreg.scid  }
0x3: {  	s0 =	sand.u32 $0x1, s1  }
0x4: {  	s16 =	sshll.u32 s0, $0xA;
	s2 =	sadd.s32 s3, s2  }
0x5: {  	s2 =	sadd.s32 s2, s16  }
0x6: {  	[smem:$0x3FB3] =	sst s2  }
0x7: {  	_ = 	snop  }
0x8: {  	s2 =	sld [smem:$0x3FD0];
	_ =	sdelay $0x2  }
0x9: {  	s17 =	simm.s32 $0xB;
	s4 =	simm.s32 $0x10  }
0xa: {  	[smem:s4], [sflag:s17] =	dma.local [hbm:s2], $0x1  }
0xb: {  	_ =	swait.eq [sflag:s17], $0x1  }
0xc: {  	[sflag:s17] =	ssyncset.done $0x0  }
0xd: {  	[sflag:s17] =	ssyncadd.s32 $0xFFFFFFFF  }
0xe: {  	s18 =	sld [smem:$0x11];
	(tm) =	ssettm $0x1  }
0xf: {  	s19 =	sld [smem:$0x3FFB];
	_ =	sdelay $0x3  }
0x10: {  	_ =	strace s19  }
0x11: {  	s2 =	sld [smem:$0x3FFC];
	_ =	sdelay $0x3  }
0x12: {  	_ =	strace s2  }
0x13: {  	s2 =	sld [smem:$0x3FFD];
	_ =	sdelay $0x3  }
0x14: {  	_ =	strace s2  }
0x15: {  	_ =	strace $0x8FFFFFFF  }
0x16: {  	s20 =	sld [smem:$0x3FDB];
	_ =	sdelay $0x1  }
0x17: {  	s21 =	simm.s32 $_scs_section_size  }
0x18: {  	s5 =	simm.s32 $_size__tile_overlayer_lowered;
	s6 =	simm.s32 $_tile_overlayer_lowered  }
0x19: {  	s7 =	simm.s32 $0x1BFF;
	s22 =	sshll.u32 s6, $0x1;
	s4 =	sadd.s32 s21, s20  }
0x1a: {  	s23 =	simm.s32 $0x0;
	s5 =	sshll.u32 s5, $0x1;
	s6 =	sadd.s32 s22, s4  }
0x1b: {  	[timem:s23], [sflag:s7] =	dma.local [hbm:s6], s5  }
0x1c: {  	_ =	swait.ge [sflag:s7], s5  }
0x1d: {  	s5 =	ssub.s32 $0x0, s5;
	[sflag:s7] =	ssyncset.done $0x0  }
0x1e: {  	[sflag:s7] =	ssyncadd.s32 s5;
	_ =	sdelay $0x1  }
0x1f: {  	s24 =	simm.s32 $0x1B8B  }
0x20: {  	_ =	swait.ge [sflag:s24], $0x1  }
0x21: {  	[sflag:s24] =	ssyncset.done $0x0  }
0x22: {  	[sflag:s24] =	ssyncadd.s32 $0xFFFFFFFF  }
0x23: {  	s5 =	sld [smem:$0x0]  }
0x24: {  	s6 =	sand.u32 $0xFFFFFFFE, s1  }
0x25: {  	p0 =	sne.s32 s1, s6  }
0x26: {  	s6 =	sshll.u32 @p0 s6, $0xE  }
0x27: {  	s6 =	sadd.s32 @p0 $0x11B8D, s6;
	s7 =	sshll.u32 @p0 s5, $0x11  }
0x28: {  	s6 =	sor.u32 @p0 s7, s6  }
0x29: {  	[sflag:s6] =	ssyncadd.remote.s32 @p0 $0x1;
	_ =	sdelay $0x1  }
0x2a: {  	s6 =	simm.s32 @p0 $0x1B8D  }
0x2b: {  	_ =	swait.eq @p0 [sflag:s6], $0x1  }
0x2c: {  	[sflag:s6] =	ssyncadd.s32 @p0 $0xFFFFFFFF  }
0x2d: {  	s7 =	sshll.u32 @!p0 s1, $0xE  }
0x2e: {  	s7 =	sor.u32 @!p0 $0x4000, s7;
	s6 =	simm.s32 @!p0 $0x1B8D  }
0x2f: {  	s5 =	sshll.u32 @!p0 s5, $0x11;
	s7 =	sadd.s32 @!p0 $0x11B8D, s7;
	_ =	swait.eq @!p0 [sflag:s6], $0x1  }
0x30: {  	s5 =	sor.u32 @!p0 s5, s7;
	[sflag:s6] =	ssyncadd.s32 @!p0 $0xFFFFFFFF  }
0x31: {  	s26 =	simm.s32 $0x1B8E;
	s25 =	sld [smem:$0x3FFE];
	[sflag:s5] =	ssyncadd.remote.s32 @!p0 $0x1  }
0x32: {  	s27 =	simm.s32 $execute0_lowered;
	[smem:$0x3FD2] =	sst s26  }
0x33: {  	s6 =	sshll.u32 s27, $0x1;
	_ =	strace $0x8000005B;
	[dreg:$0x1] =	wrdreg $0xFFFFFFFF  }
0x34: {  	s28 =	simm.s32 $_size_execute0_lowered;
	s4 =	sadd.s32 s4, s6;
	[dreg:$0x0] =	wrdreg $0x0  }
0x35: {  	s6 =	sshll.u32 s28, $0x1;
	[dreg:$0x2] =	wrdreg s4  }
0x36: {  	[dreg:$0x3] =	wrdreg s6  }
0x37: {  	[dreg:$0x4] =	wrdreg $0xC0  }
0x38: {  	_ =	task [dreg:s23], $0x5FFFF  }
0x39: {  	[dreg:$0x1] =	wrdreg $0xFFFFFFFF  }
0x3a: {  	[dreg:$0x0] =	wrdreg $0x60  }
0x3b: {  	[dreg:$0x2] =	wrdreg s25  }
0x3c: {  	[dreg:$0x3] =	wrdreg s18  }
0x3d: {  	[dreg:$0x4] =	wrdreg $0x9  }
0x3e: {  	_ =	task.clear_ibuf [dreg:s23], $0x5FFFF;
	_ =	strace $0x9000005B  }
0x3f: {  	s29 =	simm.s32 $0x9;
	_ =	strace $0x8000005D  }
0x40: {  	_ =	swait.ge [sflag:s29], $0x1  }
0x41: {  	[sflag:s29] =	ssyncadd.s32 $0xFFFFFFFF  }
0x42: {  	_ =	strace $0x9000005D  }
0x43: {  	_ =	sfence  }
0x44: {  	s30 =	sld [smem:$0x0];
	_ =	sdelay $0x2  }
0x45: {  	s31 =	sshll.u32 s1, $0xD;
	s1 =	sshrl.u32 s1, $0x2  }
0x46: {  	s4 =	sand.u32 $0x4000, s31;
	s1 =	sadd.s32 s1, s30  }
0x47: {  	s0 =	sor.u32 s4, s0;
	s1 =	sshll.u32 s1, $0x11  }
0x48: {  	s0 =	sor.u32 s1, s0  }
0x49: {  	s0 =	sadd.s32 $0x8F2B, s0  }
0x4a: {  	[sflag:s0] =	ssyncadd.remote.s32 $0x1  }
0x4b: {  	_ =	sfence.sel $0xFFFF  }
0x4c: {  	[dreg:$0x0] =	wrdreg $0xFFFFFFFF;
	(pc) =	sbr.abs _section_cstart, $3  }
0x4d: {  	[dreg:$0x1] =	wrdreg $0xFFFFFFFF  }
0x4e: {  	_ =	task.clear_ibuf [dreg:s23], $0x2FFFF;
	_ =	strace $0x9FFFFFFF  }
0x4f: {  	(tm) =	ssettm $0x7FFFFFFF  }
tec
execute0_lowered:
.L_overlay_start_1:
0x0: {  	(tag) =	ssettag $0x1  }
0x1: {  	s0 =	srdreg.scid  }
0x2: {  	s1 =	sshll.u32 s0, $0x4  }
0x3: {  	s4 =	rddreg [dreg:$0x0];
	s0 =	stileid.u32;
	s1 =	sand.u32 $0x10, s1  }
0x4: {  	s2 =	rddreg [dreg:$0x1];
	s7 =	simm.s32 $0x1;
	s1 =	sor.u32 s0, s1  }
0x5: {  	s8 =	simm.s32 $0x2;
	s11 =	simm.s32 $0x0;
	s3 =	sshll.u32 s1, $0x7  }
0x6: {  	s10 =	simm.s32 $0x0;
	s4 =	sadd.s32 $0x94A00, s4;
	s6 =	ssub.s32 $0x4E200, s3  }
.Ltmp0:
0x7: {  	s1 =	rddreg [dreg:$0x2];
	s5 =	sand.u32 $0xF80, s6;
	(pc) =	sbr.rel .LBB1_1-.Ltmp0, $4  }
0x8: {  	_ =	strace $0x8000005C;
	s9 =	smov.u32 s3;
	p0 =	sne.s32 s5, $0x0  }
0x9: {  	s6 =	sshrl.u32 s6, $0xC;
	s5 =	simm.s32 $0x1;
	s7 =	simm.s32 @!p0 $0x0  }
0xa: {  	[sflag:s5] =	ssyncpa.u1 $0x0;
	p0 =	por $0x0, $0x0;
	s6 =	sadd.s32 s7, s6  }
0xb: {  	[sflag:s8] =	ssyncpa.u1 $0x0;
	s8 =	simm.s32 $0x271000;
	s7 =	sadd.s32 $0x1, s6  }
.LBB1_4:
0xc: {  	s14 =	sshll.u32 s11, $0x3  }
0xd: {  	s30 =	sand.u32 $0x7F, s11;
	s14 =	sand.u32 $0xFFFFFC00, s14  }
0xe: {  	s11 =	sor.u32 s30, s14  }
0xf: {  	s15 =	smulhi.u32 $0xD1B71759, s11;
	_ =	sdelay $0x1  }
0x10: {  	s14 =	smulhi.u32 $0xD1B71759, s14;
	s15 =	sshrl.u32 s15, $0x12  }
0x11: {  	s15 =	smul.u32 $0x4E200, s15  }
0x12: {  	s14 =	sshrl.u32 s14, $0x12  }
0x13: {  	s14 =	sand.u32 $0x3F, s14;
	s11 =	ssub.s32 s11, s15  }
0x14: {  	[tilespmem:s13+$0x810 ss:$0x81] =	vst.msk $0xffff, v2;
	s14 =	smul.u32 $0x9C40, s14;
	s15 =	sshrl.u32 s11, $0x3;
	s11 =	sand.u32 $0x7, s11  }
0x15: {  	[tilespmem:s13+$0x1020 ss:$0x81] =	vst.msk $0xffff, v0;
	s15 =	sadd.s32 s2, s15;
	s11 =	sshll.u32 s11, $0x12  }
0x16: {  	[tilespmem:s13+$0x0 ss:$0x81] =	vst.msk $0xffff, v1;
	s31 =	sadd.s32 s14, s15;
	s11 =	sor.u32 $0x400, s11  }
0x17: {  	[hbm4b:s31+s11] =	stream.strided.scatter [tilespmem:s12], [sflag:$0x2], $0x2000, s8, s11, $0x20;
	[tilespmem:$0x8080] =	vst v63  }
.LBB1_5:
0x18: {  	s13 =	sadd.s32 $0x1000, s9  }
0x19: {  	p2 =	sgt.s32 s13, $0x4E1FF  }
0x1a: {  	s13 =	smov.u32 @p2 s3;
	p2 =	sne.s32 s10, s7  }
.Ltmp1:
0x1b: {  	p1 =	slt.u32 s10, $0x2;
	(pc) =	sbr.rel @!p2 .LBB1_6-.Ltmp1, $4  }
0x1c: {  	s12 =	simm.s32 @!p1 $0x2  }
0x1d: {  	s14 =	sadd.s32 $0x1, s10;
	_ =	swait.ge @!p1 [sflag:s12], $0x2000  }
0x1e: {  	s11 =	smov.u32 s9;
	p0 =	por !p0, !p0;
	[sflag:s12] =	ssyncset.done @!p1 $0x0  }
0x1f: {  	s10 =	smov.u32 s14;
	s9 =	smov.u32 s13;
	[sflag:s12] =	ssyncadd.s32 @!p1 $0xFFFFE000  }
.LBB1_1:
0x20: {  	p1 =	sge.u32 s10, s6  }
0x21: {  	s12 =	sand.u32 @!p1 $0x1FFFFFF, s9  }
0x22: {  	s13 =	smulhi.u32 @!p1 $0x1A36E2F, s12;
	_ =	sdelay $0x1  }
0x23: {  	s13 =	sshrl.u32 @!p1 s13, $0xB  }
0x24: {  	s13 =	smul.u32 @!p1 $0x4E200, s13;
	_ =	sdelay $0x1  }
0x25: {  	s31 =	sadd.s32 $0xFFFFFFFF, s10;
	s14 =	sxor.u32 @!p1 $0xFFFFFFFF, s10;
	s12 =	ssub.s32 @!p1 s12, s13  }
0x26: {  	s15 =	simm.s32 @!p1 $0x80;
	s14 =	sshll.u32 @!p1 s14, $0xD;
	s12 =	sshll.u32 @!p1 s12, $0x4  }
0x27: {  	s13 =	sand.u32 @!p1 $0x2000, s14;
	s14 =	simm.s32 @!p1 $0x40;
	s12 =	sadd.s32 @!p1 s4, s12  }
0x28: {  	[tilespmem:s13], [sflag:$0x1] =	stream.strided.gather @!p1 [hbm4b:s12+s14], $0x2000, s15, s14, $0x38;
	[tilespmem:$0x8080] =	vst v63  }
0x29: {  	p1 =	sge.u32 s31, s6  }
.Ltmp2:
0x2a: {  	_ = 	snop;
	(pc) =	sbr.rel @p1 .LBB1_5-.Ltmp2, $1  }
0x2b: {  	_ =	sdelay $0x3  }
0x2c: {  	s12 =	simm.s32 $0x1  }
0x2d: {  	_ =	swait.ge [sflag:s5], $0x2000;
	s12 =	simm.s32 @!p0 $0x0  }
0x2e: {  	[sflag:s5] =	ssyncset.done $0x0;
	s13 =	sshll.u32 s12, $0xD  }
0x2f: {  	[sflag:s5] =	ssyncadd.s32 $0xFFFFE000;
	s16 =	sor.u32 $0x20, s13  }
0x30: {  	s12 =	smul.u32 $0x8100, s12;
	v3 =	vld [tilespmem:s16+$0x10]  }
0x31: {  	s30 =	sand.u32 $0x1, s10;
	v2 =	vld [tilespmem:s16+$0xFFFFFFF0]  }
0x32: {  	s13 =	smul.u32 $0x8100, s30;
	s12 =	sshrl.u32 s12, $0x2;
	v0 =	vld [tilespmem:s16+$0x0]  }
0x33: {  	v1 =	vld [tilespmem:s16+$0xFFFFFFE0];
	s14 =	sor.u32 $0x4000, s12  }
0x34: {  	s31 =	sshrl.u32 s13, $0x2;
	s13 =	sadd.s32 $0x0, s14  }
0x35: {  	s15 =	simm.s32 $0x4;
	s16 =	sadd.s32 $0x40, s16;
	s12 =	sor.u32 $0x4000, s31;
	[tilespmem:s13+$0x1830 ss:$0x81] =	vst.msk $0xffff, v3  }
.LBB1_3:
0x36: {  	v3 =	vld [tilespmem:s16+$0x10];
	p1 =	sne.s32 s15, $0x1FC;
	[tilespmem:s13+$0x810 ss:$0x81] =	vst.msk $0xffff, v2;
	s17 =	smov.u32 s15;
	s15 =	sadd.s32 $0x4, s15  }
.Ltmp3:
0x37: {  	v2 =	vld [tilespmem:s16+$0xFFFFFFF0];
	[tilespmem:s13+$0x1020 ss:$0x81] =	vst.msk $0xffff, v0;
	(pc) =	sbr.rel @p1 .LBB1_3-.Ltmp3, $4  }
0x38: {  	v0 =	vld [tilespmem:s16+$0x0];
	[tilespmem:s13+$0x0 ss:$0x81] =	vst.msk $0xffff, v1  }
0x39: {  	s13 =	sshra.s32 s17, $0x2;
	v1 =	vld [tilespmem:s16+$0xFFFFFFE0]  }
0x3a: {  	s13 =	sadd.s32 s13, s14  }
0x3b: {  	s16 =	sadd.s32 $0x40, s16;
	[tilespmem:s13+$0x1830 ss:$0x81] =	vst.msk $0xffff, v3  }
.Ltmp4:
0x3c: {  	_ = 	snop;
	(pc) =	sbr.rel .LBB1_4-.Ltmp4, $1  }
0x3d: {  	_ =	sdelay $0x3  }
.LBB1_6:
0x3e: {  	_ =	sfence.sel $0x180000  }
0x3f: {  	s2 =	simm.s32 $0x1;
	[bflag:$0x0] =	sbarrier.arrive $0xFFFF  }
0x40: {  	s31 =	simm.s32 $0x2;
	[sflag:s2] =	ssyncpa.u1 $0x1  }
0x41: {  	[sflag:s31] =	ssyncpa.u1 $0x1  }
0x42: {  	p0 =	sne.s32 s0, $0x0;
	_ =	strace $0x9000005C  }
0x43: {  	s0 =	sadd.s32 @!p0 $0x100000, s1;
	[bflag:$0x2] =	sbarrier.arrive $0xFFFF  }
0x44: {  	[sflag:s0] =	ssyncadd.tile.s32 @!p0 $0x1;
	_ =	shalt  }
.Lfunc_end1:
_tile_overlayer_lowered:
.L_overlay_start_2:
0x45: {  	(tag) =	ssettag $0x2  }
0x46: {  	s0 =	rddreg [dreg:$0x0];
	s2 =	stileid.u32  }
0x47: {  	s1 =	rddreg [dreg:$0x1];
	p0 =	sne.s32 s2, $0x0  }
0x48: {  	s3 =	rddreg [dreg:$0x2];
	[bflag:$0x3] =	sbarrier.arrive $0xFFFF;
	s2 =	simm.s32 @!p0 $0x1C01  }
0x49: {  	[timem:s3], [sflag:s2] =	dma.local @!p0 [hbm:s0], s1  }
0x4a: {  	s0 =	simm.s32 @!p0 $0x1  }
0x4b: {  	_ =	swait.ge @!p0 [sflag:s0], s1  }
0x4c: {  	s1 =	ssub.s32 @!p0 $0x0, s1;
	[sflag:s0] =	ssyncset.done @!p0 $0x0  }
0x4d: {  	[sflag:s0] =	ssyncadd.s32 @!p0 s1  }
0x4e: {  	[bflag:$0x3] =	sbarrier.arrive $0xFFFF  }
0x4f: {  	_ =	shalt  }

</sc_bundles>
